<compile_context>
chip_gen: v7x
topology: tpu7x:2x2x1
jax: 0.10.2.dev20260603
libtpu: 0.0.44.dev20260713+nightly
codegen_flags: <defaults>
</compile_context>

<pallas_src>
import functools

import jax
import jax.numpy as jnp
from jax import lax
from jax.experimental import pallas as pl
from jax.experimental.pallas import tpu as pltpu
from jax.experimental.pallas import tpu_sc as plsc

_N = 10000
_E = 320000
_B = 64
_FX = 128
_FE = 16
_FU = 128
_FUO = 128

_NC = 2
_NS = 16
_NW = _NC * _NS
_NBLK = _E // 128
_CBK = 16
_NCHK = 5
_SEGB = 80
_NPAD = 10240
_XPW = _NPAD // _NW
_NXB = _XPW // _SEGB
_BP = _B + 1
_CXP = 80
_NSLOT = 4
_NPART = _NSLOT * _NC


def _sc_body(eat4_h, ei3_h, batch_h, x_h,
             et_out, ce_out, x_out, cx_out,
             batch_tab, row_buf, ebuf, xb_buf, bb2,
             a0, a1, a2, a3, a4, a5, a6, a7,
             a8, a9, a10, a11, a12, a13, a14, a15,
             cnt_e, cnt_x, zx, etbuf, sh_x,
             sem_bt, sem_e0, sem_e1, sem_r0, sem_r1,
             sem_xb0, sem_xb1, sem_ax0, sem_ax1, sem_bb):
    accs = (a0, a1, a2, a3, a4, a5, a6, a7,
            a8, a9, a10, a11, a12, a13, a14, a15)
    sem_e = (sem_e0, sem_e1)
    sem_r = (sem_r0, sem_r1)
    sem_xb = (sem_xb0, sem_xb1)
    sem_ax = (sem_ax0, sem_ax1)

    cid = lax.axis_index("c")
    sid = lax.axis_index("s")
    wid = sid * _NC + cid

    z16 = jnp.zeros((16,), jnp.float32)
    ones = jnp.ones((16,), jnp.float32)

    slot = sid % _NSLOT
    xoff = slot * _BP
    xbase = wid * _XPW

    sblk = 78 * wid + jnp.minimum(wid, 4)
    nblk = 78 + (wid < 4).astype(jnp.int32)

    def cstart(ci):
        return jnp.minimum(sblk + _CBK * ci, _NBLK - _CBK)

    d_bt = pltpu.async_copy(batch_h, batch_tab, sem_bt)
    d_e = [None] * _NCHK
    d_r = [None] * _NCHK
    cs0 = cstart(0)
    d_e[0] = [pltpu.async_copy(eat4_h.at[fb, pl.ds(cs0, _CBK)],
                               ebuf.at[0, fb], sem_e[0]) for fb in range(2)]
    d_r[0] = pltpu.async_copy(ei3_h.at[pl.ds(cs0, _CBK)],
                              row_buf.at[0], sem_r[0])
    d_xb = [None] * _NXB
    d_xb[0] = pltpu.async_copy(x_h.at[pl.ds(xbase, _SEGB)],
                               xb_buf.at[0], sem_xb[0])
    d_bb = [pltpu.async_copy(batch_h.at[pl.ds(xbase + t * _SEGB, _SEGB)],
                             bb2.at[t], sem_bb)
            for t in range(_NXB)]

    for f in range(_FE):
        for q in range(_B // 16):
            accs[f][pl.ds(q * 16, 16)] = z16
    for q in range(128 // 16):
        cnt_e[pl.ds(q * 16, 16)] = z16
        cnt_x[pl.ds(q * 16, 16)] = z16

    def _z_x(i, c):
        for k in range(_FX // 16):
            zx[i, pl.ds(k * 16, 16)] = z16
        return c
    lax.fori_loop(0, _BP, _z_x, 0)

    @pl.when(sid < _NSLOT)
    def _zero_slot():
        pltpu.sync_copy(zx, sh_x.at[pl.ds(sid * _BP, _BP)])
    plsc.subcore_barrier()

    d_bt.wait()

    for d in d_bb:
        d.wait()

    def _cxall(g, c):
        t = g // (_SEGB // 16)
        col = (g % (_SEGB // 16)) * 16
        segv = bb2[t, pl.ds(col, 16)]
        plsc.addupdate_scatter(cnt_x, [segv], ones)
        bb2[t, pl.ds(col, 16)] = segv + xoff
        return c
    lax.fori_loop(0, _XPW // 16, _cxall, 0)

    d_ax = [None] * _NXB
    for t in range(_NXB):
        d_xb[t].wait()
        if t + 1 < _NXB:
            if t >= 1:
                d_ax[t - 1].wait()
            d_xb[t + 1] = pltpu.async_copy(
                x_h.at[pl.ds(xbase + (t + 1) * _SEGB, _SEGB)],
                xb_buf.at[(t + 1) % 2], sem_xb[(t + 1) % 2])
        d_ax[t] = pltpu.async_copy(xb_buf.at[t % 2], sh_x.at[bb2.at[t]],
                                   sem_ax[t % 2], add=True)

    for ci in range(_NCHK):
        for d in d_e[ci]:
            d.wait()
        d_r[ci].wait()
        if ci + 1 < _NCHK:
            csn = cstart(ci + 1)
            pb = (ci + 1) % 2
            d_e[ci + 1] = [pltpu.async_copy(
                eat4_h.at[fb, pl.ds(csn, _CBK)], ebuf.at[pb, fb], sem_e[pb])
                for fb in range(2)]
            d_r[ci + 1] = pltpu.async_copy(
                ei3_h.at[pl.ds(csn, _CBK)], row_buf.at[pb], sem_r[pb])
        lo = sblk + _CBK * ci - cstart(ci)
        hi = lo + jnp.clip(nblk - _CBK * ci, 0, _CBK)
        pb = ci % 2

        def _blk(bi, c):
            def _grp(h, cc):
                rowv = row_buf[pb, bi, 0, pl.ds(h * 16, 16)]
                segv = plsc.load_gather(batch_tab, [rowv])
                vals = [ebuf[pb, f // 8, bi, f % 8, pl.ds(h * 16, 16)]
                        for f in range(_FE)]
                plsc.addupdate_scatter(cnt_e, [segv], ones)
                for f in range(_FE):
                    plsc.addupdate_scatter(accs[f], [segv], vals[f])
                return cc
            lax.fori_loop(0, 8, _grp, 0)
            return c
        lax.fori_loop(lo, hi, _blk, 0)

    d_ax[_NXB - 2].wait()
    d_ax[_NXB - 1].wait()

    for f in range(_FE):
        for q in range(128 // 16):
            etbuf[f, pl.ds(q * 16, 16)] = (
                accs[f][pl.ds(q * 16, 16)] if q < _B // 16 else z16)
    pltpu.sync_copy(etbuf, et_out.at[wid])
    pltpu.sync_copy(cnt_e, ce_out.at[wid])
    pltpu.sync_copy(cnt_x, cx_out.at[wid])

    plsc.subcore_barrier()

    @pl.when(sid < _NSLOT)
    def _publish():
        p = sid * _NC + cid
        pltpu.sync_copy(sh_x.at[pl.ds(sid * _BP, _BP)],
                        x_out.at[p, pl.ds(0, _BP)])


_sc_call = functools.partial(
    pl.kernel,
    out_type=(
        jax.ShapeDtypeStruct((_NW, _FE, 128), jnp.float32),
        jax.ShapeDtypeStruct((_NW, 128), jnp.float32),
        jax.ShapeDtypeStruct((_NPART, 72, _FX), jnp.float32),
        jax.ShapeDtypeStruct((_NW, 128), jnp.float32),
    ),
    scratch_types=(
        pltpu.VMEM((_NPAD,), jnp.int32),
        pltpu.VMEM((2, _CBK, 2, 128), jnp.int32),
        pltpu.VMEM((2, 2, _CBK, 8, 128), jnp.float32),
        pltpu.VMEM((2, _SEGB, _FX), jnp.float32),
        pltpu.VMEM((_NXB, _SEGB), jnp.int32),
    ) + (pltpu.VMEM((_B,), jnp.float32),) * _FE
    + (
        pltpu.VMEM((128,), jnp.float32),
        pltpu.VMEM((128,), jnp.float32),
        pltpu.VMEM((_BP, _FX), jnp.float32),
        pltpu.VMEM((_FE, 128), jnp.float32),
        pltpu.VMEM_SHARED((_NSLOT * _BP, _FX), jnp.float32),
    ) + (pltpu.SemaphoreType.DMA,) * 10,
    mesh=plsc.VectorSubcoreMesh(core_axis_name="c", subcore_axis_name="s"),
    compiler_params=pltpu.CompilerParams(needs_layout_passes=False,
                                         use_tc_tiling_on_sc=False),
)(_sc_body)


def _tc_body(ep_ref, ce_ref, xp_ref, cx_ref, u_ref, w1_ref, w2_ref, w3_ref,
             b_ref, o_ref):
    es = jnp.sum(ep_ref[...], axis=0)[:, :_B]
    ec = jnp.sum(ce_ref[...], axis=0)[:_B]
    xs = jnp.sum(xp_ref[...][:, :_B, :], axis=0)
    xc = jnp.sum(cx_ref[...], axis=0)[:_B]
    x_agg = xs / jnp.maximum(xc, 1.0)[:, None]
    e_aggt = es / jnp.maximum(ec, 1.0)[None, :]
    dn = (((1,), (0,)), ((), ()))
    dnt = (((0,), (0,)), ((), ()))
    acc = lax.dot_general(x_agg, w1_ref[...], dn,
                          preferred_element_type=jnp.float32)
    acc = acc + lax.dot_general(e_aggt, w2_ref[...], dnt,
                                preferred_element_type=jnp.float32)
    acc = acc + lax.dot_general(u_ref[...], w3_ref[...], dn,
                                preferred_element_type=jnp.float32)
    o_ref[...] = acc + b_ref[...]


def kernel(x, edge_index, edge_attr, u, batch, W, b):
    eat4 = edge_attr.T.reshape(2, 8, _NBLK, 128).transpose(0, 2, 1, 3)
    ei3 = edge_index.reshape(2, _NBLK, 128).transpose(1, 0, 2)
    x_pad = jnp.concatenate(
        [x, jnp.zeros((_NPAD - _N, _FX), x.dtype)], axis=0)
    batch_pad = jnp.concatenate(
        [batch, jnp.full((_NPAD - _N,), _B, batch.dtype)], axis=0)

    e_part, ce_p, x_part, cx_p = _sc_call(eat4, ei3, batch_pad, x_pad)

    w1 = W[:_FX]
    w2 = W[_FX:_FX + _FE]
    w3 = W[_FX + _FE:]
    b2 = b.reshape(1, _FUO)

    out = pl.pallas_call(
        _tc_body,
        out_shape=jax.ShapeDtypeStruct((_B, _FUO), jnp.float32),
    )(e_part, ce_p, x_part, cx_p, u, w1, w2, w3, b2)
    return out

# --- scband reference (transcript-rebuilt; emitter-appended) ---
"""Pipeline reference for scband-global-model-5909875000174 (READ-ONLY COPY).

The authoritative reference and input builder live on the scoring server;
editing this copy changes nothing except your own understanding.
"""

import jax, jax.numpy as jnp
import numpy as np

N = 10000
E = 320000
B = 64
FX = 128
FE = 16
FU = 128
FUO = 128


def setup_inputs(seed: int = 0) -> dict:
    key = jax.random.key(seed)
    ks = jax.random.split(key, 8)
    x = jax.random.normal(ks[0], (N, FX), dtype=jnp.float32)
    edge_index = jax.random.randint(ks[1], (2, E), 0, N, dtype=jnp.int32)
    edge_attr = jax.random.normal(ks[2], (E, FE), dtype=jnp.float32)
    u = jax.random.normal(ks[3], (B, FU), dtype=jnp.float32)
    batch = jnp.sort(jax.random.randint(ks[4], (N,), 0, B, dtype=jnp.int32))
    fan_in = FX + FE + FU
    W = jax.random.normal(ks[5], (fan_in, FUO), dtype=jnp.float32) * (1.0 / np.sqrt(fan_in))
    b = jnp.zeros((FUO,), dtype=jnp.float32)
    return {"x": x, "edge_index": edge_index, "edge_attr": edge_attr, "u": u, "batch": batch, "W": W, "b": b}


def reference(x, edge_index, edge_attr, u, batch, W, b):
    row = edge_index[0]
    e_batch = batch[row]
    num_graphs = u.shape[0]
    # scatter_mean over edges per graph
    e_sum = jax.ops.segment_sum(edge_attr, e_batch, num_segments=num_graphs)
    e_cnt = jax.ops.segment_sum(jnp.ones((edge_attr.shape[0],), dtype=edge_attr.dtype), e_batch, num_segments=num_graphs)
    e_agg = e_sum / jnp.maximum(e_cnt, 1.0)[:, None]
    # scatter_mean over nodes per graph
    x_sum = jax.ops.segment_sum(x, batch, num_segments=num_graphs)
    x_cnt = jax.ops.segment_sum(jnp.ones((x.shape[0],), dtype=x.dtype), batch, num_segments=num_graphs)
    x_agg = x_sum / jnp.maximum(x_cnt, 1.0)[:, None]
    out = jnp.concatenate([x_agg, e_agg, u], axis=1)
    return out @ W + b

if __name__ == "__main__":
    import jax
    _d = setup_inputs()
    print(jax.jit(kernel)(*tuple(_d.values())))

</pallas_src>

<mosaic_0001>
#map = affine_map<(d0, d1) -> (0, 0, 0, 0)>
#map1 = affine_map<(d0, d1) -> (0, 0, 0)>
#map2 = affine_map<(d0, d1) -> (0)>
#map3 = affine_map<(d0, d1) -> (0, 0)>
module attributes {stable_mosaic.version = 14 : i64} {
  func.func @_sc_body(%arg0: i32, %arg1: i32, %arg2: memref<2x2500x8x128xf32, #tpu.memory_space<hbm>>, %arg3: memref<2500x2x128xi32, #tpu.memory_space<hbm>>, %arg4: memref<10240xi32, #tpu.memory_space<hbm>>, %arg5: memref<10240x128xf32, #tpu.memory_space<hbm>>, %arg6: memref<32x16x128xf32, #tpu.memory_space<hbm>>, %arg7: memref<32x128xf32, #tpu.memory_space<hbm>>, %arg8: memref<8x72x128xf32, #tpu.memory_space<hbm>>, %arg9: memref<32x128xf32, #tpu.memory_space<hbm>>, %arg10: memref<10240xi32, #tpu.memory_space<vmem>>, %arg11: memref<2x16x2x128xi32, #tpu.memory_space<vmem>>, %arg12: memref<2x2x16x8x128xf32, #tpu.memory_space<vmem>>, %arg13: memref<2x80x128xf32, #tpu.memory_space<vmem>>, %arg14: memref<4x80xi32, #tpu.memory_space<vmem>>, %arg15: memref<64xf32, #tpu.memory_space<vmem>>, %arg16: memref<64xf32, #tpu.memory_space<vmem>>, %arg17: memref<64xf32, #tpu.memory_space<vmem>>, %arg18: memref<64xf32, #tpu.memory_space<vmem>>, %arg19: memref<64xf32, #tpu.memory_space<vmem>>, %arg20: memref<64xf32, #tpu.memory_space<vmem>>, %arg21: memref<64xf32, #tpu.memory_space<vmem>>, %arg22: memref<64xf32, #tpu.memory_space<vmem>>, %arg23: memref<64xf32, #tpu.memory_space<vmem>>, %arg24: memref<64xf32, #tpu.memory_space<vmem>>, %arg25: memref<64xf32, #tpu.memory_space<vmem>>, %arg26: memref<64xf32, #tpu.memory_space<vmem>>, %arg27: memref<64xf32, #tpu.memory_space<vmem>>, %arg28: memref<64xf32, #tpu.memory_space<vmem>>, %arg29: memref<64xf32, #tpu.memory_space<vmem>>, %arg30: memref<64xf32, #tpu.memory_space<vmem>>, %arg31: memref<128xf32, #tpu.memory_space<vmem>>, %arg32: memref<128xf32, #tpu.memory_space<vmem>>, %arg33: memref<65x128xf32, #tpu.memory_space<vmem>>, %arg34: memref<16x128xf32, #tpu.memory_space<vmem>>, %arg35: memref<260x128xf32, #tpu.memory_space<vmem_shared>>, %arg36: memref<!tpu.dma_semaphore, #tpu.memory_space<semaphore_mem>>, %arg37: memref<!tpu.dma_semaphore, #tpu.memory_space<semaphore_mem>>, %arg38: memref<!tpu.dma_semaphore, #tpu.memory_space<semaphore_mem>>, %arg39: memref<!tpu.dma_semaphore, #tpu.memory_space<semaphore_mem>>, %arg40: memref<!tpu.dma_semaphore, #tpu.memory_space<semaphore_mem>>, %arg41: memref<!tpu.dma_semaphore, #tpu.memory_space<semaphore_mem>>, %arg42: memref<!tpu.dma_semaphore, #tpu.memory_space<semaphore_mem>>, %arg43: memref<!tpu.dma_semaphore, #tpu.memory_space<semaphore_mem>>, %arg44: memref<!tpu.dma_semaphore, #tpu.memory_space<semaphore_mem>>, %arg45: memref<!tpu.dma_semaphore, #tpu.memory_space<semaphore_mem>>) attributes {dimension_semantics = [#tpu.dimension_semantics<core_parallel>, #tpu.dimension_semantics<subcore_parallel>], iteration_bounds = array<i64: 2, 16>, scalar_prefetch = 0 : i64, scratch_operands = 36 : i64, tpu.core_type = #tpu.core_type<sc_vector_subcore>, window_params = [{transform_indices = #map}, {transform_indices = #map1}, {transform_indices = #map2}, {transform_indices = #map3}, {transform_indices = #map1}, {transform_indices = #map3}, {transform_indices = #map1}, {transform_indices = #map3}]} {
    %mul3A = arith.constant 2 : i32
    %mul3A_0 = arith.muli %arg1, %mul3A : i32
    %add3A = arith.addi %mul3A_0, %arg0 : i32
    %broadcast_in_dim3A = arith.constant 0.000000e+00 : f32
    %broadcast_in_dim3A_1 = vector.broadcast %broadcast_in_dim3A : f32 to vector<16xf32>
    %broadcast_in_dim3A_2 = arith.constant 1.000000e+00 : f32
    %broadcast_in_dim3A_3 = vector.broadcast %broadcast_in_dim3A_2 : f32 to vector<16xf32>
    %jit3A = arith.constant 4 : i32
    %eq3A = arith.constant 0 : i32
    %eq3A_4 = arith.cmpi eq, %jit3A, %eq3A : i32
    %jit3A_5 = arith.constant 1 : i32
    %select_n3A = arith.select %eq3A_4, %jit3A_5, %jit3A : i32
    %rem3A = arith.remsi %arg1, %select_n3A : i32
    %ne3A = arith.constant 0 : i32
    %ne3A_6 = arith.cmpi ne, %rem3A, %ne3A : i32
    %lt3A = arith.constant 0 : i32
    %lt3A_7 = arith.cmpi slt, %rem3A, %lt3A : i32
    %lt3A_8 = arith.constant 0 : i32
    %lt3A_9 = arith.cmpi slt, %select_n3A, %lt3A_8 : i32
    %ne3A_10 = arith.xori %lt3A_7, %lt3A_9 : i1
    %and3A = arith.andi %ne3A_10, %ne3A_6 : i1
    %add3A_11 = arith.addi %rem3A, %select_n3A : i32
    %select_n3A_12 = arith.select %and3A, %add3A_11, %rem3A : i32
    %mul3A_13 = arith.constant 65 : i32
    %mul3A_14 = arith.muli %select_n3A_12, %mul3A_13 : i32
    %mul3A_15 = arith.constant 320 : i32
    %mul3A_16 = arith.muli %add3A, %mul3A_15 : i32
    %mul3A_17 = arith.constant 78 : i32
    %mul3A_18 = arith.muli %mul3A_17, %add3A : i32
    %min3A = arith.constant 4 : i32
    %min3A_19 = arith.minsi %add3A, %min3A : i32
    %add3A_20 = arith.addi %mul3A_18, %min3A_19 : i32
    %lt3A_21 = arith.constant 4 : i32
    %lt3A_22 = arith.cmpi slt, %add3A, %lt3A_21 : i32
    %convert_element_type3A = arith.extui %lt3A_22 : i1 to i32
    %add3A_23 = arith.constant 78 : i32
    %add3A_24 = arith.addi %add3A_23, %convert_element_type3A : i32
    tpu.enqueue_dma source(%arg4 : memref<10240xi32, #tpu.memory_space<hbm>>) target(%arg10 : memref<10240xi32, #tpu.memory_space<vmem>>) target_semaphore(%arg36 : memref<!tpu.dma_semaphore, #tpu.memory_space<semaphore_mem>>)
    %add3A_25 = arith.constant 0 : i32
    %add3A_26 = arith.addi %add3A_20, %add3A_25 : i32
    %min3A_27 = arith.constant 2484 : i32
    %min3A_28 = arith.minsi %add3A_26, %min3A_27 : i32
    %dma_start3A = arith.constant 0 : i32
    %dma_start3A_29 = arith.constant 0 : i32
    %dma_start3A_30 = arith.constant 0 : i32
    %dma_start3A_31 = arith.constant 0 : i32
    %dma_start3A_32 = arith.constant 0 : i32
    %dma_start3A_33 = arith.constant 0 : i32
    %dma_start3A_34 = tpu.memref_slice %arg12[%dma_start3A_29, %dma_start3A_30, %dma_start3A_31, %dma_start3A_32, %dma_start3A_33] : memref<2x2x16x8x128xf32, #tpu.memory_space<vmem>> -> memref<1x1x16x8x128xf32, #tpu.memory_space<vmem>>
    %dma_start3A_35 = tpu.memref_squeeze %dma_start3A_34 : memref<1x1x16x8x128xf32, #tpu.memory_space<vmem>> -> memref<16x8x128xf32, #tpu.memory_space<vmem>>
    %dma_start3A_36 = arith.constant 0 : i32
    %dma_start3A_37 = arith.constant 0 : i32
    %dma_start3A_38 = tpu.memref_slice %arg2[%dma_start3A, %min3A_28, %dma_start3A_36, %dma_start3A_37] : memref<2x2500x8x128xf32, #tpu.memory_space<hbm>> -> memref<1x16x8x128xf32, #tpu.memory_space<hbm>>
    %dma_start3A_39 = tpu.memref_squeeze %dma_start3A_38 : memref<1x16x8x128xf32, #tpu.memory_space<hbm>> -> memref<16x8x128xf32, #tpu.memory_space<hbm>>
    %dma_start3A_40 = arith.constant 0 : i32
    %dma_start3A_41 = arith.constant 0 : i32
    %dma_start3A_42 = arith.constant 0 : i32
    %dma_start3A_43 = tpu.memref_slice %arg12[%dma_start3A_29, %dma_start3A_30, %dma_start3A_40, %dma_start3A_41, %dma_start3A_42] : memref<2x2x16x8x128xf32, #tpu.memory_space<vmem>> -> memref<1x1x16x8x128xf32, #tpu.memory_space<vmem>>
    %dma_start3A_44 = tpu.memref_squeeze %dma_start3A_43 : memref<1x1x16x8x128xf32, #tpu.memory_space<vmem>> -> memref<16x8x128xf32, #tpu.memory_space<vmem>>
    %dma_start3A_45 = arith.constant 0 : i32
    %dma_start3A_46 = arith.constant 0 : i32
    %dma_start3A_47 = tpu.memref_slice %arg2[%dma_start3A, %min3A_28, %dma_start3A_45, %dma_start3A_46] : memref<2x2500x8x128xf32, #tpu.memory_space<hbm>> -> memref<1x16x8x128xf32, #tpu.memory_space<hbm>>
    %dma_start3A_48 = tpu.memref_squeeze %dma_start3A_47 : memref<1x16x8x128xf32, #tpu.memory_space<hbm>> -> memref<16x8x128xf32, #tpu.memory_space<hbm>>
    tpu.enqueue_dma source(%dma_start3A_48 : memref<16x8x128xf32, #tpu.memory_space<hbm>>) target(%dma_start3A_44 : memref<16x8x128xf32, #tpu.memory_space<vmem>>) target_semaphore(%arg37 : memref<!tpu.dma_semaphore, #tpu.memory_space<semaphore_mem>>)
    %dma_start3A_49 = arith.constant 1 : i32
    %dma_start3A_50 = arith.constant 0 : i32
    %dma_start3A_51 = arith.constant 1 : i32
    %dma_start3A_52 = arith.constant 0 : i32
    %dma_start3A_53 = arith.constant 0 : i32
    %dma_start3A_54 = arith.constant 0 : i32
    %dma_start3A_55 = tpu.memref_slice %arg12[%dma_start3A_50, %dma_start3A_51, %dma_start3A_52, %dma_start3A_53, %dma_start3A_54] : memref<2x2x16x8x128xf32, #tpu.memory_space<vmem>> -> memref<1x1x16x8x128xf32, #tpu.memory_space<vmem>>
    %dma_start3A_56 = tpu.memref_squeeze %dma_start3A_55 : memref<1x1x16x8x128xf32, #tpu.memory_space<vmem>> -> memref<16x8x128xf32, #tpu.memory_space<vmem>>
    %dma_start3A_57 = arith.constant 0 : i32
    %dma_start3A_58 = arith.constant 0 : i32
    %dma_start3A_59 = tpu.memref_slice %arg2[%dma_start3A_49, %min3A_28, %dma_start3A_57, %dma_start3A_58] : memref<2x2500x8x128xf32, #tpu.memory_space<hbm>> -> memref<1x16x8x128xf32, #tpu.memory_space<hbm>>
    %dma_start3A_60 = tpu.memref_squeeze %dma_start3A_59 : memref<1x16x8x128xf32, #tpu.memory_space<hbm>> -> memref<16x8x128xf32, #tpu.memory_space<hbm>>
    %dma_start3A_61 = arith.constant 0 : i32
    %dma_start3A_62 = arith.constant 0 : i32
    %dma_start3A_63 = arith.constant 0 : i32
    %dma_start3A_64 = tpu.memref_slice %arg12[%dma_start3A_50, %dma_start3A_51, %dma_start3A_61, %dma_start3A_62, %dma_start3A_63] : memref<2x2x16x8x128xf32, #tpu.memory_space<vmem>> -> memref<1x1x16x8x128xf32, #tpu.memory_space<vmem>>
    %dma_start3A_65 = tpu.memref_squeeze %dma_start3A_64 : memref<1x1x16x8x128xf32, #tpu.memory_space<vmem>> -> memref<16x8x128xf32, #tpu.memory_space<vmem>>
    %dma_start3A_66 = arith.constant 0 : i32
    %dma_start3A_67 = arith.constant 0 : i32
    %dma_start3A_68 = tpu.memref_slice %arg2[%dma_start3A_49, %min3A_28, %dma_start3A_66, %dma_start3A_67] : memref<2x2500x8x128xf32, #tpu.memory_space<hbm>> -> memref<1x16x8x128xf32, #tpu.memory_space<hbm>>
    %dma_start3A_69 = tpu.memref_squeeze %dma_start3A_68 : memref<1x16x8x128xf32, #tpu.memory_space<hbm>> -> memref<16x8x128xf32, #tpu.memory_space<hbm>>
    tpu.enqueue_dma source(%dma_start3A_69 : memref<16x8x128xf32, #tpu.memory_space<hbm>>) target(%dma_start3A_65 : memref<16x8x128xf32, #tpu.memory_space<vmem>>) target_semaphore(%arg37 : memref<!tpu.dma_semaphore, #tpu.memory_space<semaphore_mem>>)
    %dma_start3A_70 = arith.constant 0 : i32
    %dma_start3A_71 = arith.constant 0 : i32
    %dma_start3A_72 = arith.constant 0 : i32
    %dma_start3A_73 = arith.constant 0 : i32
    %dma_start3A_74 = tpu.memref_slice %arg11[%dma_start3A_70, %dma_start3A_71, %dma_start3A_72, %dma_start3A_73] : memref<2x16x2x128xi32, #tpu.memory_space<vmem>> -> memref<1x16x2x128xi32, #tpu.memory_space<vmem>>
    %dma_start3A_75 = tpu.memref_squeeze %dma_start3A_74 : memref<1x16x2x128xi32, #tpu.memory_space<vmem>> -> memref<16x2x128xi32, #tpu.memory_space<vmem>>
    %dma_start3A_76 = arith.constant 0 : i32
    %dma_start3A_77 = arith.constant 0 : i32
    %dma_start3A_78 = tpu.memref_slice %arg3[%min3A_28, %dma_start3A_76, %dma_start3A_77] : memref<2500x2x128xi32, #tpu.memory_space<hbm>> -> memref<16x2x128xi32, #tpu.memory_space<hbm>>
    %dma_start3A_79 = arith.constant 0 : i32
    %dma_start3A_80 = arith.constant 0 : i32
    %dma_start3A_81 = arith.constant 0 : i32
    %dma_start3A_82 = tpu.memref_slice %arg11[%dma_start3A_70, %dma_start3A_79, %dma_start3A_80, %dma_start3A_81] : memref<2x16x2x128xi32, #tpu.memory_space<vmem>> -> memref<1x16x2x128xi32, #tpu.memory_space<vmem>>
    %dma_start3A_83 = tpu.memref_squeeze %dma_start3A_82 : memref<1x16x2x128xi32, #tpu.memory_space<vmem>> -> memref<16x2x128xi32, #tpu.memory_space<vmem>>
    %dma_start3A_84 = arith.constant 0 : i32
    %dma_start3A_85 = arith.constant 0 : i32
    %dma_start3A_86 = tpu.memref_slice %arg3[%min3A_28, %dma_start3A_84, %dma_start3A_85] : memref<2500x2x128xi32, #tpu.memory_space<hbm>> -> memref<16x2x128xi32, #tpu.memory_space<hbm>>
    tpu.enqueue_dma source(%dma_start3A_86 : memref<16x2x128xi32, #tpu.memory_space<hbm>>) target(%dma_start3A_83 : memref<16x2x128xi32, #tpu.memory_space<vmem>>) target_semaphore(%arg39 : memref<!tpu.dma_semaphore, #tpu.memory_space<semaphore_mem>>)
    %dma_start3A_87 = arith.constant 0 : i32
    %dma_start3A_88 = arith.constant 0 : i32
    %dma_start3A_89 = arith.constant 0 : i32
    %dma_start3A_90 = tpu.memref_slice %arg13[%dma_start3A_87, %dma_start3A_88, %dma_start3A_89] : memref<2x80x128xf32, #tpu.memory_space<vmem>> -> memref<1x80x128xf32, #tpu.memory_space<vmem>>
    %dma_start3A_91 = tpu.memref_squeeze %dma_start3A_90 : memref<1x80x128xf32, #tpu.memory_space<vmem>> -> memref<80x128xf32, #tpu.memory_space<vmem>>
    %dma_start3A_92 = arith.constant 0 : i32
    %dma_start3A_93 = tpu.memref_slice %arg5[%mul3A_16, %dma_start3A_92] : memref<10240x128xf32, #tpu.memory_space<hbm>> -> memref<80x128xf32, #tpu.memory_space<hbm>>
    %dma_start3A_94 = arith.constant 0 : i32
    %dma_start3A_95 = arith.constant 0 : i32
    %dma_start3A_96 = tpu.memref_slice %arg13[%dma_start3A_87, %dma_start3A_94, %dma_start3A_95] : memref<2x80x128xf32, #tpu.memory_space<vmem>> -> memref<1x80x128xf32, #tpu.memory_space<vmem>>
    %dma_start3A_97 = tpu.memref_squeeze %dma_start3A_96 : memref<1x80x128xf32, #tpu.memory_space<vmem>> -> memref<80x128xf32, #tpu.memory_space<vmem>>
    %dma_start3A_98 = arith.constant 0 : i32
    %dma_start3A_99 = tpu.memref_slice %arg5[%mul3A_16, %dma_start3A_98] : memref<10240x128xf32, #tpu.memory_space<hbm>> -> memref<80x128xf32, #tpu.memory_space<hbm>>
    tpu.enqueue_dma source(%dma_start3A_99 : memref<80x128xf32, #tpu.memory_space<hbm>>) target(%dma_start3A_97 : memref<80x128xf32, #tpu.memory_space<vmem>>) target_semaphore(%arg41 : memref<!tpu.dma_semaphore, #tpu.memory_space<semaphore_mem>>)
    %add3A_100 = arith.constant 0 : i32
    %add3A_101 = arith.addi %mul3A_16, %add3A_100 : i32
    %dma_start3A_102 = arith.constant 0 : i32
    %dma_start3A_103 = arith.constant 0 : i32
    %dma_start3A_104 = tpu.memref_slice %arg14[%dma_start3A_102, %dma_start3A_103] : memref<4x80xi32, #tpu.memory_space<vmem>> -> memref<1x80xi32, #tpu.memory_space<vmem>>
    %dma_start3A_105 = tpu.memref_squeeze %dma_start3A_104 : memref<1x80xi32, #tpu.memory_space<vmem>> -> memref<80xi32, #tpu.memory_space<vmem>>
    %dma_start3A_106 = tpu.memref_slice %arg4[%add3A_101] : memref<10240xi32, #tpu.memory_space<hbm>> -> memref<80xi32, #tpu.memory_space<hbm>>
    %dma_start3A_107 = arith.constant 0 : i32
    %dma_start3A_108 = tpu.memref_slice %arg14[%dma_start3A_102, %dma_start3A_107] : memref<4x80xi32, #tpu.memory_space<vmem>> -> memref<1x80xi32, #tpu.memory_space<vmem>>
    %dma_start3A_109 = tpu.memref_squeeze %dma_start3A_108 : memref<1x80xi32, #tpu.memory_space<vmem>> -> memref<80xi32, #tpu.memory_space<vmem>>
    %dma_start3A_110 = tpu.memref_slice %arg4[%add3A_101] : memref<10240xi32, #tpu.memory_space<hbm>> -> memref<80xi32, #tpu.memory_space<hbm>>
    tpu.enqueue_dma source(%dma_start3A_110 : memref<80xi32, #tpu.memory_space<hbm>>) target(%dma_start3A_109 : memref<80xi32, #tpu.memory_space<vmem>>) target_semaphore(%arg45 : memref<!tpu.dma_semaphore, #tpu.memory_space<semaphore_mem>>)
    %add3A_111 = arith.constant 80 : i32
    %add3A_112 = arith.addi %mul3A_16, %add3A_111 : i32
    %dma_start3A_113 = arith.constant 1 : i32
    %dma_start3A_114 = arith.constant 0 : i32
    %dma_start3A_115 = tpu.memref_slice %arg14[%dma_start3A_113, %dma_start3A_114] : memref<4x80xi32, #tpu.memory_space<vmem>> -> memref<1x80xi32, #tpu.memory_space<vmem>>
    %dma_start3A_116 = tpu.memref_squeeze %dma_start3A_115 : memref<1x80xi32, #tpu.memory_space<vmem>> -> memref<80xi32, #tpu.memory_space<vmem>>
    %dma_start3A_117 = tpu.memref_slice %arg4[%add3A_112] : memref<10240xi32, #tpu.memory_space<hbm>> -> memref<80xi32, #tpu.memory_space<hbm>>
    %dma_start3A_118 = arith.constant 0 : i32
    %dma_start3A_119 = tpu.memref_slice %arg14[%dma_start3A_113, %dma_start3A_118] : memref<4x80xi32, #tpu.memory_space<vmem>> -> memref<1x80xi32, #tpu.memory_space<vmem>>
    %dma_start3A_120 = tpu.memref_squeeze %dma_start3A_119 : memref<1x80xi32, #tpu.memory_space<vmem>> -> memref<80xi32, #tpu.memory_space<vmem>>
    %dma_start3A_121 = tpu.memref_slice %arg4[%add3A_112] : memref<10240xi32, #tpu.memory_space<hbm>> -> memref<80xi32, #tpu.memory_space<hbm>>
    tpu.enqueue_dma source(%dma_start3A_121 : memref<80xi32, #tpu.memory_space<hbm>>) target(%dma_start3A_120 : memref<80xi32, #tpu.memory_space<vmem>>) target_semaphore(%arg45 : memref<!tpu.dma_semaphore, #tpu.memory_space<semaphore_mem>>)
    %add3A_122 = arith.constant 160 : i32
    %add3A_123 = arith.addi %mul3A_16, %add3A_122 : i32
    %dma_start3A_124 = arith.constant 2 : i32
    %dma_start3A_125 = arith.constant 0 : i32
    %dma_start3A_126 = tpu.memref_slice %arg14[%dma_start3A_124, %dma_start3A_125] : memref<4x80xi32, #tpu.memory_space<vmem>> -> memref<1x80xi32, #tpu.memory_space<vmem>>
    %dma_start3A_127 = tpu.memref_squeeze %dma_start3A_126 : memref<1x80xi32, #tpu.memory_space<vmem>> -> memref<80xi32, #tpu.memory_space<vmem>>
    %dma_start3A_128 = tpu.memref_slice %arg4[%add3A_123] : memref<10240xi32, #tpu.memory_space<hbm>> -> memref<80xi32, #tpu.memory_space<hbm>>
    %dma_start3A_129 = arith.constant 0 : i32
    %dma_start3A_130 = tpu.memref_slice %arg14[%dma_start3A_124, %dma_start3A_129] : memref<4x80xi32, #tpu.memory_space<vmem>> -> memref<1x80xi32, #tpu.memory_space<vmem>>
    %dma_start3A_131 = tpu.memref_squeeze %dma_start3A_130 : memref<1x80xi32, #tpu.memory_space<vmem>> -> memref<80xi32, #tpu.memory_space<vmem>>
    %dma_start3A_132 = tpu.memref_slice %arg4[%add3A_123] : memref<10240xi32, #tpu.memory_space<hbm>> -> memref<80xi32, #tpu.memory_space<hbm>>
    tpu.enqueue_dma source(%dma_start3A_132 : memref<80xi32, #tpu.memory_space<hbm>>) target(%dma_start3A_131 : memref<80xi32, #tpu.memory_space<vmem>>) target_semaphore(%arg45 : memref<!tpu.dma_semaphore, #tpu.memory_space<semaphore_mem>>)
    %add3A_133 = arith.constant 240 : i32
    %add3A_134 = arith.addi %mul3A_16, %add3A_133 : i32
    %dma_start3A_135 = arith.constant 3 : i32
    %dma_start3A_136 = arith.constant 0 : i32
    %dma_start3A_137 = tpu.memref_slice %arg14[%dma_start3A_135, %dma_start3A_136] : memref<4x80xi32, #tpu.memory_space<vmem>> -> memref<1x80xi32, #tpu.memory_space<vmem>>
    %dma_start3A_138 = tpu.memref_squeeze %dma_start3A_137 : memref<1x80xi32, #tpu.memory_space<vmem>> -> memref<80xi32, #tpu.memory_space<vmem>>
    %dma_start3A_139 = tpu.memref_slice %arg4[%add3A_134] : memref<10240xi32, #tpu.memory_space<hbm>> -> memref<80xi32, #tpu.memory_space<hbm>>
    %dma_start3A_140 = arith.constant 0 : i32
    %dma_start3A_141 = tpu.memref_slice %arg14[%dma_start3A_135, %dma_start3A_140] : memref<4x80xi32, #tpu.memory_space<vmem>> -> memref<1x80xi32, #tpu.memory_space<vmem>>
    %dma_start3A_142 = tpu.memref_squeeze %dma_start3A_141 : memref<1x80xi32, #tpu.memory_space<vmem>> -> memref<80xi32, #tpu.memory_space<vmem>>
    %dma_start3A_143 = tpu.memref_slice %arg4[%add3A_134] : memref<10240xi32, #tpu.memory_space<hbm>> -> memref<80xi32, #tpu.memory_space<hbm>>
    tpu.enqueue_dma source(%dma_start3A_143 : memref<80xi32, #tpu.memory_space<hbm>>) target(%dma_start3A_142 : memref<80xi32, #tpu.memory_space<vmem>>) target_semaphore(%arg45 : memref<!tpu.dma_semaphore, #tpu.memory_space<semaphore_mem>>)
    %swap3A = arith.constant 0 : index
    %swap3A_144 = tpu.vector_load %arg15[%swap3A] {strides = array<i32>} : memref<64xf32, #tpu.memory_space<vmem>>, vector<16xf32>,
    tpu.vector_store %arg15[%swap3A], %broadcast_in_dim3A_1 {strides = array<i32>} : memref<64xf32, #tpu.memory_space<vmem>>, vector<16xf32>,
    %swap3A_145 = arith.constant 16 : index
    %swap3A_146 = tpu.vector_load %arg15[%swap3A_145] {strides = array<i32>} : memref<64xf32, #tpu.memory_space<vmem>>, vector<16xf32>,
    tpu.vector_store %arg15[%swap3A_145], %broadcast_in_dim3A_1 {strides = array<i32>} : memref<64xf32, #tpu.memory_space<vmem>>, vector<16xf32>,
    %swap3A_147 = arith.constant 32 : index
    %swap3A_148 = tpu.vector_load %arg15[%swap3A_147] {strides = array<i32>} : memref<64xf32, #tpu.memory_space<vmem>>, vector<16xf32>,
    tpu.vector_store %arg15[%swap3A_147], %broadcast_in_dim3A_1 {strides = array<i32>} : memref<64xf32, #tpu.memory_space<vmem>>, vector<16xf32>,
    %swap3A_149 = arith.constant 48 : index
    %swap3A_150 = tpu.vector_load %arg15[%swap3A_149] {strides = array<i32>} : memref<64xf32, #tpu.memory_space<vmem>>, vector<16xf32>,
    tpu.vector_store %arg15[%swap3A_149], %broadcast_in_dim3A_1 {strides = array<i32>} : memref<64xf32, #tpu.memory_space<vmem>>, vector<16xf32>,
    %swap3A_151 = arith.constant 0 : index
    %swap3A_152 = tpu.vector_load %arg16[%swap3A_151] {strides = array<i32>} : memref<64xf32, #tpu.memory_space<vmem>>, vector<16xf32>,
    tpu.vector_store %arg16[%swap3A_151], %broadcast_in_dim3A_1 {strides = array<i32>} : memref<64xf32, #tpu.memory_space<vmem>>, vector<16xf32>,
    %swap3A_153 = arith.constant 16 : index
    %swap3A_154 = tpu.vector_load %arg16[%swap3A_153] {strides = array<i32>} : memref<64xf32, #tpu.memory_space<vmem>>, vector<16xf32>,
    tpu.vector_store %arg16[%swap3A_153], %broadcast_in_dim3A_1 {strides = array<i32>} : memref<64xf32, #tpu.memory_space<vmem>>, vector<16xf32>,
    %swap3A_155 = arith.constant 32 : index
    %swap3A_156 = tpu.vector_load %arg16[%swap3A_155] {strides = array<i32>} : memref<64xf32, #tpu.memory_space<vmem>>, vector<16xf32>,
    tpu.vector_store %arg16[%swap3A_155], %broadcast_in_dim3A_1 {strides = array<i32>} : memref<64xf32, #tpu.memory_space<vmem>>, vector<16xf32>,
    %swap3A_157 = arith.constant 48 : index
    %swap3A_158 = tpu.vector_load %arg16[%swap3A_157] {strides = array<i32>} : memref<64xf32, #tpu.memory_space<vmem>>, vector<16xf32>,
    tpu.vector_store %arg16[%swap3A_157], %broadcast_in_dim3A_1 {strides = array<i32>} : memref<64xf32, #tpu.memory_space<vmem>>, vector<16xf32>,
    %swap3A_159 = arith.constant 0 : index
    %swap3A_160 = tpu.vector_load %arg17[%swap3A_159] {strides = array<i32>} : memref<64xf32, #tpu.memory_space<vmem>>, vector<16xf32>,
    tpu.vector_store %arg17[%swap3A_159], %broadcast_in_dim3A_1 {strides = array<i32>} : memref<64xf32, #tpu.memory_space<vmem>>, vector<16xf32>,
    %swap3A_161 = arith.constant 16 : index
    %swap3A_162 = tpu.vector_load %arg17[%swap3A_161] {strides = array<i32>} : memref<64xf32, #tpu.memory_space<vmem>>, vector<16xf32>,
    tpu.vector_store %arg17[%swap3A_161], %broadcast_in_dim3A_1 {strides = array<i32>} : memref<64xf32, #tpu.memory_space<vmem>>, vector<16xf32>,
    %swap3A_163 = arith.constant 32 : index
    %swap3A_164 = tpu.vector_load %arg17[%swap3A_163] {strides = array<i32>} : memref<64xf32, #tpu.memory_space<vmem>>, vector<16xf32>,
    tpu.vector_store %arg17[%swap3A_163], %broadcast_in_dim3A_1 {strides = array<i32>} : memref<64xf32, #tpu.memory_space<vmem>>, vector<16xf32>,
    %swap3A_165 = arith.constant 48 : index
    %swap3A_166 = tpu.vector_load %arg17[%swap3A_165] {strides = array<i32>} : memref<64xf32, #tpu.memory_space<vmem>>, vector<16xf32>,
    tpu.vector_store %arg17[%swap3A_165], %broadcast_in_dim3A_1 {strides = array<i32>} : memref<64xf32, #tpu.memory_space<vmem>>, vector<16xf32>,
    %swap3A_167 = arith.constant 0 : index
    %swap3A_168 = tpu.vector_load %arg18[%swap3A_167] {strides = array<i32>} : memref<64xf32, #tpu.memory_space<vmem>>, vector<16xf32>,
    tpu.vector_store %arg18[%swap3A_167], %broadcast_in_dim3A_1 {strides = array<i32>} : memref<64xf32, #tpu.memory_space<vmem>>, vector<16xf32>,
    %swap3A_169 = arith.constant 16 : index
    %swap3A_170 = tpu.vector_load %arg18[%swap3A_169] {strides = array<i32>} : memref<64xf32, #tpu.memory_space<vmem>>, vector<16xf32>,
    tpu.vector_store %arg18[%swap3A_169], %broadcast_in_dim3A_1 {strides = array<i32>} : memref<64xf32, #tpu.memory_space<vmem>>, vector<16xf32>,
    %swap3A_171 = arith.constant 32 : index
    %swap3A_172 = tpu.vector_load %arg18[%swap3A_171] {strides = array<i32>} : memref<64xf32, #tpu.memory_space<vmem>>, vector<16xf32>,
    tpu.vector_store %arg18[%swap3A_171], %broadcast_in_dim3A_1 {strides = array<i32>} : memref<64xf32, #tpu.memory_space<vmem>>, vector<16xf32>,
    %swap3A_173 = arith.constant 48 : index
    %swap3A_174 = tpu.vector_load %arg18[%swap3A_173] {strides = array<i32>} : memref<64xf32, #tpu.memory_space<vmem>>, vector<16xf32>,
    tpu.vector_store %arg18[%swap3A_173], %broadcast_in_dim3A_1 {strides = array<i32>} : memref<64xf32, #tpu.memory_space<vmem>>, vector<16xf32>,
    %swap3A_175 = arith.constant 0 : index
    %swap3A_176 = tpu.vector_load %arg19[%swap3A_175] {strides = array<i32>} : memref<64xf32, #tpu.memory_space<vmem>>, vector<16xf32>,
    tpu.vector_store %arg19[%swap3A_175], %broadcast_in_dim3A_1 {strides = array<i32>} : memref<64xf32, #tpu.memory_space<vmem>>, vector<16xf32>,
    %swap3A_177 = arith.constant 16 : index
    %swap3A_178 = tpu.vector_load %arg19[%swap3A_177] {strides = array<i32>} : memref<64xf32, #tpu.memory_space<vmem>>, vector<16xf32>,
    tpu.vector_store %arg19[%swap3A_177], %broadcast_in_dim3A_1 {strides = array<i32>} : memref<64xf32, #tpu.memory_space<vmem>>, vector<16xf32>,
    %swap3A_179 = arith.constant 32 : index
    %swap3A_180 = tpu.vector_load %arg19[%swap3A_179] {strides = array<i32>} : memref<64xf32, #tpu.memory_space<vmem>>, vector<16xf32>,
    tpu.vector_store %arg19[%swap3A_179], %broadcast_in_dim3A_1 {strides = array<i32>} : memref<64xf32, #tpu.memory_space<vmem>>, vector<16xf32>,
    %swap3A_181 = arith.constant 48 : index
    %swap3A_182 = tpu.vector_load %arg19[%swap3A_181] {strides = array<i32>} : memref<64xf32, #tpu.memory_space<vmem>>, vector<16xf32>,
    tpu.vector_store %arg19[%swap3A_181], %broadcast_in_dim3A_1 {strides = array<i32>} : memref<64xf32, #tpu.memory_space<vmem>>, vector<16xf32>,
    %swap3A_183 = arith.constant 0 : index
    %swap3A_184 = tpu.vector_load %arg20[%swap3A_183] {strides = array<i32>} : memref<64xf32, #tpu.memory_space<vmem>>, vector<16xf32>,
    tpu.vector_store %arg20[%swap3A_183], %broadcast_in_dim3A_1 {strides = array<i32>} : memref<64xf32, #tpu.memory_space<vmem>>, vector<16xf32>,
    %swap3A_185 = arith.constant 16 : index
    %swap3A_186 = tpu.vector_load %arg20[%swap3A_185] {strides = array<i32>} : memref<64xf32, #tpu.memory_space<vmem>>, vector<16xf32>,
    tpu.vector_store %arg20[%swap3A_185], %broadcast_in_dim3A_1 {strides = array<i32>} : memref<64xf32, #tpu.memory_space<vmem>>, vector<16xf32>,
    %swap3A_187 = arith.constant 32 : index
    %swap3A_188 = tpu.vector_load %arg20[%swap3A_187] {strides = array<i32>} : memref<64xf32, #tpu.memory_space<vmem>>, vector<16xf32>,
    tpu.vector_store %arg20[%swap3A_187], %broadcast_in_dim3A_1 {strides = array<i32>} : memref<64xf32, #tpu.memory_space<vmem>>, vector<16xf32>,
    %swap3A_189 = arith.constant 48 : index
    %swap3A_190 = tpu.vector_load %arg20[%swap3A_189] {strides = array<i32>} : memref<64xf32, #tpu.memory_space<vmem>>, vector<16xf32>,
    tpu.vector_store %arg20[%swap3A_189], %broadcast_in_dim3A_1 {strides = array<i32>} : memref<64xf32, #tpu.memory_space<vmem>>, vector<16xf32>,
    %swap3A_191 = arith.constant 0 : index
    %swap3A_192 = tpu.vector_load %arg21[%swap3A_191] {strides = array<i32>} : memref<64xf32, #tpu.memory_space<vmem>>, vector<16xf32>,
    tpu.vector_store %arg21[%swap3A_191], %broadcast_in_dim3A_1 {strides = array<i32>} : memref<64xf32, #tpu.memory_space<vmem>>, vector<16xf32>,
    %swap3A_193 = arith.constant 16 : index
    %swap3A_194 = tpu.vector_load %arg21[%swap3A_193] {strides = array<i32>} : memref<64xf32, #tpu.memory_space<vmem>>, vector<16xf32>,
    tpu.vector_store %arg21[%swap3A_193], %broadcast_in_dim3A_1 {strides = array<i32>} : memref<64xf32, #tpu.memory_space<vmem>>, vector<16xf32>,
    %swap3A_195 = arith.constant 32 : index
    %swap3A_196 = tpu.vector_load %arg21[%swap3A_195] {strides = array<i32>} : memref<64xf32, #tpu.memory_space<vmem>>, vector<16xf32>,
    tpu.vector_store %arg21[%swap3A_195], %broadcast_in_dim3A_1 {strides = array<i32>} : memref<64xf32, #tpu.memory_space<vmem>>, vector<16xf32>,
    %swap3A_197 = arith.constant 48 : index
    %swap3A_198 = tpu.vector_load %arg21[%swap3A_197] {strides = array<i32>} : memref<64xf32, #tpu.memory_space<vmem>>, vector<16xf32>,
    tpu.vector_store %arg21[%swap3A_197], %broadcast_in_dim3A_1 {strides = array<i32>} : memref<64xf32, #tpu.memory_space<vmem>>, vector<16xf32>,
    %swap3A_199 = arith.constant 0 : index
    %swap3A_200 = tpu.vector_load %arg22[%swap3A_199] {strides = array<i32>} : memref<64xf32, #tpu.memory_space<vmem>>, vector<16xf32>,
    tpu.vector_store %arg22[%swap3A_199], %broadcast_in_dim3A_1 {strides = array<i32>} : memref<64xf32, #tpu.memory_space<vmem>>, vector<16xf32>,
    %swap3A_201 = arith.constant 16 : index
    %swap3A_202 = tpu.vector_load %arg22[%swap3A_201] {strides = array<i32>} : memref<64xf32, #tpu.memory_space<vmem>>, vector<16xf32>,
    tpu.vector_store %arg22[%swap3A_201], %broadcast_in_dim3A_1 {strides = array<i32>} : memref<64xf32, #tpu.memory_space<vmem>>, vector<16xf32>,
    %swap3A_203 = arith.constant 32 : index
    %swap3A_204 = tpu.vector_load %arg22[%swap3A_203] {strides = array<i32>} : memref<64xf32, #tpu.memory_space<vmem>>, vector<16xf32>,
    tpu.vector_store %arg22[%swap3A_203], %broadcast_in_dim3A_1 {strides = array<i32>} : memref<64xf32, #tpu.memory_space<vmem>>, vector<16xf32>,
    %swap3A_205 = arith.constant 48 : index
    %swap3A_206 = tpu.vector_load %arg22[%swap3A_205] {strides = array<i32>} : memref<64xf32, #tpu.memory_space<vmem>>, vector<16xf32>,
    tpu.vector_store %arg22[%swap3A_205], %broadcast_in_dim3A_1 {strides = array<i32>} : memref<64xf32, #tpu.memory_space<vmem>>, vector<16xf32>,
    %swap3A_207 = arith.constant 0 : index
    %swap3A_208 = tpu.vector_load %arg23[%swap3A_207] {strides = array<i32>} : memref<64xf32, #tpu.memory_space<vmem>>, vector<16xf32>,
    tpu.vector_store %arg23[%swap3A_207], %broadcast_in_dim3A_1 {strides = array<i32>} : memref<64xf32, #tpu.memory_space<vmem>>, vector<16xf32>,
    %swap3A_209 = arith.constant 16 : index
    %swap3A_210 = tpu.vector_load %arg23[%swap3A_209] {strides = array<i32>} : memref<64xf32, #tpu.memory_space<vmem>>, vector<16xf32>,
    tpu.vector_store %arg23[%swap3A_209], %broadcast_in_dim3A_1 {strides = array<i32>} : memref<64xf32, #tpu.memory_space<vmem>>, vector<16xf32>,
    %swap3A_211 = arith.constant 32 : index
    %swap3A_212 = tpu.vector_load %arg23[%swap3A_211] {strides = array<i32>} : memref<64xf32, #tpu.memory_space<vmem>>, vector<16xf32>,
    tpu.vector_store %arg23[%swap3A_211], %broadcast_in_dim3A_1 {strides = array<i32>} : memref<64xf32, #tpu.memory_space<vmem>>, vector<16xf32>,
    %swap3A_213 = arith.constant 48 : index
    %swap3A_214 = tpu.vector_load %arg23[%swap3A_213] {strides = array<i32>} : memref<64xf32, #tpu.memory_space<vmem>>, vector<16xf32>,
    tpu.vector_store %arg23[%swap3A_213], %broadcast_in_dim3A_1 {strides = array<i32>} : memref<64xf32, #tpu.memory_space<vmem>>, vector<16xf32>,
    %swap3A_215 = arith.constant 0 : index
    %swap3A_216 = tpu.vector_load %arg24[%swap3A_215] {strides = array<i32>} : memref<64xf32, #tpu.memory_space<vmem>>, vector<16xf32>,
    tpu.vector_store %arg24[%swap3A_215], %broadcast_in_dim3A_1 {strides = array<i32>} : memref<64xf32, #tpu.memory_space<vmem>>, vector<16xf32>,
    %swap3A_217 = arith.constant 16 : index
    %swap3A_218 = tpu.vector_load %arg24[%swap3A_217] {strides = array<i32>} : memref<64xf32, #tpu.memory_space<vmem>>, vector<16xf32>,
    tpu.vector_store %arg24[%swap3A_217], %broadcast_in_dim3A_1 {strides = array<i32>} : memref<64xf32, #tpu.memory_space<vmem>>, vector<16xf32>,
    %swap3A_219 = arith.constant 32 : index
    %swap3A_220 = tpu.vector_load %arg24[%swap3A_219] {strides = array<i32>} : memref<64xf32, #tpu.memory_space<vmem>>, vector<16xf32>,
    tpu.vector_store %arg24[%swap3A_219], %broadcast_in_dim3A_1 {strides = array<i32>} : memref<64xf32, #tpu.memory_space<vmem>>, vector<16xf32>,
    %swap3A_221 = arith.constant 48 : index
    %swap3A_222 = tpu.vector_load %arg24[%swap3A_221] {strides = array<i32>} : memref<64xf32, #tpu.memory_space<vmem>>, vector<16xf32>,
    tpu.vector_store %arg24[%swap3A_221], %broadcast_in_dim3A_1 {strides = array<i32>} : memref<64xf32, #tpu.memory_space<vmem>>, vector<16xf32>,
    %swap3A_223 = arith.constant 0 : index
    %swap3A_224 = tpu.vector_load %arg25[%swap3A_223] {strides = array<i32>} : memref<64xf32, #tpu.memory_space<vmem>>, vector<16xf32>,
    tpu.vector_store %arg25[%swap3A_223], %broadcast_in_dim3A_1 {strides = array<i32>} : memref<64xf32, #tpu.memory_space<vmem>>, vector<16xf32>,
    %swap3A_225 = arith.constant 16 : index
    %swap3A_226 = tpu.vector_load %arg25[%swap3A_225] {strides = array<i32>} : memref<64xf32, #tpu.memory_space<vmem>>, vector<16xf32>,
    tpu.vector_store %arg25[%swap3A_225], %broadcast_in_dim3A_1 {strides = array<i32>} : memref<64xf32, #tpu.memory_space<vmem>>, vector<16xf32>,
    %swap3A_227 = arith.constant 32 : index
    %swap3A_228 = tpu.vector_load %arg25[%swap3A_227] {strides = array<i32>} : memref<64xf32, #tpu.memory_space<vmem>>, vector<16xf32>,
    tpu.vector_store %arg25[%swap3A_227], %broadcast_in_dim3A_1 {strides = array<i32>} : memref<64xf32, #tpu.memory_space<vmem>>, vector<16xf32>,
    %swap3A_229 = arith.constant 48 : index
    %swap3A_230 = tpu.vector_load %arg25[%swap3A_229] {strides = array<i32>} : memref<64xf32, #tpu.memory_space<vmem>>, vector<16xf32>,
    tpu.vector_store %arg25[%swap3A_229], %broadcast_in_dim3A_1 {strides = array<i32>} : memref<64xf32, #tpu.memory_space<vmem>>, vector<16xf32>,
    %swap3A_231 = arith.constant 0 : index
    %swap3A_232 = tpu.vector_load %arg26[%swap3A_231] {strides = array<i32>} : memref<64xf32, #tpu.memory_space<vmem>>, vector<16xf32>,
    tpu.vector_store %arg26[%swap3A_231], %broadcast_in_dim3A_1 {strides = array<i32>} : memref<64xf32, #tpu.memory_space<vmem>>, vector<16xf32>,
    %swap3A_233 = arith.constant 16 : index
    %swap3A_234 = tpu.vector_load %arg26[%swap3A_233] {strides = array<i32>} : memref<64xf32, #tpu.memory_space<vmem>>, vector<16xf32>,
    tpu.vector_store %arg26[%swap3A_233], %broadcast_in_dim3A_1 {strides = array<i32>} : memref<64xf32, #tpu.memory_space<vmem>>, vector<16xf32>,
    %swap3A_235 = arith.constant 32 : index
    %swap3A_236 = tpu.vector_load %arg26[%swap3A_235] {strides = array<i32>} : memref<64xf32, #tpu.memory_space<vmem>>, vector<16xf32>,
    tpu.vector_store %arg26[%swap3A_235], %broadcast_in_dim3A_1 {strides = array<i32>} : memref<64xf32, #tpu.memory_space<vmem>>, vector<16xf32>,
    %swap3A_237 = arith.constant 48 : index
    %swap3A_238 = tpu.vector_load %arg26[%swap3A_237] {strides = array<i32>} : memref<64xf32, #tpu.memory_space<vmem>>, vector<16xf32>,
    tpu.vector_store %arg26[%swap3A_237], %broadcast_in_dim3A_1 {strides = array<i32>} : memref<64xf32, #tpu.memory_space<vmem>>, vector<16xf32>,
    %swap3A_239 = arith.constant 0 : index
    %swap3A_240 = tpu.vector_load %arg27[%swap3A_239] {strides = array<i32>} : memref<64xf32, #tpu.memory_space<vmem>>, vector<16xf32>,
    tpu.vector_store %arg27[%swap3A_239], %broadcast_in_dim3A_1 {strides = array<i32>} : memref<64xf32, #tpu.memory_space<vmem>>, vector<16xf32>,
    %swap3A_241 = arith.constant 16 : index
    %swap3A_242 = tpu.vector_load %arg27[%swap3A_241] {strides = array<i32>} : memref<64xf32, #tpu.memory_space<vmem>>, vector<16xf32>,
    tpu.vector_store %arg27[%swap3A_241], %broadcast_in_dim3A_1 {strides = array<i32>} : memref<64xf32, #tpu.memory_space<vmem>>, vector<16xf32>,
    %swap3A_243 = arith.constant 32 : index
    %swap3A_244 = tpu.vector_load %arg27[%swap3A_243] {strides = array<i32>} : memref<64xf32, #tpu.memory_space<vmem>>, vector<16xf32>,
    tpu.vector_store %arg27[%swap3A_243], %broadcast_in_dim3A_1 {strides = array<i32>} : memref<64xf32, #tpu.memory_space<vmem>>, vector<16xf32>,
    %swap3A_245 = arith.constant 48 : index
    %swap3A_246 = tpu.vector_load %arg27[%swap3A_245] {strides = array<i32>} : memref<64xf32, #tpu.memory_space<vmem>>, vector<16xf32>,
    tpu.vector_store %arg27[%swap3A_245], %broadcast_in_dim3A_1 {strides = array<i32>} : memref<64xf32, #tpu.memory_space<vmem>>, vector<16xf32>,
    %swap3A_247 = arith.constant 0 : index
    %swap3A_248 = tpu.vector_load %arg28[%swap3A_247] {strides = array<i32>} : memref<64xf32, #tpu.memory_space<vmem>>, vector<16xf32>,
    tpu.vector_store %arg28[%swap3A_247], %broadcast_in_dim3A_1 {strides = array<i32>} : memref<64xf32, #tpu.memory_space<vmem>>, vector<16xf32>,
    %swap3A_249 = arith.constant 16 : index
    %swap3A_250 = tpu.vector_load %arg28[%swap3A_249] {strides = array<i32>} : memref<64xf32, #tpu.memory_space<vmem>>, vector<16xf32>,
    tpu.vector_store %arg28[%swap3A_249], %broadcast_in_dim3A_1 {strides = array<i32>} : memref<64xf32, #tpu.memory_space<vmem>>, vector<16xf32>,
    %swap3A_251 = arith.constant 32 : index
    %swap3A_252 = tpu.vector_load %arg28[%swap3A_251] {strides = array<i32>} : memref<64xf32, #tpu.memory_space<vmem>>, vector<16xf32>,
    tpu.vector_store %arg28[%swap3A_251], %broadcast_in_dim3A_1 {strides = array<i32>} : memref<64xf32, #tpu.memory_space<vmem>>, vector<16xf32>,
    %swap3A_253 = arith.constant 48 : index
    %swap3A_254 = tpu.vector_load %arg28[%swap3A_253] {strides = array<i32>} : memref<64xf32, #tpu.memory_space<vmem>>, vector<16xf32>,
    tpu.vector_store %arg28[%swap3A_253], %broadcast_in_dim3A_1 {strides = array<i32>} : memref<64xf32, #tpu.memory_space<vmem>>, vector<16xf32>,
    %swap3A_255 = arith.constant 0 : index
    %swap3A_256 = tpu.vector_load %arg29[%swap3A_255] {strides = array<i32>} : memref<64xf32, #tpu.memory_space<vmem>>, vector<16xf32>,
    tpu.vector_store %arg29[%swap3A_255], %broadcast_in_dim3A_1 {strides = array<i32>} : memref<64xf32, #tpu.memory_space<vmem>>, vector<16xf32>,
    %swap3A_257 = arith.constant 16 : index
    %swap3A_258 = tpu.vector_load %arg29[%swap3A_257] {strides = array<i32>} : memref<64xf32, #tpu.memory_space<vmem>>, vector<16xf32>,
    tpu.vector_store %arg29[%swap3A_257], %broadcast_in_dim3A_1 {strides = array<i32>} : memref<64xf32, #tpu.memory_space<vmem>>, vector<16xf32>,
    %swap3A_259 = arith.constant 32 : index
    %swap3A_260 = tpu.vector_load %arg29[%swap3A_259] {strides = array<i32>} : memref<64xf32, #tpu.memory_space<vmem>>, vector<16xf32>,
    tpu.vector_store %arg29[%swap3A_259], %broadcast_in_dim3A_1 {strides = array<i32>} : memref<64xf32, #tpu.memory_space<vmem>>, vector<16xf32>,
    %swap3A_261 = arith.constant 48 : index
    %swap3A_262 = tpu.vector_load %arg29[%swap3A_261] {strides = array<i32>} : memref<64xf32, #tpu.memory_space<vmem>>, vector<16xf32>,
    tpu.vector_store %arg29[%swap3A_261], %broadcast_in_dim3A_1 {strides = array<i32>} : memref<64xf32, #tpu.memory_space<vmem>>, vector<16xf32>,
    %swap3A_263 = arith.constant 0 : index
    %swap3A_264 = tpu.vector_load %arg30[%swap3A_263] {strides = array<i32>} : memref<64xf32, #tpu.memory_space<vmem>>, vector<16xf32>,
    tpu.vector_store %arg30[%swap3A_263], %broadcast_in_dim3A_1 {strides = array<i32>} : memref<64xf32, #tpu.memory_space<vmem>>, vector<16xf32>,
    %swap3A_265 = arith.constant 16 : index
    %swap3A_266 = tpu.vector_load %arg30[%swap3A_265] {strides = array<i32>} : memref<64xf32, #tpu.memory_space<vmem>>, vector<16xf32>,
    tpu.vector_store %arg30[%swap3A_265], %broadcast_in_dim3A_1 {strides = array<i32>} : memref<64xf32, #tpu.memory_space<vmem>>, vector<16xf32>,
    %swap3A_267 = arith.constant 32 : index
    %swap3A_268 = tpu.vector_load %arg30[%swap3A_267] {strides = array<i32>} : memref<64xf32, #tpu.memory_space<vmem>>, vector<16xf32>,
    tpu.vector_store %arg30[%swap3A_267], %broadcast_in_dim3A_1 {strides = array<i32>} : memref<64xf32, #tpu.memory_space<vmem>>, vector<16xf32>,
    %swap3A_269 = arith.constant 48 : index
    %swap3A_270 = tpu.vector_load %arg30[%swap3A_269] {strides = array<i32>} : memref<64xf32, #tpu.memory_space<vmem>>, vector<16xf32>,
    tpu.vector_store %arg30[%swap3A_269], %broadcast_in_dim3A_1 {strides = array<i32>} : memref<64xf32, #tpu.memory_space<vmem>>, vector<16xf32>,
    %swap3A_271 = arith.constant 0 : index
    %swap3A_272 = tpu.vector_load %arg31[%swap3A_271] {strides = array<i32>} : memref<128xf32, #tpu.memory_space<vmem>>, vector<16xf32>,
    tpu.vector_store %arg31[%swap3A_271], %broadcast_in_dim3A_1 {strides = array<i32>} : memref<128xf32, #tpu.memory_space<vmem>>, vector<16xf32>,
    %swap3A_273 = arith.constant 0 : index
    %swap3A_274 = tpu.vector_load %arg32[%swap3A_273] {strides = array<i32>} : memref<128xf32, #tpu.memory_space<vmem>>, vector<16xf32>,
    tpu.vector_store %arg32[%swap3A_273], %broadcast_in_dim3A_1 {strides = array<i32>} : memref<128xf32, #tpu.memory_space<vmem>>, vector<16xf32>,
    %swap3A_275 = arith.constant 16 : index
    %swap3A_276 = tpu.vector_load %arg31[%swap3A_275] {strides = array<i32>} : memref<128xf32, #tpu.memory_space<vmem>>, vector<16xf32>,
    tpu.vector_store %arg31[%swap3A_275], %broadcast_in_dim3A_1 {strides = array<i32>} : memref<128xf32, #tpu.memory_space<vmem>>, vector<16xf32>,
    %swap3A_277 = arith.constant 16 : index
    %swap3A_278 = tpu.vector_load %arg32[%swap3A_277] {strides = array<i32>} : memref<128xf32, #tpu.memory_space<vmem>>, vector<16xf32>,
    tpu.vector_store %arg32[%swap3A_277], %broadcast_in_dim3A_1 {strides = array<i32>} : memref<128xf32, #tpu.memory_space<vmem>>, vector<16xf32>,
    %swap3A_279 = arith.constant 32 : index
    %swap3A_280 = tpu.vector_load %arg31[%swap3A_279] {strides = array<i32>} : memref<128xf32, #tpu.memory_space<vmem>>, vector<16xf32>,
    tpu.vector_store %arg31[%swap3A_279], %broadcast_in_dim3A_1 {strides = array<i32>} : memref<128xf32, #tpu.memory_space<vmem>>, vector<16xf32>,
    %swap3A_281 = arith.constant 32 : index
    %swap3A_282 = tpu.vector_load %arg32[%swap3A_281] {strides = array<i32>} : memref<128xf32, #tpu.memory_space<vmem>>, vector<16xf32>,
    tpu.vector_store %arg32[%swap3A_281], %broadcast_in_dim3A_1 {strides = array<i32>} : memref<128xf32, #tpu.memory_space<vmem>>, vector<16xf32>,
    %swap3A_283 = arith.constant 48 : index
    %swap3A_284 = tpu.vector_load %arg31[%swap3A_283] {strides = array<i32>} : memref<128xf32, #tpu.memory_space<vmem>>, vector<16xf32>,
    tpu.vector_store %arg31[%swap3A_283], %broadcast_in_dim3A_1 {strides = array<i32>} : memref<128xf32, #tpu.memory_space<vmem>>, vector<16xf32>,
    %swap3A_285 = arith.constant 48 : index
    %swap3A_286 = tpu.vector_load %arg32[%swap3A_285] {strides = array<i32>} : memref<128xf32, #tpu.memory_space<vmem>>, vector<16xf32>,
    tpu.vector_store %arg32[%swap3A_285], %broadcast_in_dim3A_1 {strides = array<i32>} : memref<128xf32, #tpu.memory_space<vmem>>, vector<16xf32>,
    %swap3A_287 = arith.constant 64 : index
    %swap3A_288 = tpu.vector_load %arg31[%swap3A_287] {strides = array<i32>} : memref<128xf32, #tpu.memory_space<vmem>>, vector<16xf32>,
    tpu.vector_store %arg31[%swap3A_287], %broadcast_in_dim3A_1 {strides = array<i32>} : memref<128xf32, #tpu.memory_space<vmem>>, vector<16xf32>,
    %swap3A_289 = arith.constant 64 : index
    %swap3A_290 = tpu.vector_load %arg32[%swap3A_289] {strides = array<i32>} : memref<128xf32, #tpu.memory_space<vmem>>, vector<16xf32>,
    tpu.vector_store %arg32[%swap3A_289], %broadcast_in_dim3A_1 {strides = array<i32>} : memref<128xf32, #tpu.memory_space<vmem>>, vector<16xf32>,
    %swap3A_291 = arith.constant 80 : index
    %swap3A_292 = tpu.vector_load %arg31[%swap3A_291] {strides = array<i32>} : memref<128xf32, #tpu.memory_space<vmem>>, vector<16xf32>,
    tpu.vector_store %arg31[%swap3A_291], %broadcast_in_dim3A_1 {strides = array<i32>} : memref<128xf32, #tpu.memory_space<vmem>>, vector<16xf32>,
    %swap3A_293 = arith.constant 80 : index
    %swap3A_294 = tpu.vector_load %arg32[%swap3A_293] {strides = array<i32>} : memref<128xf32, #tpu.memory_space<vmem>>, vector<16xf32>,
    tpu.vector_store %arg32[%swap3A_293], %broadcast_in_dim3A_1 {strides = array<i32>} : memref<128xf32, #tpu.memory_space<vmem>>, vector<16xf32>,
    %swap3A_295 = arith.constant 96 : index
    %swap3A_296 = tpu.vector_load %arg31[%swap3A_295] {strides = array<i32>} : memref<128xf32, #tpu.memory_space<vmem>>, vector<16xf32>,
    tpu.vector_store %arg31[%swap3A_295], %broadcast_in_dim3A_1 {strides = array<i32>} : memref<128xf32, #tpu.memory_space<vmem>>, vector<16xf32>,
    %swap3A_297 = arith.constant 96 : index
    %swap3A_298 = tpu.vector_load %arg32[%swap3A_297] {strides = array<i32>} : memref<128xf32, #tpu.memory_space<vmem>>, vector<16xf32>,
    tpu.vector_store %arg32[%swap3A_297], %broadcast_in_dim3A_1 {strides = array<i32>} : memref<128xf32, #tpu.memory_space<vmem>>, vector<16xf32>,
    %swap3A_299 = arith.constant 112 : index
    %swap3A_300 = tpu.vector_load %arg31[%swap3A_299] {strides = array<i32>} : memref<128xf32, #tpu.memory_space<vmem>>, vector<16xf32>,
    tpu.vector_store %arg31[%swap3A_299], %broadcast_in_dim3A_1 {strides = array<i32>} : memref<128xf32, #tpu.memory_space<vmem>>, vector<16xf32>,
    %swap3A_301 = arith.constant 112 : index
    %swap3A_302 = tpu.vector_load %arg32[%swap3A_301] {strides = array<i32>} : memref<128xf32, #tpu.memory_space<vmem>>, vector<16xf32>,
    tpu.vector_store %arg32[%swap3A_301], %broadcast_in_dim3A_1 {strides = array<i32>} : memref<128xf32, #tpu.memory_space<vmem>>, vector<16xf32>,
    %scan3A = arith.constant 0 : i32
    %scan3A_303 = arith.constant 0 : i32
    %scan3A_304 = arith.constant 65 : i32
    %scan3A_305 = arith.addi %scan3A_303, %scan3A_304 : i32
    %scan3A_306 = arith.constant 1 : i32
    scf.for %scan3A_1850 = %scan3A_303 to %scan3A_305 step %scan3A_306  : i32 {
      %swap3A_1851 = arith.index_cast %scan3A_1850 : i32 to index
      %swap3A_1852 = arith.constant 0 : index
      %swap3A_1853 = tpu.vector_load %arg33[%swap3A_1851, %swap3A_1852] {strides = array<i32>} : memref<65x128xf32, #tpu.memory_space<vmem>>, vector<16xf32>,
      tpu.vector_store %arg33[%swap3A_1851, %swap3A_1852], %broadcast_in_dim3A_1 {strides = array<i32>} : memref<65x128xf32, #tpu.memory_space<vmem>>, vector<16xf32>,
      %swap3A_1854 = arith.index_cast %scan3A_1850 : i32 to index
      %swap3A_1855 = arith.constant 16 : index
      %swap3A_1856 = tpu.vector_load %arg33[%swap3A_1854, %swap3A_1855] {strides = array<i32>} : memref<65x128xf32, #tpu.memory_space<vmem>>, vector<16xf32>,
      tpu.vector_store %arg33[%swap3A_1854, %swap3A_1855], %broadcast_in_dim3A_1 {strides = array<i32>} : memref<65x128xf32, #tpu.memory_space<vmem>>, vector<16xf32>,
      %swap3A_1857 = arith.index_cast %scan3A_1850 : i32 to index
      %swap3A_1858 = arith.constant 32 : index
      %swap3A_1859 = tpu.vector_load %arg33[%swap3A_1857, %swap3A_1858] {strides = array<i32>} : memref<65x128xf32, #tpu.memory_space<vmem>>, vector<16xf32>,
      tpu.vector_store %arg33[%swap3A_1857, %swap3A_1858], %broadcast_in_dim3A_1 {strides = array<i32>} : memref<65x128xf32, #tpu.memory_space<vmem>>, vector<16xf32>,
      %swap3A_1860 = arith.index_cast %scan3A_1850 : i32 to index
      %swap3A_1861 = arith.constant 48 : index
      %swap3A_1862 = tpu.vector_load %arg33[%swap3A_1860, %swap3A_1861] {strides = array<i32>} : memref<65x128xf32, #tpu.memory_space<vmem>>, vector<16xf32>,
      tpu.vector_store %arg33[%swap3A_1860, %swap3A_1861], %broadcast_in_dim3A_1 {strides = array<i32>} : memref<65x128xf32, #tpu.memory_space<vmem>>, vector<16xf32>,
      %swap3A_1863 = arith.index_cast %scan3A_1850 : i32 to index
      %swap3A_1864 = arith.constant 64 : index
      %swap3A_1865 = tpu.vector_load %arg33[%swap3A_1863, %swap3A_1864] {strides = array<i32>} : memref<65x128xf32, #tpu.memory_space<vmem>>, vector<16xf32>,
      tpu.vector_store %arg33[%swap3A_1863, %swap3A_1864], %broadcast_in_dim3A_1 {strides = array<i32>} : memref<65x128xf32, #tpu.memory_space<vmem>>, vector<16xf32>,
      %swap3A_1866 = arith.index_cast %scan3A_1850 : i32 to index
      %swap3A_1867 = arith.constant 80 : index
      %swap3A_1868 = tpu.vector_load %arg33[%swap3A_1866, %swap3A_1867] {strides = array<i32>} : memref<65x128xf32, #tpu.memory_space<vmem>>, vector<16xf32>,
      tpu.vector_store %arg33[%swap3A_1866, %swap3A_1867], %broadcast_in_dim3A_1 {strides = array<i32>} : memref<65x128xf32, #tpu.memory_space<vmem>>, vector<16xf32>,
      %swap3A_1869 = arith.index_cast %scan3A_1850 : i32 to index
      %swap3A_1870 = arith.constant 96 : index
      %swap3A_1871 = tpu.vector_load %arg33[%swap3A_1869, %swap3A_1870] {strides = array<i32>} : memref<65x128xf32, #tpu.memory_space<vmem>>, vector<16xf32>,
      tpu.vector_store %arg33[%swap3A_1869, %swap3A_1870], %broadcast_in_dim3A_1 {strides = array<i32>} : memref<65x128xf32, #tpu.memory_space<vmem>>, vector<16xf32>,
      %swap3A_1872 = arith.index_cast %scan3A_1850 : i32 to index
      %swap3A_1873 = arith.constant 112 : index
      %swap3A_1874 = tpu.vector_load %arg33[%swap3A_1872, %swap3A_1873] {strides = array<i32>} : memref<65x128xf32, #tpu.memory_space<vmem>>, vector<16xf32>,
      tpu.vector_store %arg33[%swap3A_1872, %swap3A_1873], %broadcast_in_dim3A_1 {strides = array<i32>} : memref<65x128xf32, #tpu.memory_space<vmem>>, vector<16xf32>,
    }
    %scan3A_307 = arith.constant 65 : i32
    %lt3A_308 = arith.constant 4 : i32
    %lt3A_309 = arith.cmpi slt, %arg1, %lt3A_308 : i32
    %convert_element_type3A_310 = arith.extui %lt3A_309 : i1 to i32
    %cond3A = arith.constant 0 : i32
    %cond3A_311 = arith.cmpi ne, %convert_element_type3A_310, %cond3A : i32
    scf.if %cond3A_311 {
      %mul3A_1850 = arith.constant 65 : i32
      %mul3A_1851 = arith.muli %arg1, %mul3A_1850 : i32
      "tpu.region"() ({
        %run_scoped3A = tpu.sem_alloc : memref<!tpu.dma_semaphore, #tpu.memory_space<semaphore_mem>>
        %dma_start3A_1852 = arith.constant 0 : i32
        %dma_start3A_1853 = tpu.memref_slice %arg35[%mul3A_1851, %dma_start3A_1852] : memref<260x128xf32, #tpu.memory_space<vmem_shared>> -> memref<65x128xf32, #tpu.memory_space<vmem_shared>>
        %dma_start3A_1854 = arith.constant 0 : i32
        %dma_start3A_1855 = tpu.memref_slice %arg35[%mul3A_1851, %dma_start3A_1854] : memref<260x128xf32, #tpu.memory_space<vmem_shared>> -> memref<65x128xf32, #tpu.memory_space<vmem_shared>>
        tpu.enqueue_dma source(%arg33 : memref<65x128xf32, #tpu.memory_space<vmem>>) target(%dma_start3A_1855 : memref<65x128xf32, #tpu.memory_space<vmem_shared>>) target_semaphore(%run_scoped3A : memref<!tpu.dma_semaphore, #tpu.memory_space<semaphore_mem>>)
        %dma_wait3A_1856 = arith.constant 0 : i32
        %dma_wait3A_1857 = tpu.memref_slice %arg35[%mul3A_1851, %dma_wait3A_1856] : memref<260x128xf32, #tpu.memory_space<vmem_shared>> -> memref<65x128xf32, #tpu.memory_space<vmem_shared>>
        %dma_wait3A_1858 = arith.constant 0 : i32
        %dma_wait3A_1859 = tpu.memref_slice %arg35[%mul3A_1851, %dma_wait3A_1858] : memref<260x128xf32, #tpu.memory_space<vmem_shared>> -> memref<65x128xf32, #tpu.memory_space<vmem_shared>>
        tpu.wait_dma2 semaphore(%run_scoped3A : memref<!tpu.dma_semaphore, #tpu.memory_space<semaphore_mem>>) src(%arg33 : memref<65x128xf32, #tpu.memory_space<vmem>>) dst(%dma_wait3A_1859 : memref<65x128xf32, #tpu.memory_space<vmem_shared>>)
        tpu.yield
      }) : () -> ()
    } else {
    }
    %barrier3A = arith.constant 0 : index
    tpu.barrier barrier_id(%barrier3A)
    tpu.wait_dma2 semaphore(%arg36 : memref<!tpu.dma_semaphore, #tpu.memory_space<semaphore_mem>>) src(%arg4 : memref<10240xi32, #tpu.memory_space<hbm>>) dst(%arg10 : memref<10240xi32, #tpu.memory_space<vmem>>)
    %dma_wait3A = arith.constant 0 : i32
    %dma_wait3A_312 = arith.constant 0 : i32
    %dma_wait3A_313 = tpu.memref_slice %arg14[%dma_wait3A, %dma_wait3A_312] : memref<4x80xi32, #tpu.memory_space<vmem>> -> memref<1x80xi32, #tpu.memory_space<vmem>>
    %dma_wait3A_314 = tpu.memref_squeeze %dma_wait3A_313 : memref<1x80xi32, #tpu.memory_space<vmem>> -> memref<80xi32, #tpu.memory_space<vmem>>
    %dma_wait3A_315 = tpu.memref_slice %arg4[%add3A_101] : memref<10240xi32, #tpu.memory_space<hbm>> -> memref<80xi32, #tpu.memory_space<hbm>>
    %dma_wait3A_316 = arith.constant 0 : i32
    %dma_wait3A_317 = tpu.memref_slice %arg14[%dma_wait3A, %dma_wait3A_316] : memref<4x80xi32, #tpu.memory_space<vmem>> -> memref<1x80xi32, #tpu.memory_space<vmem>>
    %dma_wait3A_318 = tpu.memref_squeeze %dma_wait3A_317 : memref<1x80xi32, #tpu.memory_space<vmem>> -> memref<80xi32, #tpu.memory_space<vmem>>
    %dma_wait3A_319 = tpu.memref_slice %arg4[%add3A_101] : memref<10240xi32, #tpu.memory_space<hbm>> -> memref<80xi32, #tpu.memory_space<hbm>>
    tpu.wait_dma2 semaphore(%arg45 : memref<!tpu.dma_semaphore, #tpu.memory_space<semaphore_mem>>) src(%dma_wait3A_319 : memref<80xi32, #tpu.memory_space<hbm>>) dst(%dma_wait3A_318 : memref<80xi32, #tpu.memory_space<vmem>>)
    %dma_wait3A_320 = arith.constant 1 : i32
    %dma_wait3A_321 = arith.constant 0 : i32
    %dma_wait3A_322 = tpu.memref_slice %arg14[%dma_wait3A_320, %dma_wait3A_321] : memref<4x80xi32, #tpu.memory_space<vmem>> -> memref<1x80xi32, #tpu.memory_space<vmem>>
    %dma_wait3A_323 = tpu.memref_squeeze %dma_wait3A_322 : memref<1x80xi32, #tpu.memory_space<vmem>> -> memref<80xi32, #tpu.memory_space<vmem>>
    %dma_wait3A_324 = tpu.memref_slice %arg4[%add3A_112] : memref<10240xi32, #tpu.memory_space<hbm>> -> memref<80xi32, #tpu.memory_space<hbm>>
    %dma_wait3A_325 = arith.constant 0 : i32
    %dma_wait3A_326 = tpu.memref_slice %arg14[%dma_wait3A_320, %dma_wait3A_325] : memref<4x80xi32, #tpu.memory_space<vmem>> -> memref<1x80xi32, #tpu.memory_space<vmem>>
    %dma_wait3A_327 = tpu.memref_squeeze %dma_wait3A_326 : memref<1x80xi32, #tpu.memory_space<vmem>> -> memref<80xi32, #tpu.memory_space<vmem>>
    %dma_wait3A_328 = tpu.memref_slice %arg4[%add3A_112] : memref<10240xi32, #tpu.memory_space<hbm>> -> memref<80xi32, #tpu.memory_space<hbm>>
    tpu.wait_dma2 semaphore(%arg45 : memref<!tpu.dma_semaphore, #tpu.memory_space<semaphore_mem>>) src(%dma_wait3A_328 : memref<80xi32, #tpu.memory_space<hbm>>) dst(%dma_wait3A_327 : memref<80xi32, #tpu.memory_space<vmem>>)
    %dma_wait3A_329 = arith.constant 2 : i32
    %dma_wait3A_330 = arith.constant 0 : i32
    %dma_wait3A_331 = tpu.memref_slice %arg14[%dma_wait3A_329, %dma_wait3A_330] : memref<4x80xi32, #tpu.memory_space<vmem>> -> memref<1x80xi32, #tpu.memory_space<vmem>>
    %dma_wait3A_332 = tpu.memref_squeeze %dma_wait3A_331 : memref<1x80xi32, #tpu.memory_space<vmem>> -> memref<80xi32, #tpu.memory_space<vmem>>
    %dma_wait3A_333 = tpu.memref_slice %arg4[%add3A_123] : memref<10240xi32, #tpu.memory_space<hbm>> -> memref<80xi32, #tpu.memory_space<hbm>>
    %dma_wait3A_334 = arith.constant 0 : i32
    %dma_wait3A_335 = tpu.memref_slice %arg14[%dma_wait3A_329, %dma_wait3A_334] : memref<4x80xi32, #tpu.memory_space<vmem>> -> memref<1x80xi32, #tpu.memory_space<vmem>>
    %dma_wait3A_336 = tpu.memref_squeeze %dma_wait3A_335 : memref<1x80xi32, #tpu.memory_space<vmem>> -> memref<80xi32, #tpu.memory_space<vmem>>
    %dma_wait3A_337 = tpu.memref_slice %arg4[%add3A_123] : memref<10240xi32, #tpu.memory_space<hbm>> -> memref<80xi32, #tpu.memory_space<hbm>>
    tpu.wait_dma2 semaphore(%arg45 : memref<!tpu.dma_semaphore, #tpu.memory_space<semaphore_mem>>) src(%dma_wait3A_337 : memref<80xi32, #tpu.memory_space<hbm>>) dst(%dma_wait3A_336 : memref<80xi32, #tpu.memory_space<vmem>>)
    %dma_wait3A_338 = arith.constant 3 : i32
    %dma_wait3A_339 = arith.constant 0 : i32
    %dma_wait3A_340 = tpu.memref_slice %arg14[%dma_wait3A_338, %dma_wait3A_339] : memref<4x80xi32, #tpu.memory_space<vmem>> -> memref<1x80xi32, #tpu.memory_space<vmem>>
    %dma_wait3A_341 = tpu.memref_squeeze %dma_wait3A_340 : memref<1x80xi32, #tpu.memory_space<vmem>> -> memref<80xi32, #tpu.memory_space<vmem>>
    %dma_wait3A_342 = tpu.memref_slice %arg4[%add3A_134] : memref<10240xi32, #tpu.memory_space<hbm>> -> memref<80xi32, #tpu.memory_space<hbm>>
    %dma_wait3A_343 = arith.constant 0 : i32
    %dma_wait3A_344 = tpu.memref_slice %arg14[%dma_wait3A_338, %dma_wait3A_343] : memref<4x80xi32, #tpu.memory_space<vmem>> -> memref<1x80xi32, #tpu.memory_space<vmem>>
    %dma_wait3A_345 = tpu.memref_squeeze %dma_wait3A_344 : memref<1x80xi32, #tpu.memory_space<vmem>> -> memref<80xi32, #tpu.memory_space<vmem>>
    %dma_wait3A_346 = tpu.memref_slice %arg4[%add3A_134] : memref<10240xi32, #tpu.memory_space<hbm>> -> memref<80xi32, #tpu.memory_space<hbm>>
    tpu.wait_dma2 semaphore(%arg45 : memref<!tpu.dma_semaphore, #tpu.memory_space<semaphore_mem>>) src(%dma_wait3A_346 : memref<80xi32, #tpu.memory_space<hbm>>) dst(%dma_wait3A_345 : memref<80xi32, #tpu.memory_space<vmem>>)
    %scan3A_347 = arith.constant 0 : i32
    %scan3A_348 = arith.constant 0 : i32
    %scan3A_349 = arith.constant 20 : i32
    %scan3A_350 = arith.addi %scan3A_348, %scan3A_349 : i32
    %scan3A_351 = arith.constant 1 : i32
    scf.for %scan3A_1850 = %scan3A_348 to %scan3A_350 step %scan3A_351  : i32 {
      %jit3A_1851 = arith.constant 5 : i32
      %div3A = arith.divsi %scan3A_1850, %jit3A_1851 : i32
      %sign3A = arith.constant 0 : i32
      %sign3A_1852 = arith.cmpi sgt, %scan3A_1850, %sign3A : i32
      %sign3A_1853 = arith.extui %sign3A_1852 : i1 to i32
      %sign3A_1854 = arith.constant 0 : i32
      %sign3A_1855 = arith.cmpi slt, %scan3A_1850, %sign3A_1854 : i32
      %sign3A_1856 = arith.extui %sign3A_1855 : i1 to i32
      %sign3A_1857 = arith.subi %sign3A_1853, %sign3A_1856 : i32
      %sign3A_1858 = arith.constant 0 : i32
      %sign3A_1859 = arith.cmpi sgt, %jit3A_1851, %sign3A_1858 : i32
      %sign3A_1860 = arith.extui %sign3A_1859 : i1 to i32
      %sign3A_1861 = arith.constant 0 : i32
      %sign3A_1862 = arith.cmpi slt, %jit3A_1851, %sign3A_1861 : i32
      %sign3A_1863 = arith.extui %sign3A_1862 : i1 to i32
      %sign3A_1864 = arith.subi %sign3A_1860, %sign3A_1863 : i32
      %ne3A_1865 = arith.cmpi ne, %sign3A_1857, %sign3A_1864 : i32
      %rem3A_1866 = arith.remsi %scan3A_1850, %jit3A_1851 : i32
      %ne3A_1867 = arith.constant 0 : i32
      %ne3A_1868 = arith.cmpi ne, %rem3A_1866, %ne3A_1867 : i32
      %and3A_1869 = arith.andi %ne3A_1865, %ne3A_1868 : i1
      %sub3A_1870 = arith.constant 1 : i32
      %sub3A_1871 = arith.subi %div3A, %sub3A_1870 : i32
      %select_n3A_1872 = arith.select %and3A_1869, %sub3A_1871, %div3A : i32
      %jit3A_1873 = arith.constant 5 : i32
      %eq3A_1874 = arith.constant 0 : i32
      %eq3A_1875 = arith.cmpi eq, %jit3A_1873, %eq3A_1874 : i32
      %jit3A_1876 = arith.constant 1 : i32
      %select_n3A_1877 = arith.select %eq3A_1875, %jit3A_1876, %jit3A_1873 : i32
      %rem3A_1878 = arith.remsi %scan3A_1850, %select_n3A_1877 : i32
      %ne3A_1879 = arith.constant 0 : i32
      %ne3A_1880 = arith.cmpi ne, %rem3A_1878, %ne3A_1879 : i32
      %lt3A_1881 = arith.constant 0 : i32
      %lt3A_1882 = arith.cmpi slt, %rem3A_1878, %lt3A_1881 : i32
      %lt3A_1883 = arith.constant 0 : i32
      %lt3A_1884 = arith.cmpi slt, %select_n3A_1877, %lt3A_1883 : i32
      %ne3A_1885 = arith.xori %lt3A_1882, %lt3A_1884 : i1
      %and3A_1886 = arith.andi %ne3A_1885, %ne3A_1880 : i1
      %add3A_1887 = arith.addi %rem3A_1878, %select_n3A_1877 : i32
      %select_n3A_1888 = arith.select %and3A_1886, %add3A_1887, %rem3A_1878 : i32
      %mul3A_1889 = arith.constant 16 : i32
      %mul3A_1890 = arith.muli %select_n3A_1888, %mul3A_1889 : i32
      %get3A_1891 = arith.index_cast %select_n3A_1872 : i32 to index
      %get3A_1892 = arith.index_cast %mul3A_1890 : i32 to index
      %get3A_1893 = tpu.vector_load %arg14[%get3A_1891, %get3A_1892] {strides = array<i32>} : memref<4x80xi32, #tpu.memory_space<vmem>>, vector<16xi32>,
      tpu.vector_store_idx %arg32[%get3A_1893], %broadcast_in_dim3A_3 {add = true} : memref<128xf32, #tpu.memory_space<vmem>>[vector<16xi32>], vector<16xf32>,
      %add3A_1894 = vector.broadcast %mul3A_14 : i32 to vector<16xi32>
      %add3A_1895 = arith.addi %get3A_1893, %add3A_1894 : vector<16xi32>
      %swap3A_1896 = arith.index_cast %select_n3A_1872 : i32 to index
      %swap3A_1897 = arith.index_cast %mul3A_1890 : i32 to index
      %swap3A_1898 = tpu.vector_load %arg14[%swap3A_1896, %swap3A_1897] {strides = array<i32>} : memref<4x80xi32, #tpu.memory_space<vmem>>, vector<16xi32>,
      tpu.vector_store %arg14[%swap3A_1896, %swap3A_1897], %add3A_1895 {strides = array<i32>} : memref<4x80xi32, #tpu.memory_space<vmem>>, vector<16xi32>,
    }
    %scan3A_352 = arith.constant 20 : i32
    %dma_wait3A_353 = arith.constant 0 : i32
    %dma_wait3A_354 = arith.constant 0 : i32
    %dma_wait3A_355 = arith.constant 0 : i32
    %dma_wait3A_356 = tpu.memref_slice %arg13[%dma_wait3A_353, %dma_wait3A_354, %dma_wait3A_355] : memref<2x80x128xf32, #tpu.memory_space<vmem>> -> memref<1x80x128xf32, #tpu.memory_space<vmem>>
    %dma_wait3A_357 = tpu.memref_squeeze %dma_wait3A_356 : memref<1x80x128xf32, #tpu.memory_space<vmem>> -> memref<80x128xf32, #tpu.memory_space<vmem>>
    %dma_wait3A_358 = arith.constant 0 : i32
    %dma_wait3A_359 = tpu.memref_slice %arg5[%mul3A_16, %dma_wait3A_358] : memref<10240x128xf32, #tpu.memory_space<hbm>> -> memref<80x128xf32, #tpu.memory_space<hbm>>
    %dma_wait3A_360 = arith.constant 0 : i32
    %dma_wait3A_361 = arith.constant 0 : i32
    %dma_wait3A_362 = tpu.memref_slice %arg13[%dma_wait3A_353, %dma_wait3A_360, %dma_wait3A_361] : memref<2x80x128xf32, #tpu.memory_space<vmem>> -> memref<1x80x128xf32, #tpu.memory_space<vmem>>
    %dma_wait3A_363 = tpu.memref_squeeze %dma_wait3A_362 : memref<1x80x128xf32, #tpu.memory_space<vmem>> -> memref<80x128xf32, #tpu.memory_space<vmem>>
    %dma_wait3A_364 = arith.constant 0 : i32
    %dma_wait3A_365 = tpu.memref_slice %arg5[%mul3A_16, %dma_wait3A_364] : memref<10240x128xf32, #tpu.memory_space<hbm>> -> memref<80x128xf32, #tpu.memory_space<hbm>>
    tpu.wait_dma2 semaphore(%arg41 : memref<!tpu.dma_semaphore, #tpu.memory_space<semaphore_mem>>) src(%dma_wait3A_365 : memref<80x128xf32, #tpu.memory_space<hbm>>) dst(%dma_wait3A_363 : memref<80x128xf32, #tpu.memory_space<vmem>>)
    %add3A_366 = arith.constant 80 : i32
    %add3A_367 = arith.addi %mul3A_16, %add3A_366 : i32
    %dma_start3A_368 = arith.constant 1 : i32
    %dma_start3A_369 = arith.constant 0 : i32
    %dma_start3A_370 = arith.constant 0 : i32
    %dma_start3A_371 = tpu.memref_slice %arg13[%dma_start3A_368, %dma_start3A_369, %dma_start3A_370] : memref<2x80x128xf32, #tpu.memory_space<vmem>> -> memref<1x80x128xf32, #tpu.memory_space<vmem>>
    %dma_start3A_372 = tpu.memref_squeeze %dma_start3A_371 : memref<1x80x128xf32, #tpu.memory_space<vmem>> -> memref<80x128xf32, #tpu.memory_space<vmem>>
    %dma_start3A_373 = arith.constant 0 : i32
    %dma_start3A_374 = tpu.memref_slice %arg5[%add3A_367, %dma_start3A_373] : memref<10240x128xf32, #tpu.memory_space<hbm>> -> memref<80x128xf32, #tpu.memory_space<hbm>>
    %dma_start3A_375 = arith.constant 0 : i32
    %dma_start3A_376 = arith.constant 0 : i32
    %dma_start3A_377 = tpu.memref_slice %arg13[%dma_start3A_368, %dma_start3A_375, %dma_start3A_376] : memref<2x80x128xf32, #tpu.memory_space<vmem>> -> memref<1x80x128xf32, #tpu.memory_space<vmem>>
    %dma_start3A_378 = tpu.memref_squeeze %dma_start3A_377 : memref<1x80x128xf32, #tpu.memory_space<vmem>> -> memref<80x128xf32, #tpu.memory_space<vmem>>
    %dma_start3A_379 = arith.constant 0 : i32
    %dma_start3A_380 = tpu.memref_slice %arg5[%add3A_367, %dma_start3A_379] : memref<10240x128xf32, #tpu.memory_space<hbm>> -> memref<80x128xf32, #tpu.memory_space<hbm>>
    tpu.enqueue_dma source(%dma_start3A_380 : memref<80x128xf32, #tpu.memory_space<hbm>>) target(%dma_start3A_378 : memref<80x128xf32, #tpu.memory_space<vmem>>) target_semaphore(%arg42 : memref<!tpu.dma_semaphore, #tpu.memory_space<semaphore_mem>>)
    %dma_start3A_381 = arith.constant 0 : i32
    %dma_start3A_382 = arith.constant 0 : i32
    %dma_start3A_383 = arith.constant 0 : i32
    %dma_start3A_384 = arith.constant 0 : i32
    %dma_start3A_385 = tpu.memref_slice %arg13[%dma_start3A_381, %dma_start3A_383, %dma_start3A_384] : memref<2x80x128xf32, #tpu.memory_space<vmem>> -> memref<1x80x128xf32, #tpu.memory_space<vmem>>
    %dma_start3A_386 = tpu.memref_squeeze %dma_start3A_385 : memref<1x80x128xf32, #tpu.memory_space<vmem>> -> memref<80x128xf32, #tpu.memory_space<vmem>>
    %dma_start3A_387 = arith.constant 0 : i32
    %dma_start3A_388 = tpu.memref_slice %arg14[%dma_start3A_382, %dma_start3A_387] : memref<4x80xi32, #tpu.memory_space<vmem>> -> memref<1x80xi32, #tpu.memory_space<vmem>>
    %dma_start3A_389 = tpu.memref_squeeze %dma_start3A_388 : memref<1x80xi32, #tpu.memory_space<vmem>> -> memref<80xi32, #tpu.memory_space<vmem>>
    %dma_start3A_390 = arith.constant 0 : i32
    %dma_start3A_391 = arith.constant 0 : i32
    %dma_start3A_392 = tpu.memref_slice %arg35[%dma_start3A_390, %dma_start3A_391] : memref<260x128xf32, #tpu.memory_space<vmem_shared>> -> memref<260x128xf32, #tpu.memory_space<vmem_shared>>
    tpu.enqueue_indirect_dma source(%dma_start3A_386 : memref<80x128xf32, #tpu.memory_space<vmem>>) target(%dma_start3A_392 : memref<260x128xf32, #tpu.memory_space<vmem_shared>>) offsets(%dma_start3A_389 : memref<80xi32, #tpu.memory_space<vmem>>) semaphore(%arg43 : memref<!tpu.dma_semaphore, #tpu.memory_space<semaphore_mem>>) {add = true}
    %dma_wait3A_393 = arith.constant 1 : i32
    %dma_wait3A_394 = arith.constant 0 : i32
    %dma_wait3A_395 = arith.constant 0 : i32
    %dma_wait3A_396 = tpu.memref_slice %arg13[%dma_wait3A_393, %dma_wait3A_394, %dma_wait3A_395] : memref<2x80x128xf32, #tpu.memory_space<vmem>> -> memref<1x80x128xf32, #tpu.memory_space<vmem>>
    %dma_wait3A_397 = tpu.memref_squeeze %dma_wait3A_396 : memref<1x80x128xf32, #tpu.memory_space<vmem>> -> memref<80x128xf32, #tpu.memory_space<vmem>>
    %dma_wait3A_398 = arith.constant 0 : i32
    %dma_wait3A_399 = tpu.memref_slice %arg5[%add3A_367, %dma_wait3A_398] : memref<10240x128xf32, #tpu.memory_space<hbm>> -> memref<80x128xf32, #tpu.memory_space<hbm>>
    %dma_wait3A_400 = arith.constant 0 : i32
    %dma_wait3A_401 = arith.constant 0 : i32
    %dma_wait3A_402 = tpu.memref_slice %arg13[%dma_wait3A_393, %dma_wait3A_400, %dma_wait3A_401] : memref<2x80x128xf32, #tpu.memory_space<vmem>> -> memref<1x80x128xf32, #tpu.memory_space<vmem>>
    %dma_wait3A_403 = tpu.memref_squeeze %dma_wait3A_402 : memref<1x80x128xf32, #tpu.memory_space<vmem>> -> memref<80x128xf32, #tpu.memory_space<vmem>>
    %dma_wait3A_404 = arith.constant 0 : i32
    %dma_wait3A_405 = tpu.memref_slice %arg5[%add3A_367, %dma_wait3A_404] : memref<10240x128xf32, #tpu.memory_space<hbm>> -> memref<80x128xf32, #tpu.memory_space<hbm>>
    tpu.wait_dma2 semaphore(%arg42 : memref<!tpu.dma_semaphore, #tpu.memory_space<semaphore_mem>>) src(%dma_wait3A_405 : memref<80x128xf32, #tpu.memory_space<hbm>>) dst(%dma_wait3A_403 : memref<80x128xf32, #tpu.memory_space<vmem>>)
    %dma_wait3A_406 = arith.constant 0 : i32
    %dma_wait3A_407 = arith.constant 0 : i32
    %dma_wait3A_408 = arith.constant 0 : i32
    %dma_wait3A_409 = arith.constant 0 : i32
    %dma_wait3A_410 = tpu.memref_slice %arg13[%dma_wait3A_406, %dma_wait3A_408, %dma_wait3A_409] : memref<2x80x128xf32, #tpu.memory_space<vmem>> -> memref<1x80x128xf32, #tpu.memory_space<vmem>>
    %dma_wait3A_411 = tpu.memref_squeeze %dma_wait3A_410 : memref<1x80x128xf32, #tpu.memory_space<vmem>> -> memref<80x128xf32, #tpu.memory_space<vmem>>
    %dma_wait3A_412 = arith.constant 0 : i32
    %dma_wait3A_413 = tpu.memref_slice %arg14[%dma_wait3A_407, %dma_wait3A_412] : memref<4x80xi32, #tpu.memory_space<vmem>> -> memref<1x80xi32, #tpu.memory_space<vmem>>
    %dma_wait3A_414 = tpu.memref_squeeze %dma_wait3A_413 : memref<1x80xi32, #tpu.memory_space<vmem>> -> memref<80xi32, #tpu.memory_space<vmem>>
    %dma_wait3A_415 = arith.constant 0 : i32
    %dma_wait3A_416 = arith.constant 0 : i32
    %dma_wait3A_417 = tpu.memref_slice %arg35[%dma_wait3A_415, %dma_wait3A_416] : memref<260x128xf32, #tpu.memory_space<vmem_shared>> -> memref<260x128xf32, #tpu.memory_space<vmem_shared>>
    tpu.wait_indirect_dma semaphore(%arg43 : memref<!tpu.dma_semaphore, #tpu.memory_space<semaphore_mem>>) src(%dma_wait3A_411 : memref<80x128xf32, #tpu.memory_space<vmem>>) dst(%dma_wait3A_417 : memref<260x128xf32, #tpu.memory_space<vmem_shared>>)
    %add3A_418 = arith.constant 160 : i32
    %add3A_419 = arith.addi %mul3A_16, %add3A_418 : i32
    %dma_start3A_420 = arith.constant 0 : i32
    %dma_start3A_421 = arith.constant 0 : i32
    %dma_start3A_422 = arith.constant 0 : i32
    %dma_start3A_423 = tpu.memref_slice %arg13[%dma_start3A_420, %dma_start3A_421, %dma_start3A_422] : memref<2x80x128xf32, #tpu.memory_space<vmem>> -> memref<1x80x128xf32, #tpu.memory_space<vmem>>
    %dma_start3A_424 = tpu.memref_squeeze %dma_start3A_423 : memref<1x80x128xf32, #tpu.memory_space<vmem>> -> memref<80x128xf32, #tpu.memory_space<vmem>>
    %dma_start3A_425 = arith.constant 0 : i32
    %dma_start3A_426 = tpu.memref_slice %arg5[%add3A_419, %dma_start3A_425] : memref<10240x128xf32, #tpu.memory_space<hbm>> -> memref<80x128xf32, #tpu.memory_space<hbm>>
    %dma_start3A_427 = arith.constant 0 : i32
    %dma_start3A_428 = arith.constant 0 : i32
    %dma_start3A_429 = tpu.memref_slice %arg13[%dma_start3A_420, %dma_start3A_427, %dma_start3A_428] : memref<2x80x128xf32, #tpu.memory_space<vmem>> -> memref<1x80x128xf32, #tpu.memory_space<vmem>>
    %dma_start3A_430 = tpu.memref_squeeze %dma_start3A_429 : memref<1x80x128xf32, #tpu.memory_space<vmem>> -> memref<80x128xf32, #tpu.memory_space<vmem>>
    %dma_start3A_431 = arith.constant 0 : i32
    %dma_start3A_432 = tpu.memref_slice %arg5[%add3A_419, %dma_start3A_431] : memref<10240x128xf32, #tpu.memory_space<hbm>> -> memref<80x128xf32, #tpu.memory_space<hbm>>
    tpu.enqueue_dma source(%dma_start3A_432 : memref<80x128xf32, #tpu.memory_space<hbm>>) target(%dma_start3A_430 : memref<80x128xf32, #tpu.memory_space<vmem>>) target_semaphore(%arg41 : memref<!tpu.dma_semaphore, #tpu.memory_space<semaphore_mem>>)
    %dma_start3A_433 = arith.constant 1 : i32
    %dma_start3A_434 = arith.constant 1 : i32
    %dma_start3A_435 = arith.constant 0 : i32
    %dma_start3A_436 = arith.constant 0 : i32
    %dma_start3A_437 = tpu.memref_slice %arg13[%dma_start3A_433, %dma_start3A_435, %dma_start3A_436] : memref<2x80x128xf32, #tpu.memory_space<vmem>> -> memref<1x80x128xf32, #tpu.memory_space<vmem>>
    %dma_start3A_438 = tpu.memref_squeeze %dma_start3A_437 : memref<1x80x128xf32, #tpu.memory_space<vmem>> -> memref<80x128xf32, #tpu.memory_space<vmem>>
    %dma_start3A_439 = arith.constant 0 : i32
    %dma_start3A_440 = tpu.memref_slice %arg14[%dma_start3A_434, %dma_start3A_439] : memref<4x80xi32, #tpu.memory_space<vmem>> -> memref<1x80xi32, #tpu.memory_space<vmem>>
    %dma_start3A_441 = tpu.memref_squeeze %dma_start3A_440 : memref<1x80xi32, #tpu.memory_space<vmem>> -> memref<80xi32, #tpu.memory_space<vmem>>
    %dma_start3A_442 = arith.constant 0 : i32
    %dma_start3A_443 = arith.constant 0 : i32
    %dma_start3A_444 = tpu.memref_slice %arg35[%dma_start3A_442, %dma_start3A_443] : memref<260x128xf32, #tpu.memory_space<vmem_shared>> -> memref<260x128xf32, #tpu.memory_space<vmem_shared>>
    tpu.enqueue_indirect_dma source(%dma_start3A_438 : memref<80x128xf32, #tpu.memory_space<vmem>>) target(%dma_start3A_444 : memref<260x128xf32, #tpu.memory_space<vmem_shared>>) offsets(%dma_start3A_441 : memref<80xi32, #tpu.memory_space<vmem>>) semaphore(%arg44 : memref<!tpu.dma_semaphore, #tpu.memory_space<semaphore_mem>>) {add = true}
    %dma_wait3A_445 = arith.constant 0 : i32
    %dma_wait3A_446 = arith.constant 0 : i32
    %dma_wait3A_447 = arith.constant 0 : i32
    %dma_wait3A_448 = tpu.memref_slice %arg13[%dma_wait3A_445, %dma_wait3A_446, %dma_wait3A_447] : memref<2x80x128xf32, #tpu.memory_space<vmem>> -> memref<1x80x128xf32, #tpu.memory_space<vmem>>
    %dma_wait3A_449 = tpu.memref_squeeze %dma_wait3A_448 : memref<1x80x128xf32, #tpu.memory_space<vmem>> -> memref<80x128xf32, #tpu.memory_space<vmem>>
    %dma_wait3A_450 = arith.constant 0 : i32
    %dma_wait3A_451 = tpu.memref_slice %arg5[%add3A_419, %dma_wait3A_450] : memref<10240x128xf32, #tpu.memory_space<hbm>> -> memref<80x128xf32, #tpu.memory_space<hbm>>
    %dma_wait3A_452 = arith.constant 0 : i32
    %dma_wait3A_453 = arith.constant 0 : i32
    %dma_wait3A_454 = tpu.memref_slice %arg13[%dma_wait3A_445, %dma_wait3A_452, %dma_wait3A_453] : memref<2x80x128xf32, #tpu.memory_space<vmem>> -> memref<1x80x128xf32, #tpu.memory_space<vmem>>
    %dma_wait3A_455 = tpu.memref_squeeze %dma_wait3A_454 : memref<1x80x128xf32, #tpu.memory_space<vmem>> -> memref<80x128xf32, #tpu.memory_space<vmem>>
    %dma_wait3A_456 = arith.constant 0 : i32
    %dma_wait3A_457 = tpu.memref_slice %arg5[%add3A_419, %dma_wait3A_456] : memref<10240x128xf32, #tpu.memory_space<hbm>> -> memref<80x128xf32, #tpu.memory_space<hbm>>
    tpu.wait_dma2 semaphore(%arg41 : memref<!tpu.dma_semaphore, #tpu.memory_space<semaphore_mem>>) src(%dma_wait3A_457 : memref<80x128xf32, #tpu.memory_space<hbm>>) dst(%dma_wait3A_455 : memref<80x128xf32, #tpu.memory_space<vmem>>)
    %dma_wait3A_458 = arith.constant 1 : i32
    %dma_wait3A_459 = arith.constant 1 : i32
    %dma_wait3A_460 = arith.constant 0 : i32
    %dma_wait3A_461 = arith.constant 0 : i32
    %dma_wait3A_462 = tpu.memref_slice %arg13[%dma_wait3A_458, %dma_wait3A_460, %dma_wait3A_461] : memref<2x80x128xf32, #tpu.memory_space<vmem>> -> memref<1x80x128xf32, #tpu.memory_space<vmem>>
    %dma_wait3A_463 = tpu.memref_squeeze %dma_wait3A_462 : memref<1x80x128xf32, #tpu.memory_space<vmem>> -> memref<80x128xf32, #tpu.memory_space<vmem>>
    %dma_wait3A_464 = arith.constant 0 : i32
    %dma_wait3A_465 = tpu.memref_slice %arg14[%dma_wait3A_459, %dma_wait3A_464] : memref<4x80xi32, #tpu.memory_space<vmem>> -> memref<1x80xi32, #tpu.memory_space<vmem>>
    %dma_wait3A_466 = tpu.memref_squeeze %dma_wait3A_465 : memref<1x80xi32, #tpu.memory_space<vmem>> -> memref<80xi32, #tpu.memory_space<vmem>>
    %dma_wait3A_467 = arith.constant 0 : i32
    %dma_wait3A_468 = arith.constant 0 : i32
    %dma_wait3A_469 = tpu.memref_slice %arg35[%dma_wait3A_467, %dma_wait3A_468] : memref<260x128xf32, #tpu.memory_space<vmem_shared>> -> memref<260x128xf32, #tpu.memory_space<vmem_shared>>
    tpu.wait_indirect_dma semaphore(%arg44 : memref<!tpu.dma_semaphore, #tpu.memory_space<semaphore_mem>>) src(%dma_wait3A_463 : memref<80x128xf32, #tpu.memory_space<vmem>>) dst(%dma_wait3A_469 : memref<260x128xf32, #tpu.memory_space<vmem_shared>>)
    %add3A_470 = arith.constant 240 : i32
    %add3A_471 = arith.addi %mul3A_16, %add3A_470 : i32
    %dma_start3A_472 = arith.constant 1 : i32
    %dma_start3A_473 = arith.constant 0 : i32
    %dma_start3A_474 = arith.constant 0 : i32
    %dma_start3A_475 = tpu.memref_slice %arg13[%dma_start3A_472, %dma_start3A_473, %dma_start3A_474] : memref<2x80x128xf32, #tpu.memory_space<vmem>> -> memref<1x80x128xf32, #tpu.memory_space<vmem>>
    %dma_start3A_476 = tpu.memref_squeeze %dma_start3A_475 : memref<1x80x128xf32, #tpu.memory_space<vmem>> -> memref<80x128xf32, #tpu.memory_space<vmem>>
    %dma_start3A_477 = arith.constant 0 : i32
    %dma_start3A_478 = tpu.memref_slice %arg5[%add3A_471, %dma_start3A_477] : memref<10240x128xf32, #tpu.memory_space<hbm>> -> memref<80x128xf32, #tpu.memory_space<hbm>>
    %dma_start3A_479 = arith.constant 0 : i32
    %dma_start3A_480 = arith.constant 0 : i32
    %dma_start3A_481 = tpu.memref_slice %arg13[%dma_start3A_472, %dma_start3A_479, %dma_start3A_480] : memref<2x80x128xf32, #tpu.memory_space<vmem>> -> memref<1x80x128xf32, #tpu.memory_space<vmem>>
    %dma_start3A_482 = tpu.memref_squeeze %dma_start3A_481 : memref<1x80x128xf32, #tpu.memory_space<vmem>> -> memref<80x128xf32, #tpu.memory_space<vmem>>
    %dma_start3A_483 = arith.constant 0 : i32
    %dma_start3A_484 = tpu.memref_slice %arg5[%add3A_471, %dma_start3A_483] : memref<10240x128xf32, #tpu.memory_space<hbm>> -> memref<80x128xf32, #tpu.memory_space<hbm>>
    tpu.enqueue_dma source(%dma_start3A_484 : memref<80x128xf32, #tpu.memory_space<hbm>>) target(%dma_start3A_482 : memref<80x128xf32, #tpu.memory_space<vmem>>) target_semaphore(%arg42 : memref<!tpu.dma_semaphore, #tpu.memory_space<semaphore_mem>>)
    %dma_start3A_485 = arith.constant 0 : i32
    %dma_start3A_486 = arith.constant 2 : i32
    %dma_start3A_487 = arith.constant 0 : i32
    %dma_start3A_488 = arith.constant 0 : i32
    %dma_start3A_489 = tpu.memref_slice %arg13[%dma_start3A_485, %dma_start3A_487, %dma_start3A_488] : memref<2x80x128xf32, #tpu.memory_space<vmem>> -> memref<1x80x128xf32, #tpu.memory_space<vmem>>
    %dma_start3A_490 = tpu.memref_squeeze %dma_start3A_489 : memref<1x80x128xf32, #tpu.memory_space<vmem>> -> memref<80x128xf32, #tpu.memory_space<vmem>>
    %dma_start3A_491 = arith.constant 0 : i32
    %dma_start3A_492 = tpu.memref_slice %arg14[%dma_start3A_486, %dma_start3A_491] : memref<4x80xi32, #tpu.memory_space<vmem>> -> memref<1x80xi32, #tpu.memory_space<vmem>>
    %dma_start3A_493 = tpu.memref_squeeze %dma_start3A_492 : memref<1x80xi32, #tpu.memory_space<vmem>> -> memref<80xi32, #tpu.memory_space<vmem>>
    %dma_start3A_494 = arith.constant 0 : i32
    %dma_start3A_495 = arith.constant 0 : i32
    %dma_start3A_496 = tpu.memref_slice %arg35[%dma_start3A_494, %dma_start3A_495] : memref<260x128xf32, #tpu.memory_space<vmem_shared>> -> memref<260x128xf32, #tpu.memory_space<vmem_shared>>
    tpu.enqueue_indirect_dma source(%dma_start3A_490 : memref<80x128xf32, #tpu.memory_space<vmem>>) target(%dma_start3A_496 : memref<260x128xf32, #tpu.memory_space<vmem_shared>>) offsets(%dma_start3A_493 : memref<80xi32, #tpu.memory_space<vmem>>) semaphore(%arg43 : memref<!tpu.dma_semaphore, #tpu.memory_space<semaphore_mem>>) {add = true}
    %dma_wait3A_497 = arith.constant 1 : i32
    %dma_wait3A_498 = arith.constant 0 : i32
    %dma_wait3A_499 = arith.constant 0 : i32
    %dma_wait3A_500 = tpu.memref_slice %arg13[%dma_wait3A_497, %dma_wait3A_498, %dma_wait3A_499] : memref<2x80x128xf32, #tpu.memory_space<vmem>> -> memref<1x80x128xf32, #tpu.memory_space<vmem>>
    %dma_wait3A_501 = tpu.memref_squeeze %dma_wait3A_500 : memref<1x80x128xf32, #tpu.memory_space<vmem>> -> memref<80x128xf32, #tpu.memory_space<vmem>>
    %dma_wait3A_502 = arith.constant 0 : i32
    %dma_wait3A_503 = tpu.memref_slice %arg5[%add3A_471, %dma_wait3A_502] : memref<10240x128xf32, #tpu.memory_space<hbm>> -> memref<80x128xf32, #tpu.memory_space<hbm>>
    %dma_wait3A_504 = arith.constant 0 : i32
    %dma_wait3A_505 = arith.constant 0 : i32
    %dma_wait3A_506 = tpu.memref_slice %arg13[%dma_wait3A_497, %dma_wait3A_504, %dma_wait3A_505] : memref<2x80x128xf32, #tpu.memory_space<vmem>> -> memref<1x80x128xf32, #tpu.memory_space<vmem>>
    %dma_wait3A_507 = tpu.memref_squeeze %dma_wait3A_506 : memref<1x80x128xf32, #tpu.memory_space<vmem>> -> memref<80x128xf32, #tpu.memory_space<vmem>>
    %dma_wait3A_508 = arith.constant 0 : i32
    %dma_wait3A_509 = tpu.memref_slice %arg5[%add3A_471, %dma_wait3A_508] : memref<10240x128xf32, #tpu.memory_space<hbm>> -> memref<80x128xf32, #tpu.memory_space<hbm>>
    tpu.wait_dma2 semaphore(%arg42 : memref<!tpu.dma_semaphore, #tpu.memory_space<semaphore_mem>>) src(%dma_wait3A_509 : memref<80x128xf32, #tpu.memory_space<hbm>>) dst(%dma_wait3A_507 : memref<80x128xf32, #tpu.memory_space<vmem>>)
    %dma_start3A_510 = arith.constant 1 : i32
    %dma_start3A_511 = arith.constant 3 : i32
    %dma_start3A_512 = arith.constant 0 : i32
    %dma_start3A_513 = arith.constant 0 : i32
    %dma_start3A_514 = tpu.memref_slice %arg13[%dma_start3A_510, %dma_start3A_512, %dma_start3A_513] : memref<2x80x128xf32, #tpu.memory_space<vmem>> -> memref<1x80x128xf32, #tpu.memory_space<vmem>>
    %dma_start3A_515 = tpu.memref_squeeze %dma_start3A_514 : memref<1x80x128xf32, #tpu.memory_space<vmem>> -> memref<80x128xf32, #tpu.memory_space<vmem>>
    %dma_start3A_516 = arith.constant 0 : i32
    %dma_start3A_517 = tpu.memref_slice %arg14[%dma_start3A_511, %dma_start3A_516] : memref<4x80xi32, #tpu.memory_space<vmem>> -> memref<1x80xi32, #tpu.memory_space<vmem>>
    %dma_start3A_518 = tpu.memref_squeeze %dma_start3A_517 : memref<1x80xi32, #tpu.memory_space<vmem>> -> memref<80xi32, #tpu.memory_space<vmem>>
    %dma_start3A_519 = arith.constant 0 : i32
    %dma_start3A_520 = arith.constant 0 : i32
    %dma_start3A_521 = tpu.memref_slice %arg35[%dma_start3A_519, %dma_start3A_520] : memref<260x128xf32, #tpu.memory_space<vmem_shared>> -> memref<260x128xf32, #tpu.memory_space<vmem_shared>>
    tpu.enqueue_indirect_dma source(%dma_start3A_515 : memref<80x128xf32, #tpu.memory_space<vmem>>) target(%dma_start3A_521 : memref<260x128xf32, #tpu.memory_space<vmem_shared>>) offsets(%dma_start3A_518 : memref<80xi32, #tpu.memory_space<vmem>>) semaphore(%arg44 : memref<!tpu.dma_semaphore, #tpu.memory_space<semaphore_mem>>) {add = true}
    %dma_wait3A_522 = arith.constant 0 : i32
    %dma_wait3A_523 = arith.constant 0 : i32
    %dma_wait3A_524 = arith.constant 0 : i32
    %dma_wait3A_525 = arith.constant 0 : i32
    %dma_wait3A_526 = arith.constant 0 : i32
    %dma_wait3A_527 = arith.constant 0 : i32
    %dma_wait3A_528 = tpu.memref_slice %arg12[%dma_wait3A_523, %dma_wait3A_524, %dma_wait3A_525, %dma_wait3A_526, %dma_wait3A_527] : memref<2x2x16x8x128xf32, #tpu.memory_space<vmem>> -> memref<1x1x16x8x128xf32, #tpu.memory_space<vmem>>
    %dma_wait3A_529 = tpu.memref_squeeze %dma_wait3A_528 : memref<1x1x16x8x128xf32, #tpu.memory_space<vmem>> -> memref<16x8x128xf32, #tpu.memory_space<vmem>>
    %dma_wait3A_530 = arith.constant 0 : i32
    %dma_wait3A_531 = arith.constant 0 : i32
    %dma_wait3A_532 = tpu.memref_slice %arg2[%dma_wait3A_522, %min3A_28, %dma_wait3A_530, %dma_wait3A_531] : memref<2x2500x8x128xf32, #tpu.memory_space<hbm>> -> memref<1x16x8x128xf32, #tpu.memory_space<hbm>>
    %dma_wait3A_533 = tpu.memref_squeeze %dma_wait3A_532 : memref<1x16x8x128xf32, #tpu.memory_space<hbm>> -> memref<16x8x128xf32, #tpu.memory_space<hbm>>
    %dma_wait3A_534 = arith.constant 0 : i32
    %dma_wait3A_535 = arith.constant 0 : i32
    %dma_wait3A_536 = arith.constant 0 : i32
    %dma_wait3A_537 = tpu.memref_slice %arg12[%dma_wait3A_523, %dma_wait3A_524, %dma_wait3A_534, %dma_wait3A_535, %dma_wait3A_536] : memref<2x2x16x8x128xf32, #tpu.memory_space<vmem>> -> memref<1x1x16x8x128xf32, #tpu.memory_space<vmem>>
    %dma_wait3A_538 = tpu.memref_squeeze %dma_wait3A_537 : memref<1x1x16x8x128xf32, #tpu.memory_space<vmem>> -> memref<16x8x128xf32, #tpu.memory_space<vmem>>
    %dma_wait3A_539 = arith.constant 0 : i32
    %dma_wait3A_540 = arith.constant 0 : i32
    %dma_wait3A_541 = tpu.memref_slice %arg2[%dma_wait3A_522, %min3A_28, %dma_wait3A_539, %dma_wait3A_540] : memref<2x2500x8x128xf32, #tpu.memory_space<hbm>> -> memref<1x16x8x128xf32, #tpu.memory_space<hbm>>
    %dma_wait3A_542 = tpu.memref_squeeze %dma_wait3A_541 : memref<1x16x8x128xf32, #tpu.memory_space<hbm>> -> memref<16x8x128xf32, #tpu.memory_space<hbm>>
    tpu.wait_dma2 semaphore(%arg37 : memref<!tpu.dma_semaphore, #tpu.memory_space<semaphore_mem>>) src(%dma_wait3A_542 : memref<16x8x128xf32, #tpu.memory_space<hbm>>) dst(%dma_wait3A_538 : memref<16x8x128xf32, #tpu.memory_space<vmem>>)
    %dma_wait3A_543 = arith.constant 1 : i32
    %dma_wait3A_544 = arith.constant 0 : i32
    %dma_wait3A_545 = arith.constant 1 : i32
    %dma_wait3A_546 = arith.constant 0 : i32
    %dma_wait3A_547 = arith.constant 0 : i32
    %dma_wait3A_548 = arith.constant 0 : i32
    %dma_wait3A_549 = tpu.memref_slice %arg12[%dma_wait3A_544, %dma_wait3A_545, %dma_wait3A_546, %dma_wait3A_547, %dma_wait3A_548] : memref<2x2x16x8x128xf32, #tpu.memory_space<vmem>> -> memref<1x1x16x8x128xf32, #tpu.memory_space<vmem>>
    %dma_wait3A_550 = tpu.memref_squeeze %dma_wait3A_549 : memref<1x1x16x8x128xf32, #tpu.memory_space<vmem>> -> memref<16x8x128xf32, #tpu.memory_space<vmem>>
    %dma_wait3A_551 = arith.constant 0 : i32
    %dma_wait3A_552 = arith.constant 0 : i32
    %dma_wait3A_553 = tpu.memref_slice %arg2[%dma_wait3A_543, %min3A_28, %dma_wait3A_551, %dma_wait3A_552] : memref<2x2500x8x128xf32, #tpu.memory_space<hbm>> -> memref<1x16x8x128xf32, #tpu.memory_space<hbm>>
    %dma_wait3A_554 = tpu.memref_squeeze %dma_wait3A_553 : memref<1x16x8x128xf32, #tpu.memory_space<hbm>> -> memref<16x8x128xf32, #tpu.memory_space<hbm>>
    %dma_wait3A_555 = arith.constant 0 : i32
    %dma_wait3A_556 = arith.constant 0 : i32
    %dma_wait3A_557 = arith.constant 0 : i32
    %dma_wait3A_558 = tpu.memref_slice %arg12[%dma_wait3A_544, %dma_wait3A_545, %dma_wait3A_555, %dma_wait3A_556, %dma_wait3A_557] : memref<2x2x16x8x128xf32, #tpu.memory_space<vmem>> -> memref<1x1x16x8x128xf32, #tpu.memory_space<vmem>>
    %dma_wait3A_559 = tpu.memref_squeeze %dma_wait3A_558 : memref<1x1x16x8x128xf32, #tpu.memory_space<vmem>> -> memref<16x8x128xf32, #tpu.memory_space<vmem>>
    %dma_wait3A_560 = arith.constant 0 : i32
    %dma_wait3A_561 = arith.constant 0 : i32
    %dma_wait3A_562 = tpu.memref_slice %arg2[%dma_wait3A_543, %min3A_28, %dma_wait3A_560, %dma_wait3A_561] : memref<2x2500x8x128xf32, #tpu.memory_space<hbm>> -> memref<1x16x8x128xf32, #tpu.memory_space<hbm>>
    %dma_wait3A_563 = tpu.memref_squeeze %dma_wait3A_562 : memref<1x16x8x128xf32, #tpu.memory_space<hbm>> -> memref<16x8x128xf32, #tpu.memory_space<hbm>>
    tpu.wait_dma2 semaphore(%arg37 : memref<!tpu.dma_semaphore, #tpu.memory_space<semaphore_mem>>) src(%dma_wait3A_563 : memref<16x8x128xf32, #tpu.memory_space<hbm>>) dst(%dma_wait3A_559 : memref<16x8x128xf32, #tpu.memory_space<vmem>>)
    %dma_wait3A_564 = arith.constant 0 : i32
    %dma_wait3A_565 = arith.constant 0 : i32
    %dma_wait3A_566 = arith.constant 0 : i32
    %dma_wait3A_567 = arith.constant 0 : i32
    %dma_wait3A_568 = tpu.memref_slice %arg11[%dma_wait3A_564, %dma_wait3A_565, %dma_wait3A_566, %dma_wait3A_567] : memref<2x16x2x128xi32, #tpu.memory_space<vmem>> -> memref<1x16x2x128xi32, #tpu.memory_space<vmem>>
    %dma_wait3A_569 = tpu.memref_squeeze %dma_wait3A_568 : memref<1x16x2x128xi32, #tpu.memory_space<vmem>> -> memref<16x2x128xi32, #tpu.memory_space<vmem>>
    %dma_wait3A_570 = arith.constant 0 : i32
    %dma_wait3A_571 = arith.constant 0 : i32
    %dma_wait3A_572 = tpu.memref_slice %arg3[%min3A_28, %dma_wait3A_570, %dma_wait3A_571] : memref<2500x2x128xi32, #tpu.memory_space<hbm>> -> memref<16x2x128xi32, #tpu.memory_space<hbm>>
    %dma_wait3A_573 = arith.constant 0 : i32
    %dma_wait3A_574 = arith.constant 0 : i32
    %dma_wait3A_575 = arith.constant 0 : i32
    %dma_wait3A_576 = tpu.memref_slice %arg11[%dma_wait3A_564, %dma_wait3A_573, %dma_wait3A_574, %dma_wait3A_575] : memref<2x16x2x128xi32, #tpu.memory_space<vmem>> -> memref<1x16x2x128xi32, #tpu.memory_space<vmem>>
    %dma_wait3A_577 = tpu.memref_squeeze %dma_wait3A_576 : memref<1x16x2x128xi32, #tpu.memory_space<vmem>> -> memref<16x2x128xi32, #tpu.memory_space<vmem>>
    %dma_wait3A_578 = arith.constant 0 : i32
    %dma_wait3A_579 = arith.constant 0 : i32
    %dma_wait3A_580 = tpu.memref_slice %arg3[%min3A_28, %dma_wait3A_578, %dma_wait3A_579] : memref<2500x2x128xi32, #tpu.memory_space<hbm>> -> memref<16x2x128xi32, #tpu.memory_space<hbm>>
    tpu.wait_dma2 semaphore(%arg39 : memref<!tpu.dma_semaphore, #tpu.memory_space<semaphore_mem>>) src(%dma_wait3A_580 : memref<16x2x128xi32, #tpu.memory_space<hbm>>) dst(%dma_wait3A_577 : memref<16x2x128xi32, #tpu.memory_space<vmem>>)
    %add3A_581 = arith.constant 16 : i32
    %add3A_582 = arith.addi %add3A_20, %add3A_581 : i32
    %min3A_583 = arith.constant 2484 : i32
    %min3A_584 = arith.minsi %add3A_582, %min3A_583 : i32
    %dma_start3A_585 = arith.constant 0 : i32
    %dma_start3A_586 = arith.constant 1 : i32
    %dma_start3A_587 = arith.constant 0 : i32
    %dma_start3A_588 = arith.constant 0 : i32
    %dma_start3A_589 = arith.constant 0 : i32
    %dma_start3A_590 = arith.constant 0 : i32
    %dma_start3A_591 = tpu.memref_slice %arg12[%dma_start3A_586, %dma_start3A_587, %dma_start3A_588, %dma_start3A_589, %dma_start3A_590] : memref<2x2x16x8x128xf32, #tpu.memory_space<vmem>> -> memref<1x1x16x8x128xf32, #tpu.memory_space<vmem>>
    %dma_start3A_592 = tpu.memref_squeeze %dma_start3A_591 : memref<1x1x16x8x128xf32, #tpu.memory_space<vmem>> -> memref<16x8x128xf32, #tpu.memory_space<vmem>>
    %dma_start3A_593 = arith.constant 0 : i32
    %dma_start3A_594 = arith.constant 0 : i32
    %dma_start3A_595 = tpu.memref_slice %arg2[%dma_start3A_585, %min3A_584, %dma_start3A_593, %dma_start3A_594] : memref<2x2500x8x128xf32, #tpu.memory_space<hbm>> -> memref<1x16x8x128xf32, #tpu.memory_space<hbm>>
    %dma_start3A_596 = tpu.memref_squeeze %dma_start3A_595 : memref<1x16x8x128xf32, #tpu.memory_space<hbm>> -> memref<16x8x128xf32, #tpu.memory_space<hbm>>
    %dma_start3A_597 = arith.constant 0 : i32
    %dma_start3A_598 = arith.constant 0 : i32
    %dma_start3A_599 = arith.constant 0 : i32
    %dma_start3A_600 = tpu.memref_slice %arg12[%dma_start3A_586, %dma_start3A_587, %dma_start3A_597, %dma_start3A_598, %dma_start3A_599] : memref<2x2x16x8x128xf32, #tpu.memory_space<vmem>> -> memref<1x1x16x8x128xf32, #tpu.memory_space<vmem>>
    %dma_start3A_601 = tpu.memref_squeeze %dma_start3A_600 : memref<1x1x16x8x128xf32, #tpu.memory_space<vmem>> -> memref<16x8x128xf32, #tpu.memory_space<vmem>>
    %dma_start3A_602 = arith.constant 0 : i32
    %dma_start3A_603 = arith.constant 0 : i32
    %dma_start3A_604 = tpu.memref_slice %arg2[%dma_start3A_585, %min3A_584, %dma_start3A_602, %dma_start3A_603] : memref<2x2500x8x128xf32, #tpu.memory_space<hbm>> -> memref<1x16x8x128xf32, #tpu.memory_space<hbm>>
    %dma_start3A_605 = tpu.memref_squeeze %dma_start3A_604 : memref<1x16x8x128xf32, #tpu.memory_space<hbm>> -> memref<16x8x128xf32, #tpu.memory_space<hbm>>
    tpu.enqueue_dma source(%dma_start3A_605 : memref<16x8x128xf32, #tpu.memory_space<hbm>>) target(%dma_start3A_601 : memref<16x8x128xf32, #tpu.memory_space<vmem>>) target_semaphore(%arg38 : memref<!tpu.dma_semaphore, #tpu.memory_space<semaphore_mem>>)
    %dma_start3A_606 = arith.constant 1 : i32
    %dma_start3A_607 = arith.constant 1 : i32
    %dma_start3A_608 = arith.constant 1 : i32
    %dma_start3A_609 = arith.constant 0 : i32
    %dma_start3A_610 = arith.constant 0 : i32
    %dma_start3A_611 = arith.constant 0 : i32
    %dma_start3A_612 = tpu.memref_slice %arg12[%dma_start3A_607, %dma_start3A_608, %dma_start3A_609, %dma_start3A_610, %dma_start3A_611] : memref<2x2x16x8x128xf32, #tpu.memory_space<vmem>> -> memref<1x1x16x8x128xf32, #tpu.memory_space<vmem>>
    %dma_start3A_613 = tpu.memref_squeeze %dma_start3A_612 : memref<1x1x16x8x128xf32, #tpu.memory_space<vmem>> -> memref<16x8x128xf32, #tpu.memory_space<vmem>>
    %dma_start3A_614 = arith.constant 0 : i32
    %dma_start3A_615 = arith.constant 0 : i32
    %dma_start3A_616 = tpu.memref_slice %arg2[%dma_start3A_606, %min3A_584, %dma_start3A_614, %dma_start3A_615] : memref<2x2500x8x128xf32, #tpu.memory_space<hbm>> -> memref<1x16x8x128xf32, #tpu.memory_space<hbm>>
    %dma_start3A_617 = tpu.memref_squeeze %dma_start3A_616 : memref<1x16x8x128xf32, #tpu.memory_space<hbm>> -> memref<16x8x128xf32, #tpu.memory_space<hbm>>
    %dma_start3A_618 = arith.constant 0 : i32
    %dma_start3A_619 = arith.constant 0 : i32
    %dma_start3A_620 = arith.constant 0 : i32
    %dma_start3A_621 = tpu.memref_slice %arg12[%dma_start3A_607, %dma_start3A_608, %dma_start3A_618, %dma_start3A_619, %dma_start3A_620] : memref<2x2x16x8x128xf32, #tpu.memory_space<vmem>> -> memref<1x1x16x8x128xf32, #tpu.memory_space<vmem>>
    %dma_start3A_622 = tpu.memref_squeeze %dma_start3A_621 : memref<1x1x16x8x128xf32, #tpu.memory_space<vmem>> -> memref<16x8x128xf32, #tpu.memory_space<vmem>>
    %dma_start3A_623 = arith.constant 0 : i32
    %dma_start3A_624 = arith.constant 0 : i32
    %dma_start3A_625 = tpu.memref_slice %arg2[%dma_start3A_606, %min3A_584, %dma_start3A_623, %dma_start3A_624] : memref<2x2500x8x128xf32, #tpu.memory_space<hbm>> -> memref<1x16x8x128xf32, #tpu.memory_space<hbm>>
    %dma_start3A_626 = tpu.memref_squeeze %dma_start3A_625 : memref<1x16x8x128xf32, #tpu.memory_space<hbm>> -> memref<16x8x128xf32, #tpu.memory_space<hbm>>
    tpu.enqueue_dma source(%dma_start3A_626 : memref<16x8x128xf32, #tpu.memory_space<hbm>>) target(%dma_start3A_622 : memref<16x8x128xf32, #tpu.memory_space<vmem>>) target_semaphore(%arg38 : memref<!tpu.dma_semaphore, #tpu.memory_space<semaphore_mem>>)
    %dma_start3A_627 = arith.constant 1 : i32
    %dma_start3A_628 = arith.constant 0 : i32
    %dma_start3A_629 = arith.constant 0 : i32
    %dma_start3A_630 = arith.constant 0 : i32
    %dma_start3A_631 = tpu.memref_slice %arg11[%dma_start3A_627, %dma_start3A_628, %dma_start3A_629, %dma_start3A_630] : memref<2x16x2x128xi32, #tpu.memory_space<vmem>> -> memref<1x16x2x128xi32, #tpu.memory_space<vmem>>
    %dma_start3A_632 = tpu.memref_squeeze %dma_start3A_631 : memref<1x16x2x128xi32, #tpu.memory_space<vmem>> -> memref<16x2x128xi32, #tpu.memory_space<vmem>>
    %dma_start3A_633 = arith.constant 0 : i32
    %dma_start3A_634 = arith.constant 0 : i32
    %dma_start3A_635 = tpu.memref_slice %arg3[%min3A_584, %dma_start3A_633, %dma_start3A_634] : memref<2500x2x128xi32, #tpu.memory_space<hbm>> -> memref<16x2x128xi32, #tpu.memory_space<hbm>>
    %dma_start3A_636 = arith.constant 0 : i32
    %dma_start3A_637 = arith.constant 0 : i32
    %dma_start3A_638 = arith.constant 0 : i32
    %dma_start3A_639 = tpu.memref_slice %arg11[%dma_start3A_627, %dma_start3A_636, %dma_start3A_637, %dma_start3A_638] : memref<2x16x2x128xi32, #tpu.memory_space<vmem>> -> memref<1x16x2x128xi32, #tpu.memory_space<vmem>>
    %dma_start3A_640 = tpu.memref_squeeze %dma_start3A_639 : memref<1x16x2x128xi32, #tpu.memory_space<vmem>> -> memref<16x2x128xi32, #tpu.memory_space<vmem>>
    %dma_start3A_641 = arith.constant 0 : i32
    %dma_start3A_642 = arith.constant 0 : i32
    %dma_start3A_643 = tpu.memref_slice %arg3[%min3A_584, %dma_start3A_641, %dma_start3A_642] : memref<2500x2x128xi32, #tpu.memory_space<hbm>> -> memref<16x2x128xi32, #tpu.memory_space<hbm>>
    tpu.enqueue_dma source(%dma_start3A_643 : memref<16x2x128xi32, #tpu.memory_space<hbm>>) target(%dma_start3A_640 : memref<16x2x128xi32, #tpu.memory_space<vmem>>) target_semaphore(%arg40 : memref<!tpu.dma_semaphore, #tpu.memory_space<semaphore_mem>>)
    %add3A_644 = arith.constant 0 : i32
    %add3A_645 = arith.addi %add3A_20, %add3A_644 : i32
    %add3A_646 = arith.constant 0 : i32
    %add3A_647 = arith.addi %add3A_20, %add3A_646 : i32
    %min3A_648 = arith.constant 2484 : i32
    %min3A_649 = arith.minsi %add3A_647, %min3A_648 : i32
    %sub3A = arith.subi %add3A_645, %min3A_649 : i32
    %sub3A_650 = arith.constant 0 : i32
    %sub3A_651 = arith.subi %add3A_24, %sub3A_650 : i32
    %jit3A_652 = arith.constant 0 : i32
    %jit3A_653 = arith.constant 16 : i32
    %max3A = arith.maxsi %jit3A_652, %sub3A_651 : i32
    %min3A_654 = arith.minsi %jit3A_653, %max3A : i32
    %add3A_655 = arith.addi %sub3A, %min3A_654 : i32
    %while3A = arith.constant 0 : i32
    %while3A_656 = arith.subi %add3A_655, %sub3A : i32
    %while3A_657 = arith.addi %sub3A, %while3A_656 : i32
    %while3A_658 = arith.constant 1 : i32
    %while3A_659 = arith.divsi %while3A_656, %while3A_658 : i32
    %while3A_660 = arith.muli %while3A_659, %while3A_658 : i32
    %while3A_661 = arith.addi %sub3A, %while3A_660 : i32
    %while3A_662 = arith.constant 1 : i32
    scf.for %while3A_1850 = %sub3A to %while3A_661 step %while3A_662  : i32 {
      %scan3A_1851 = arith.constant 0 : i32
      %scan3A_1852 = arith.constant 0 : i32
      %scan3A_1853 = arith.constant 8 : i32
      %scan3A_1854 = arith.addi %scan3A_1852, %scan3A_1853 : i32
      %scan3A_1855 = arith.constant 1 : i32
      scf.for %scan3A_1857 = %scan3A_1852 to %scan3A_1854 step %scan3A_1855  : i32 {
        %mul3A_1858 = arith.constant 16 : i32
        %mul3A_1859 = arith.muli %scan3A_1857, %mul3A_1858 : i32
        %get3A_1860 = arith.constant 0 : i32
        %get3A_1861 = arith.constant 0 : i32
        %get3A_1862 = arith.index_cast %get3A_1860 : i32 to index
        %get3A_1863 = arith.index_cast %while3A_1850 : i32 to index
        %get3A_1864 = arith.index_cast %get3A_1861 : i32 to index
        %get3A_1865 = arith.index_cast %mul3A_1859 : i32 to index
        %get3A_1866 = tpu.vector_load %arg11[%get3A_1862, %get3A_1863, %get3A_1864, %get3A_1865] {strides = array<i32>} : memref<2x16x2x128xi32, #tpu.memory_space<vmem>>, vector<16xi32>,
        %gather3A = tpu.vector_load_idx %arg10[%get3A_1866] : memref<10240xi32, #tpu.memory_space<vmem>>[vector<16xi32>], vector<16xi32>,
        %mul3A_1867 = arith.constant 16 : i32
        %mul3A_1868 = arith.muli %scan3A_1857, %mul3A_1867 : i32
        %get3A_1869 = arith.constant 0 : i32
        %get3A_1870 = arith.constant 0 : i32
        %get3A_1871 = arith.constant 0 : i32
        %get3A_1872 = arith.index_cast %get3A_1869 : i32 to index
        %get3A_1873 = arith.index_cast %get3A_1870 : i32 to index
        %get3A_1874 = arith.index_cast %while3A_1850 : i32 to index
        %get3A_1875 = arith.index_cast %get3A_1871 : i32 to index
        %get3A_1876 = arith.index_cast %mul3A_1868 : i32 to index
        %get3A_1877 = tpu.vector_load %arg12[%get3A_1872, %get3A_1873, %get3A_1874, %get3A_1875, %get3A_1876] {strides = array<i32>} : memref<2x2x16x8x128xf32, #tpu.memory_space<vmem>>, vector<16xf32>,
        %mul3A_1878 = arith.constant 16 : i32
        %mul3A_1879 = arith.muli %scan3A_1857, %mul3A_1878 : i32
        %get3A_1880 = arith.constant 0 : i32
        %get3A_1881 = arith.constant 0 : i32
        %get3A_1882 = arith.constant 1 : i32
        %get3A_1883 = arith.index_cast %get3A_1880 : i32 to index
        %get3A_1884 = arith.index_cast %get3A_1881 : i32 to index
        %get3A_1885 = arith.index_cast %while3A_1850 : i32 to index
        %get3A_1886 = arith.index_cast %get3A_1882 : i32 to index
        %get3A_1887 = arith.index_cast %mul3A_1879 : i32 to index
        %get3A_1888 = tpu.vector_load %arg12[%get3A_1883, %get3A_1884, %get3A_1885, %get3A_1886, %get3A_1887] {strides = array<i32>} : memref<2x2x16x8x128xf32, #tpu.memory_space<vmem>>, vector<16xf32>,
        %mul3A_1889 = arith.constant 16 : i32
        %mul3A_1890 = arith.muli %scan3A_1857, %mul3A_1889 : i32
        %get3A_1891 = arith.constant 0 : i32
        %get3A_1892 = arith.constant 0 : i32
        %get3A_1893 = arith.constant 2 : i32
        %get3A_1894 = arith.index_cast %get3A_1891 : i32 to index
        %get3A_1895 = arith.index_cast %get3A_1892 : i32 to index
        %get3A_1896 = arith.index_cast %while3A_1850 : i32 to index
        %get3A_1897 = arith.index_cast %get3A_1893 : i32 to index
        %get3A_1898 = arith.index_cast %mul3A_1890 : i32 to index
        %get3A_1899 = tpu.vector_load %arg12[%get3A_1894, %get3A_1895, %get3A_1896, %get3A_1897, %get3A_1898] {strides = array<i32>} : memref<2x2x16x8x128xf32, #tpu.memory_space<vmem>>, vector<16xf32>,
        %mul3A_1900 = arith.constant 16 : i32
        %mul3A_1901 = arith.muli %scan3A_1857, %mul3A_1900 : i32
        %get3A_1902 = arith.constant 0 : i32
        %get3A_1903 = arith.constant 0 : i32
        %get3A_1904 = arith.constant 3 : i32
        %get3A_1905 = arith.index_cast %get3A_1902 : i32 to index
        %get3A_1906 = arith.index_cast %get3A_1903 : i32 to index
        %get3A_1907 = arith.index_cast %while3A_1850 : i32 to index
        %get3A_1908 = arith.index_cast %get3A_1904 : i32 to index
        %get3A_1909 = arith.index_cast %mul3A_1901 : i32 to index
        %get3A_1910 = tpu.vector_load %arg12[%get3A_1905, %get3A_1906, %get3A_1907, %get3A_1908, %get3A_1909] {strides = array<i32>} : memref<2x2x16x8x128xf32, #tpu.memory_space<vmem>>, vector<16xf32>,
        %mul3A_1911 = arith.constant 16 : i32
        %mul3A_1912 = arith.muli %scan3A_1857, %mul3A_1911 : i32
        %get3A_1913 = arith.constant 0 : i32
        %get3A_1914 = arith.constant 0 : i32
        %get3A_1915 = arith.constant 4 : i32
        %get3A_1916 = arith.index_cast %get3A_1913 : i32 to index
        %get3A_1917 = arith.index_cast %get3A_1914 : i32 to index
        %get3A_1918 = arith.index_cast %while3A_1850 : i32 to index
        %get3A_1919 = arith.index_cast %get3A_1915 : i32 to index
        %get3A_1920 = arith.index_cast %mul3A_1912 : i32 to index
        %get3A_1921 = tpu.vector_load %arg12[%get3A_1916, %get3A_1917, %get3A_1918, %get3A_1919, %get3A_1920] {strides = array<i32>} : memref<2x2x16x8x128xf32, #tpu.memory_space<vmem>>, vector<16xf32>,
        %mul3A_1922 = arith.constant 16 : i32
        %mul3A_1923 = arith.muli %scan3A_1857, %mul3A_1922 : i32
        %get3A_1924 = arith.constant 0 : i32
        %get3A_1925 = arith.constant 0 : i32
        %get3A_1926 = arith.constant 5 : i32
        %get3A_1927 = arith.index_cast %get3A_1924 : i32 to index
        %get3A_1928 = arith.index_cast %get3A_1925 : i32 to index
        %get3A_1929 = arith.index_cast %while3A_1850 : i32 to index
        %get3A_1930 = arith.index_cast %get3A_1926 : i32 to index
        %get3A_1931 = arith.index_cast %mul3A_1923 : i32 to index
        %get3A_1932 = tpu.vector_load %arg12[%get3A_1927, %get3A_1928, %get3A_1929, %get3A_1930, %get3A_1931] {strides = array<i32>} : memref<2x2x16x8x128xf32, #tpu.memory_space<vmem>>, vector<16xf32>,
        %mul3A_1933 = arith.constant 16 : i32
        %mul3A_1934 = arith.muli %scan3A_1857, %mul3A_1933 : i32
        %get3A_1935 = arith.constant 0 : i32
        %get3A_1936 = arith.constant 0 : i32
        %get3A_1937 = arith.constant 6 : i32
        %get3A_1938 = arith.index_cast %get3A_1935 : i32 to index
        %get3A_1939 = arith.index_cast %get3A_1936 : i32 to index
        %get3A_1940 = arith.index_cast %while3A_1850 : i32 to index
        %get3A_1941 = arith.index_cast %get3A_1937 : i32 to index
        %get3A_1942 = arith.index_cast %mul3A_1934 : i32 to index
        %get3A_1943 = tpu.vector_load %arg12[%get3A_1938, %get3A_1939, %get3A_1940, %get3A_1941, %get3A_1942] {strides = array<i32>} : memref<2x2x16x8x128xf32, #tpu.memory_space<vmem>>, vector<16xf32>,
        %mul3A_1944 = arith.constant 16 : i32
        %mul3A_1945 = arith.muli %scan3A_1857, %mul3A_1944 : i32
        %get3A_1946 = arith.constant 0 : i32
        %get3A_1947 = arith.constant 0 : i32
        %get3A_1948 = arith.constant 7 : i32
        %get3A_1949 = arith.index_cast %get3A_1946 : i32 to index
        %get3A_1950 = arith.index_cast %get3A_1947 : i32 to index
        %get3A_1951 = arith.index_cast %while3A_1850 : i32 to index
        %get3A_1952 = arith.index_cast %get3A_1948 : i32 to index
        %get3A_1953 = arith.index_cast %mul3A_1945 : i32 to index
        %get3A_1954 = tpu.vector_load %arg12[%get3A_1949, %get3A_1950, %get3A_1951, %get3A_1952, %get3A_1953] {strides = array<i32>} : memref<2x2x16x8x128xf32, #tpu.memory_space<vmem>>, vector<16xf32>,
        %mul3A_1955 = arith.constant 16 : i32
        %mul3A_1956 = arith.muli %scan3A_1857, %mul3A_1955 : i32
        %get3A_1957 = arith.constant 0 : i32
        %get3A_1958 = arith.constant 1 : i32
        %get3A_1959 = arith.constant 0 : i32
        %get3A_1960 = arith.index_cast %get3A_1957 : i32 to index
        %get3A_1961 = arith.index_cast %get3A_1958 : i32 to index
        %get3A_1962 = arith.index_cast %while3A_1850 : i32 to index
        %get3A_1963 = arith.index_cast %get3A_1959 : i32 to index
        %get3A_1964 = arith.index_cast %mul3A_1956 : i32 to index
        %get3A_1965 = tpu.vector_load %arg12[%get3A_1960, %get3A_1961, %get3A_1962, %get3A_1963, %get3A_1964] {strides = array<i32>} : memref<2x2x16x8x128xf32, #tpu.memory_space<vmem>>, vector<16xf32>,
        %mul3A_1966 = arith.constant 16 : i32
        %mul3A_1967 = arith.muli %scan3A_1857, %mul3A_1966 : i32
        %get3A_1968 = arith.constant 0 : i32
        %get3A_1969 = arith.constant 1 : i32
        %get3A_1970 = arith.constant 1 : i32
        %get3A_1971 = arith.index_cast %get3A_1968 : i32 to index
        %get3A_1972 = arith.index_cast %get3A_1969 : i32 to index
        %get3A_1973 = arith.index_cast %while3A_1850 : i32 to index
        %get3A_1974 = arith.index_cast %get3A_1970 : i32 to index
        %get3A_1975 = arith.index_cast %mul3A_1967 : i32 to index
        %get3A_1976 = tpu.vector_load %arg12[%get3A_1971, %get3A_1972, %get3A_1973, %get3A_1974, %get3A_1975] {strides = array<i32>} : memref<2x2x16x8x128xf32, #tpu.memory_space<vmem>>, vector<16xf32>,
        %mul3A_1977 = arith.constant 16 : i32
        %mul3A_1978 = arith.muli %scan3A_1857, %mul3A_1977 : i32
        %get3A_1979 = arith.constant 0 : i32
        %get3A_1980 = arith.constant 1 : i32
        %get3A_1981 = arith.constant 2 : i32
        %get3A_1982 = arith.index_cast %get3A_1979 : i32 to index
        %get3A_1983 = arith.index_cast %get3A_1980 : i32 to index
        %get3A_1984 = arith.index_cast %while3A_1850 : i32 to index
        %get3A_1985 = arith.index_cast %get3A_1981 : i32 to index
        %get3A_1986 = arith.index_cast %mul3A_1978 : i32 to index
        %get3A_1987 = tpu.vector_load %arg12[%get3A_1982, %get3A_1983, %get3A_1984, %get3A_1985, %get3A_1986] {strides = array<i32>} : memref<2x2x16x8x128xf32, #tpu.memory_space<vmem>>, vector<16xf32>,
        %mul3A_1988 = arith.constant 16 : i32
        %mul3A_1989 = arith.muli %scan3A_1857, %mul3A_1988 : i32
        %get3A_1990 = arith.constant 0 : i32
        %get3A_1991 = arith.constant 1 : i32
        %get3A_1992 = arith.constant 3 : i32
        %get3A_1993 = arith.index_cast %get3A_1990 : i32 to index
        %get3A_1994 = arith.index_cast %get3A_1991 : i32 to index
        %get3A_1995 = arith.index_cast %while3A_1850 : i32 to index
        %get3A_1996 = arith.index_cast %get3A_1992 : i32 to index
        %get3A_1997 = arith.index_cast %mul3A_1989 : i32 to index
        %get3A_1998 = tpu.vector_load %arg12[%get3A_1993, %get3A_1994, %get3A_1995, %get3A_1996, %get3A_1997] {strides = array<i32>} : memref<2x2x16x8x128xf32, #tpu.memory_space<vmem>>, vector<16xf32>,
        %mul3A_1999 = arith.constant 16 : i32
        %mul3A_2000 = arith.muli %scan3A_1857, %mul3A_1999 : i32
        %get3A_2001 = arith.constant 0 : i32
        %get3A_2002 = arith.constant 1 : i32
        %get3A_2003 = arith.constant 4 : i32
        %get3A_2004 = arith.index_cast %get3A_2001 : i32 to index
        %get3A_2005 = arith.index_cast %get3A_2002 : i32 to index
        %get3A_2006 = arith.index_cast %while3A_1850 : i32 to index
        %get3A_2007 = arith.index_cast %get3A_2003 : i32 to index
        %get3A_2008 = arith.index_cast %mul3A_2000 : i32 to index
        %get3A_2009 = tpu.vector_load %arg12[%get3A_2004, %get3A_2005, %get3A_2006, %get3A_2007, %get3A_2008] {strides = array<i32>} : memref<2x2x16x8x128xf32, #tpu.memory_space<vmem>>, vector<16xf32>,
        %mul3A_2010 = arith.constant 16 : i32
        %mul3A_2011 = arith.muli %scan3A_1857, %mul3A_2010 : i32
        %get3A_2012 = arith.constant 0 : i32
        %get3A_2013 = arith.constant 1 : i32
        %get3A_2014 = arith.constant 5 : i32
        %get3A_2015 = arith.index_cast %get3A_2012 : i32 to index
        %get3A_2016 = arith.index_cast %get3A_2013 : i32 to index
        %get3A_2017 = arith.index_cast %while3A_1850 : i32 to index
        %get3A_2018 = arith.index_cast %get3A_2014 : i32 to index
        %get3A_2019 = arith.index_cast %mul3A_2011 : i32 to index
        %get3A_2020 = tpu.vector_load %arg12[%get3A_2015, %get3A_2016, %get3A_2017, %get3A_2018, %get3A_2019] {strides = array<i32>} : memref<2x2x16x8x128xf32, #tpu.memory_space<vmem>>, vector<16xf32>,
        %mul3A_2021 = arith.constant 16 : i32
        %mul3A_2022 = arith.muli %scan3A_1857, %mul3A_2021 : i32
        %get3A_2023 = arith.constant 0 : i32
        %get3A_2024 = arith.constant 1 : i32
        %get3A_2025 = arith.constant 6 : i32
        %get3A_2026 = arith.index_cast %get3A_2023 : i32 to index
        %get3A_2027 = arith.index_cast %get3A_2024 : i32 to index
        %get3A_2028 = arith.index_cast %while3A_1850 : i32 to index
        %get3A_2029 = arith.index_cast %get3A_2025 : i32 to index
        %get3A_2030 = arith.index_cast %mul3A_2022 : i32 to index
        %get3A_2031 = tpu.vector_load %arg12[%get3A_2026, %get3A_2027, %get3A_2028, %get3A_2029, %get3A_2030] {strides = array<i32>} : memref<2x2x16x8x128xf32, #tpu.memory_space<vmem>>, vector<16xf32>,
        %mul3A_2032 = arith.constant 16 : i32
        %mul3A_2033 = arith.muli %scan3A_1857, %mul3A_2032 : i32
        %get3A_2034 = arith.constant 0 : i32
        %get3A_2035 = arith.constant 1 : i32
        %get3A_2036 = arith.constant 7 : i32
        %get3A_2037 = arith.index_cast %get3A_2034 : i32 to index
        %get3A_2038 = arith.index_cast %get3A_2035 : i32 to index
        %get3A_2039 = arith.index_cast %while3A_1850 : i32 to index
        %get3A_2040 = arith.index_cast %get3A_2036 : i32 to index
        %get3A_2041 = arith.index_cast %mul3A_2033 : i32 to index
        %get3A_2042 = tpu.vector_load %arg12[%get3A_2037, %get3A_2038, %get3A_2039, %get3A_2040, %get3A_2041] {strides = array<i32>} : memref<2x2x16x8x128xf32, #tpu.memory_space<vmem>>, vector<16xf32>,
        tpu.vector_store_idx %arg31[%gather3A], %broadcast_in_dim3A_3 {add = true} : memref<128xf32, #tpu.memory_space<vmem>>[vector<16xi32>], vector<16xf32>,
        tpu.vector_store_idx %arg15[%gather3A], %get3A_1877 {add = true} : memref<64xf32, #tpu.memory_space<vmem>>[vector<16xi32>], vector<16xf32>,
        tpu.vector_store_idx %arg16[%gather3A], %get3A_1888 {add = true} : memref<64xf32, #tpu.memory_space<vmem>>[vector<16xi32>], vector<16xf32>,
        tpu.vector_store_idx %arg17[%gather3A], %get3A_1899 {add = true} : memref<64xf32, #tpu.memory_space<vmem>>[vector<16xi32>], vector<16xf32>,
        tpu.vector_store_idx %arg18[%gather3A], %get3A_1910 {add = true} : memref<64xf32, #tpu.memory_space<vmem>>[vector<16xi32>], vector<16xf32>,
        tpu.vector_store_idx %arg19[%gather3A], %get3A_1921 {add = true} : memref<64xf32, #tpu.memory_space<vmem>>[vector<16xi32>], vector<16xf32>,
        tpu.vector_store_idx %arg20[%gather3A], %get3A_1932 {add = true} : memref<64xf32, #tpu.memory_space<vmem>>[vector<16xi32>], vector<16xf32>,
        tpu.vector_store_idx %arg21[%gather3A], %get3A_1943 {add = true} : memref<64xf32, #tpu.memory_space<vmem>>[vector<16xi32>], vector<16xf32>,
        tpu.vector_store_idx %arg22[%gather3A], %get3A_1954 {add = true} : memref<64xf32, #tpu.memory_space<vmem>>[vector<16xi32>], vector<16xf32>,
        tpu.vector_store_idx %arg23[%gather3A], %get3A_1965 {add = true} : memref<64xf32, #tpu.memory_space<vmem>>[vector<16xi32>], vector<16xf32>,
        tpu.vector_store_idx %arg24[%gather3A], %get3A_1976 {add = true} : memref<64xf32, #tpu.memory_space<vmem>>[vector<16xi32>], vector<16xf32>,
        tpu.vector_store_idx %arg25[%gather3A], %get3A_1987 {add = true} : memref<64xf32, #tpu.memory_space<vmem>>[vector<16xi32>], vector<16xf32>,
        tpu.vector_store_idx %arg26[%gather3A], %get3A_1998 {add = true} : memref<64xf32, #tpu.memory_space<vmem>>[vector<16xi32>], vector<16xf32>,
        tpu.vector_store_idx %arg27[%gather3A], %get3A_2009 {add = true} : memref<64xf32, #tpu.memory_space<vmem>>[vector<16xi32>], vector<16xf32>,
        tpu.vector_store_idx %arg28[%gather3A], %get3A_2020 {add = true} : memref<64xf32, #tpu.memory_space<vmem>>[vector<16xi32>], vector<16xf32>,
        tpu.vector_store_idx %arg29[%gather3A], %get3A_2031 {add = true} : memref<64xf32, #tpu.memory_space<vmem>>[vector<16xi32>], vector<16xf32>,
        tpu.vector_store_idx %arg30[%gather3A], %get3A_2042 {add = true} : memref<64xf32, #tpu.memory_space<vmem>>[vector<16xi32>], vector<16xf32>,
      }
      %scan3A_1856 = arith.constant 8 : i32
    }
    %while3A_663 = arith.constant 1 : i32
    scf.for %while3A_1850 = %while3A_661 to %while3A_657 step %while3A_663  : i32 {
      %scan3A_1851 = arith.constant 0 : i32
      %scan3A_1852 = arith.constant 0 : i32
      %scan3A_1853 = arith.constant 8 : i32
      %scan3A_1854 = arith.addi %scan3A_1852, %scan3A_1853 : i32
      %scan3A_1855 = arith.constant 1 : i32
      scf.for %scan3A_1857 = %scan3A_1852 to %scan3A_1854 step %scan3A_1855  : i32 {
        %mul3A_1858 = arith.constant 16 : i32
        %mul3A_1859 = arith.muli %scan3A_1857, %mul3A_1858 : i32
        %get3A_1860 = arith.constant 0 : i32
        %get3A_1861 = arith.constant 0 : i32
        %get3A_1862 = arith.index_cast %get3A_1860 : i32 to index
        %get3A_1863 = arith.index_cast %while3A_1850 : i32 to index
        %get3A_1864 = arith.index_cast %get3A_1861 : i32 to index
        %get3A_1865 = arith.index_cast %mul3A_1859 : i32 to index
        %get3A_1866 = tpu.vector_load %arg11[%get3A_1862, %get3A_1863, %get3A_1864, %get3A_1865] {strides = array<i32>} : memref<2x16x2x128xi32, #tpu.memory_space<vmem>>, vector<16xi32>,
        %gather3A = tpu.vector_load_idx %arg10[%get3A_1866] : memref<10240xi32, #tpu.memory_space<vmem>>[vector<16xi32>], vector<16xi32>,
        %mul3A_1867 = arith.constant 16 : i32
        %mul3A_1868 = arith.muli %scan3A_1857, %mul3A_1867 : i32
        %get3A_1869 = arith.constant 0 : i32
        %get3A_1870 = arith.constant 0 : i32
        %get3A_1871 = arith.constant 0 : i32
        %get3A_1872 = arith.index_cast %get3A_1869 : i32 to index
        %get3A_1873 = arith.index_cast %get3A_1870 : i32 to index
        %get3A_1874 = arith.index_cast %while3A_1850 : i32 to index
        %get3A_1875 = arith.index_cast %get3A_1871 : i32 to index
        %get3A_1876 = arith.index_cast %mul3A_1868 : i32 to index
        %get3A_1877 = tpu.vector_load %arg12[%get3A_1872, %get3A_1873, %get3A_1874, %get3A_1875, %get3A_1876] {strides = array<i32>} : memref<2x2x16x8x128xf32, #tpu.memory_space<vmem>>, vector<16xf32>,
        %mul3A_1878 = arith.constant 16 : i32
        %mul3A_1879 = arith.muli %scan3A_1857, %mul3A_1878 : i32
        %get3A_1880 = arith.constant 0 : i32
        %get3A_1881 = arith.constant 0 : i32
        %get3A_1882 = arith.constant 1 : i32
        %get3A_1883 = arith.index_cast %get3A_1880 : i32 to index
        %get3A_1884 = arith.index_cast %get3A_1881 : i32 to index
        %get3A_1885 = arith.index_cast %while3A_1850 : i32 to index
        %get3A_1886 = arith.index_cast %get3A_1882 : i32 to index
        %get3A_1887 = arith.index_cast %mul3A_1879 : i32 to index
        %get3A_1888 = tpu.vector_load %arg12[%get3A_1883, %get3A_1884, %get3A_1885, %get3A_1886, %get3A_1887] {strides = array<i32>} : memref<2x2x16x8x128xf32, #tpu.memory_space<vmem>>, vector<16xf32>,
        %mul3A_1889 = arith.constant 16 : i32
        %mul3A_1890 = arith.muli %scan3A_1857, %mul3A_1889 : i32
        %get3A_1891 = arith.constant 0 : i32
        %get3A_1892 = arith.constant 0 : i32
        %get3A_1893 = arith.constant 2 : i32
        %get3A_1894 = arith.index_cast %get3A_1891 : i32 to index
        %get3A_1895 = arith.index_cast %get3A_1892 : i32 to index
        %get3A_1896 = arith.index_cast %while3A_1850 : i32 to index
        %get3A_1897 = arith.index_cast %get3A_1893 : i32 to index
        %get3A_1898 = arith.index_cast %mul3A_1890 : i32 to index
        %get3A_1899 = tpu.vector_load %arg12[%get3A_1894, %get3A_1895, %get3A_1896, %get3A_1897, %get3A_1898] {strides = array<i32>} : memref<2x2x16x8x128xf32, #tpu.memory_space<vmem>>, vector<16xf32>,
        %mul3A_1900 = arith.constant 16 : i32
        %mul3A_1901 = arith.muli %scan3A_1857, %mul3A_1900 : i32
        %get3A_1902 = arith.constant 0 : i32
        %get3A_1903 = arith.constant 0 : i32
        %get3A_1904 = arith.constant 3 : i32
        %get3A_1905 = arith.index_cast %get3A_1902 : i32 to index
        %get3A_1906 = arith.index_cast %get3A_1903 : i32 to index
        %get3A_1907 = arith.index_cast %while3A_1850 : i32 to index
        %get3A_1908 = arith.index_cast %get3A_1904 : i32 to index
        %get3A_1909 = arith.index_cast %mul3A_1901 : i32 to index
        %get3A_1910 = tpu.vector_load %arg12[%get3A_1905, %get3A_1906, %get3A_1907, %get3A_1908, %get3A_1909] {strides = array<i32>} : memref<2x2x16x8x128xf32, #tpu.memory_space<vmem>>, vector<16xf32>,
        %mul3A_1911 = arith.constant 16 : i32
        %mul3A_1912 = arith.muli %scan3A_1857, %mul3A_1911 : i32
        %get3A_1913 = arith.constant 0 : i32
        %get3A_1914 = arith.constant 0 : i32
        %get3A_1915 = arith.constant 4 : i32
        %get3A_1916 = arith.index_cast %get3A_1913 : i32 to index
        %get3A_1917 = arith.index_cast %get3A_1914 : i32 to index
        %get3A_1918 = arith.index_cast %while3A_1850 : i32 to index
        %get3A_1919 = arith.index_cast %get3A_1915 : i32 to index
        %get3A_1920 = arith.index_cast %mul3A_1912 : i32 to index
        %get3A_1921 = tpu.vector_load %arg12[%get3A_1916, %get3A_1917, %get3A_1918, %get3A_1919, %get3A_1920] {strides = array<i32>} : memref<2x2x16x8x128xf32, #tpu.memory_space<vmem>>, vector<16xf32>,
        %mul3A_1922 = arith.constant 16 : i32
        %mul3A_1923 = arith.muli %scan3A_1857, %mul3A_1922 : i32
        %get3A_1924 = arith.constant 0 : i32
        %get3A_1925 = arith.constant 0 : i32
        %get3A_1926 = arith.constant 5 : i32
        %get3A_1927 = arith.index_cast %get3A_1924 : i32 to index
        %get3A_1928 = arith.index_cast %get3A_1925 : i32 to index
        %get3A_1929 = arith.index_cast %while3A_1850 : i32 to index
        %get3A_1930 = arith.index_cast %get3A_1926 : i32 to index
        %get3A_1931 = arith.index_cast %mul3A_1923 : i32 to index
        %get3A_1932 = tpu.vector_load %arg12[%get3A_1927, %get3A_1928, %get3A_1929, %get3A_1930, %get3A_1931] {strides = array<i32>} : memref<2x2x16x8x128xf32, #tpu.memory_space<vmem>>, vector<16xf32>,
        %mul3A_1933 = arith.constant 16 : i32
        %mul3A_1934 = arith.muli %scan3A_1857, %mul3A_1933 : i32
        %get3A_1935 = arith.constant 0 : i32
        %get3A_1936 = arith.constant 0 : i32
        %get3A_1937 = arith.constant 6 : i32
        %get3A_1938 = arith.index_cast %get3A_1935 : i32 to index
        %get3A_1939 = arith.index_cast %get3A_1936 : i32 to index
        %get3A_1940 = arith.index_cast %while3A_1850 : i32 to index
        %get3A_1941 = arith.index_cast %get3A_1937 : i32 to index
        %get3A_1942 = arith.index_cast %mul3A_1934 : i32 to index
        %get3A_1943 = tpu.vector_load %arg12[%get3A_1938, %get3A_1939, %get3A_1940, %get3A_1941, %get3A_1942] {strides = array<i32>} : memref<2x2x16x8x128xf32, #tpu.memory_space<vmem>>, vector<16xf32>,
        %mul3A_1944 = arith.constant 16 : i32
        %mul3A_1945 = arith.muli %scan3A_1857, %mul3A_1944 : i32
        %get3A_1946 = arith.constant 0 : i32
        %get3A_1947 = arith.constant 0 : i32
        %get3A_1948 = arith.constant 7 : i32
        %get3A_1949 = arith.index_cast %get3A_1946 : i32 to index
        %get3A_1950 = arith.index_cast %get3A_1947 : i32 to index
        %get3A_1951 = arith.index_cast %while3A_1850 : i32 to index
        %get3A_1952 = arith.index_cast %get3A_1948 : i32 to index
        %get3A_1953 = arith.index_cast %mul3A_1945 : i32 to index
        %get3A_1954 = tpu.vector_load %arg12[%get3A_1949, %get3A_1950, %get3A_1951, %get3A_1952, %get3A_1953] {strides = array<i32>} : memref<2x2x16x8x128xf32, #tpu.memory_space<vmem>>, vector<16xf32>,
        %mul3A_1955 = arith.constant 16 : i32
        %mul3A_1956 = arith.muli %scan3A_1857, %mul3A_1955 : i32
        %get3A_1957 = arith.constant 0 : i32
        %get3A_1958 = arith.constant 1 : i32
        %get3A_1959 = arith.constant 0 : i32
        %get3A_1960 = arith.index_cast %get3A_1957 : i32 to index
        %get3A_1961 = arith.index_cast %get3A_1958 : i32 to index
        %get3A_1962 = arith.index_cast %while3A_1850 : i32 to index
        %get3A_1963 = arith.index_cast %get3A_1959 : i32 to index
        %get3A_1964 = arith.index_cast %mul3A_1956 : i32 to index
        %get3A_1965 = tpu.vector_load %arg12[%get3A_1960, %get3A_1961, %get3A_1962, %get3A_1963, %get3A_1964] {strides = array<i32>} : memref<2x2x16x8x128xf32, #tpu.memory_space<vmem>>, vector<16xf32>,
        %mul3A_1966 = arith.constant 16 : i32
        %mul3A_1967 = arith.muli %scan3A_1857, %mul3A_1966 : i32
        %get3A_1968 = arith.constant 0 : i32
        %get3A_1969 = arith.constant 1 : i32
        %get3A_1970 = arith.constant 1 : i32
        %get3A_1971 = arith.index_cast %get3A_1968 : i32 to index
        %get3A_1972 = arith.index_cast %get3A_1969 : i32 to index
        %get3A_1973 = arith.index_cast %while3A_1850 : i32 to index
        %get3A_1974 = arith.index_cast %get3A_1970 : i32 to index
        %get3A_1975 = arith.index_cast %mul3A_1967 : i32 to index
        %get3A_1976 = tpu.vector_load %arg12[%get3A_1971, %get3A_1972, %get3A_1973, %get3A_1974, %get3A_1975] {strides = array<i32>} : memref<2x2x16x8x128xf32, #tpu.memory_space<vmem>>, vector<16xf32>,
        %mul3A_1977 = arith.constant 16 : i32
        %mul3A_1978 = arith.muli %scan3A_1857, %mul3A_1977 : i32
        %get3A_1979 = arith.constant 0 : i32
        %get3A_1980 = arith.constant 1 : i32
        %get3A_1981 = arith.constant 2 : i32
        %get3A_1982 = arith.index_cast %get3A_1979 : i32 to index
        %get3A_1983 = arith.index_cast %get3A_1980 : i32 to index
        %get3A_1984 = arith.index_cast %while3A_1850 : i32 to index
        %get3A_1985 = arith.index_cast %get3A_1981 : i32 to index
        %get3A_1986 = arith.index_cast %mul3A_1978 : i32 to index
        %get3A_1987 = tpu.vector_load %arg12[%get3A_1982, %get3A_1983, %get3A_1984, %get3A_1985, %get3A_1986] {strides = array<i32>} : memref<2x2x16x8x128xf32, #tpu.memory_space<vmem>>, vector<16xf32>,
        %mul3A_1988 = arith.constant 16 : i32
        %mul3A_1989 = arith.muli %scan3A_1857, %mul3A_1988 : i32
        %get3A_1990 = arith.constant 0 : i32
        %get3A_1991 = arith.constant 1 : i32
        %get3A_1992 = arith.constant 3 : i32
        %get3A_1993 = arith.index_cast %get3A_1990 : i32 to index
        %get3A_1994 = arith.index_cast %get3A_1991 : i32 to index
        %get3A_1995 = arith.index_cast %while3A_1850 : i32 to index
        %get3A_1996 = arith.index_cast %get3A_1992 : i32 to index
        %get3A_1997 = arith.index_cast %mul3A_1989 : i32 to index
        %get3A_1998 = tpu.vector_load %arg12[%get3A_1993, %get3A_1994, %get3A_1995, %get3A_1996, %get3A_1997] {strides = array<i32>} : memref<2x2x16x8x128xf32, #tpu.memory_space<vmem>>, vector<16xf32>,
        %mul3A_1999 = arith.constant 16 : i32
        %mul3A_2000 = arith.muli %scan3A_1857, %mul3A_1999 : i32
        %get3A_2001 = arith.constant 0 : i32
        %get3A_2002 = arith.constant 1 : i32
        %get3A_2003 = arith.constant 4 : i32
        %get3A_2004 = arith.index_cast %get3A_2001 : i32 to index
        %get3A_2005 = arith.index_cast %get3A_2002 : i32 to index
        %get3A_2006 = arith.index_cast %while3A_1850 : i32 to index
        %get3A_2007 = arith.index_cast %get3A_2003 : i32 to index
        %get3A_2008 = arith.index_cast %mul3A_2000 : i32 to index
        %get3A_2009 = tpu.vector_load %arg12[%get3A_2004, %get3A_2005, %get3A_2006, %get3A_2007, %get3A_2008] {strides = array<i32>} : memref<2x2x16x8x128xf32, #tpu.memory_space<vmem>>, vector<16xf32>,
        %mul3A_2010 = arith.constant 16 : i32
        %mul3A_2011 = arith.muli %scan3A_1857, %mul3A_2010 : i32
        %get3A_2012 = arith.constant 0 : i32
        %get3A_2013 = arith.constant 1 : i32
        %get3A_2014 = arith.constant 5 : i32
        %get3A_2015 = arith.index_cast %get3A_2012 : i32 to index
        %get3A_2016 = arith.index_cast %get3A_2013 : i32 to index
        %get3A_2017 = arith.index_cast %while3A_1850 : i32 to index
        %get3A_2018 = arith.index_cast %get3A_2014 : i32 to index
        %get3A_2019 = arith.index_cast %mul3A_2011 : i32 to index
        %get3A_2020 = tpu.vector_load %arg12[%get3A_2015, %get3A_2016, %get3A_2017, %get3A_2018, %get3A_2019] {strides = array<i32>} : memref<2x2x16x8x128xf32, #tpu.memory_space<vmem>>, vector<16xf32>,
        %mul3A_2021 = arith.constant 16 : i32
        %mul3A_2022 = arith.muli %scan3A_1857, %mul3A_2021 : i32
        %get3A_2023 = arith.constant 0 : i32
        %get3A_2024 = arith.constant 1 : i32
        %get3A_2025 = arith.constant 6 : i32
        %get3A_2026 = arith.index_cast %get3A_2023 : i32 to index
        %get3A_2027 = arith.index_cast %get3A_2024 : i32 to index
        %get3A_2028 = arith.index_cast %while3A_1850 : i32 to index
        %get3A_2029 = arith.index_cast %get3A_2025 : i32 to index
        %get3A_2030 = arith.index_cast %mul3A_2022 : i32 to index
        %get3A_2031 = tpu.vector_load %arg12[%get3A_2026, %get3A_2027, %get3A_2028, %get3A_2029, %get3A_2030] {strides = array<i32>} : memref<2x2x16x8x128xf32, #tpu.memory_space<vmem>>, vector<16xf32>,
        %mul3A_2032 = arith.constant 16 : i32
        %mul3A_2033 = arith.muli %scan3A_1857, %mul3A_2032 : i32
        %get3A_2034 = arith.constant 0 : i32
        %get3A_2035 = arith.constant 1 : i32
        %get3A_2036 = arith.constant 7 : i32
        %get3A_2037 = arith.index_cast %get3A_2034 : i32 to index
        %get3A_2038 = arith.index_cast %get3A_2035 : i32 to index
        %get3A_2039 = arith.index_cast %while3A_1850 : i32 to index
        %get3A_2040 = arith.index_cast %get3A_2036 : i32 to index
        %get3A_2041 = arith.index_cast %mul3A_2033 : i32 to index
        %get3A_2042 = tpu.vector_load %arg12[%get3A_2037, %get3A_2038, %get3A_2039, %get3A_2040, %get3A_2041] {strides = array<i32>} : memref<2x2x16x8x128xf32, #tpu.memory_space<vmem>>, vector<16xf32>,
        tpu.vector_store_idx %arg31[%gather3A], %broadcast_in_dim3A_3 {add = true} : memref<128xf32, #tpu.memory_space<vmem>>[vector<16xi32>], vector<16xf32>,
        tpu.vector_store_idx %arg15[%gather3A], %get3A_1877 {add = true} : memref<64xf32, #tpu.memory_space<vmem>>[vector<16xi32>], vector<16xf32>,
        tpu.vector_store_idx %arg16[%gather3A], %get3A_1888 {add = true} : memref<64xf32, #tpu.memory_space<vmem>>[vector<16xi32>], vector<16xf32>,
        tpu.vector_store_idx %arg17[%gather3A], %get3A_1899 {add = true} : memref<64xf32, #tpu.memory_space<vmem>>[vector<16xi32>], vector<16xf32>,
        tpu.vector_store_idx %arg18[%gather3A], %get3A_1910 {add = true} : memref<64xf32, #tpu.memory_space<vmem>>[vector<16xi32>], vector<16xf32>,
        tpu.vector_store_idx %arg19[%gather3A], %get3A_1921 {add = true} : memref<64xf32, #tpu.memory_space<vmem>>[vector<16xi32>], vector<16xf32>,
        tpu.vector_store_idx %arg20[%gather3A], %get3A_1932 {add = true} : memref<64xf32, #tpu.memory_space<vmem>>[vector<16xi32>], vector<16xf32>,
        tpu.vector_store_idx %arg21[%gather3A], %get3A_1943 {add = true} : memref<64xf32, #tpu.memory_space<vmem>>[vector<16xi32>], vector<16xf32>,
        tpu.vector_store_idx %arg22[%gather3A], %get3A_1954 {add = true} : memref<64xf32, #tpu.memory_space<vmem>>[vector<16xi32>], vector<16xf32>,
        tpu.vector_store_idx %arg23[%gather3A], %get3A_1965 {add = true} : memref<64xf32, #tpu.memory_space<vmem>>[vector<16xi32>], vector<16xf32>,
        tpu.vector_store_idx %arg24[%gather3A], %get3A_1976 {add = true} : memref<64xf32, #tpu.memory_space<vmem>>[vector<16xi32>], vector<16xf32>,
        tpu.vector_store_idx %arg25[%gather3A], %get3A_1987 {add = true} : memref<64xf32, #tpu.memory_space<vmem>>[vector<16xi32>], vector<16xf32>,
        tpu.vector_store_idx %arg26[%gather3A], %get3A_1998 {add = true} : memref<64xf32, #tpu.memory_space<vmem>>[vector<16xi32>], vector<16xf32>,
        tpu.vector_store_idx %arg27[%gather3A], %get3A_2009 {add = true} : memref<64xf32, #tpu.memory_space<vmem>>[vector<16xi32>], vector<16xf32>,
        tpu.vector_store_idx %arg28[%gather3A], %get3A_2020 {add = true} : memref<64xf32, #tpu.memory_space<vmem>>[vector<16xi32>], vector<16xf32>,
        tpu.vector_store_idx %arg29[%gather3A], %get3A_2031 {add = true} : memref<64xf32, #tpu.memory_space<vmem>>[vector<16xi32>], vector<16xf32>,
        tpu.vector_store_idx %arg30[%gather3A], %get3A_2042 {add = true} : memref<64xf32, #tpu.memory_space<vmem>>[vector<16xi32>], vector<16xf32>,
      }
      %scan3A_1856 = arith.constant 8 : i32
    }
    %dma_wait3A_664 = arith.constant 0 : i32
    %dma_wait3A_665 = arith.constant 1 : i32
    %dma_wait3A_666 = arith.constant 0 : i32
    %dma_wait3A_667 = arith.constant 0 : i32
    %dma_wait3A_668 = arith.constant 0 : i32
    %dma_wait3A_669 = arith.constant 0 : i32
    %dma_wait3A_670 = tpu.memref_slice %arg12[%dma_wait3A_665, %dma_wait3A_666, %dma_wait3A_667, %dma_wait3A_668, %dma_wait3A_669] : memref<2x2x16x8x128xf32, #tpu.memory_space<vmem>> -> memref<1x1x16x8x128xf32, #tpu.memory_space<vmem>>
    %dma_wait3A_671 = tpu.memref_squeeze %dma_wait3A_670 : memref<1x1x16x8x128xf32, #tpu.memory_space<vmem>> -> memref<16x8x128xf32, #tpu.memory_space<vmem>>
    %dma_wait3A_672 = arith.constant 0 : i32
    %dma_wait3A_673 = arith.constant 0 : i32
    %dma_wait3A_674 = tpu.memref_slice %arg2[%dma_wait3A_664, %min3A_584, %dma_wait3A_672, %dma_wait3A_673] : memref<2x2500x8x128xf32, #tpu.memory_space<hbm>> -> memref<1x16x8x128xf32, #tpu.memory_space<hbm>>
    %dma_wait3A_675 = tpu.memref_squeeze %dma_wait3A_674 : memref<1x16x8x128xf32, #tpu.memory_space<hbm>> -> memref<16x8x128xf32, #tpu.memory_space<hbm>>
    %dma_wait3A_676 = arith.constant 0 : i32
    %dma_wait3A_677 = arith.constant 0 : i32
    %dma_wait3A_678 = arith.constant 0 : i32
    %dma_wait3A_679 = tpu.memref_slice %arg12[%dma_wait3A_665, %dma_wait3A_666, %dma_wait3A_676, %dma_wait3A_677, %dma_wait3A_678] : memref<2x2x16x8x128xf32, #tpu.memory_space<vmem>> -> memref<1x1x16x8x128xf32, #tpu.memory_space<vmem>>
    %dma_wait3A_680 = tpu.memref_squeeze %dma_wait3A_679 : memref<1x1x16x8x128xf32, #tpu.memory_space<vmem>> -> memref<16x8x128xf32, #tpu.memory_space<vmem>>
    %dma_wait3A_681 = arith.constant 0 : i32
    %dma_wait3A_682 = arith.constant 0 : i32
    %dma_wait3A_683 = tpu.memref_slice %arg2[%dma_wait3A_664, %min3A_584, %dma_wait3A_681, %dma_wait3A_682] : memref<2x2500x8x128xf32, #tpu.memory_space<hbm>> -> memref<1x16x8x128xf32, #tpu.memory_space<hbm>>
    %dma_wait3A_684 = tpu.memref_squeeze %dma_wait3A_683 : memref<1x16x8x128xf32, #tpu.memory_space<hbm>> -> memref<16x8x128xf32, #tpu.memory_space<hbm>>
    tpu.wait_dma2 semaphore(%arg38 : memref<!tpu.dma_semaphore, #tpu.memory_space<semaphore_mem>>) src(%dma_wait3A_684 : memref<16x8x128xf32, #tpu.memory_space<hbm>>) dst(%dma_wait3A_680 : memref<16x8x128xf32, #tpu.memory_space<vmem>>)
    %dma_wait3A_685 = arith.constant 1 : i32
    %dma_wait3A_686 = arith.constant 1 : i32
    %dma_wait3A_687 = arith.constant 1 : i32
    %dma_wait3A_688 = arith.constant 0 : i32
    %dma_wait3A_689 = arith.constant 0 : i32
    %dma_wait3A_690 = arith.constant 0 : i32
    %dma_wait3A_691 = tpu.memref_slice %arg12[%dma_wait3A_686, %dma_wait3A_687, %dma_wait3A_688, %dma_wait3A_689, %dma_wait3A_690] : memref<2x2x16x8x128xf32, #tpu.memory_space<vmem>> -> memref<1x1x16x8x128xf32, #tpu.memory_space<vmem>>
    %dma_wait3A_692 = tpu.memref_squeeze %dma_wait3A_691 : memref<1x1x16x8x128xf32, #tpu.memory_space<vmem>> -> memref<16x8x128xf32, #tpu.memory_space<vmem>>
    %dma_wait3A_693 = arith.constant 0 : i32
    %dma_wait3A_694 = arith.constant 0 : i32
    %dma_wait3A_695 = tpu.memref_slice %arg2[%dma_wait3A_685, %min3A_584, %dma_wait3A_693, %dma_wait3A_694] : memref<2x2500x8x128xf32, #tpu.memory_space<hbm>> -> memref<1x16x8x128xf32, #tpu.memory_space<hbm>>
    %dma_wait3A_696 = tpu.memref_squeeze %dma_wait3A_695 : memref<1x16x8x128xf32, #tpu.memory_space<hbm>> -> memref<16x8x128xf32, #tpu.memory_space<hbm>>
    %dma_wait3A_697 = arith.constant 0 : i32
    %dma_wait3A_698 = arith.constant 0 : i32
    %dma_wait3A_699 = arith.constant 0 : i32
    %dma_wait3A_700 = tpu.memref_slice %arg12[%dma_wait3A_686, %dma_wait3A_687, %dma_wait3A_697, %dma_wait3A_698, %dma_wait3A_699] : memref<2x2x16x8x128xf32, #tpu.memory_space<vmem>> -> memref<1x1x16x8x128xf32, #tpu.memory_space<vmem>>
    %dma_wait3A_701 = tpu.memref_squeeze %dma_wait3A_700 : memref<1x1x16x8x128xf32, #tpu.memory_space<vmem>> -> memref<16x8x128xf32, #tpu.memory_space<vmem>>
    %dma_wait3A_702 = arith.constant 0 : i32
    %dma_wait3A_703 = arith.constant 0 : i32
    %dma_wait3A_704 = tpu.memref_slice %arg2[%dma_wait3A_685, %min3A_584, %dma_wait3A_702, %dma_wait3A_703] : memref<2x2500x8x128xf32, #tpu.memory_space<hbm>> -> memref<1x16x8x128xf32, #tpu.memory_space<hbm>>
    %dma_wait3A_705 = tpu.memref_squeeze %dma_wait3A_704 : memref<1x16x8x128xf32, #tpu.memory_space<hbm>> -> memref<16x8x128xf32, #tpu.memory_space<hbm>>
    tpu.wait_dma2 semaphore(%arg38 : memref<!tpu.dma_semaphore, #tpu.memory_space<semaphore_mem>>) src(%dma_wait3A_705 : memref<16x8x128xf32, #tpu.memory_space<hbm>>) dst(%dma_wait3A_701 : memref<16x8x128xf32, #tpu.memory_space<vmem>>)
    %dma_wait3A_706 = arith.constant 1 : i32
    %dma_wait3A_707 = arith.constant 0 : i32
    %dma_wait3A_708 = arith.constant 0 : i32
    %dma_wait3A_709 = arith.constant 0 : i32
    %dma_wait3A_710 = tpu.memref_slice %arg11[%dma_wait3A_706, %dma_wait3A_707, %dma_wait3A_708, %dma_wait3A_709] : memref<2x16x2x128xi32, #tpu.memory_space<vmem>> -> memref<1x16x2x128xi32, #tpu.memory_space<vmem>>
    %dma_wait3A_711 = tpu.memref_squeeze %dma_wait3A_710 : memref<1x16x2x128xi32, #tpu.memory_space<vmem>> -> memref<16x2x128xi32, #tpu.memory_space<vmem>>
    %dma_wait3A_712 = arith.constant 0 : i32
    %dma_wait3A_713 = arith.constant 0 : i32
    %dma_wait3A_714 = tpu.memref_slice %arg3[%min3A_584, %dma_wait3A_712, %dma_wait3A_713] : memref<2500x2x128xi32, #tpu.memory_space<hbm>> -> memref<16x2x128xi32, #tpu.memory_space<hbm>>
    %dma_wait3A_715 = arith.constant 0 : i32
    %dma_wait3A_716 = arith.constant 0 : i32
    %dma_wait3A_717 = arith.constant 0 : i32
    %dma_wait3A_718 = tpu.memref_slice %arg11[%dma_wait3A_706, %dma_wait3A_715, %dma_wait3A_716, %dma_wait3A_717] : memref<2x16x2x128xi32, #tpu.memory_space<vmem>> -> memref<1x16x2x128xi32, #tpu.memory_space<vmem>>
    %dma_wait3A_719 = tpu.memref_squeeze %dma_wait3A_718 : memref<1x16x2x128xi32, #tpu.memory_space<vmem>> -> memref<16x2x128xi32, #tpu.memory_space<vmem>>
    %dma_wait3A_720 = arith.constant 0 : i32
    %dma_wait3A_721 = arith.constant 0 : i32
    %dma_wait3A_722 = tpu.memref_slice %arg3[%min3A_584, %dma_wait3A_720, %dma_wait3A_721] : memref<2500x2x128xi32, #tpu.memory_space<hbm>> -> memref<16x2x128xi32, #tpu.memory_space<hbm>>
    tpu.wait_dma2 semaphore(%arg40 : memref<!tpu.dma_semaphore, #tpu.memory_space<semaphore_mem>>) src(%dma_wait3A_722 : memref<16x2x128xi32, #tpu.memory_space<hbm>>) dst(%dma_wait3A_719 : memref<16x2x128xi32, #tpu.memory_space<vmem>>)
    %add3A_723 = arith.constant 32 : i32
    %add3A_724 = arith.addi %add3A_20, %add3A_723 : i32
    %min3A_725 = arith.constant 2484 : i32
    %min3A_726 = arith.minsi %add3A_724, %min3A_725 : i32
    %dma_start3A_727 = arith.constant 0 : i32
    %dma_start3A_728 = arith.constant 0 : i32
    %dma_start3A_729 = arith.constant 0 : i32
    %dma_start3A_730 = arith.constant 0 : i32
    %dma_start3A_731 = arith.constant 0 : i32
    %dma_start3A_732 = arith.constant 0 : i32
    %dma_start3A_733 = tpu.memref_slice %arg12[%dma_start3A_728, %dma_start3A_729, %dma_start3A_730, %dma_start3A_731, %dma_start3A_732] : memref<2x2x16x8x128xf32, #tpu.memory_space<vmem>> -> memref<1x1x16x8x128xf32, #tpu.memory_space<vmem>>
    %dma_start3A_734 = tpu.memref_squeeze %dma_start3A_733 : memref<1x1x16x8x128xf32, #tpu.memory_space<vmem>> -> memref<16x8x128xf32, #tpu.memory_space<vmem>>
    %dma_start3A_735 = arith.constant 0 : i32
    %dma_start3A_736 = arith.constant 0 : i32
    %dma_start3A_737 = tpu.memref_slice %arg2[%dma_start3A_727, %min3A_726, %dma_start3A_735, %dma_start3A_736] : memref<2x2500x8x128xf32, #tpu.memory_space<hbm>> -> memref<1x16x8x128xf32, #tpu.memory_space<hbm>>
    %dma_start3A_738 = tpu.memref_squeeze %dma_start3A_737 : memref<1x16x8x128xf32, #tpu.memory_space<hbm>> -> memref<16x8x128xf32, #tpu.memory_space<hbm>>
    %dma_start3A_739 = arith.constant 0 : i32
    %dma_start3A_740 = arith.constant 0 : i32
    %dma_start3A_741 = arith.constant 0 : i32
    %dma_start3A_742 = tpu.memref_slice %arg12[%dma_start3A_728, %dma_start3A_729, %dma_start3A_739, %dma_start3A_740, %dma_start3A_741] : memref<2x2x16x8x128xf32, #tpu.memory_space<vmem>> -> memref<1x1x16x8x128xf32, #tpu.memory_space<vmem>>
    %dma_start3A_743 = tpu.memref_squeeze %dma_start3A_742 : memref<1x1x16x8x128xf32, #tpu.memory_space<vmem>> -> memref<16x8x128xf32, #tpu.memory_space<vmem>>
    %dma_start3A_744 = arith.constant 0 : i32
    %dma_start3A_745 = arith.constant 0 : i32
    %dma_start3A_746 = tpu.memref_slice %arg2[%dma_start3A_727, %min3A_726, %dma_start3A_744, %dma_start3A_745] : memref<2x2500x8x128xf32, #tpu.memory_space<hbm>> -> memref<1x16x8x128xf32, #tpu.memory_space<hbm>>
    %dma_start3A_747 = tpu.memref_squeeze %dma_start3A_746 : memref<1x16x8x128xf32, #tpu.memory_space<hbm>> -> memref<16x8x128xf32, #tpu.memory_space<hbm>>
    tpu.enqueue_dma source(%dma_start3A_747 : memref<16x8x128xf32, #tpu.memory_space<hbm>>) target(%dma_start3A_743 : memref<16x8x128xf32, #tpu.memory_space<vmem>>) target_semaphore(%arg37 : memref<!tpu.dma_semaphore, #tpu.memory_space<semaphore_mem>>)
    %dma_start3A_748 = arith.constant 1 : i32
    %dma_start3A_749 = arith.constant 0 : i32
    %dma_start3A_750 = arith.constant 1 : i32
    %dma_start3A_751 = arith.constant 0 : i32
    %dma_start3A_752 = arith.constant 0 : i32
    %dma_start3A_753 = arith.constant 0 : i32
    %dma_start3A_754 = tpu.memref_slice %arg12[%dma_start3A_749, %dma_start3A_750, %dma_start3A_751, %dma_start3A_752, %dma_start3A_753] : memref<2x2x16x8x128xf32, #tpu.memory_space<vmem>> -> memref<1x1x16x8x128xf32, #tpu.memory_space<vmem>>
    %dma_start3A_755 = tpu.memref_squeeze %dma_start3A_754 : memref<1x1x16x8x128xf32, #tpu.memory_space<vmem>> -> memref<16x8x128xf32, #tpu.memory_space<vmem>>
    %dma_start3A_756 = arith.constant 0 : i32
    %dma_start3A_757 = arith.constant 0 : i32
    %dma_start3A_758 = tpu.memref_slice %arg2[%dma_start3A_748, %min3A_726, %dma_start3A_756, %dma_start3A_757] : memref<2x2500x8x128xf32, #tpu.memory_space<hbm>> -> memref<1x16x8x128xf32, #tpu.memory_space<hbm>>
    %dma_start3A_759 = tpu.memref_squeeze %dma_start3A_758 : memref<1x16x8x128xf32, #tpu.memory_space<hbm>> -> memref<16x8x128xf32, #tpu.memory_space<hbm>>
    %dma_start3A_760 = arith.constant 0 : i32
    %dma_start3A_761 = arith.constant 0 : i32
    %dma_start3A_762 = arith.constant 0 : i32
    %dma_start3A_763 = tpu.memref_slice %arg12[%dma_start3A_749, %dma_start3A_750, %dma_start3A_760, %dma_start3A_761, %dma_start3A_762] : memref<2x2x16x8x128xf32, #tpu.memory_space<vmem>> -> memref<1x1x16x8x128xf32, #tpu.memory_space<vmem>>
    %dma_start3A_764 = tpu.memref_squeeze %dma_start3A_763 : memref<1x1x16x8x128xf32, #tpu.memory_space<vmem>> -> memref<16x8x128xf32, #tpu.memory_space<vmem>>
    %dma_start3A_765 = arith.constant 0 : i32
    %dma_start3A_766 = arith.constant 0 : i32
    %dma_start3A_767 = tpu.memref_slice %arg2[%dma_start3A_748, %min3A_726, %dma_start3A_765, %dma_start3A_766] : memref<2x2500x8x128xf32, #tpu.memory_space<hbm>> -> memref<1x16x8x128xf32, #tpu.memory_space<hbm>>
    %dma_start3A_768 = tpu.memref_squeeze %dma_start3A_767 : memref<1x16x8x128xf32, #tpu.memory_space<hbm>> -> memref<16x8x128xf32, #tpu.memory_space<hbm>>
    tpu.enqueue_dma source(%dma_start3A_768 : memref<16x8x128xf32, #tpu.memory_space<hbm>>) target(%dma_start3A_764 : memref<16x8x128xf32, #tpu.memory_space<vmem>>) target_semaphore(%arg37 : memref<!tpu.dma_semaphore, #tpu.memory_space<semaphore_mem>>)
    %dma_start3A_769 = arith.constant 0 : i32
    %dma_start3A_770 = arith.constant 0 : i32
    %dma_start3A_771 = arith.constant 0 : i32
    %dma_start3A_772 = arith.constant 0 : i32
    %dma_start3A_773 = tpu.memref_slice %arg11[%dma_start3A_769, %dma_start3A_770, %dma_start3A_771, %dma_start3A_772] : memref<2x16x2x128xi32, #tpu.memory_space<vmem>> -> memref<1x16x2x128xi32, #tpu.memory_space<vmem>>
    %dma_start3A_774 = tpu.memref_squeeze %dma_start3A_773 : memref<1x16x2x128xi32, #tpu.memory_space<vmem>> -> memref<16x2x128xi32, #tpu.memory_space<vmem>>
    %dma_start3A_775 = arith.constant 0 : i32
    %dma_start3A_776 = arith.constant 0 : i32
    %dma_start3A_777 = tpu.memref_slice %arg3[%min3A_726, %dma_start3A_775, %dma_start3A_776] : memref<2500x2x128xi32, #tpu.memory_space<hbm>> -> memref<16x2x128xi32, #tpu.memory_space<hbm>>
    %dma_start3A_778 = arith.constant 0 : i32
    %dma_start3A_779 = arith.constant 0 : i32
    %dma_start3A_780 = arith.constant 0 : i32
    %dma_start3A_781 = tpu.memref_slice %arg11[%dma_start3A_769, %dma_start3A_778, %dma_start3A_779, %dma_start3A_780] : memref<2x16x2x128xi32, #tpu.memory_space<vmem>> -> memref<1x16x2x128xi32, #tpu.memory_space<vmem>>
    %dma_start3A_782 = tpu.memref_squeeze %dma_start3A_781 : memref<1x16x2x128xi32, #tpu.memory_space<vmem>> -> memref<16x2x128xi32, #tpu.memory_space<vmem>>
    %dma_start3A_783 = arith.constant 0 : i32
    %dma_start3A_784 = arith.constant 0 : i32
    %dma_start3A_785 = tpu.memref_slice %arg3[%min3A_726, %dma_start3A_783, %dma_start3A_784] : memref<2500x2x128xi32, #tpu.memory_space<hbm>> -> memref<16x2x128xi32, #tpu.memory_space<hbm>>
    tpu.enqueue_dma source(%dma_start3A_785 : memref<16x2x128xi32, #tpu.memory_space<hbm>>) target(%dma_start3A_782 : memref<16x2x128xi32, #tpu.memory_space<vmem>>) target_semaphore(%arg39 : memref<!tpu.dma_semaphore, #tpu.memory_space<semaphore_mem>>)
    %add3A_786 = arith.constant 16 : i32
    %add3A_787 = arith.addi %add3A_20, %add3A_786 : i32
    %add3A_788 = arith.constant 16 : i32
    %add3A_789 = arith.addi %add3A_20, %add3A_788 : i32
    %min3A_790 = arith.constant 2484 : i32
    %min3A_791 = arith.minsi %add3A_789, %min3A_790 : i32
    %sub3A_792 = arith.subi %add3A_787, %min3A_791 : i32
    %sub3A_793 = arith.constant 16 : i32
    %sub3A_794 = arith.subi %add3A_24, %sub3A_793 : i32
    %jit3A_795 = arith.constant 0 : i32
    %jit3A_796 = arith.constant 16 : i32
    %max3A_797 = arith.maxsi %jit3A_795, %sub3A_794 : i32
    %min3A_798 = arith.minsi %jit3A_796, %max3A_797 : i32
    %add3A_799 = arith.addi %sub3A_792, %min3A_798 : i32
    %while3A_800 = arith.constant 0 : i32
    %while3A_801 = arith.subi %add3A_799, %sub3A_792 : i32
    %while3A_802 = arith.addi %sub3A_792, %while3A_801 : i32
    %while3A_803 = arith.constant 1 : i32
    %while3A_804 = arith.divsi %while3A_801, %while3A_803 : i32
    %while3A_805 = arith.muli %while3A_804, %while3A_803 : i32
    %while3A_806 = arith.addi %sub3A_792, %while3A_805 : i32
    %while3A_807 = arith.constant 1 : i32
    scf.for %while3A_1850 = %sub3A_792 to %while3A_806 step %while3A_807  : i32 {
      %scan3A_1851 = arith.constant 0 : i32
      %scan3A_1852 = arith.constant 0 : i32
      %scan3A_1853 = arith.constant 8 : i32
      %scan3A_1854 = arith.addi %scan3A_1852, %scan3A_1853 : i32
      %scan3A_1855 = arith.constant 1 : i32
      scf.for %scan3A_1857 = %scan3A_1852 to %scan3A_1854 step %scan3A_1855  : i32 {
        %mul3A_1858 = arith.constant 16 : i32
        %mul3A_1859 = arith.muli %scan3A_1857, %mul3A_1858 : i32
        %get3A_1860 = arith.constant 1 : i32
        %get3A_1861 = arith.constant 0 : i32
        %get3A_1862 = arith.index_cast %get3A_1860 : i32 to index
        %get3A_1863 = arith.index_cast %while3A_1850 : i32 to index
        %get3A_1864 = arith.index_cast %get3A_1861 : i32 to index
        %get3A_1865 = arith.index_cast %mul3A_1859 : i32 to index
        %get3A_1866 = tpu.vector_load %arg11[%get3A_1862, %get3A_1863, %get3A_1864, %get3A_1865] {strides = array<i32>} : memref<2x16x2x128xi32, #tpu.memory_space<vmem>>, vector<16xi32>,
        %gather3A = tpu.vector_load_idx %arg10[%get3A_1866] : memref<10240xi32, #tpu.memory_space<vmem>>[vector<16xi32>], vector<16xi32>,
        %mul3A_1867 = arith.constant 16 : i32
        %mul3A_1868 = arith.muli %scan3A_1857, %mul3A_1867 : i32
        %get3A_1869 = arith.constant 1 : i32
        %get3A_1870 = arith.constant 0 : i32
        %get3A_1871 = arith.constant 0 : i32
        %get3A_1872 = arith.index_cast %get3A_1869 : i32 to index
        %get3A_1873 = arith.index_cast %get3A_1870 : i32 to index
        %get3A_1874 = arith.index_cast %while3A_1850 : i32 to index
        %get3A_1875 = arith.index_cast %get3A_1871 : i32 to index
        %get3A_1876 = arith.index_cast %mul3A_1868 : i32 to index
        %get3A_1877 = tpu.vector_load %arg12[%get3A_1872, %get3A_1873, %get3A_1874, %get3A_1875, %get3A_1876] {strides = array<i32>} : memref<2x2x16x8x128xf32, #tpu.memory_space<vmem>>, vector<16xf32>,
        %mul3A_1878 = arith.constant 16 : i32
        %mul3A_1879 = arith.muli %scan3A_1857, %mul3A_1878 : i32
        %get3A_1880 = arith.constant 1 : i32
        %get3A_1881 = arith.constant 0 : i32
        %get3A_1882 = arith.constant 1 : i32
        %get3A_1883 = arith.index_cast %get3A_1880 : i32 to index
        %get3A_1884 = arith.index_cast %get3A_1881 : i32 to index
        %get3A_1885 = arith.index_cast %while3A_1850 : i32 to index
        %get3A_1886 = arith.index_cast %get3A_1882 : i32 to index
        %get3A_1887 = arith.index_cast %mul3A_1879 : i32 to index
        %get3A_1888 = tpu.vector_load %arg12[%get3A_1883, %get3A_1884, %get3A_1885, %get3A_1886, %get3A_1887] {strides = array<i32>} : memref<2x2x16x8x128xf32, #tpu.memory_space<vmem>>, vector<16xf32>,
        %mul3A_1889 = arith.constant 16 : i32
        %mul3A_1890 = arith.muli %scan3A_1857, %mul3A_1889 : i32
        %get3A_1891 = arith.constant 1 : i32
        %get3A_1892 = arith.constant 0 : i32
        %get3A_1893 = arith.constant 2 : i32
        %get3A_1894 = arith.index_cast %get3A_1891 : i32 to index
        %get3A_1895 = arith.index_cast %get3A_1892 : i32 to index
        %get3A_1896 = arith.index_cast %while3A_1850 : i32 to index
        %get3A_1897 = arith.index_cast %get3A_1893 : i32 to index
        %get3A_1898 = arith.index_cast %mul3A_1890 : i32 to index
        %get3A_1899 = tpu.vector_load %arg12[%get3A_1894, %get3A_1895, %get3A_1896, %get3A_1897, %get3A_1898] {strides = array<i32>} : memref<2x2x16x8x128xf32, #tpu.memory_space<vmem>>, vector<16xf32>,
        %mul3A_1900 = arith.constant 16 : i32
        %mul3A_1901 = arith.muli %scan3A_1857, %mul3A_1900 : i32
        %get3A_1902 = arith.constant 1 : i32
        %get3A_1903 = arith.constant 0 : i32
        %get3A_1904 = arith.constant 3 : i32
        %get3A_1905 = arith.index_cast %get3A_1902 : i32 to index
        %get3A_1906 = arith.index_cast %get3A_1903 : i32 to index
        %get3A_1907 = arith.index_cast %while3A_1850 : i32 to index
        %get3A_1908 = arith.index_cast %get3A_1904 : i32 to index
        %get3A_1909 = arith.index_cast %mul3A_1901 : i32 to index
        %get3A_1910 = tpu.vector_load %arg12[%get3A_1905, %get3A_1906, %get3A_1907, %get3A_1908, %get3A_1909] {strides = array<i32>} : memref<2x2x16x8x128xf32, #tpu.memory_space<vmem>>, vector<16xf32>,
        %mul3A_1911 = arith.constant 16 : i32
        %mul3A_1912 = arith.muli %scan3A_1857, %mul3A_1911 : i32
        %get3A_1913 = arith.constant 1 : i32
        %get3A_1914 = arith.constant 0 : i32
        %get3A_1915 = arith.constant 4 : i32
        %get3A_1916 = arith.index_cast %get3A_1913 : i32 to index
        %get3A_1917 = arith.index_cast %get3A_1914 : i32 to index
        %get3A_1918 = arith.index_cast %while3A_1850 : i32 to index
        %get3A_1919 = arith.index_cast %get3A_1915 : i32 to index
        %get3A_1920 = arith.index_cast %mul3A_1912 : i32 to index
        %get3A_1921 = tpu.vector_load %arg12[%get3A_1916, %get3A_1917, %get3A_1918, %get3A_1919, %get3A_1920] {strides = array<i32>} : memref<2x2x16x8x128xf32, #tpu.memory_space<vmem>>, vector<16xf32>,
        %mul3A_1922 = arith.constant 16 : i32
        %mul3A_1923 = arith.muli %scan3A_1857, %mul3A_1922 : i32
        %get3A_1924 = arith.constant 1 : i32
        %get3A_1925 = arith.constant 0 : i32
        %get3A_1926 = arith.constant 5 : i32
        %get3A_1927 = arith.index_cast %get3A_1924 : i32 to index
        %get3A_1928 = arith.index_cast %get3A_1925 : i32 to index
        %get3A_1929 = arith.index_cast %while3A_1850 : i32 to index
        %get3A_1930 = arith.index_cast %get3A_1926 : i32 to index
        %get3A_1931 = arith.index_cast %mul3A_1923 : i32 to index
        %get3A_1932 = tpu.vector_load %arg12[%get3A_1927, %get3A_1928, %get3A_1929, %get3A_1930, %get3A_1931] {strides = array<i32>} : memref<2x2x16x8x128xf32, #tpu.memory_space<vmem>>, vector<16xf32>,
        %mul3A_1933 = arith.constant 16 : i32
        %mul3A_1934 = arith.muli %scan3A_1857, %mul3A_1933 : i32
        %get3A_1935 = arith.constant 1 : i32
        %get3A_1936 = arith.constant 0 : i32
        %get3A_1937 = arith.constant 6 : i32
        %get3A_1938 = arith.index_cast %get3A_1935 : i32 to index
        %get3A_1939 = arith.index_cast %get3A_1936 : i32 to index
        %get3A_1940 = arith.index_cast %while3A_1850 : i32 to index
        %get3A_1941 = arith.index_cast %get3A_1937 : i32 to index
        %get3A_1942 = arith.index_cast %mul3A_1934 : i32 to index
        %get3A_1943 = tpu.vector_load %arg12[%get3A_1938, %get3A_1939, %get3A_1940, %get3A_1941, %get3A_1942] {strides = array<i32>} : memref<2x2x16x8x128xf32, #tpu.memory_space<vmem>>, vector<16xf32>,
        %mul3A_1944 = arith.constant 16 : i32
        %mul3A_1945 = arith.muli %scan3A_1857, %mul3A_1944 : i32
        %get3A_1946 = arith.constant 1 : i32
        %get3A_1947 = arith.constant 0 : i32
        %get3A_1948 = arith.constant 7 : i32
        %get3A_1949 = arith.index_cast %get3A_1946 : i32 to index
        %get3A_1950 = arith.index_cast %get3A_1947 : i32 to index
        %get3A_1951 = arith.index_cast %while3A_1850 : i32 to index
        %get3A_1952 = arith.index_cast %get3A_1948 : i32 to index
        %get3A_1953 = arith.index_cast %mul3A_1945 : i32 to index
        %get3A_1954 = tpu.vector_load %arg12[%get3A_1949, %get3A_1950, %get3A_1951, %get3A_1952, %get3A_1953] {strides = array<i32>} : memref<2x2x16x8x128xf32, #tpu.memory_space<vmem>>, vector<16xf32>,
        %mul3A_1955 = arith.constant 16 : i32
        %mul3A_1956 = arith.muli %scan3A_1857, %mul3A_1955 : i32
        %get3A_1957 = arith.constant 1 : i32
        %get3A_1958 = arith.constant 1 : i32
        %get3A_1959 = arith.constant 0 : i32
        %get3A_1960 = arith.index_cast %get3A_1957 : i32 to index
        %get3A_1961 = arith.index_cast %get3A_1958 : i32 to index
        %get3A_1962 = arith.index_cast %while3A_1850 : i32 to index
        %get3A_1963 = arith.index_cast %get3A_1959 : i32 to index
        %get3A_1964 = arith.index_cast %mul3A_1956 : i32 to index
        %get3A_1965 = tpu.vector_load %arg12[%get3A_1960, %get3A_1961, %get3A_1962, %get3A_1963, %get3A_1964] {strides = array<i32>} : memref<2x2x16x8x128xf32, #tpu.memory_space<vmem>>, vector<16xf32>,
        %mul3A_1966 = arith.constant 16 : i32
        %mul3A_1967 = arith.muli %scan3A_1857, %mul3A_1966 : i32
        %get3A_1968 = arith.constant 1 : i32
        %get3A_1969 = arith.constant 1 : i32
        %get3A_1970 = arith.constant 1 : i32
        %get3A_1971 = arith.index_cast %get3A_1968 : i32 to index
        %get3A_1972 = arith.index_cast %get3A_1969 : i32 to index
        %get3A_1973 = arith.index_cast %while3A_1850 : i32 to index
        %get3A_1974 = arith.index_cast %get3A_1970 : i32 to index
        %get3A_1975 = arith.index_cast %mul3A_1967 : i32 to index
        %get3A_1976 = tpu.vector_load %arg12[%get3A_1971, %get3A_1972, %get3A_1973, %get3A_1974, %get3A_1975] {strides = array<i32>} : memref<2x2x16x8x128xf32, #tpu.memory_space<vmem>>, vector<16xf32>,
        %mul3A_1977 = arith.constant 16 : i32
        %mul3A_1978 = arith.muli %scan3A_1857, %mul3A_1977 : i32
        %get3A_1979 = arith.constant 1 : i32
        %get3A_1980 = arith.constant 1 : i32
        %get3A_1981 = arith.constant 2 : i32
        %get3A_1982 = arith.index_cast %get3A_1979 : i32 to index
        %get3A_1983 = arith.index_cast %get3A_1980 : i32 to index
        %get3A_1984 = arith.index_cast %while3A_1850 : i32 to index
        %get3A_1985 = arith.index_cast %get3A_1981 : i32 to index
        %get3A_1986 = arith.index_cast %mul3A_1978 : i32 to index
        %get3A_1987 = tpu.vector_load %arg12[%get3A_1982, %get3A_1983, %get3A_1984, %get3A_1985, %get3A_1986] {strides = array<i32>} : memref<2x2x16x8x128xf32, #tpu.memory_space<vmem>>, vector<16xf32>,
        %mul3A_1988 = arith.constant 16 : i32
        %mul3A_1989 = arith.muli %scan3A_1857, %mul3A_1988 : i32
        %get3A_1990 = arith.constant 1 : i32
        %get3A_1991 = arith.constant 1 : i32
        %get3A_1992 = arith.constant 3 : i32
        %get3A_1993 = arith.index_cast %get3A_1990 : i32 to index
        %get3A_1994 = arith.index_cast %get3A_1991 : i32 to index
        %get3A_1995 = arith.index_cast %while3A_1850 : i32 to index
        %get3A_1996 = arith.index_cast %get3A_1992 : i32 to index
        %get3A_1997 = arith.index_cast %mul3A_1989 : i32 to index
        %get3A_1998 = tpu.vector_load %arg12[%get3A_1993, %get3A_1994, %get3A_1995, %get3A_1996, %get3A_1997] {strides = array<i32>} : memref<2x2x16x8x128xf32, #tpu.memory_space<vmem>>, vector<16xf32>,
        %mul3A_1999 = arith.constant 16 : i32
        %mul3A_2000 = arith.muli %scan3A_1857, %mul3A_1999 : i32
        %get3A_2001 = arith.constant 1 : i32
        %get3A_2002 = arith.constant 1 : i32
        %get3A_2003 = arith.constant 4 : i32
        %get3A_2004 = arith.index_cast %get3A_2001 : i32 to index
        %get3A_2005 = arith.index_cast %get3A_2002 : i32 to index
        %get3A_2006 = arith.index_cast %while3A_1850 : i32 to index
        %get3A_2007 = arith.index_cast %get3A_2003 : i32 to index
        %get3A_2008 = arith.index_cast %mul3A_2000 : i32 to index
        %get3A_2009 = tpu.vector_load %arg12[%get3A_2004, %get3A_2005, %get3A_2006, %get3A_2007, %get3A_2008] {strides = array<i32>} : memref<2x2x16x8x128xf32, #tpu.memory_space<vmem>>, vector<16xf32>,
        %mul3A_2010 = arith.constant 16 : i32
        %mul3A_2011 = arith.muli %scan3A_1857, %mul3A_2010 : i32
        %get3A_2012 = arith.constant 1 : i32
        %get3A_2013 = arith.constant 1 : i32
        %get3A_2014 = arith.constant 5 : i32
        %get3A_2015 = arith.index_cast %get3A_2012 : i32 to index
        %get3A_2016 = arith.index_cast %get3A_2013 : i32 to index
        %get3A_2017 = arith.index_cast %while3A_1850 : i32 to index
        %get3A_2018 = arith.index_cast %get3A_2014 : i32 to index
        %get3A_2019 = arith.index_cast %mul3A_2011 : i32 to index
        %get3A_2020 = tpu.vector_load %arg12[%get3A_2015, %get3A_2016, %get3A_2017, %get3A_2018, %get3A_2019] {strides = array<i32>} : memref<2x2x16x8x128xf32, #tpu.memory_space<vmem>>, vector<16xf32>,
        %mul3A_2021 = arith.constant 16 : i32
        %mul3A_2022 = arith.muli %scan3A_1857, %mul3A_2021 : i32
        %get3A_2023 = arith.constant 1 : i32
        %get3A_2024 = arith.constant 1 : i32
        %get3A_2025 = arith.constant 6 : i32
        %get3A_2026 = arith.index_cast %get3A_2023 : i32 to index
        %get3A_2027 = arith.index_cast %get3A_2024 : i32 to index
        %get3A_2028 = arith.index_cast %while3A_1850 : i32 to index
        %get3A_2029 = arith.index_cast %get3A_2025 : i32 to index
        %get3A_2030 = arith.index_cast %mul3A_2022 : i32 to index
        %get3A_2031 = tpu.vector_load %arg12[%get3A_2026, %get3A_2027, %get3A_2028, %get3A_2029, %get3A_2030] {strides = array<i32>} : memref<2x2x16x8x128xf32, #tpu.memory_space<vmem>>, vector<16xf32>,
        %mul3A_2032 = arith.constant 16 : i32
        %mul3A_2033 = arith.muli %scan3A_1857, %mul3A_2032 : i32
        %get3A_2034 = arith.constant 1 : i32
        %get3A_2035 = arith.constant 1 : i32
        %get3A_2036 = arith.constant 7 : i32
        %get3A_2037 = arith.index_cast %get3A_2034 : i32 to index
        %get3A_2038 = arith.index_cast %get3A_2035 : i32 to index
        %get3A_2039 = arith.index_cast %while3A_1850 : i32 to index
        %get3A_2040 = arith.index_cast %get3A_2036 : i32 to index
        %get3A_2041 = arith.index_cast %mul3A_2033 : i32 to index
        %get3A_2042 = tpu.vector_load %arg12[%get3A_2037, %get3A_2038, %get3A_2039, %get3A_2040, %get3A_2041] {strides = array<i32>} : memref<2x2x16x8x128xf32, #tpu.memory_space<vmem>>, vector<16xf32>,
        tpu.vector_store_idx %arg31[%gather3A], %broadcast_in_dim3A_3 {add = true} : memref<128xf32, #tpu.memory_space<vmem>>[vector<16xi32>], vector<16xf32>,
        tpu.vector_store_idx %arg15[%gather3A], %get3A_1877 {add = true} : memref<64xf32, #tpu.memory_space<vmem>>[vector<16xi32>], vector<16xf32>,
        tpu.vector_store_idx %arg16[%gather3A], %get3A_1888 {add = true} : memref<64xf32, #tpu.memory_space<vmem>>[vector<16xi32>], vector<16xf32>,
        tpu.vector_store_idx %arg17[%gather3A], %get3A_1899 {add = true} : memref<64xf32, #tpu.memory_space<vmem>>[vector<16xi32>], vector<16xf32>,
        tpu.vector_store_idx %arg18[%gather3A], %get3A_1910 {add = true} : memref<64xf32, #tpu.memory_space<vmem>>[vector<16xi32>], vector<16xf32>,
        tpu.vector_store_idx %arg19[%gather3A], %get3A_1921 {add = true} : memref<64xf32, #tpu.memory_space<vmem>>[vector<16xi32>], vector<16xf32>,
        tpu.vector_store_idx %arg20[%gather3A], %get3A_1932 {add = true} : memref<64xf32, #tpu.memory_space<vmem>>[vector<16xi32>], vector<16xf32>,
        tpu.vector_store_idx %arg21[%gather3A], %get3A_1943 {add = true} : memref<64xf32, #tpu.memory_space<vmem>>[vector<16xi32>], vector<16xf32>,
        tpu.vector_store_idx %arg22[%gather3A], %get3A_1954 {add = true} : memref<64xf32, #tpu.memory_space<vmem>>[vector<16xi32>], vector<16xf32>,
        tpu.vector_store_idx %arg23[%gather3A], %get3A_1965 {add = true} : memref<64xf32, #tpu.memory_space<vmem>>[vector<16xi32>], vector<16xf32>,
        tpu.vector_store_idx %arg24[%gather3A], %get3A_1976 {add = true} : memref<64xf32, #tpu.memory_space<vmem>>[vector<16xi32>], vector<16xf32>,
        tpu.vector_store_idx %arg25[%gather3A], %get3A_1987 {add = true} : memref<64xf32, #tpu.memory_space<vmem>>[vector<16xi32>], vector<16xf32>,
        tpu.vector_store_idx %arg26[%gather3A], %get3A_1998 {add = true} : memref<64xf32, #tpu.memory_space<vmem>>[vector<16xi32>], vector<16xf32>,
        tpu.vector_store_idx %arg27[%gather3A], %get3A_2009 {add = true} : memref<64xf32, #tpu.memory_space<vmem>>[vector<16xi32>], vector<16xf32>,
        tpu.vector_store_idx %arg28[%gather3A], %get3A_2020 {add = true} : memref<64xf32, #tpu.memory_space<vmem>>[vector<16xi32>], vector<16xf32>,
        tpu.vector_store_idx %arg29[%gather3A], %get3A_2031 {add = true} : memref<64xf32, #tpu.memory_space<vmem>>[vector<16xi32>], vector<16xf32>,
        tpu.vector_store_idx %arg30[%gather3A], %get3A_2042 {add = true} : memref<64xf32, #tpu.memory_space<vmem>>[vector<16xi32>], vector<16xf32>,
      }
      %scan3A_1856 = arith.constant 8 : i32
    }
    %while3A_808 = arith.constant 1 : i32
    scf.for %while3A_1850 = %while3A_806 to %while3A_802 step %while3A_808  : i32 {
      %scan3A_1851 = arith.constant 0 : i32
      %scan3A_1852 = arith.constant 0 : i32
      %scan3A_1853 = arith.constant 8 : i32
      %scan3A_1854 = arith.addi %scan3A_1852, %scan3A_1853 : i32
      %scan3A_1855 = arith.constant 1 : i32
      scf.for %scan3A_1857 = %scan3A_1852 to %scan3A_1854 step %scan3A_1855  : i32 {
        %mul3A_1858 = arith.constant 16 : i32
        %mul3A_1859 = arith.muli %scan3A_1857, %mul3A_1858 : i32
        %get3A_1860 = arith.constant 1 : i32
        %get3A_1861 = arith.constant 0 : i32
        %get3A_1862 = arith.index_cast %get3A_1860 : i32 to index
        %get3A_1863 = arith.index_cast %while3A_1850 : i32 to index
        %get3A_1864 = arith.index_cast %get3A_1861 : i32 to index
        %get3A_1865 = arith.index_cast %mul3A_1859 : i32 to index
        %get3A_1866 = tpu.vector_load %arg11[%get3A_1862, %get3A_1863, %get3A_1864, %get3A_1865] {strides = array<i32>} : memref<2x16x2x128xi32, #tpu.memory_space<vmem>>, vector<16xi32>,
        %gather3A = tpu.vector_load_idx %arg10[%get3A_1866] : memref<10240xi32, #tpu.memory_space<vmem>>[vector<16xi32>], vector<16xi32>,
        %mul3A_1867 = arith.constant 16 : i32
        %mul3A_1868 = arith.muli %scan3A_1857, %mul3A_1867 : i32
        %get3A_1869 = arith.constant 1 : i32
        %get3A_1870 = arith.constant 0 : i32
        %get3A_1871 = arith.constant 0 : i32
        %get3A_1872 = arith.index_cast %get3A_1869 : i32 to index
        %get3A_1873 = arith.index_cast %get3A_1870 : i32 to index
        %get3A_1874 = arith.index_cast %while3A_1850 : i32 to index
        %get3A_1875 = arith.index_cast %get3A_1871 : i32 to index
        %get3A_1876 = arith.index_cast %mul3A_1868 : i32 to index
        %get3A_1877 = tpu.vector_load %arg12[%get3A_1872, %get3A_1873, %get3A_1874, %get3A_1875, %get3A_1876] {strides = array<i32>} : memref<2x2x16x8x128xf32, #tpu.memory_space<vmem>>, vector<16xf32>,
        %mul3A_1878 = arith.constant 16 : i32
        %mul3A_1879 = arith.muli %scan3A_1857, %mul3A_1878 : i32
        %get3A_1880 = arith.constant 1 : i32
        %get3A_1881 = arith.constant 0 : i32
        %get3A_1882 = arith.constant 1 : i32
        %get3A_1883 = arith.index_cast %get3A_1880 : i32 to index
        %get3A_1884 = arith.index_cast %get3A_1881 : i32 to index
        %get3A_1885 = arith.index_cast %while3A_1850 : i32 to index
        %get3A_1886 = arith.index_cast %get3A_1882 : i32 to index
        %get3A_1887 = arith.index_cast %mul3A_1879 : i32 to index
        %get3A_1888 = tpu.vector_load %arg12[%get3A_1883, %get3A_1884, %get3A_1885, %get3A_1886, %get3A_1887] {strides = array<i32>} : memref<2x2x16x8x128xf32, #tpu.memory_space<vmem>>, vector<16xf32>,
        %mul3A_1889 = arith.constant 16 : i32
        %mul3A_1890 = arith.muli %scan3A_1857, %mul3A_1889 : i32
        %get3A_1891 = arith.constant 1 : i32
        %get3A_1892 = arith.constant 0 : i32
        %get3A_1893 = arith.constant 2 : i32
        %get3A_1894 = arith.index_cast %get3A_1891 : i32 to index
        %get3A_1895 = arith.index_cast %get3A_1892 : i32 to index
        %get3A_1896 = arith.index_cast %while3A_1850 : i32 to index
        %get3A_1897 = arith.index_cast %get3A_1893 : i32 to index
        %get3A_1898 = arith.index_cast %mul3A_1890 : i32 to index
        %get3A_1899 = tpu.vector_load %arg12[%get3A_1894, %get3A_1895, %get3A_1896, %get3A_1897, %get3A_1898] {strides = array<i32>} : memref<2x2x16x8x128xf32, #tpu.memory_space<vmem>>, vector<16xf32>,
        %mul3A_1900 = arith.constant 16 : i32
        %mul3A_1901 = arith.muli %scan3A_1857, %mul3A_1900 : i32
        %get3A_1902 = arith.constant 1 : i32
        %get3A_1903 = arith.constant 0 : i32
        %get3A_1904 = arith.constant 3 : i32
        %get3A_1905 = arith.index_cast %get3A_1902 : i32 to index
        %get3A_1906 = arith.index_cast %get3A_1903 : i32 to index
        %get3A_1907 = arith.index_cast %while3A_1850 : i32 to index
        %get3A_1908 = arith.index_cast %get3A_1904 : i32 to index
        %get3A_1909 = arith.index_cast %mul3A_1901 : i32 to index
        %get3A_1910 = tpu.vector_load %arg12[%get3A_1905, %get3A_1906, %get3A_1907, %get3A_1908, %get3A_1909] {strides = array<i32>} : memref<2x2x16x8x128xf32, #tpu.memory_space<vmem>>, vector<16xf32>,
        %mul3A_1911 = arith.constant 16 : i32
        %mul3A_1912 = arith.muli %scan3A_1857, %mul3A_1911 : i32
        %get3A_1913 = arith.constant 1 : i32
        %get3A_1914 = arith.constant 0 : i32
        %get3A_1915 = arith.constant 4 : i32
        %get3A_1916 = arith.index_cast %get3A_1913 : i32 to index
        %get3A_1917 = arith.index_cast %get3A_1914 : i32 to index
        %get3A_1918 = arith.index_cast %while3A_1850 : i32 to index
        %get3A_1919 = arith.index_cast %get3A_1915 : i32 to index
        %get3A_1920 = arith.index_cast %mul3A_1912 : i32 to index
        %get3A_1921 = tpu.vector_load %arg12[%get3A_1916, %get3A_1917, %get3A_1918, %get3A_1919, %get3A_1920] {strides = array<i32>} : memref<2x2x16x8x128xf32, #tpu.memory_space<vmem>>, vector<16xf32>,
        %mul3A_1922 = arith.constant 16 : i32
        %mul3A_1923 = arith.muli %scan3A_1857, %mul3A_1922 : i32
        %get3A_1924 = arith.constant 1 : i32
        %get3A_1925 = arith.constant 0 : i32
        %get3A_1926 = arith.constant 5 : i32
        %get3A_1927 = arith.index_cast %get3A_1924 : i32 to index
        %get3A_1928 = arith.index_cast %get3A_1925 : i32 to index
        %get3A_1929 = arith.index_cast %while3A_1850 : i32 to index
        %get3A_1930 = arith.index_cast %get3A_1926 : i32 to index
        %get3A_1931 = arith.index_cast %mul3A_1923 : i32 to index
        %get3A_1932 = tpu.vector_load %arg12[%get3A_1927, %get3A_1928, %get3A_1929, %get3A_1930, %get3A_1931] {strides = array<i32>} : memref<2x2x16x8x128xf32, #tpu.memory_space<vmem>>, vector<16xf32>,
        %mul3A_1933 = arith.constant 16 : i32
        %mul3A_1934 = arith.muli %scan3A_1857, %mul3A_1933 : i32
        %get3A_1935 = arith.constant 1 : i32
        %get3A_1936 = arith.constant 0 : i32
        %get3A_1937 = arith.constant 6 : i32
        %get3A_1938 = arith.index_cast %get3A_1935 : i32 to index
        %get3A_1939 = arith.index_cast %get3A_1936 : i32 to index
        %get3A_1940 = arith.index_cast %while3A_1850 : i32 to index
        %get3A_1941 = arith.index_cast %get3A_1937 : i32 to index
        %get3A_1942 = arith.index_cast %mul3A_1934 : i32 to index
        %get3A_1943 = tpu.vector_load %arg12[%get3A_1938, %get3A_1939, %get3A_1940, %get3A_1941, %get3A_1942] {strides = array<i32>} : memref<2x2x16x8x128xf32, #tpu.memory_space<vmem>>, vector<16xf32>,
        %mul3A_1944 = arith.constant 16 : i32
        %mul3A_1945 = arith.muli %scan3A_1857, %mul3A_1944 : i32
        %get3A_1946 = arith.constant 1 : i32
        %get3A_1947 = arith.constant 0 : i32
        %get3A_1948 = arith.constant 7 : i32
        %get3A_1949 = arith.index_cast %get3A_1946 : i32 to index
        %get3A_1950 = arith.index_cast %get3A_1947 : i32 to index
        %get3A_1951 = arith.index_cast %while3A_1850 : i32 to index
        %get3A_1952 = arith.index_cast %get3A_1948 : i32 to index
        %get3A_1953 = arith.index_cast %mul3A_1945 : i32 to index
        %get3A_1954 = tpu.vector_load %arg12[%get3A_1949, %get3A_1950, %get3A_1951, %get3A_1952, %get3A_1953] {strides = array<i32>} : memref<2x2x16x8x128xf32, #tpu.memory_space<vmem>>, vector<16xf32>,
        %mul3A_1955 = arith.constant 16 : i32
        %mul3A_1956 = arith.muli %scan3A_1857, %mul3A_1955 : i32
        %get3A_1957 = arith.constant 1 : i32
        %get3A_1958 = arith.constant 1 : i32
        %get3A_1959 = arith.constant 0 : i32
        %get3A_1960 = arith.index_cast %get3A_1957 : i32 to index
        %get3A_1961 = arith.index_cast %get3A_1958 : i32 to index
        %get3A_1962 = arith.index_cast %while3A_1850 : i32 to index
        %get3A_1963 = arith.index_cast %get3A_1959 : i32 to index
        %get3A_1964 = arith.index_cast %mul3A_1956 : i32 to index
        %get3A_1965 = tpu.vector_load %arg12[%get3A_1960, %get3A_1961, %get3A_1962, %get3A_1963, %get3A_1964] {strides = array<i32>} : memref<2x2x16x8x128xf32, #tpu.memory_space<vmem>>, vector<16xf32>,
        %mul3A_1966 = arith.constant 16 : i32
        %mul3A_1967 = arith.muli %scan3A_1857, %mul3A_1966 : i32
        %get3A_1968 = arith.constant 1 : i32
        %get3A_1969 = arith.constant 1 : i32
        %get3A_1970 = arith.constant 1 : i32
        %get3A_1971 = arith.index_cast %get3A_1968 : i32 to index
        %get3A_1972 = arith.index_cast %get3A_1969 : i32 to index
        %get3A_1973 = arith.index_cast %while3A_1850 : i32 to index
        %get3A_1974 = arith.index_cast %get3A_1970 : i32 to index
        %get3A_1975 = arith.index_cast %mul3A_1967 : i32 to index
        %get3A_1976 = tpu.vector_load %arg12[%get3A_1971, %get3A_1972, %get3A_1973, %get3A_1974, %get3A_1975] {strides = array<i32>} : memref<2x2x16x8x128xf32, #tpu.memory_space<vmem>>, vector<16xf32>,
        %mul3A_1977 = arith.constant 16 : i32
        %mul3A_1978 = arith.muli %scan3A_1857, %mul3A_1977 : i32
        %get3A_1979 = arith.constant 1 : i32
        %get3A_1980 = arith.constant 1 : i32
        %get3A_1981 = arith.constant 2 : i32
        %get3A_1982 = arith.index_cast %get3A_1979 : i32 to index
        %get3A_1983 = arith.index_cast %get3A_1980 : i32 to index
        %get3A_1984 = arith.index_cast %while3A_1850 : i32 to index
        %get3A_1985 = arith.index_cast %get3A_1981 : i32 to index
        %get3A_1986 = arith.index_cast %mul3A_1978 : i32 to index
        %get3A_1987 = tpu.vector_load %arg12[%get3A_1982, %get3A_1983, %get3A_1984, %get3A_1985, %get3A_1986] {strides = array<i32>} : memref<2x2x16x8x128xf32, #tpu.memory_space<vmem>>, vector<16xf32>,
        %mul3A_1988 = arith.constant 16 : i32
        %mul3A_1989 = arith.muli %scan3A_1857, %mul3A_1988 : i32
        %get3A_1990 = arith.constant 1 : i32
        %get3A_1991 = arith.constant 1 : i32
        %get3A_1992 = arith.constant 3 : i32
        %get3A_1993 = arith.index_cast %get3A_1990 : i32 to index
        %get3A_1994 = arith.index_cast %get3A_1991 : i32 to index
        %get3A_1995 = arith.index_cast %while3A_1850 : i32 to index
        %get3A_1996 = arith.index_cast %get3A_1992 : i32 to index
        %get3A_1997 = arith.index_cast %mul3A_1989 : i32 to index
        %get3A_1998 = tpu.vector_load %arg12[%get3A_1993, %get3A_1994, %get3A_1995, %get3A_1996, %get3A_1997] {strides = array<i32>} : memref<2x2x16x8x128xf32, #tpu.memory_space<vmem>>, vector<16xf32>,
        %mul3A_1999 = arith.constant 16 : i32
        %mul3A_2000 = arith.muli %scan3A_1857, %mul3A_1999 : i32
        %get3A_2001 = arith.constant 1 : i32
        %get3A_2002 = arith.constant 1 : i32
        %get3A_2003 = arith.constant 4 : i32
        %get3A_2004 = arith.index_cast %get3A_2001 : i32 to index
        %get3A_2005 = arith.index_cast %get3A_2002 : i32 to index
        %get3A_2006 = arith.index_cast %while3A_1850 : i32 to index
        %get3A_2007 = arith.index_cast %get3A_2003 : i32 to index
        %get3A_2008 = arith.index_cast %mul3A_2000 : i32 to index
        %get3A_2009 = tpu.vector_load %arg12[%get3A_2004, %get3A_2005, %get3A_2006, %get3A_2007, %get3A_2008] {strides = array<i32>} : memref<2x2x16x8x128xf32, #tpu.memory_space<vmem>>, vector<16xf32>,
        %mul3A_2010 = arith.constant 16 : i32
        %mul3A_2011 = arith.muli %scan3A_1857, %mul3A_2010 : i32
        %get3A_2012 = arith.constant 1 : i32
        %get3A_2013 = arith.constant 1 : i32
        %get3A_2014 = arith.constant 5 : i32
        %get3A_2015 = arith.index_cast %get3A_2012 : i32 to index
        %get3A_2016 = arith.index_cast %get3A_2013 : i32 to index
        %get3A_2017 = arith.index_cast %while3A_1850 : i32 to index
        %get3A_2018 = arith.index_cast %get3A_2014 : i32 to index
        %get3A_2019 = arith.index_cast %mul3A_2011 : i32 to index
        %get3A_2020 = tpu.vector_load %arg12[%get3A_2015, %get3A_2016, %get3A_2017, %get3A_2018, %get3A_2019] {strides = array<i32>} : memref<2x2x16x8x128xf32, #tpu.memory_space<vmem>>, vector<16xf32>,
        %mul3A_2021 = arith.constant 16 : i32
        %mul3A_2022 = arith.muli %scan3A_1857, %mul3A_2021 : i32
        %get3A_2023 = arith.constant 1 : i32
        %get3A_2024 = arith.constant 1 : i32
        %get3A_2025 = arith.constant 6 : i32
        %get3A_2026 = arith.index_cast %get3A_2023 : i32 to index
        %get3A_2027 = arith.index_cast %get3A_2024 : i32 to index
        %get3A_2028 = arith.index_cast %while3A_1850 : i32 to index
        %get3A_2029 = arith.index_cast %get3A_2025 : i32 to index
        %get3A_2030 = arith.index_cast %mul3A_2022 : i32 to index
        %get3A_2031 = tpu.vector_load %arg12[%get3A_2026, %get3A_2027, %get3A_2028, %get3A_2029, %get3A_2030] {strides = array<i32>} : memref<2x2x16x8x128xf32, #tpu.memory_space<vmem>>, vector<16xf32>,
        %mul3A_2032 = arith.constant 16 : i32
        %mul3A_2033 = arith.muli %scan3A_1857, %mul3A_2032 : i32
        %get3A_2034 = arith.constant 1 : i32
        %get3A_2035 = arith.constant 1 : i32
        %get3A_2036 = arith.constant 7 : i32
        %get3A_2037 = arith.index_cast %get3A_2034 : i32 to index
        %get3A_2038 = arith.index_cast %get3A_2035 : i32 to index
        %get3A_2039 = arith.index_cast %while3A_1850 : i32 to index
        %get3A_2040 = arith.index_cast %get3A_2036 : i32 to index
        %get3A_2041 = arith.index_cast %mul3A_2033 : i32 to index
        %get3A_2042 = tpu.vector_load %arg12[%get3A_2037, %get3A_2038, %get3A_2039, %get3A_2040, %get3A_2041] {strides = array<i32>} : memref<2x2x16x8x128xf32, #tpu.memory_space<vmem>>, vector<16xf32>,
        tpu.vector_store_idx %arg31[%gather3A], %broadcast_in_dim3A_3 {add = true} : memref<128xf32, #tpu.memory_space<vmem>>[vector<16xi32>], vector<16xf32>,
        tpu.vector_store_idx %arg15[%gather3A], %get3A_1877 {add = true} : memref<64xf32, #tpu.memory_space<vmem>>[vector<16xi32>], vector<16xf32>,
        tpu.vector_store_idx %arg16[%gather3A], %get3A_1888 {add = true} : memref<64xf32, #tpu.memory_space<vmem>>[vector<16xi32>], vector<16xf32>,
        tpu.vector_store_idx %arg17[%gather3A], %get3A_1899 {add = true} : memref<64xf32, #tpu.memory_space<vmem>>[vector<16xi32>], vector<16xf32>,
        tpu.vector_store_idx %arg18[%gather3A], %get3A_1910 {add = true} : memref<64xf32, #tpu.memory_space<vmem>>[vector<16xi32>], vector<16xf32>,
        tpu.vector_store_idx %arg19[%gather3A], %get3A_1921 {add = true} : memref<64xf32, #tpu.memory_space<vmem>>[vector<16xi32>], vector<16xf32>,
        tpu.vector_store_idx %arg20[%gather3A], %get3A_1932 {add = true} : memref<64xf32, #tpu.memory_space<vmem>>[vector<16xi32>], vector<16xf32>,
        tpu.vector_store_idx %arg21[%gather3A], %get3A_1943 {add = true} : memref<64xf32, #tpu.memory_space<vmem>>[vector<16xi32>], vector<16xf32>,
        tpu.vector_store_idx %arg22[%gather3A], %get3A_1954 {add = true} : memref<64xf32, #tpu.memory_space<vmem>>[vector<16xi32>], vector<16xf32>,
        tpu.vector_store_idx %arg23[%gather3A], %get3A_1965 {add = true} : memref<64xf32, #tpu.memory_space<vmem>>[vector<16xi32>], vector<16xf32>,
        tpu.vector_store_idx %arg24[%gather3A], %get3A_1976 {add = true} : memref<64xf32, #tpu.memory_space<vmem>>[vector<16xi32>], vector<16xf32>,
        tpu.vector_store_idx %arg25[%gather3A], %get3A_1987 {add = true} : memref<64xf32, #tpu.memory_space<vmem>>[vector<16xi32>], vector<16xf32>,
        tpu.vector_store_idx %arg26[%gather3A], %get3A_1998 {add = true} : memref<64xf32, #tpu.memory_space<vmem>>[vector<16xi32>], vector<16xf32>,
        tpu.vector_store_idx %arg27[%gather3A], %get3A_2009 {add = true} : memref<64xf32, #tpu.memory_space<vmem>>[vector<16xi32>], vector<16xf32>,
        tpu.vector_store_idx %arg28[%gather3A], %get3A_2020 {add = true} : memref<64xf32, #tpu.memory_space<vmem>>[vector<16xi32>], vector<16xf32>,
        tpu.vector_store_idx %arg29[%gather3A], %get3A_2031 {add = true} : memref<64xf32, #tpu.memory_space<vmem>>[vector<16xi32>], vector<16xf32>,
        tpu.vector_store_idx %arg30[%gather3A], %get3A_2042 {add = true} : memref<64xf32, #tpu.memory_space<vmem>>[vector<16xi32>], vector<16xf32>,
      }
      %scan3A_1856 = arith.constant 8 : i32
    }
    %dma_wait3A_809 = arith.constant 0 : i32
    %dma_wait3A_810 = arith.constant 0 : i32
    %dma_wait3A_811 = arith.constant 0 : i32
    %dma_wait3A_812 = arith.constant 0 : i32
    %dma_wait3A_813 = arith.constant 0 : i32
    %dma_wait3A_814 = arith.constant 0 : i32
    %dma_wait3A_815 = tpu.memref_slice %arg12[%dma_wait3A_810, %dma_wait3A_811, %dma_wait3A_812, %dma_wait3A_813, %dma_wait3A_814] : memref<2x2x16x8x128xf32, #tpu.memory_space<vmem>> -> memref<1x1x16x8x128xf32, #tpu.memory_space<vmem>>
    %dma_wait3A_816 = tpu.memref_squeeze %dma_wait3A_815 : memref<1x1x16x8x128xf32, #tpu.memory_space<vmem>> -> memref<16x8x128xf32, #tpu.memory_space<vmem>>
    %dma_wait3A_817 = arith.constant 0 : i32
    %dma_wait3A_818 = arith.constant 0 : i32
    %dma_wait3A_819 = tpu.memref_slice %arg2[%dma_wait3A_809, %min3A_726, %dma_wait3A_817, %dma_wait3A_818] : memref<2x2500x8x128xf32, #tpu.memory_space<hbm>> -> memref<1x16x8x128xf32, #tpu.memory_space<hbm>>
    %dma_wait3A_820 = tpu.memref_squeeze %dma_wait3A_819 : memref<1x16x8x128xf32, #tpu.memory_space<hbm>> -> memref<16x8x128xf32, #tpu.memory_space<hbm>>
    %dma_wait3A_821 = arith.constant 0 : i32
    %dma_wait3A_822 = arith.constant 0 : i32
    %dma_wait3A_823 = arith.constant 0 : i32
    %dma_wait3A_824 = tpu.memref_slice %arg12[%dma_wait3A_810, %dma_wait3A_811, %dma_wait3A_821, %dma_wait3A_822, %dma_wait3A_823] : memref<2x2x16x8x128xf32, #tpu.memory_space<vmem>> -> memref<1x1x16x8x128xf32, #tpu.memory_space<vmem>>
    %dma_wait3A_825 = tpu.memref_squeeze %dma_wait3A_824 : memref<1x1x16x8x128xf32, #tpu.memory_space<vmem>> -> memref<16x8x128xf32, #tpu.memory_space<vmem>>
    %dma_wait3A_826 = arith.constant 0 : i32
    %dma_wait3A_827 = arith.constant 0 : i32
    %dma_wait3A_828 = tpu.memref_slice %arg2[%dma_wait3A_809, %min3A_726, %dma_wait3A_826, %dma_wait3A_827] : memref<2x2500x8x128xf32, #tpu.memory_space<hbm>> -> memref<1x16x8x128xf32, #tpu.memory_space<hbm>>
    %dma_wait3A_829 = tpu.memref_squeeze %dma_wait3A_828 : memref<1x16x8x128xf32, #tpu.memory_space<hbm>> -> memref<16x8x128xf32, #tpu.memory_space<hbm>>
    tpu.wait_dma2 semaphore(%arg37 : memref<!tpu.dma_semaphore, #tpu.memory_space<semaphore_mem>>) src(%dma_wait3A_829 : memref<16x8x128xf32, #tpu.memory_space<hbm>>) dst(%dma_wait3A_825 : memref<16x8x128xf32, #tpu.memory_space<vmem>>)
    %dma_wait3A_830 = arith.constant 1 : i32
    %dma_wait3A_831 = arith.constant 0 : i32
    %dma_wait3A_832 = arith.constant 1 : i32
    %dma_wait3A_833 = arith.constant 0 : i32
    %dma_wait3A_834 = arith.constant 0 : i32
    %dma_wait3A_835 = arith.constant 0 : i32
    %dma_wait3A_836 = tpu.memref_slice %arg12[%dma_wait3A_831, %dma_wait3A_832, %dma_wait3A_833, %dma_wait3A_834, %dma_wait3A_835] : memref<2x2x16x8x128xf32, #tpu.memory_space<vmem>> -> memref<1x1x16x8x128xf32, #tpu.memory_space<vmem>>
    %dma_wait3A_837 = tpu.memref_squeeze %dma_wait3A_836 : memref<1x1x16x8x128xf32, #tpu.memory_space<vmem>> -> memref<16x8x128xf32, #tpu.memory_space<vmem>>
    %dma_wait3A_838 = arith.constant 0 : i32
    %dma_wait3A_839 = arith.constant 0 : i32
    %dma_wait3A_840 = tpu.memref_slice %arg2[%dma_wait3A_830, %min3A_726, %dma_wait3A_838, %dma_wait3A_839] : memref<2x2500x8x128xf32, #tpu.memory_space<hbm>> -> memref<1x16x8x128xf32, #tpu.memory_space<hbm>>
    %dma_wait3A_841 = tpu.memref_squeeze %dma_wait3A_840 : memref<1x16x8x128xf32, #tpu.memory_space<hbm>> -> memref<16x8x128xf32, #tpu.memory_space<hbm>>
    %dma_wait3A_842 = arith.constant 0 : i32
    %dma_wait3A_843 = arith.constant 0 : i32
    %dma_wait3A_844 = arith.constant 0 : i32
    %dma_wait3A_845 = tpu.memref_slice %arg12[%dma_wait3A_831, %dma_wait3A_832, %dma_wait3A_842, %dma_wait3A_843, %dma_wait3A_844] : memref<2x2x16x8x128xf32, #tpu.memory_space<vmem>> -> memref<1x1x16x8x128xf32, #tpu.memory_space<vmem>>
    %dma_wait3A_846 = tpu.memref_squeeze %dma_wait3A_845 : memref<1x1x16x8x128xf32, #tpu.memory_space<vmem>> -> memref<16x8x128xf32, #tpu.memory_space<vmem>>
    %dma_wait3A_847 = arith.constant 0 : i32
    %dma_wait3A_848 = arith.constant 0 : i32
    %dma_wait3A_849 = tpu.memref_slice %arg2[%dma_wait3A_830, %min3A_726, %dma_wait3A_847, %dma_wait3A_848] : memref<2x2500x8x128xf32, #tpu.memory_space<hbm>> -> memref<1x16x8x128xf32, #tpu.memory_space<hbm>>
    %dma_wait3A_850 = tpu.memref_squeeze %dma_wait3A_849 : memref<1x16x8x128xf32, #tpu.memory_space<hbm>> -> memref<16x8x128xf32, #tpu.memory_space<hbm>>
    tpu.wait_dma2 semaphore(%arg37 : memref<!tpu.dma_semaphore, #tpu.memory_space<semaphore_mem>>) src(%dma_wait3A_850 : memref<16x8x128xf32, #tpu.memory_space<hbm>>) dst(%dma_wait3A_846 : memref<16x8x128xf32, #tpu.memory_space<vmem>>)
    %dma_wait3A_851 = arith.constant 0 : i32
    %dma_wait3A_852 = arith.constant 0 : i32
    %dma_wait3A_853 = arith.constant 0 : i32
    %dma_wait3A_854 = arith.constant 0 : i32
    %dma_wait3A_855 = tpu.memref_slice %arg11[%dma_wait3A_851, %dma_wait3A_852, %dma_wait3A_853, %dma_wait3A_854] : memref<2x16x2x128xi32, #tpu.memory_space<vmem>> -> memref<1x16x2x128xi32, #tpu.memory_space<vmem>>
    %dma_wait3A_856 = tpu.memref_squeeze %dma_wait3A_855 : memref<1x16x2x128xi32, #tpu.memory_space<vmem>> -> memref<16x2x128xi32, #tpu.memory_space<vmem>>
    %dma_wait3A_857 = arith.constant 0 : i32
    %dma_wait3A_858 = arith.constant 0 : i32
    %dma_wait3A_859 = tpu.memref_slice %arg3[%min3A_726, %dma_wait3A_857, %dma_wait3A_858] : memref<2500x2x128xi32, #tpu.memory_space<hbm>> -> memref<16x2x128xi32, #tpu.memory_space<hbm>>
    %dma_wait3A_860 = arith.constant 0 : i32
    %dma_wait3A_861 = arith.constant 0 : i32
    %dma_wait3A_862 = arith.constant 0 : i32
    %dma_wait3A_863 = tpu.memref_slice %arg11[%dma_wait3A_851, %dma_wait3A_860, %dma_wait3A_861, %dma_wait3A_862] : memref<2x16x2x128xi32, #tpu.memory_space<vmem>> -> memref<1x16x2x128xi32, #tpu.memory_space<vmem>>
    %dma_wait3A_864 = tpu.memref_squeeze %dma_wait3A_863 : memref<1x16x2x128xi32, #tpu.memory_space<vmem>> -> memref<16x2x128xi32, #tpu.memory_space<vmem>>
    %dma_wait3A_865 = arith.constant 0 : i32
    %dma_wait3A_866 = arith.constant 0 : i32
    %dma_wait3A_867 = tpu.memref_slice %arg3[%min3A_726, %dma_wait3A_865, %dma_wait3A_866] : memref<2500x2x128xi32, #tpu.memory_space<hbm>> -> memref<16x2x128xi32, #tpu.memory_space<hbm>>
    tpu.wait_dma2 semaphore(%arg39 : memref<!tpu.dma_semaphore, #tpu.memory_space<semaphore_mem>>) src(%dma_wait3A_867 : memref<16x2x128xi32, #tpu.memory_space<hbm>>) dst(%dma_wait3A_864 : memref<16x2x128xi32, #tpu.memory_space<vmem>>)
    %add3A_868 = arith.constant 48 : i32
    %add3A_869 = arith.addi %add3A_20, %add3A_868 : i32
    %min3A_870 = arith.constant 2484 : i32
    %min3A_871 = arith.minsi %add3A_869, %min3A_870 : i32
    %dma_start3A_872 = arith.constant 0 : i32
    %dma_start3A_873 = arith.constant 1 : i32
    %dma_start3A_874 = arith.constant 0 : i32
    %dma_start3A_875 = arith.constant 0 : i32
    %dma_start3A_876 = arith.constant 0 : i32
    %dma_start3A_877 = arith.constant 0 : i32
    %dma_start3A_878 = tpu.memref_slice %arg12[%dma_start3A_873, %dma_start3A_874, %dma_start3A_875, %dma_start3A_876, %dma_start3A_877] : memref<2x2x16x8x128xf32, #tpu.memory_space<vmem>> -> memref<1x1x16x8x128xf32, #tpu.memory_space<vmem>>
    %dma_start3A_879 = tpu.memref_squeeze %dma_start3A_878 : memref<1x1x16x8x128xf32, #tpu.memory_space<vmem>> -> memref<16x8x128xf32, #tpu.memory_space<vmem>>
    %dma_start3A_880 = arith.constant 0 : i32
    %dma_start3A_881 = arith.constant 0 : i32
    %dma_start3A_882 = tpu.memref_slice %arg2[%dma_start3A_872, %min3A_871, %dma_start3A_880, %dma_start3A_881] : memref<2x2500x8x128xf32, #tpu.memory_space<hbm>> -> memref<1x16x8x128xf32, #tpu.memory_space<hbm>>
    %dma_start3A_883 = tpu.memref_squeeze %dma_start3A_882 : memref<1x16x8x128xf32, #tpu.memory_space<hbm>> -> memref<16x8x128xf32, #tpu.memory_space<hbm>>
    %dma_start3A_884 = arith.constant 0 : i32
    %dma_start3A_885 = arith.constant 0 : i32
    %dma_start3A_886 = arith.constant 0 : i32
    %dma_start3A_887 = tpu.memref_slice %arg12[%dma_start3A_873, %dma_start3A_874, %dma_start3A_884, %dma_start3A_885, %dma_start3A_886] : memref<2x2x16x8x128xf32, #tpu.memory_space<vmem>> -> memref<1x1x16x8x128xf32, #tpu.memory_space<vmem>>
    %dma_start3A_888 = tpu.memref_squeeze %dma_start3A_887 : memref<1x1x16x8x128xf32, #tpu.memory_space<vmem>> -> memref<16x8x128xf32, #tpu.memory_space<vmem>>
    %dma_start3A_889 = arith.constant 0 : i32
    %dma_start3A_890 = arith.constant 0 : i32
    %dma_start3A_891 = tpu.memref_slice %arg2[%dma_start3A_872, %min3A_871, %dma_start3A_889, %dma_start3A_890] : memref<2x2500x8x128xf32, #tpu.memory_space<hbm>> -> memref<1x16x8x128xf32, #tpu.memory_space<hbm>>
    %dma_start3A_892 = tpu.memref_squeeze %dma_start3A_891 : memref<1x16x8x128xf32, #tpu.memory_space<hbm>> -> memref<16x8x128xf32, #tpu.memory_space<hbm>>
    tpu.enqueue_dma source(%dma_start3A_892 : memref<16x8x128xf32, #tpu.memory_space<hbm>>) target(%dma_start3A_888 : memref<16x8x128xf32, #tpu.memory_space<vmem>>) target_semaphore(%arg38 : memref<!tpu.dma_semaphore, #tpu.memory_space<semaphore_mem>>)
    %dma_start3A_893 = arith.constant 1 : i32
    %dma_start3A_894 = arith.constant 1 : i32
    %dma_start3A_895 = arith.constant 1 : i32
    %dma_start3A_896 = arith.constant 0 : i32
    %dma_start3A_897 = arith.constant 0 : i32
    %dma_start3A_898 = arith.constant 0 : i32
    %dma_start3A_899 = tpu.memref_slice %arg12[%dma_start3A_894, %dma_start3A_895, %dma_start3A_896, %dma_start3A_897, %dma_start3A_898] : memref<2x2x16x8x128xf32, #tpu.memory_space<vmem>> -> memref<1x1x16x8x128xf32, #tpu.memory_space<vmem>>
    %dma_start3A_900 = tpu.memref_squeeze %dma_start3A_899 : memref<1x1x16x8x128xf32, #tpu.memory_space<vmem>> -> memref<16x8x128xf32, #tpu.memory_space<vmem>>
    %dma_start3A_901 = arith.constant 0 : i32
    %dma_start3A_902 = arith.constant 0 : i32
    %dma_start3A_903 = tpu.memref_slice %arg2[%dma_start3A_893, %min3A_871, %dma_start3A_901, %dma_start3A_902] : memref<2x2500x8x128xf32, #tpu.memory_space<hbm>> -> memref<1x16x8x128xf32, #tpu.memory_space<hbm>>
    %dma_start3A_904 = tpu.memref_squeeze %dma_start3A_903 : memref<1x16x8x128xf32, #tpu.memory_space<hbm>> -> memref<16x8x128xf32, #tpu.memory_space<hbm>>
    %dma_start3A_905 = arith.constant 0 : i32
    %dma_start3A_906 = arith.constant 0 : i32
    %dma_start3A_907 = arith.constant 0 : i32
    %dma_start3A_908 = tpu.memref_slice %arg12[%dma_start3A_894, %dma_start3A_895, %dma_start3A_905, %dma_start3A_906, %dma_start3A_907] : memref<2x2x16x8x128xf32, #tpu.memory_space<vmem>> -> memref<1x1x16x8x128xf32, #tpu.memory_space<vmem>>
    %dma_start3A_909 = tpu.memref_squeeze %dma_start3A_908 : memref<1x1x16x8x128xf32, #tpu.memory_space<vmem>> -> memref<16x8x128xf32, #tpu.memory_space<vmem>>
    %dma_start3A_910 = arith.constant 0 : i32
    %dma_start3A_911 = arith.constant 0 : i32
    %dma_start3A_912 = tpu.memref_slice %arg2[%dma_start3A_893, %min3A_871, %dma_start3A_910, %dma_start3A_911] : memref<2x2500x8x128xf32, #tpu.memory_space<hbm>> -> memref<1x16x8x128xf32, #tpu.memory_space<hbm>>
    %dma_start3A_913 = tpu.memref_squeeze %dma_start3A_912 : memref<1x16x8x128xf32, #tpu.memory_space<hbm>> -> memref<16x8x128xf32, #tpu.memory_space<hbm>>
    tpu.enqueue_dma source(%dma_start3A_913 : memref<16x8x128xf32, #tpu.memory_space<hbm>>) target(%dma_start3A_909 : memref<16x8x128xf32, #tpu.memory_space<vmem>>) target_semaphore(%arg38 : memref<!tpu.dma_semaphore, #tpu.memory_space<semaphore_mem>>)
    %dma_start3A_914 = arith.constant 1 : i32
    %dma_start3A_915 = arith.constant 0 : i32
    %dma_start3A_916 = arith.constant 0 : i32
    %dma_start3A_917 = arith.constant 0 : i32
    %dma_start3A_918 = tpu.memref_slice %arg11[%dma_start3A_914, %dma_start3A_915, %dma_start3A_916, %dma_start3A_917] : memref<2x16x2x128xi32, #tpu.memory_space<vmem>> -> memref<1x16x2x128xi32, #tpu.memory_space<vmem>>
    %dma_start3A_919 = tpu.memref_squeeze %dma_start3A_918 : memref<1x16x2x128xi32, #tpu.memory_space<vmem>> -> memref<16x2x128xi32, #tpu.memory_space<vmem>>
    %dma_start3A_920 = arith.constant 0 : i32
    %dma_start3A_921 = arith.constant 0 : i32
    %dma_start3A_922 = tpu.memref_slice %arg3[%min3A_871, %dma_start3A_920, %dma_start3A_921] : memref<2500x2x128xi32, #tpu.memory_space<hbm>> -> memref<16x2x128xi32, #tpu.memory_space<hbm>>
    %dma_start3A_923 = arith.constant 0 : i32
    %dma_start3A_924 = arith.constant 0 : i32
    %dma_start3A_925 = arith.constant 0 : i32
    %dma_start3A_926 = tpu.memref_slice %arg11[%dma_start3A_914, %dma_start3A_923, %dma_start3A_924, %dma_start3A_925] : memref<2x16x2x128xi32, #tpu.memory_space<vmem>> -> memref<1x16x2x128xi32, #tpu.memory_space<vmem>>
    %dma_start3A_927 = tpu.memref_squeeze %dma_start3A_926 : memref<1x16x2x128xi32, #tpu.memory_space<vmem>> -> memref<16x2x128xi32, #tpu.memory_space<vmem>>
    %dma_start3A_928 = arith.constant 0 : i32
    %dma_start3A_929 = arith.constant 0 : i32
    %dma_start3A_930 = tpu.memref_slice %arg3[%min3A_871, %dma_start3A_928, %dma_start3A_929] : memref<2500x2x128xi32, #tpu.memory_space<hbm>> -> memref<16x2x128xi32, #tpu.memory_space<hbm>>
    tpu.enqueue_dma source(%dma_start3A_930 : memref<16x2x128xi32, #tpu.memory_space<hbm>>) target(%dma_start3A_927 : memref<16x2x128xi32, #tpu.memory_space<vmem>>) target_semaphore(%arg40 : memref<!tpu.dma_semaphore, #tpu.memory_space<semaphore_mem>>)
    %add3A_931 = arith.constant 32 : i32
    %add3A_932 = arith.addi %add3A_20, %add3A_931 : i32
    %add3A_933 = arith.constant 32 : i32
    %add3A_934 = arith.addi %add3A_20, %add3A_933 : i32
    %min3A_935 = arith.constant 2484 : i32
    %min3A_936 = arith.minsi %add3A_934, %min3A_935 : i32
    %sub3A_937 = arith.subi %add3A_932, %min3A_936 : i32
    %sub3A_938 = arith.constant 32 : i32
    %sub3A_939 = arith.subi %add3A_24, %sub3A_938 : i32
    %jit3A_940 = arith.constant 0 : i32
    %jit3A_941 = arith.constant 16 : i32
    %max3A_942 = arith.maxsi %jit3A_940, %sub3A_939 : i32
    %min3A_943 = arith.minsi %jit3A_941, %max3A_942 : i32
    %add3A_944 = arith.addi %sub3A_937, %min3A_943 : i32
    %while3A_945 = arith.constant 0 : i32
    %while3A_946 = arith.subi %add3A_944, %sub3A_937 : i32
    %while3A_947 = arith.addi %sub3A_937, %while3A_946 : i32
    %while3A_948 = arith.constant 1 : i32
    %while3A_949 = arith.divsi %while3A_946, %while3A_948 : i32
    %while3A_950 = arith.muli %while3A_949, %while3A_948 : i32
    %while3A_951 = arith.addi %sub3A_937, %while3A_950 : i32
    %while3A_952 = arith.constant 1 : i32
    scf.for %while3A_1850 = %sub3A_937 to %while3A_951 step %while3A_952  : i32 {
      %scan3A_1851 = arith.constant 0 : i32
      %scan3A_1852 = arith.constant 0 : i32
      %scan3A_1853 = arith.constant 8 : i32
      %scan3A_1854 = arith.addi %scan3A_1852, %scan3A_1853 : i32
      %scan3A_1855 = arith.constant 1 : i32
      scf.for %scan3A_1857 = %scan3A_1852 to %scan3A_1854 step %scan3A_1855  : i32 {
        %mul3A_1858 = arith.constant 16 : i32
        %mul3A_1859 = arith.muli %scan3A_1857, %mul3A_1858 : i32
        %get3A_1860 = arith.constant 0 : i32
        %get3A_1861 = arith.constant 0 : i32
        %get3A_1862 = arith.index_cast %get3A_1860 : i32 to index
        %get3A_1863 = arith.index_cast %while3A_1850 : i32 to index
        %get3A_1864 = arith.index_cast %get3A_1861 : i32 to index
        %get3A_1865 = arith.index_cast %mul3A_1859 : i32 to index
        %get3A_1866 = tpu.vector_load %arg11[%get3A_1862, %get3A_1863, %get3A_1864, %get3A_1865] {strides = array<i32>} : memref<2x16x2x128xi32, #tpu.memory_space<vmem>>, vector<16xi32>,
        %gather3A = tpu.vector_load_idx %arg10[%get3A_1866] : memref<10240xi32, #tpu.memory_space<vmem>>[vector<16xi32>], vector<16xi32>,
        %mul3A_1867 = arith.constant 16 : i32
        %mul3A_1868 = arith.muli %scan3A_1857, %mul3A_1867 : i32
        %get3A_1869 = arith.constant 0 : i32
        %get3A_1870 = arith.constant 0 : i32
        %get3A_1871 = arith.constant 0 : i32
        %get3A_1872 = arith.index_cast %get3A_1869 : i32 to index
        %get3A_1873 = arith.index_cast %get3A_1870 : i32 to index
        %get3A_1874 = arith.index_cast %while3A_1850 : i32 to index
        %get3A_1875 = arith.index_cast %get3A_1871 : i32 to index
        %get3A_1876 = arith.index_cast %mul3A_1868 : i32 to index
        %get3A_1877 = tpu.vector_load %arg12[%get3A_1872, %get3A_1873, %get3A_1874, %get3A_1875, %get3A_1876] {strides = array<i32>} : memref<2x2x16x8x128xf32, #tpu.memory_space<vmem>>, vector<16xf32>,
        %mul3A_1878 = arith.constant 16 : i32
        %mul3A_1879 = arith.muli %scan3A_1857, %mul3A_1878 : i32
        %get3A_1880 = arith.constant 0 : i32
        %get3A_1881 = arith.constant 0 : i32
        %get3A_1882 = arith.constant 1 : i32
        %get3A_1883 = arith.index_cast %get3A_1880 : i32 to index
        %get3A_1884 = arith.index_cast %get3A_1881 : i32 to index
        %get3A_1885 = arith.index_cast %while3A_1850 : i32 to index
        %get3A_1886 = arith.index_cast %get3A_1882 : i32 to index
        %get3A_1887 = arith.index_cast %mul3A_1879 : i32 to index
        %get3A_1888 = tpu.vector_load %arg12[%get3A_1883, %get3A_1884, %get3A_1885, %get3A_1886, %get3A_1887] {strides = array<i32>} : memref<2x2x16x8x128xf32, #tpu.memory_space<vmem>>, vector<16xf32>,
        %mul3A_1889 = arith.constant 16 : i32
        %mul3A_1890 = arith.muli %scan3A_1857, %mul3A_1889 : i32
        %get3A_1891 = arith.constant 0 : i32
        %get3A_1892 = arith.constant 0 : i32
        %get3A_1893 = arith.constant 2 : i32
        %get3A_1894 = arith.index_cast %get3A_1891 : i32 to index
        %get3A_1895 = arith.index_cast %get3A_1892 : i32 to index
        %get3A_1896 = arith.index_cast %while3A_1850 : i32 to index
        %get3A_1897 = arith.index_cast %get3A_1893 : i32 to index
        %get3A_1898 = arith.index_cast %mul3A_1890 : i32 to index
        %get3A_1899 = tpu.vector_load %arg12[%get3A_1894, %get3A_1895, %get3A_1896, %get3A_1897, %get3A_1898] {strides = array<i32>} : memref<2x2x16x8x128xf32, #tpu.memory_space<vmem>>, vector<16xf32>,
        %mul3A_1900 = arith.constant 16 : i32
        %mul3A_1901 = arith.muli %scan3A_1857, %mul3A_1900 : i32
        %get3A_1902 = arith.constant 0 : i32
        %get3A_1903 = arith.constant 0 : i32
        %get3A_1904 = arith.constant 3 : i32
        %get3A_1905 = arith.index_cast %get3A_1902 : i32 to index
        %get3A_1906 = arith.index_cast %get3A_1903 : i32 to index
        %get3A_1907 = arith.index_cast %while3A_1850 : i32 to index
        %get3A_1908 = arith.index_cast %get3A_1904 : i32 to index
        %get3A_1909 = arith.index_cast %mul3A_1901 : i32 to index
        %get3A_1910 = tpu.vector_load %arg12[%get3A_1905, %get3A_1906, %get3A_1907, %get3A_1908, %get3A_1909] {strides = array<i32>} : memref<2x2x16x8x128xf32, #tpu.memory_space<vmem>>, vector<16xf32>,
        %mul3A_1911 = arith.constant 16 : i32
        %mul3A_1912 = arith.muli %scan3A_1857, %mul3A_1911 : i32
        %get3A_1913 = arith.constant 0 : i32
        %get3A_1914 = arith.constant 0 : i32
        %get3A_1915 = arith.constant 4 : i32
        %get3A_1916 = arith.index_cast %get3A_1913 : i32 to index
        %get3A_1917 = arith.index_cast %get3A_1914 : i32 to index
        %get3A_1918 = arith.index_cast %while3A_1850 : i32 to index
        %get3A_1919 = arith.index_cast %get3A_1915 : i32 to index
        %get3A_1920 = arith.index_cast %mul3A_1912 : i32 to index
        %get3A_1921 = tpu.vector_load %arg12[%get3A_1916, %get3A_1917, %get3A_1918, %get3A_1919, %get3A_1920] {strides = array<i32>} : memref<2x2x16x8x128xf32, #tpu.memory_space<vmem>>, vector<16xf32>,
        %mul3A_1922 = arith.constant 16 : i32
        %mul3A_1923 = arith.muli %scan3A_1857, %mul3A_1922 : i32
        %get3A_1924 = arith.constant 0 : i32
        %get3A_1925 = arith.constant 0 : i32
        %get3A_1926 = arith.constant 5 : i32
        %get3A_1927 = arith.index_cast %get3A_1924 : i32 to index
        %get3A_1928 = arith.index_cast %get3A_1925 : i32 to index
        %get3A_1929 = arith.index_cast %while3A_1850 : i32 to index
        %get3A_1930 = arith.index_cast %get3A_1926 : i32 to index
        %get3A_1931 = arith.index_cast %mul3A_1923 : i32 to index
        %get3A_1932 = tpu.vector_load %arg12[%get3A_1927, %get3A_1928, %get3A_1929, %get3A_1930, %get3A_1931] {strides = array<i32>} : memref<2x2x16x8x128xf32, #tpu.memory_space<vmem>>, vector<16xf32>,
        %mul3A_1933 = arith.constant 16 : i32
        %mul3A_1934 = arith.muli %scan3A_1857, %mul3A_1933 : i32
        %get3A_1935 = arith.constant 0 : i32
        %get3A_1936 = arith.constant 0 : i32
        %get3A_1937 = arith.constant 6 : i32
        %get3A_1938 = arith.index_cast %get3A_1935 : i32 to index
        %get3A_1939 = arith.index_cast %get3A_1936 : i32 to index
        %get3A_1940 = arith.index_cast %while3A_1850 : i32 to index
        %get3A_1941 = arith.index_cast %get3A_1937 : i32 to index
        %get3A_1942 = arith.index_cast %mul3A_1934 : i32 to index
        %get3A_1943 = tpu.vector_load %arg12[%get3A_1938, %get3A_1939, %get3A_1940, %get3A_1941, %get3A_1942] {strides = array<i32>} : memref<2x2x16x8x128xf32, #tpu.memory_space<vmem>>, vector<16xf32>,
        %mul3A_1944 = arith.constant 16 : i32
        %mul3A_1945 = arith.muli %scan3A_1857, %mul3A_1944 : i32
        %get3A_1946 = arith.constant 0 : i32
        %get3A_1947 = arith.constant 0 : i32
        %get3A_1948 = arith.constant 7 : i32
        %get3A_1949 = arith.index_cast %get3A_1946 : i32 to index
        %get3A_1950 = arith.index_cast %get3A_1947 : i32 to index
        %get3A_1951 = arith.index_cast %while3A_1850 : i32 to index
        %get3A_1952 = arith.index_cast %get3A_1948 : i32 to index
        %get3A_1953 = arith.index_cast %mul3A_1945 : i32 to index
        %get3A_1954 = tpu.vector_load %arg12[%get3A_1949, %get3A_1950, %get3A_1951, %get3A_1952, %get3A_1953] {strides = array<i32>} : memref<2x2x16x8x128xf32, #tpu.memory_space<vmem>>, vector<16xf32>,
        %mul3A_1955 = arith.constant 16 : i32
        %mul3A_1956 = arith.muli %scan3A_1857, %mul3A_1955 : i32
        %get3A_1957 = arith.constant 0 : i32
        %get3A_1958 = arith.constant 1 : i32
        %get3A_1959 = arith.constant 0 : i32
        %get3A_1960 = arith.index_cast %get3A_1957 : i32 to index
        %get3A_1961 = arith.index_cast %get3A_1958 : i32 to index
        %get3A_1962 = arith.index_cast %while3A_1850 : i32 to index
        %get3A_1963 = arith.index_cast %get3A_1959 : i32 to index
        %get3A_1964 = arith.index_cast %mul3A_1956 : i32 to index
        %get3A_1965 = tpu.vector_load %arg12[%get3A_1960, %get3A_1961, %get3A_1962, %get3A_1963, %get3A_1964] {strides = array<i32>} : memref<2x2x16x8x128xf32, #tpu.memory_space<vmem>>, vector<16xf32>,
        %mul3A_1966 = arith.constant 16 : i32
        %mul3A_1967 = arith.muli %scan3A_1857, %mul3A_1966 : i32
        %get3A_1968 = arith.constant 0 : i32
        %get3A_1969 = arith.constant 1 : i32
        %get3A_1970 = arith.constant 1 : i32
        %get3A_1971 = arith.index_cast %get3A_1968 : i32 to index
        %get3A_1972 = arith.index_cast %get3A_1969 : i32 to index
        %get3A_1973 = arith.index_cast %while3A_1850 : i32 to index
        %get3A_1974 = arith.index_cast %get3A_1970 : i32 to index
        %get3A_1975 = arith.index_cast %mul3A_1967 : i32 to index
        %get3A_1976 = tpu.vector_load %arg12[%get3A_1971, %get3A_1972, %get3A_1973, %get3A_1974, %get3A_1975] {strides = array<i32>} : memref<2x2x16x8x128xf32, #tpu.memory_space<vmem>>, vector<16xf32>,
        %mul3A_1977 = arith.constant 16 : i32
        %mul3A_1978 = arith.muli %scan3A_1857, %mul3A_1977 : i32
        %get3A_1979 = arith.constant 0 : i32
        %get3A_1980 = arith.constant 1 : i32
        %get3A_1981 = arith.constant 2 : i32
        %get3A_1982 = arith.index_cast %get3A_1979 : i32 to index
        %get3A_1983 = arith.index_cast %get3A_1980 : i32 to index
        %get3A_1984 = arith.index_cast %while3A_1850 : i32 to index
        %get3A_1985 = arith.index_cast %get3A_1981 : i32 to index
        %get3A_1986 = arith.index_cast %mul3A_1978 : i32 to index
        %get3A_1987 = tpu.vector_load %arg12[%get3A_1982, %get3A_1983, %get3A_1984, %get3A_1985, %get3A_1986] {strides = array<i32>} : memref<2x2x16x8x128xf32, #tpu.memory_space<vmem>>, vector<16xf32>,
        %mul3A_1988 = arith.constant 16 : i32
        %mul3A_1989 = arith.muli %scan3A_1857, %mul3A_1988 : i32
        %get3A_1990 = arith.constant 0 : i32
        %get3A_1991 = arith.constant 1 : i32
        %get3A_1992 = arith.constant 3 : i32
        %get3A_1993 = arith.index_cast %get3A_1990 : i32 to index
        %get3A_1994 = arith.index_cast %get3A_1991 : i32 to index
        %get3A_1995 = arith.index_cast %while3A_1850 : i32 to index
        %get3A_1996 = arith.index_cast %get3A_1992 : i32 to index
        %get3A_1997 = arith.index_cast %mul3A_1989 : i32 to index
        %get3A_1998 = tpu.vector_load %arg12[%get3A_1993, %get3A_1994, %get3A_1995, %get3A_1996, %get3A_1997] {strides = array<i32>} : memref<2x2x16x8x128xf32, #tpu.memory_space<vmem>>, vector<16xf32>,
        %mul3A_1999 = arith.constant 16 : i32
        %mul3A_2000 = arith.muli %scan3A_1857, %mul3A_1999 : i32
        %get3A_2001 = arith.constant 0 : i32
        %get3A_2002 = arith.constant 1 : i32
        %get3A_2003 = arith.constant 4 : i32
        %get3A_2004 = arith.index_cast %get3A_2001 : i32 to index
        %get3A_2005 = arith.index_cast %get3A_2002 : i32 to index
        %get3A_2006 = arith.index_cast %while3A_1850 : i32 to index
        %get3A_2007 = arith.index_cast %get3A_2003 : i32 to index
        %get3A_2008 = arith.index_cast %mul3A_2000 : i32 to index
        %get3A_2009 = tpu.vector_load %arg12[%get3A_2004, %get3A_2005, %get3A_2006, %get3A_2007, %get3A_2008] {strides = array<i32>} : memref<2x2x16x8x128xf32, #tpu.memory_space<vmem>>, vector<16xf32>,
        %mul3A_2010 = arith.constant 16 : i32
        %mul3A_2011 = arith.muli %scan3A_1857, %mul3A_2010 : i32
        %get3A_2012 = arith.constant 0 : i32
        %get3A_2013 = arith.constant 1 : i32
        %get3A_2014 = arith.constant 5 : i32
        %get3A_2015 = arith.index_cast %get3A_2012 : i32 to index
        %get3A_2016 = arith.index_cast %get3A_2013 : i32 to index
        %get3A_2017 = arith.index_cast %while3A_1850 : i32 to index
        %get3A_2018 = arith.index_cast %get3A_2014 : i32 to index
        %get3A_2019 = arith.index_cast %mul3A_2011 : i32 to index
        %get3A_2020 = tpu.vector_load %arg12[%get3A_2015, %get3A_2016, %get3A_2017, %get3A_2018, %get3A_2019] {strides = array<i32>} : memref<2x2x16x8x128xf32, #tpu.memory_space<vmem>>, vector<16xf32>,
        %mul3A_2021 = arith.constant 16 : i32
        %mul3A_2022 = arith.muli %scan3A_1857, %mul3A_2021 : i32
        %get3A_2023 = arith.constant 0 : i32
        %get3A_2024 = arith.constant 1 : i32
        %get3A_2025 = arith.constant 6 : i32
        %get3A_2026 = arith.index_cast %get3A_2023 : i32 to index
        %get3A_2027 = arith.index_cast %get3A_2024 : i32 to index
        %get3A_2028 = arith.index_cast %while3A_1850 : i32 to index
        %get3A_2029 = arith.index_cast %get3A_2025 : i32 to index
        %get3A_2030 = arith.index_cast %mul3A_2022 : i32 to index
        %get3A_2031 = tpu.vector_load %arg12[%get3A_2026, %get3A_2027, %get3A_2028, %get3A_2029, %get3A_2030] {strides = array<i32>} : memref<2x2x16x8x128xf32, #tpu.memory_space<vmem>>, vector<16xf32>,
        %mul3A_2032 = arith.constant 16 : i32
        %mul3A_2033 = arith.muli %scan3A_1857, %mul3A_2032 : i32
        %get3A_2034 = arith.constant 0 : i32
        %get3A_2035 = arith.constant 1 : i32
        %get3A_2036 = arith.constant 7 : i32
        %get3A_2037 = arith.index_cast %get3A_2034 : i32 to index
        %get3A_2038 = arith.index_cast %get3A_2035 : i32 to index
        %get3A_2039 = arith.index_cast %while3A_1850 : i32 to index
        %get3A_2040 = arith.index_cast %get3A_2036 : i32 to index
        %get3A_2041 = arith.index_cast %mul3A_2033 : i32 to index
        %get3A_2042 = tpu.vector_load %arg12[%get3A_2037, %get3A_2038, %get3A_2039, %get3A_2040, %get3A_2041] {strides = array<i32>} : memref<2x2x16x8x128xf32, #tpu.memory_space<vmem>>, vector<16xf32>,
        tpu.vector_store_idx %arg31[%gather3A], %broadcast_in_dim3A_3 {add = true} : memref<128xf32, #tpu.memory_space<vmem>>[vector<16xi32>], vector<16xf32>,
        tpu.vector_store_idx %arg15[%gather3A], %get3A_1877 {add = true} : memref<64xf32, #tpu.memory_space<vmem>>[vector<16xi32>], vector<16xf32>,
        tpu.vector_store_idx %arg16[%gather3A], %get3A_1888 {add = true} : memref<64xf32, #tpu.memory_space<vmem>>[vector<16xi32>], vector<16xf32>,
        tpu.vector_store_idx %arg17[%gather3A], %get3A_1899 {add = true} : memref<64xf32, #tpu.memory_space<vmem>>[vector<16xi32>], vector<16xf32>,
        tpu.vector_store_idx %arg18[%gather3A], %get3A_1910 {add = true} : memref<64xf32, #tpu.memory_space<vmem>>[vector<16xi32>], vector<16xf32>,
        tpu.vector_store_idx %arg19[%gather3A], %get3A_1921 {add = true} : memref<64xf32, #tpu.memory_space<vmem>>[vector<16xi32>], vector<16xf32>,
        tpu.vector_store_idx %arg20[%gather3A], %get3A_1932 {add = true} : memref<64xf32, #tpu.memory_space<vmem>>[vector<16xi32>], vector<16xf32>,
        tpu.vector_store_idx %arg21[%gather3A], %get3A_1943 {add = true} : memref<64xf32, #tpu.memory_space<vmem>>[vector<16xi32>], vector<16xf32>,
        tpu.vector_store_idx %arg22[%gather3A], %get3A_1954 {add = true} : memref<64xf32, #tpu.memory_space<vmem>>[vector<16xi32>], vector<16xf32>,
        tpu.vector_store_idx %arg23[%gather3A], %get3A_1965 {add = true} : memref<64xf32, #tpu.memory_space<vmem>>[vector<16xi32>], vector<16xf32>,
        tpu.vector_store_idx %arg24[%gather3A], %get3A_1976 {add = true} : memref<64xf32, #tpu.memory_space<vmem>>[vector<16xi32>], vector<16xf32>,
        tpu.vector_store_idx %arg25[%gather3A], %get3A_1987 {add = true} : memref<64xf32, #tpu.memory_space<vmem>>[vector<16xi32>], vector<16xf32>,
        tpu.vector_store_idx %arg26[%gather3A], %get3A_1998 {add = true} : memref<64xf32, #tpu.memory_space<vmem>>[vector<16xi32>], vector<16xf32>,
        tpu.vector_store_idx %arg27[%gather3A], %get3A_2009 {add = true} : memref<64xf32, #tpu.memory_space<vmem>>[vector<16xi32>], vector<16xf32>,
        tpu.vector_store_idx %arg28[%gather3A], %get3A_2020 {add = true} : memref<64xf32, #tpu.memory_space<vmem>>[vector<16xi32>], vector<16xf32>,
        tpu.vector_store_idx %arg29[%gather3A], %get3A_2031 {add = true} : memref<64xf32, #tpu.memory_space<vmem>>[vector<16xi32>], vector<16xf32>,
        tpu.vector_store_idx %arg30[%gather3A], %get3A_2042 {add = true} : memref<64xf32, #tpu.memory_space<vmem>>[vector<16xi32>], vector<16xf32>,
      }
      %scan3A_1856 = arith.constant 8 : i32
    }
    %while3A_953 = arith.constant 1 : i32
    scf.for %while3A_1850 = %while3A_951 to %while3A_947 step %while3A_953  : i32 {
      %scan3A_1851 = arith.constant 0 : i32
      %scan3A_1852 = arith.constant 0 : i32
      %scan3A_1853 = arith.constant 8 : i32
      %scan3A_1854 = arith.addi %scan3A_1852, %scan3A_1853 : i32
      %scan3A_1855 = arith.constant 1 : i32
      scf.for %scan3A_1857 = %scan3A_1852 to %scan3A_1854 step %scan3A_1855  : i32 {
        %mul3A_1858 = arith.constant 16 : i32
        %mul3A_1859 = arith.muli %scan3A_1857, %mul3A_1858 : i32
        %get3A_1860 = arith.constant 0 : i32
        %get3A_1861 = arith.constant 0 : i32
        %get3A_1862 = arith.index_cast %get3A_1860 : i32 to index
        %get3A_1863 = arith.index_cast %while3A_1850 : i32 to index
        %get3A_1864 = arith.index_cast %get3A_1861 : i32 to index
        %get3A_1865 = arith.index_cast %mul3A_1859 : i32 to index
        %get3A_1866 = tpu.vector_load %arg11[%get3A_1862, %get3A_1863, %get3A_1864, %get3A_1865] {strides = array<i32>} : memref<2x16x2x128xi32, #tpu.memory_space<vmem>>, vector<16xi32>,
        %gather3A = tpu.vector_load_idx %arg10[%get3A_1866] : memref<10240xi32, #tpu.memory_space<vmem>>[vector<16xi32>], vector<16xi32>,
        %mul3A_1867 = arith.constant 16 : i32
        %mul3A_1868 = arith.muli %scan3A_1857, %mul3A_1867 : i32
        %get3A_1869 = arith.constant 0 : i32
        %get3A_1870 = arith.constant 0 : i32
        %get3A_1871 = arith.constant 0 : i32
        %get3A_1872 = arith.index_cast %get3A_1869 : i32 to index
        %get3A_1873 = arith.index_cast %get3A_1870 : i32 to index
        %get3A_1874 = arith.index_cast %while3A_1850 : i32 to index
        %get3A_1875 = arith.index_cast %get3A_1871 : i32 to index
        %get3A_1876 = arith.index_cast %mul3A_1868 : i32 to index
        %get3A_1877 = tpu.vector_load %arg12[%get3A_1872, %get3A_1873, %get3A_1874, %get3A_1875, %get3A_1876] {strides = array<i32>} : memref<2x2x16x8x128xf32, #tpu.memory_space<vmem>>, vector<16xf32>,
        %mul3A_1878 = arith.constant 16 : i32
        %mul3A_1879 = arith.muli %scan3A_1857, %mul3A_1878 : i32
        %get3A_1880 = arith.constant 0 : i32
        %get3A_1881 = arith.constant 0 : i32
        %get3A_1882 = arith.constant 1 : i32
        %get3A_1883 = arith.index_cast %get3A_1880 : i32 to index
        %get3A_1884 = arith.index_cast %get3A_1881 : i32 to index
        %get3A_1885 = arith.index_cast %while3A_1850 : i32 to index
        %get3A_1886 = arith.index_cast %get3A_1882 : i32 to index
        %get3A_1887 = arith.index_cast %mul3A_1879 : i32 to index
        %get3A_1888 = tpu.vector_load %arg12[%get3A_1883, %get3A_1884, %get3A_1885, %get3A_1886, %get3A_1887] {strides = array<i32>} : memref<2x2x16x8x128xf32, #tpu.memory_space<vmem>>, vector<16xf32>,
        %mul3A_1889 = arith.constant 16 : i32
        %mul3A_1890 = arith.muli %scan3A_1857, %mul3A_1889 : i32
        %get3A_1891 = arith.constant 0 : i32
        %get3A_1892 = arith.constant 0 : i32
        %get3A_1893 = arith.constant 2 : i32
        %get3A_1894 = arith.index_cast %get3A_1891 : i32 to index
        %get3A_1895 = arith.index_cast %get3A_1892 : i32 to index
        %get3A_1896 = arith.index_cast %while3A_1850 : i32 to index
        %get3A_1897 = arith.index_cast %get3A_1893 : i32 to index
        %get3A_1898 = arith.index_cast %mul3A_1890 : i32 to index
        %get3A_1899 = tpu.vector_load %arg12[%get3A_1894, %get3A_1895, %get3A_1896, %get3A_1897, %get3A_1898] {strides = array<i32>} : memref<2x2x16x8x128xf32, #tpu.memory_space<vmem>>, vector<16xf32>,
        %mul3A_1900 = arith.constant 16 : i32
        %mul3A_1901 = arith.muli %scan3A_1857, %mul3A_1900 : i32
        %get3A_1902 = arith.constant 0 : i32
        %get3A_1903 = arith.constant 0 : i32
        %get3A_1904 = arith.constant 3 : i32
        %get3A_1905 = arith.index_cast %get3A_1902 : i32 to index
        %get3A_1906 = arith.index_cast %get3A_1903 : i32 to index
        %get3A_1907 = arith.index_cast %while3A_1850 : i32 to index
        %get3A_1908 = arith.index_cast %get3A_1904 : i32 to index
        %get3A_1909 = arith.index_cast %mul3A_1901 : i32 to index
        %get3A_1910 = tpu.vector_load %arg12[%get3A_1905, %get3A_1906, %get3A_1907, %get3A_1908, %get3A_1909] {strides = array<i32>} : memref<2x2x16x8x128xf32, #tpu.memory_space<vmem>>, vector<16xf32>,
        %mul3A_1911 = arith.constant 16 : i32
        %mul3A_1912 = arith.muli %scan3A_1857, %mul3A_1911 : i32
        %get3A_1913 = arith.constant 0 : i32
        %get3A_1914 = arith.constant 0 : i32
        %get3A_1915 = arith.constant 4 : i32
        %get3A_1916 = arith.index_cast %get3A_1913 : i32 to index
        %get3A_1917 = arith.index_cast %get3A_1914 : i32 to index
        %get3A_1918 = arith.index_cast %while3A_1850 : i32 to index
        %get3A_1919 = arith.index_cast %get3A_1915 : i32 to index
        %get3A_1920 = arith.index_cast %mul3A_1912 : i32 to index
        %get3A_1921 = tpu.vector_load %arg12[%get3A_1916, %get3A_1917, %get3A_1918, %get3A_1919, %get3A_1920] {strides = array<i32>} : memref<2x2x16x8x128xf32, #tpu.memory_space<vmem>>, vector<16xf32>,
        %mul3A_1922 = arith.constant 16 : i32
        %mul3A_1923 = arith.muli %scan3A_1857, %mul3A_1922 : i32
        %get3A_1924 = arith.constant 0 : i32
        %get3A_1925 = arith.constant 0 : i32
        %get3A_1926 = arith.constant 5 : i32
        %get3A_1927 = arith.index_cast %get3A_1924 : i32 to index
        %get3A_1928 = arith.index_cast %get3A_1925 : i32 to index
        %get3A_1929 = arith.index_cast %while3A_1850 : i32 to index
        %get3A_1930 = arith.index_cast %get3A_1926 : i32 to index
        %get3A_1931 = arith.index_cast %mul3A_1923 : i32 to index
        %get3A_1932 = tpu.vector_load %arg12[%get3A_1927, %get3A_1928, %get3A_1929, %get3A_1930, %get3A_1931] {strides = array<i32>} : memref<2x2x16x8x128xf32, #tpu.memory_space<vmem>>, vector<16xf32>,
        %mul3A_1933 = arith.constant 16 : i32
        %mul3A_1934 = arith.muli %scan3A_1857, %mul3A_1933 : i32
        %get3A_1935 = arith.constant 0 : i32
        %get3A_1936 = arith.constant 0 : i32
        %get3A_1937 = arith.constant 6 : i32
        %get3A_1938 = arith.index_cast %get3A_1935 : i32 to index
        %get3A_1939 = arith.index_cast %get3A_1936 : i32 to index
        %get3A_1940 = arith.index_cast %while3A_1850 : i32 to index
        %get3A_1941 = arith.index_cast %get3A_1937 : i32 to index
        %get3A_1942 = arith.index_cast %mul3A_1934 : i32 to index
        %get3A_1943 = tpu.vector_load %arg12[%get3A_1938, %get3A_1939, %get3A_1940, %get3A_1941, %get3A_1942] {strides = array<i32>} : memref<2x2x16x8x128xf32, #tpu.memory_space<vmem>>, vector<16xf32>,
        %mul3A_1944 = arith.constant 16 : i32
        %mul3A_1945 = arith.muli %scan3A_1857, %mul3A_1944 : i32
        %get3A_1946 = arith.constant 0 : i32
        %get3A_1947 = arith.constant 0 : i32
        %get3A_1948 = arith.constant 7 : i32
        %get3A_1949 = arith.index_cast %get3A_1946 : i32 to index
        %get3A_1950 = arith.index_cast %get3A_1947 : i32 to index
        %get3A_1951 = arith.index_cast %while3A_1850 : i32 to index
        %get3A_1952 = arith.index_cast %get3A_1948 : i32 to index
        %get3A_1953 = arith.index_cast %mul3A_1945 : i32 to index
        %get3A_1954 = tpu.vector_load %arg12[%get3A_1949, %get3A_1950, %get3A_1951, %get3A_1952, %get3A_1953] {strides = array<i32>} : memref<2x2x16x8x128xf32, #tpu.memory_space<vmem>>, vector<16xf32>,
        %mul3A_1955 = arith.constant 16 : i32
        %mul3A_1956 = arith.muli %scan3A_1857, %mul3A_1955 : i32
        %get3A_1957 = arith.constant 0 : i32
        %get3A_1958 = arith.constant 1 : i32
        %get3A_1959 = arith.constant 0 : i32
        %get3A_1960 = arith.index_cast %get3A_1957 : i32 to index
        %get3A_1961 = arith.index_cast %get3A_1958 : i32 to index
        %get3A_1962 = arith.index_cast %while3A_1850 : i32 to index
        %get3A_1963 = arith.index_cast %get3A_1959 : i32 to index
        %get3A_1964 = arith.index_cast %mul3A_1956 : i32 to index
        %get3A_1965 = tpu.vector_load %arg12[%get3A_1960, %get3A_1961, %get3A_1962, %get3A_1963, %get3A_1964] {strides = array<i32>} : memref<2x2x16x8x128xf32, #tpu.memory_space<vmem>>, vector<16xf32>,
        %mul3A_1966 = arith.constant 16 : i32
        %mul3A_1967 = arith.muli %scan3A_1857, %mul3A_1966 : i32
        %get3A_1968 = arith.constant 0 : i32
        %get3A_1969 = arith.constant 1 : i32
        %get3A_1970 = arith.constant 1 : i32
        %get3A_1971 = arith.index_cast %get3A_1968 : i32 to index
        %get3A_1972 = arith.index_cast %get3A_1969 : i32 to index
        %get3A_1973 = arith.index_cast %while3A_1850 : i32 to index
        %get3A_1974 = arith.index_cast %get3A_1970 : i32 to index
        %get3A_1975 = arith.index_cast %mul3A_1967 : i32 to index
        %get3A_1976 = tpu.vector_load %arg12[%get3A_1971, %get3A_1972, %get3A_1973, %get3A_1974, %get3A_1975] {strides = array<i32>} : memref<2x2x16x8x128xf32, #tpu.memory_space<vmem>>, vector<16xf32>,
        %mul3A_1977 = arith.constant 16 : i32
        %mul3A_1978 = arith.muli %scan3A_1857, %mul3A_1977 : i32
        %get3A_1979 = arith.constant 0 : i32
        %get3A_1980 = arith.constant 1 : i32
        %get3A_1981 = arith.constant 2 : i32
        %get3A_1982 = arith.index_cast %get3A_1979 : i32 to index
        %get3A_1983 = arith.index_cast %get3A_1980 : i32 to index
        %get3A_1984 = arith.index_cast %while3A_1850 : i32 to index
        %get3A_1985 = arith.index_cast %get3A_1981 : i32 to index
        %get3A_1986 = arith.index_cast %mul3A_1978 : i32 to index
        %get3A_1987 = tpu.vector_load %arg12[%get3A_1982, %get3A_1983, %get3A_1984, %get3A_1985, %get3A_1986] {strides = array<i32>} : memref<2x2x16x8x128xf32, #tpu.memory_space<vmem>>, vector<16xf32>,
        %mul3A_1988 = arith.constant 16 : i32
        %mul3A_1989 = arith.muli %scan3A_1857, %mul3A_1988 : i32
        %get3A_1990 = arith.constant 0 : i32
        %get3A_1991 = arith.constant 1 : i32
        %get3A_1992 = arith.constant 3 : i32
        %get3A_1993 = arith.index_cast %get3A_1990 : i32 to index
        %get3A_1994 = arith.index_cast %get3A_1991 : i32 to index
        %get3A_1995 = arith.index_cast %while3A_1850 : i32 to index
        %get3A_1996 = arith.index_cast %get3A_1992 : i32 to index
        %get3A_1997 = arith.index_cast %mul3A_1989 : i32 to index
        %get3A_1998 = tpu.vector_load %arg12[%get3A_1993, %get3A_1994, %get3A_1995, %get3A_1996, %get3A_1997] {strides = array<i32>} : memref<2x2x16x8x128xf32, #tpu.memory_space<vmem>>, vector<16xf32>,
        %mul3A_1999 = arith.constant 16 : i32
        %mul3A_2000 = arith.muli %scan3A_1857, %mul3A_1999 : i32
        %get3A_2001 = arith.constant 0 : i32
        %get3A_2002 = arith.constant 1 : i32
        %get3A_2003 = arith.constant 4 : i32
        %get3A_2004 = arith.index_cast %get3A_2001 : i32 to index
        %get3A_2005 = arith.index_cast %get3A_2002 : i32 to index
        %get3A_2006 = arith.index_cast %while3A_1850 : i32 to index
        %get3A_2007 = arith.index_cast %get3A_2003 : i32 to index
        %get3A_2008 = arith.index_cast %mul3A_2000 : i32 to index
        %get3A_2009 = tpu.vector_load %arg12[%get3A_2004, %get3A_2005, %get3A_2006, %get3A_2007, %get3A_2008] {strides = array<i32>} : memref<2x2x16x8x128xf32, #tpu.memory_space<vmem>>, vector<16xf32>,
        %mul3A_2010 = arith.constant 16 : i32
        %mul3A_2011 = arith.muli %scan3A_1857, %mul3A_2010 : i32
        %get3A_2012 = arith.constant 0 : i32
        %get3A_2013 = arith.constant 1 : i32
        %get3A_2014 = arith.constant 5 : i32
        %get3A_2015 = arith.index_cast %get3A_2012 : i32 to index
        %get3A_2016 = arith.index_cast %get3A_2013 : i32 to index
        %get3A_2017 = arith.index_cast %while3A_1850 : i32 to index
        %get3A_2018 = arith.index_cast %get3A_2014 : i32 to index
        %get3A_2019 = arith.index_cast %mul3A_2011 : i32 to index
        %get3A_2020 = tpu.vector_load %arg12[%get3A_2015, %get3A_2016, %get3A_2017, %get3A_2018, %get3A_2019] {strides = array<i32>} : memref<2x2x16x8x128xf32, #tpu.memory_space<vmem>>, vector<16xf32>,
        %mul3A_2021 = arith.constant 16 : i32
        %mul3A_2022 = arith.muli %scan3A_1857, %mul3A_2021 : i32
        %get3A_2023 = arith.constant 0 : i32
        %get3A_2024 = arith.constant 1 : i32
        %get3A_2025 = arith.constant 6 : i32
        %get3A_2026 = arith.index_cast %get3A_2023 : i32 to index
        %get3A_2027 = arith.index_cast %get3A_2024 : i32 to index
        %get3A_2028 = arith.index_cast %while3A_1850 : i32 to index
        %get3A_2029 = arith.index_cast %get3A_2025 : i32 to index
        %get3A_2030 = arith.index_cast %mul3A_2022 : i32 to index
        %get3A_2031 = tpu.vector_load %arg12[%get3A_2026, %get3A_2027, %get3A_2028, %get3A_2029, %get3A_2030] {strides = array<i32>} : memref<2x2x16x8x128xf32, #tpu.memory_space<vmem>>, vector<16xf32>,
        %mul3A_2032 = arith.constant 16 : i32
        %mul3A_2033 = arith.muli %scan3A_1857, %mul3A_2032 : i32
        %get3A_2034 = arith.constant 0 : i32
        %get3A_2035 = arith.constant 1 : i32
        %get3A_2036 = arith.constant 7 : i32
        %get3A_2037 = arith.index_cast %get3A_2034 : i32 to index
        %get3A_2038 = arith.index_cast %get3A_2035 : i32 to index
        %get3A_2039 = arith.index_cast %while3A_1850 : i32 to index
        %get3A_2040 = arith.index_cast %get3A_2036 : i32 to index
        %get3A_2041 = arith.index_cast %mul3A_2033 : i32 to index
        %get3A_2042 = tpu.vector_load %arg12[%get3A_2037, %get3A_2038, %get3A_2039, %get3A_2040, %get3A_2041] {strides = array<i32>} : memref<2x2x16x8x128xf32, #tpu.memory_space<vmem>>, vector<16xf32>,
        tpu.vector_store_idx %arg31[%gather3A], %broadcast_in_dim3A_3 {add = true} : memref<128xf32, #tpu.memory_space<vmem>>[vector<16xi32>], vector<16xf32>,
        tpu.vector_store_idx %arg15[%gather3A], %get3A_1877 {add = true} : memref<64xf32, #tpu.memory_space<vmem>>[vector<16xi32>], vector<16xf32>,
        tpu.vector_store_idx %arg16[%gather3A], %get3A_1888 {add = true} : memref<64xf32, #tpu.memory_space<vmem>>[vector<16xi32>], vector<16xf32>,
        tpu.vector_store_idx %arg17[%gather3A], %get3A_1899 {add = true} : memref<64xf32, #tpu.memory_space<vmem>>[vector<16xi32>], vector<16xf32>,
        tpu.vector_store_idx %arg18[%gather3A], %get3A_1910 {add = true} : memref<64xf32, #tpu.memory_space<vmem>>[vector<16xi32>], vector<16xf32>,
        tpu.vector_store_idx %arg19[%gather3A], %get3A_1921 {add = true} : memref<64xf32, #tpu.memory_space<vmem>>[vector<16xi32>], vector<16xf32>,
        tpu.vector_store_idx %arg20[%gather3A], %get3A_1932 {add = true} : memref<64xf32, #tpu.memory_space<vmem>>[vector<16xi32>], vector<16xf32>,
        tpu.vector_store_idx %arg21[%gather3A], %get3A_1943 {add = true} : memref<64xf32, #tpu.memory_space<vmem>>[vector<16xi32>], vector<16xf32>,
        tpu.vector_store_idx %arg22[%gather3A], %get3A_1954 {add = true} : memref<64xf32, #tpu.memory_space<vmem>>[vector<16xi32>], vector<16xf32>,
        tpu.vector_store_idx %arg23[%gather3A], %get3A_1965 {add = true} : memref<64xf32, #tpu.memory_space<vmem>>[vector<16xi32>], vector<16xf32>,
        tpu.vector_store_idx %arg24[%gather3A], %get3A_1976 {add = true} : memref<64xf32, #tpu.memory_space<vmem>>[vector<16xi32>], vector<16xf32>,
        tpu.vector_store_idx %arg25[%gather3A], %get3A_1987 {add = true} : memref<64xf32, #tpu.memory_space<vmem>>[vector<16xi32>], vector<16xf32>,
        tpu.vector_store_idx %arg26[%gather3A], %get3A_1998 {add = true} : memref<64xf32, #tpu.memory_space<vmem>>[vector<16xi32>], vector<16xf32>,
        tpu.vector_store_idx %arg27[%gather3A], %get3A_2009 {add = true} : memref<64xf32, #tpu.memory_space<vmem>>[vector<16xi32>], vector<16xf32>,
        tpu.vector_store_idx %arg28[%gather3A], %get3A_2020 {add = true} : memref<64xf32, #tpu.memory_space<vmem>>[vector<16xi32>], vector<16xf32>,
        tpu.vector_store_idx %arg29[%gather3A], %get3A_2031 {add = true} : memref<64xf32, #tpu.memory_space<vmem>>[vector<16xi32>], vector<16xf32>,
        tpu.vector_store_idx %arg30[%gather3A], %get3A_2042 {add = true} : memref<64xf32, #tpu.memory_space<vmem>>[vector<16xi32>], vector<16xf32>,
      }
      %scan3A_1856 = arith.constant 8 : i32
    }
    %dma_wait3A_954 = arith.constant 0 : i32
    %dma_wait3A_955 = arith.constant 1 : i32
    %dma_wait3A_956 = arith.constant 0 : i32
    %dma_wait3A_957 = arith.constant 0 : i32
    %dma_wait3A_958 = arith.constant 0 : i32
    %dma_wait3A_959 = arith.constant 0 : i32
    %dma_wait3A_960 = tpu.memref_slice %arg12[%dma_wait3A_955, %dma_wait3A_956, %dma_wait3A_957, %dma_wait3A_958, %dma_wait3A_959] : memref<2x2x16x8x128xf32, #tpu.memory_space<vmem>> -> memref<1x1x16x8x128xf32, #tpu.memory_space<vmem>>
    %dma_wait3A_961 = tpu.memref_squeeze %dma_wait3A_960 : memref<1x1x16x8x128xf32, #tpu.memory_space<vmem>> -> memref<16x8x128xf32, #tpu.memory_space<vmem>>
    %dma_wait3A_962 = arith.constant 0 : i32
    %dma_wait3A_963 = arith.constant 0 : i32
    %dma_wait3A_964 = tpu.memref_slice %arg2[%dma_wait3A_954, %min3A_871, %dma_wait3A_962, %dma_wait3A_963] : memref<2x2500x8x128xf32, #tpu.memory_space<hbm>> -> memref<1x16x8x128xf32, #tpu.memory_space<hbm>>
    %dma_wait3A_965 = tpu.memref_squeeze %dma_wait3A_964 : memref<1x16x8x128xf32, #tpu.memory_space<hbm>> -> memref<16x8x128xf32, #tpu.memory_space<hbm>>
    %dma_wait3A_966 = arith.constant 0 : i32
    %dma_wait3A_967 = arith.constant 0 : i32
    %dma_wait3A_968 = arith.constant 0 : i32
    %dma_wait3A_969 = tpu.memref_slice %arg12[%dma_wait3A_955, %dma_wait3A_956, %dma_wait3A_966, %dma_wait3A_967, %dma_wait3A_968] : memref<2x2x16x8x128xf32, #tpu.memory_space<vmem>> -> memref<1x1x16x8x128xf32, #tpu.memory_space<vmem>>
    %dma_wait3A_970 = tpu.memref_squeeze %dma_wait3A_969 : memref<1x1x16x8x128xf32, #tpu.memory_space<vmem>> -> memref<16x8x128xf32, #tpu.memory_space<vmem>>
    %dma_wait3A_971 = arith.constant 0 : i32
    %dma_wait3A_972 = arith.constant 0 : i32
    %dma_wait3A_973 = tpu.memref_slice %arg2[%dma_wait3A_954, %min3A_871, %dma_wait3A_971, %dma_wait3A_972] : memref<2x2500x8x128xf32, #tpu.memory_space<hbm>> -> memref<1x16x8x128xf32, #tpu.memory_space<hbm>>
    %dma_wait3A_974 = tpu.memref_squeeze %dma_wait3A_973 : memref<1x16x8x128xf32, #tpu.memory_space<hbm>> -> memref<16x8x128xf32, #tpu.memory_space<hbm>>
    tpu.wait_dma2 semaphore(%arg38 : memref<!tpu.dma_semaphore, #tpu.memory_space<semaphore_mem>>) src(%dma_wait3A_974 : memref<16x8x128xf32, #tpu.memory_space<hbm>>) dst(%dma_wait3A_970 : memref<16x8x128xf32, #tpu.memory_space<vmem>>)
    %dma_wait3A_975 = arith.constant 1 : i32
    %dma_wait3A_976 = arith.constant 1 : i32
    %dma_wait3A_977 = arith.constant 1 : i32
    %dma_wait3A_978 = arith.constant 0 : i32
    %dma_wait3A_979 = arith.constant 0 : i32
    %dma_wait3A_980 = arith.constant 0 : i32
    %dma_wait3A_981 = tpu.memref_slice %arg12[%dma_wait3A_976, %dma_wait3A_977, %dma_wait3A_978, %dma_wait3A_979, %dma_wait3A_980] : memref<2x2x16x8x128xf32, #tpu.memory_space<vmem>> -> memref<1x1x16x8x128xf32, #tpu.memory_space<vmem>>
    %dma_wait3A_982 = tpu.memref_squeeze %dma_wait3A_981 : memref<1x1x16x8x128xf32, #tpu.memory_space<vmem>> -> memref<16x8x128xf32, #tpu.memory_space<vmem>>
    %dma_wait3A_983 = arith.constant 0 : i32
    %dma_wait3A_984 = arith.constant 0 : i32
    %dma_wait3A_985 = tpu.memref_slice %arg2[%dma_wait3A_975, %min3A_871, %dma_wait3A_983, %dma_wait3A_984] : memref<2x2500x8x128xf32, #tpu.memory_space<hbm>> -> memref<1x16x8x128xf32, #tpu.memory_space<hbm>>
    %dma_wait3A_986 = tpu.memref_squeeze %dma_wait3A_985 : memref<1x16x8x128xf32, #tpu.memory_space<hbm>> -> memref<16x8x128xf32, #tpu.memory_space<hbm>>
    %dma_wait3A_987 = arith.constant 0 : i32
    %dma_wait3A_988 = arith.constant 0 : i32
    %dma_wait3A_989 = arith.constant 0 : i32
    %dma_wait3A_990 = tpu.memref_slice %arg12[%dma_wait3A_976, %dma_wait3A_977, %dma_wait3A_987, %dma_wait3A_988, %dma_wait3A_989] : memref<2x2x16x8x128xf32, #tpu.memory_space<vmem>> -> memref<1x1x16x8x128xf32, #tpu.memory_space<vmem>>
    %dma_wait3A_991 = tpu.memref_squeeze %dma_wait3A_990 : memref<1x1x16x8x128xf32, #tpu.memory_space<vmem>> -> memref<16x8x128xf32, #tpu.memory_space<vmem>>
    %dma_wait3A_992 = arith.constant 0 : i32
    %dma_wait3A_993 = arith.constant 0 : i32
    %dma_wait3A_994 = tpu.memref_slice %arg2[%dma_wait3A_975, %min3A_871, %dma_wait3A_992, %dma_wait3A_993] : memref<2x2500x8x128xf32, #tpu.memory_space<hbm>> -> memref<1x16x8x128xf32, #tpu.memory_space<hbm>>
    %dma_wait3A_995 = tpu.memref_squeeze %dma_wait3A_994 : memref<1x16x8x128xf32, #tpu.memory_space<hbm>> -> memref<16x8x128xf32, #tpu.memory_space<hbm>>
    tpu.wait_dma2 semaphore(%arg38 : memref<!tpu.dma_semaphore, #tpu.memory_space<semaphore_mem>>) src(%dma_wait3A_995 : memref<16x8x128xf32, #tpu.memory_space<hbm>>) dst(%dma_wait3A_991 : memref<16x8x128xf32, #tpu.memory_space<vmem>>)
    %dma_wait3A_996 = arith.constant 1 : i32
    %dma_wait3A_997 = arith.constant 0 : i32
    %dma_wait3A_998 = arith.constant 0 : i32
    %dma_wait3A_999 = arith.constant 0 : i32
    %dma_wait3A_1000 = tpu.memref_slice %arg11[%dma_wait3A_996, %dma_wait3A_997, %dma_wait3A_998, %dma_wait3A_999] : memref<2x16x2x128xi32, #tpu.memory_space<vmem>> -> memref<1x16x2x128xi32, #tpu.memory_space<vmem>>
    %dma_wait3A_1001 = tpu.memref_squeeze %dma_wait3A_1000 : memref<1x16x2x128xi32, #tpu.memory_space<vmem>> -> memref<16x2x128xi32, #tpu.memory_space<vmem>>
    %dma_wait3A_1002 = arith.constant 0 : i32
    %dma_wait3A_1003 = arith.constant 0 : i32
    %dma_wait3A_1004 = tpu.memref_slice %arg3[%min3A_871, %dma_wait3A_1002, %dma_wait3A_1003] : memref<2500x2x128xi32, #tpu.memory_space<hbm>> -> memref<16x2x128xi32, #tpu.memory_space<hbm>>
    %dma_wait3A_1005 = arith.constant 0 : i32
    %dma_wait3A_1006 = arith.constant 0 : i32
    %dma_wait3A_1007 = arith.constant 0 : i32
    %dma_wait3A_1008 = tpu.memref_slice %arg11[%dma_wait3A_996, %dma_wait3A_1005, %dma_wait3A_1006, %dma_wait3A_1007] : memref<2x16x2x128xi32, #tpu.memory_space<vmem>> -> memref<1x16x2x128xi32, #tpu.memory_space<vmem>>
    %dma_wait3A_1009 = tpu.memref_squeeze %dma_wait3A_1008 : memref<1x16x2x128xi32, #tpu.memory_space<vmem>> -> memref<16x2x128xi32, #tpu.memory_space<vmem>>
    %dma_wait3A_1010 = arith.constant 0 : i32
    %dma_wait3A_1011 = arith.constant 0 : i32
    %dma_wait3A_1012 = tpu.memref_slice %arg3[%min3A_871, %dma_wait3A_1010, %dma_wait3A_1011] : memref<2500x2x128xi32, #tpu.memory_space<hbm>> -> memref<16x2x128xi32, #tpu.memory_space<hbm>>
    tpu.wait_dma2 semaphore(%arg40 : memref<!tpu.dma_semaphore, #tpu.memory_space<semaphore_mem>>) src(%dma_wait3A_1012 : memref<16x2x128xi32, #tpu.memory_space<hbm>>) dst(%dma_wait3A_1009 : memref<16x2x128xi32, #tpu.memory_space<vmem>>)
    %add3A_1013 = arith.constant 64 : i32
    %add3A_1014 = arith.addi %add3A_20, %add3A_1013 : i32
    %min3A_1015 = arith.constant 2484 : i32
    %min3A_1016 = arith.minsi %add3A_1014, %min3A_1015 : i32
    %dma_start3A_1017 = arith.constant 0 : i32
    %dma_start3A_1018 = arith.constant 0 : i32
    %dma_start3A_1019 = arith.constant 0 : i32
    %dma_start3A_1020 = arith.constant 0 : i32
    %dma_start3A_1021 = arith.constant 0 : i32
    %dma_start3A_1022 = arith.constant 0 : i32
    %dma_start3A_1023 = tpu.memref_slice %arg12[%dma_start3A_1018, %dma_start3A_1019, %dma_start3A_1020, %dma_start3A_1021, %dma_start3A_1022] : memref<2x2x16x8x128xf32, #tpu.memory_space<vmem>> -> memref<1x1x16x8x128xf32, #tpu.memory_space<vmem>>
    %dma_start3A_1024 = tpu.memref_squeeze %dma_start3A_1023 : memref<1x1x16x8x128xf32, #tpu.memory_space<vmem>> -> memref<16x8x128xf32, #tpu.memory_space<vmem>>
    %dma_start3A_1025 = arith.constant 0 : i32
    %dma_start3A_1026 = arith.constant 0 : i32
    %dma_start3A_1027 = tpu.memref_slice %arg2[%dma_start3A_1017, %min3A_1016, %dma_start3A_1025, %dma_start3A_1026] : memref<2x2500x8x128xf32, #tpu.memory_space<hbm>> -> memref<1x16x8x128xf32, #tpu.memory_space<hbm>>
    %dma_start3A_1028 = tpu.memref_squeeze %dma_start3A_1027 : memref<1x16x8x128xf32, #tpu.memory_space<hbm>> -> memref<16x8x128xf32, #tpu.memory_space<hbm>>
    %dma_start3A_1029 = arith.constant 0 : i32
    %dma_start3A_1030 = arith.constant 0 : i32
    %dma_start3A_1031 = arith.constant 0 : i32
    %dma_start3A_1032 = tpu.memref_slice %arg12[%dma_start3A_1018, %dma_start3A_1019, %dma_start3A_1029, %dma_start3A_1030, %dma_start3A_1031] : memref<2x2x16x8x128xf32, #tpu.memory_space<vmem>> -> memref<1x1x16x8x128xf32, #tpu.memory_space<vmem>>
    %dma_start3A_1033 = tpu.memref_squeeze %dma_start3A_1032 : memref<1x1x16x8x128xf32, #tpu.memory_space<vmem>> -> memref<16x8x128xf32, #tpu.memory_space<vmem>>
    %dma_start3A_1034 = arith.constant 0 : i32
    %dma_start3A_1035 = arith.constant 0 : i32
    %dma_start3A_1036 = tpu.memref_slice %arg2[%dma_start3A_1017, %min3A_1016, %dma_start3A_1034, %dma_start3A_1035] : memref<2x2500x8x128xf32, #tpu.memory_space<hbm>> -> memref<1x16x8x128xf32, #tpu.memory_space<hbm>>
    %dma_start3A_1037 = tpu.memref_squeeze %dma_start3A_1036 : memref<1x16x8x128xf32, #tpu.memory_space<hbm>> -> memref<16x8x128xf32, #tpu.memory_space<hbm>>
    tpu.enqueue_dma source(%dma_start3A_1037 : memref<16x8x128xf32, #tpu.memory_space<hbm>>) target(%dma_start3A_1033 : memref<16x8x128xf32, #tpu.memory_space<vmem>>) target_semaphore(%arg37 : memref<!tpu.dma_semaphore, #tpu.memory_space<semaphore_mem>>)
    %dma_start3A_1038 = arith.constant 1 : i32
    %dma_start3A_1039 = arith.constant 0 : i32
    %dma_start3A_1040 = arith.constant 1 : i32
    %dma_start3A_1041 = arith.constant 0 : i32
    %dma_start3A_1042 = arith.constant 0 : i32
    %dma_start3A_1043 = arith.constant 0 : i32
    %dma_start3A_1044 = tpu.memref_slice %arg12[%dma_start3A_1039, %dma_start3A_1040, %dma_start3A_1041, %dma_start3A_1042, %dma_start3A_1043] : memref<2x2x16x8x128xf32, #tpu.memory_space<vmem>> -> memref<1x1x16x8x128xf32, #tpu.memory_space<vmem>>
    %dma_start3A_1045 = tpu.memref_squeeze %dma_start3A_1044 : memref<1x1x16x8x128xf32, #tpu.memory_space<vmem>> -> memref<16x8x128xf32, #tpu.memory_space<vmem>>
    %dma_start3A_1046 = arith.constant 0 : i32
    %dma_start3A_1047 = arith.constant 0 : i32
    %dma_start3A_1048 = tpu.memref_slice %arg2[%dma_start3A_1038, %min3A_1016, %dma_start3A_1046, %dma_start3A_1047] : memref<2x2500x8x128xf32, #tpu.memory_space<hbm>> -> memref<1x16x8x128xf32, #tpu.memory_space<hbm>>
    %dma_start3A_1049 = tpu.memref_squeeze %dma_start3A_1048 : memref<1x16x8x128xf32, #tpu.memory_space<hbm>> -> memref<16x8x128xf32, #tpu.memory_space<hbm>>
    %dma_start3A_1050 = arith.constant 0 : i32
    %dma_start3A_1051 = arith.constant 0 : i32
    %dma_start3A_1052 = arith.constant 0 : i32
    %dma_start3A_1053 = tpu.memref_slice %arg12[%dma_start3A_1039, %dma_start3A_1040, %dma_start3A_1050, %dma_start3A_1051, %dma_start3A_1052] : memref<2x2x16x8x128xf32, #tpu.memory_space<vmem>> -> memref<1x1x16x8x128xf32, #tpu.memory_space<vmem>>
    %dma_start3A_1054 = tpu.memref_squeeze %dma_start3A_1053 : memref<1x1x16x8x128xf32, #tpu.memory_space<vmem>> -> memref<16x8x128xf32, #tpu.memory_space<vmem>>
    %dma_start3A_1055 = arith.constant 0 : i32
    %dma_start3A_1056 = arith.constant 0 : i32
    %dma_start3A_1057 = tpu.memref_slice %arg2[%dma_start3A_1038, %min3A_1016, %dma_start3A_1055, %dma_start3A_1056] : memref<2x2500x8x128xf32, #tpu.memory_space<hbm>> -> memref<1x16x8x128xf32, #tpu.memory_space<hbm>>
    %dma_start3A_1058 = tpu.memref_squeeze %dma_start3A_1057 : memref<1x16x8x128xf32, #tpu.memory_space<hbm>> -> memref<16x8x128xf32, #tpu.memory_space<hbm>>
    tpu.enqueue_dma source(%dma_start3A_1058 : memref<16x8x128xf32, #tpu.memory_space<hbm>>) target(%dma_start3A_1054 : memref<16x8x128xf32, #tpu.memory_space<vmem>>) target_semaphore(%arg37 : memref<!tpu.dma_semaphore, #tpu.memory_space<semaphore_mem>>)
    %dma_start3A_1059 = arith.constant 0 : i32
    %dma_start3A_1060 = arith.constant 0 : i32
    %dma_start3A_1061 = arith.constant 0 : i32
    %dma_start3A_1062 = arith.constant 0 : i32
    %dma_start3A_1063 = tpu.memref_slice %arg11[%dma_start3A_1059, %dma_start3A_1060, %dma_start3A_1061, %dma_start3A_1062] : memref<2x16x2x128xi32, #tpu.memory_space<vmem>> -> memref<1x16x2x128xi32, #tpu.memory_space<vmem>>
    %dma_start3A_1064 = tpu.memref_squeeze %dma_start3A_1063 : memref<1x16x2x128xi32, #tpu.memory_space<vmem>> -> memref<16x2x128xi32, #tpu.memory_space<vmem>>
    %dma_start3A_1065 = arith.constant 0 : i32
    %dma_start3A_1066 = arith.constant 0 : i32
    %dma_start3A_1067 = tpu.memref_slice %arg3[%min3A_1016, %dma_start3A_1065, %dma_start3A_1066] : memref<2500x2x128xi32, #tpu.memory_space<hbm>> -> memref<16x2x128xi32, #tpu.memory_space<hbm>>
    %dma_start3A_1068 = arith.constant 0 : i32
    %dma_start3A_1069 = arith.constant 0 : i32
    %dma_start3A_1070 = arith.constant 0 : i32
    %dma_start3A_1071 = tpu.memref_slice %arg11[%dma_start3A_1059, %dma_start3A_1068, %dma_start3A_1069, %dma_start3A_1070] : memref<2x16x2x128xi32, #tpu.memory_space<vmem>> -> memref<1x16x2x128xi32, #tpu.memory_space<vmem>>
    %dma_start3A_1072 = tpu.memref_squeeze %dma_start3A_1071 : memref<1x16x2x128xi32, #tpu.memory_space<vmem>> -> memref<16x2x128xi32, #tpu.memory_space<vmem>>
    %dma_start3A_1073 = arith.constant 0 : i32
    %dma_start3A_1074 = arith.constant 0 : i32
    %dma_start3A_1075 = tpu.memref_slice %arg3[%min3A_1016, %dma_start3A_1073, %dma_start3A_1074] : memref<2500x2x128xi32, #tpu.memory_space<hbm>> -> memref<16x2x128xi32, #tpu.memory_space<hbm>>
    tpu.enqueue_dma source(%dma_start3A_1075 : memref<16x2x128xi32, #tpu.memory_space<hbm>>) target(%dma_start3A_1072 : memref<16x2x128xi32, #tpu.memory_space<vmem>>) target_semaphore(%arg39 : memref<!tpu.dma_semaphore, #tpu.memory_space<semaphore_mem>>)
    %add3A_1076 = arith.constant 48 : i32
    %add3A_1077 = arith.addi %add3A_20, %add3A_1076 : i32
    %add3A_1078 = arith.constant 48 : i32
    %add3A_1079 = arith.addi %add3A_20, %add3A_1078 : i32
    %min3A_1080 = arith.constant 2484 : i32
    %min3A_1081 = arith.minsi %add3A_1079, %min3A_1080 : i32
    %sub3A_1082 = arith.subi %add3A_1077, %min3A_1081 : i32
    %sub3A_1083 = arith.constant 48 : i32
    %sub3A_1084 = arith.subi %add3A_24, %sub3A_1083 : i32
    %jit3A_1085 = arith.constant 0 : i32
    %jit3A_1086 = arith.constant 16 : i32
    %max3A_1087 = arith.maxsi %jit3A_1085, %sub3A_1084 : i32
    %min3A_1088 = arith.minsi %jit3A_1086, %max3A_1087 : i32
    %add3A_1089 = arith.addi %sub3A_1082, %min3A_1088 : i32
    %while3A_1090 = arith.constant 0 : i32
    %while3A_1091 = arith.subi %add3A_1089, %sub3A_1082 : i32
    %while3A_1092 = arith.addi %sub3A_1082, %while3A_1091 : i32
    %while3A_1093 = arith.constant 1 : i32
    %while3A_1094 = arith.divsi %while3A_1091, %while3A_1093 : i32
    %while3A_1095 = arith.muli %while3A_1094, %while3A_1093 : i32
    %while3A_1096 = arith.addi %sub3A_1082, %while3A_1095 : i32
    %while3A_1097 = arith.constant 1 : i32
    scf.for %while3A_1850 = %sub3A_1082 to %while3A_1096 step %while3A_1097  : i32 {
      %scan3A_1851 = arith.constant 0 : i32
      %scan3A_1852 = arith.constant 0 : i32
      %scan3A_1853 = arith.constant 8 : i32
      %scan3A_1854 = arith.addi %scan3A_1852, %scan3A_1853 : i32
      %scan3A_1855 = arith.constant 1 : i32
      scf.for %scan3A_1857 = %scan3A_1852 to %scan3A_1854 step %scan3A_1855  : i32 {
        %mul3A_1858 = arith.constant 16 : i32
        %mul3A_1859 = arith.muli %scan3A_1857, %mul3A_1858 : i32
        %get3A_1860 = arith.constant 1 : i32
        %get3A_1861 = arith.constant 0 : i32
        %get3A_1862 = arith.index_cast %get3A_1860 : i32 to index
        %get3A_1863 = arith.index_cast %while3A_1850 : i32 to index
        %get3A_1864 = arith.index_cast %get3A_1861 : i32 to index
        %get3A_1865 = arith.index_cast %mul3A_1859 : i32 to index
        %get3A_1866 = tpu.vector_load %arg11[%get3A_1862, %get3A_1863, %get3A_1864, %get3A_1865] {strides = array<i32>} : memref<2x16x2x128xi32, #tpu.memory_space<vmem>>, vector<16xi32>,
        %gather3A = tpu.vector_load_idx %arg10[%get3A_1866] : memref<10240xi32, #tpu.memory_space<vmem>>[vector<16xi32>], vector<16xi32>,
        %mul3A_1867 = arith.constant 16 : i32
        %mul3A_1868 = arith.muli %scan3A_1857, %mul3A_1867 : i32
        %get3A_1869 = arith.constant 1 : i32
        %get3A_1870 = arith.constant 0 : i32
        %get3A_1871 = arith.constant 0 : i32
        %get3A_1872 = arith.index_cast %get3A_1869 : i32 to index
        %get3A_1873 = arith.index_cast %get3A_1870 : i32 to index
        %get3A_1874 = arith.index_cast %while3A_1850 : i32 to index
        %get3A_1875 = arith.index_cast %get3A_1871 : i32 to index
        %get3A_1876 = arith.index_cast %mul3A_1868 : i32 to index
        %get3A_1877 = tpu.vector_load %arg12[%get3A_1872, %get3A_1873, %get3A_1874, %get3A_1875, %get3A_1876] {strides = array<i32>} : memref<2x2x16x8x128xf32, #tpu.memory_space<vmem>>, vector<16xf32>,
        %mul3A_1878 = arith.constant 16 : i32
        %mul3A_1879 = arith.muli %scan3A_1857, %mul3A_1878 : i32
        %get3A_1880 = arith.constant 1 : i32
        %get3A_1881 = arith.constant 0 : i32
        %get3A_1882 = arith.constant 1 : i32
        %get3A_1883 = arith.index_cast %get3A_1880 : i32 to index
        %get3A_1884 = arith.index_cast %get3A_1881 : i32 to index
        %get3A_1885 = arith.index_cast %while3A_1850 : i32 to index
        %get3A_1886 = arith.index_cast %get3A_1882 : i32 to index
        %get3A_1887 = arith.index_cast %mul3A_1879 : i32 to index
        %get3A_1888 = tpu.vector_load %arg12[%get3A_1883, %get3A_1884, %get3A_1885, %get3A_1886, %get3A_1887] {strides = array<i32>} : memref<2x2x16x8x128xf32, #tpu.memory_space<vmem>>, vector<16xf32>,
        %mul3A_1889 = arith.constant 16 : i32
        %mul3A_1890 = arith.muli %scan3A_1857, %mul3A_1889 : i32
        %get3A_1891 = arith.constant 1 : i32
        %get3A_1892 = arith.constant 0 : i32
        %get3A_1893 = arith.constant 2 : i32
        %get3A_1894 = arith.index_cast %get3A_1891 : i32 to index
        %get3A_1895 = arith.index_cast %get3A_1892 : i32 to index
        %get3A_1896 = arith.index_cast %while3A_1850 : i32 to index
        %get3A_1897 = arith.index_cast %get3A_1893 : i32 to index
        %get3A_1898 = arith.index_cast %mul3A_1890 : i32 to index
        %get3A_1899 = tpu.vector_load %arg12[%get3A_1894, %get3A_1895, %get3A_1896, %get3A_1897, %get3A_1898] {strides = array<i32>} : memref<2x2x16x8x128xf32, #tpu.memory_space<vmem>>, vector<16xf32>,
        %mul3A_1900 = arith.constant 16 : i32
        %mul3A_1901 = arith.muli %scan3A_1857, %mul3A_1900 : i32
        %get3A_1902 = arith.constant 1 : i32
        %get3A_1903 = arith.constant 0 : i32
        %get3A_1904 = arith.constant 3 : i32
        %get3A_1905 = arith.index_cast %get3A_1902 : i32 to index
        %get3A_1906 = arith.index_cast %get3A_1903 : i32 to index
        %get3A_1907 = arith.index_cast %while3A_1850 : i32 to index
        %get3A_1908 = arith.index_cast %get3A_1904 : i32 to index
        %get3A_1909 = arith.index_cast %mul3A_1901 : i32 to index
        %get3A_1910 = tpu.vector_load %arg12[%get3A_1905, %get3A_1906, %get3A_1907, %get3A_1908, %get3A_1909] {strides = array<i32>} : memref<2x2x16x8x128xf32, #tpu.memory_space<vmem>>, vector<16xf32>,
        %mul3A_1911 = arith.constant 16 : i32
        %mul3A_1912 = arith.muli %scan3A_1857, %mul3A_1911 : i32
        %get3A_1913 = arith.constant 1 : i32
        %get3A_1914 = arith.constant 0 : i32
        %get3A_1915 = arith.constant 4 : i32
        %get3A_1916 = arith.index_cast %get3A_1913 : i32 to index
        %get3A_1917 = arith.index_cast %get3A_1914 : i32 to index
        %get3A_1918 = arith.index_cast %while3A_1850 : i32 to index
        %get3A_1919 = arith.index_cast %get3A_1915 : i32 to index
        %get3A_1920 = arith.index_cast %mul3A_1912 : i32 to index
        %get3A_1921 = tpu.vector_load %arg12[%get3A_1916, %get3A_1917, %get3A_1918, %get3A_1919, %get3A_1920] {strides = array<i32>} : memref<2x2x16x8x128xf32, #tpu.memory_space<vmem>>, vector<16xf32>,
        %mul3A_1922 = arith.constant 16 : i32
        %mul3A_1923 = arith.muli %scan3A_1857, %mul3A_1922 : i32
        %get3A_1924 = arith.constant 1 : i32
        %get3A_1925 = arith.constant 0 : i32
        %get3A_1926 = arith.constant 5 : i32
        %get3A_1927 = arith.index_cast %get3A_1924 : i32 to index
        %get3A_1928 = arith.index_cast %get3A_1925 : i32 to index
        %get3A_1929 = arith.index_cast %while3A_1850 : i32 to index
        %get3A_1930 = arith.index_cast %get3A_1926 : i32 to index
        %get3A_1931 = arith.index_cast %mul3A_1923 : i32 to index
        %get3A_1932 = tpu.vector_load %arg12[%get3A_1927, %get3A_1928, %get3A_1929, %get3A_1930, %get3A_1931] {strides = array<i32>} : memref<2x2x16x8x128xf32, #tpu.memory_space<vmem>>, vector<16xf32>,
        %mul3A_1933 = arith.constant 16 : i32
        %mul3A_1934 = arith.muli %scan3A_1857, %mul3A_1933 : i32
        %get3A_1935 = arith.constant 1 : i32
        %get3A_1936 = arith.constant 0 : i32
        %get3A_1937 = arith.constant 6 : i32
        %get3A_1938 = arith.index_cast %get3A_1935 : i32 to index
        %get3A_1939 = arith.index_cast %get3A_1936 : i32 to index
        %get3A_1940 = arith.index_cast %while3A_1850 : i32 to index
        %get3A_1941 = arith.index_cast %get3A_1937 : i32 to index
        %get3A_1942 = arith.index_cast %mul3A_1934 : i32 to index
        %get3A_1943 = tpu.vector_load %arg12[%get3A_1938, %get3A_1939, %get3A_1940, %get3A_1941, %get3A_1942] {strides = array<i32>} : memref<2x2x16x8x128xf32, #tpu.memory_space<vmem>>, vector<16xf32>,
        %mul3A_1944 = arith.constant 16 : i32
        %mul3A_1945 = arith.muli %scan3A_1857, %mul3A_1944 : i32
        %get3A_1946 = arith.constant 1 : i32
        %get3A_1947 = arith.constant 0 : i32
        %get3A_1948 = arith.constant 7 : i32
        %get3A_1949 = arith.index_cast %get3A_1946 : i32 to index
        %get3A_1950 = arith.index_cast %get3A_1947 : i32 to index
        %get3A_1951 = arith.index_cast %while3A_1850 : i32 to index
        %get3A_1952 = arith.index_cast %get3A_1948 : i32 to index
        %get3A_1953 = arith.index_cast %mul3A_1945 : i32 to index
        %get3A_1954 = tpu.vector_load %arg12[%get3A_1949, %get3A_1950, %get3A_1951, %get3A_1952, %get3A_1953] {strides = array<i32>} : memref<2x2x16x8x128xf32, #tpu.memory_space<vmem>>, vector<16xf32>,
        %mul3A_1955 = arith.constant 16 : i32
        %mul3A_1956 = arith.muli %scan3A_1857, %mul3A_1955 : i32
        %get3A_1957 = arith.constant 1 : i32
        %get3A_1958 = arith.constant 1 : i32
        %get3A_1959 = arith.constant 0 : i32
        %get3A_1960 = arith.index_cast %get3A_1957 : i32 to index
        %get3A_1961 = arith.index_cast %get3A_1958 : i32 to index
        %get3A_1962 = arith.index_cast %while3A_1850 : i32 to index
        %get3A_1963 = arith.index_cast %get3A_1959 : i32 to index
        %get3A_1964 = arith.index_cast %mul3A_1956 : i32 to index
        %get3A_1965 = tpu.vector_load %arg12[%get3A_1960, %get3A_1961, %get3A_1962, %get3A_1963, %get3A_1964] {strides = array<i32>} : memref<2x2x16x8x128xf32, #tpu.memory_space<vmem>>, vector<16xf32>,
        %mul3A_1966 = arith.constant 16 : i32
        %mul3A_1967 = arith.muli %scan3A_1857, %mul3A_1966 : i32
        %get3A_1968 = arith.constant 1 : i32
        %get3A_1969 = arith.constant 1 : i32
        %get3A_1970 = arith.constant 1 : i32
        %get3A_1971 = arith.index_cast %get3A_1968 : i32 to index
        %get3A_1972 = arith.index_cast %get3A_1969 : i32 to index
        %get3A_1973 = arith.index_cast %while3A_1850 : i32 to index
        %get3A_1974 = arith.index_cast %get3A_1970 : i32 to index
        %get3A_1975 = arith.index_cast %mul3A_1967 : i32 to index
        %get3A_1976 = tpu.vector_load %arg12[%get3A_1971, %get3A_1972, %get3A_1973, %get3A_1974, %get3A_1975] {strides = array<i32>} : memref<2x2x16x8x128xf32, #tpu.memory_space<vmem>>, vector<16xf32>,
        %mul3A_1977 = arith.constant 16 : i32
        %mul3A_1978 = arith.muli %scan3A_1857, %mul3A_1977 : i32
        %get3A_1979 = arith.constant 1 : i32
        %get3A_1980 = arith.constant 1 : i32
        %get3A_1981 = arith.constant 2 : i32
        %get3A_1982 = arith.index_cast %get3A_1979 : i32 to index
        %get3A_1983 = arith.index_cast %get3A_1980 : i32 to index
        %get3A_1984 = arith.index_cast %while3A_1850 : i32 to index
        %get3A_1985 = arith.index_cast %get3A_1981 : i32 to index
        %get3A_1986 = arith.index_cast %mul3A_1978 : i32 to index
        %get3A_1987 = tpu.vector_load %arg12[%get3A_1982, %get3A_1983, %get3A_1984, %get3A_1985, %get3A_1986] {strides = array<i32>} : memref<2x2x16x8x128xf32, #tpu.memory_space<vmem>>, vector<16xf32>,
        %mul3A_1988 = arith.constant 16 : i32
        %mul3A_1989 = arith.muli %scan3A_1857, %mul3A_1988 : i32
        %get3A_1990 = arith.constant 1 : i32
        %get3A_1991 = arith.constant 1 : i32
        %get3A_1992 = arith.constant 3 : i32
        %get3A_1993 = arith.index_cast %get3A_1990 : i32 to index
        %get3A_1994 = arith.index_cast %get3A_1991 : i32 to index
        %get3A_1995 = arith.index_cast %while3A_1850 : i32 to index
        %get3A_1996 = arith.index_cast %get3A_1992 : i32 to index
        %get3A_1997 = arith.index_cast %mul3A_1989 : i32 to index
        %get3A_1998 = tpu.vector_load %arg12[%get3A_1993, %get3A_1994, %get3A_1995, %get3A_1996, %get3A_1997] {strides = array<i32>} : memref<2x2x16x8x128xf32, #tpu.memory_space<vmem>>, vector<16xf32>,
        %mul3A_1999 = arith.constant 16 : i32
        %mul3A_2000 = arith.muli %scan3A_1857, %mul3A_1999 : i32
        %get3A_2001 = arith.constant 1 : i32
        %get3A_2002 = arith.constant 1 : i32
        %get3A_2003 = arith.constant 4 : i32
        %get3A_2004 = arith.index_cast %get3A_2001 : i32 to index
        %get3A_2005 = arith.index_cast %get3A_2002 : i32 to index
        %get3A_2006 = arith.index_cast %while3A_1850 : i32 to index
        %get3A_2007 = arith.index_cast %get3A_2003 : i32 to index
        %get3A_2008 = arith.index_cast %mul3A_2000 : i32 to index
        %get3A_2009 = tpu.vector_load %arg12[%get3A_2004, %get3A_2005, %get3A_2006, %get3A_2007, %get3A_2008] {strides = array<i32>} : memref<2x2x16x8x128xf32, #tpu.memory_space<vmem>>, vector<16xf32>,
        %mul3A_2010 = arith.constant 16 : i32
        %mul3A_2011 = arith.muli %scan3A_1857, %mul3A_2010 : i32
        %get3A_2012 = arith.constant 1 : i32
        %get3A_2013 = arith.constant 1 : i32
        %get3A_2014 = arith.constant 5 : i32
        %get3A_2015 = arith.index_cast %get3A_2012 : i32 to index
        %get3A_2016 = arith.index_cast %get3A_2013 : i32 to index
        %get3A_2017 = arith.index_cast %while3A_1850 : i32 to index
        %get3A_2018 = arith.index_cast %get3A_2014 : i32 to index
        %get3A_2019 = arith.index_cast %mul3A_2011 : i32 to index
        %get3A_2020 = tpu.vector_load %arg12[%get3A_2015, %get3A_2016, %get3A_2017, %get3A_2018, %get3A_2019] {strides = array<i32>} : memref<2x2x16x8x128xf32, #tpu.memory_space<vmem>>, vector<16xf32>,
        %mul3A_2021 = arith.constant 16 : i32
        %mul3A_2022 = arith.muli %scan3A_1857, %mul3A_2021 : i32
        %get3A_2023 = arith.constant 1 : i32
        %get3A_2024 = arith.constant 1 : i32
        %get3A_2025 = arith.constant 6 : i32
        %get3A_2026 = arith.index_cast %get3A_2023 : i32 to index
        %get3A_2027 = arith.index_cast %get3A_2024 : i32 to index
        %get3A_2028 = arith.index_cast %while3A_1850 : i32 to index
        %get3A_2029 = arith.index_cast %get3A_2025 : i32 to index
        %get3A_2030 = arith.index_cast %mul3A_2022 : i32 to index
        %get3A_2031 = tpu.vector_load %arg12[%get3A_2026, %get3A_2027, %get3A_2028, %get3A_2029, %get3A_2030] {strides = array<i32>} : memref<2x2x16x8x128xf32, #tpu.memory_space<vmem>>, vector<16xf32>,
        %mul3A_2032 = arith.constant 16 : i32
        %mul3A_2033 = arith.muli %scan3A_1857, %mul3A_2032 : i32
        %get3A_2034 = arith.constant 1 : i32
        %get3A_2035 = arith.constant 1 : i32
        %get3A_2036 = arith.constant 7 : i32
        %get3A_2037 = arith.index_cast %get3A_2034 : i32 to index
        %get3A_2038 = arith.index_cast %get3A_2035 : i32 to index
        %get3A_2039 = arith.index_cast %while3A_1850 : i32 to index
        %get3A_2040 = arith.index_cast %get3A_2036 : i32 to index
        %get3A_2041 = arith.index_cast %mul3A_2033 : i32 to index
        %get3A_2042 = tpu.vector_load %arg12[%get3A_2037, %get3A_2038, %get3A_2039, %get3A_2040, %get3A_2041] {strides = array<i32>} : memref<2x2x16x8x128xf32, #tpu.memory_space<vmem>>, vector<16xf32>,
        tpu.vector_store_idx %arg31[%gather3A], %broadcast_in_dim3A_3 {add = true} : memref<128xf32, #tpu.memory_space<vmem>>[vector<16xi32>], vector<16xf32>,
        tpu.vector_store_idx %arg15[%gather3A], %get3A_1877 {add = true} : memref<64xf32, #tpu.memory_space<vmem>>[vector<16xi32>], vector<16xf32>,
        tpu.vector_store_idx %arg16[%gather3A], %get3A_1888 {add = true} : memref<64xf32, #tpu.memory_space<vmem>>[vector<16xi32>], vector<16xf32>,
        tpu.vector_store_idx %arg17[%gather3A], %get3A_1899 {add = true} : memref<64xf32, #tpu.memory_space<vmem>>[vector<16xi32>], vector<16xf32>,
        tpu.vector_store_idx %arg18[%gather3A], %get3A_1910 {add = true} : memref<64xf32, #tpu.memory_space<vmem>>[vector<16xi32>], vector<16xf32>,
        tpu.vector_store_idx %arg19[%gather3A], %get3A_1921 {add = true} : memref<64xf32, #tpu.memory_space<vmem>>[vector<16xi32>], vector<16xf32>,
        tpu.vector_store_idx %arg20[%gather3A], %get3A_1932 {add = true} : memref<64xf32, #tpu.memory_space<vmem>>[vector<16xi32>], vector<16xf32>,
        tpu.vector_store_idx %arg21[%gather3A], %get3A_1943 {add = true} : memref<64xf32, #tpu.memory_space<vmem>>[vector<16xi32>], vector<16xf32>,
        tpu.vector_store_idx %arg22[%gather3A], %get3A_1954 {add = true} : memref<64xf32, #tpu.memory_space<vmem>>[vector<16xi32>], vector<16xf32>,
        tpu.vector_store_idx %arg23[%gather3A], %get3A_1965 {add = true} : memref<64xf32, #tpu.memory_space<vmem>>[vector<16xi32>], vector<16xf32>,
        tpu.vector_store_idx %arg24[%gather3A], %get3A_1976 {add = true} : memref<64xf32, #tpu.memory_space<vmem>>[vector<16xi32>], vector<16xf32>,
        tpu.vector_store_idx %arg25[%gather3A], %get3A_1987 {add = true} : memref<64xf32, #tpu.memory_space<vmem>>[vector<16xi32>], vector<16xf32>,
        tpu.vector_store_idx %arg26[%gather3A], %get3A_1998 {add = true} : memref<64xf32, #tpu.memory_space<vmem>>[vector<16xi32>], vector<16xf32>,
        tpu.vector_store_idx %arg27[%gather3A], %get3A_2009 {add = true} : memref<64xf32, #tpu.memory_space<vmem>>[vector<16xi32>], vector<16xf32>,
        tpu.vector_store_idx %arg28[%gather3A], %get3A_2020 {add = true} : memref<64xf32, #tpu.memory_space<vmem>>[vector<16xi32>], vector<16xf32>,
        tpu.vector_store_idx %arg29[%gather3A], %get3A_2031 {add = true} : memref<64xf32, #tpu.memory_space<vmem>>[vector<16xi32>], vector<16xf32>,
        tpu.vector_store_idx %arg30[%gather3A], %get3A_2042 {add = true} : memref<64xf32, #tpu.memory_space<vmem>>[vector<16xi32>], vector<16xf32>,
      }
      %scan3A_1856 = arith.constant 8 : i32
    }
    %while3A_1098 = arith.constant 1 : i32
    scf.for %while3A_1850 = %while3A_1096 to %while3A_1092 step %while3A_1098  : i32 {
      %scan3A_1851 = arith.constant 0 : i32
      %scan3A_1852 = arith.constant 0 : i32
      %scan3A_1853 = arith.constant 8 : i32
      %scan3A_1854 = arith.addi %scan3A_1852, %scan3A_1853 : i32
      %scan3A_1855 = arith.constant 1 : i32
      scf.for %scan3A_1857 = %scan3A_1852 to %scan3A_1854 step %scan3A_1855  : i32 {
        %mul3A_1858 = arith.constant 16 : i32
        %mul3A_1859 = arith.muli %scan3A_1857, %mul3A_1858 : i32
        %get3A_1860 = arith.constant 1 : i32
        %get3A_1861 = arith.constant 0 : i32
        %get3A_1862 = arith.index_cast %get3A_1860 : i32 to index
        %get3A_1863 = arith.index_cast %while3A_1850 : i32 to index
        %get3A_1864 = arith.index_cast %get3A_1861 : i32 to index
        %get3A_1865 = arith.index_cast %mul3A_1859 : i32 to index
        %get3A_1866 = tpu.vector_load %arg11[%get3A_1862, %get3A_1863, %get3A_1864, %get3A_1865] {strides = array<i32>} : memref<2x16x2x128xi32, #tpu.memory_space<vmem>>, vector<16xi32>,
        %gather3A = tpu.vector_load_idx %arg10[%get3A_1866] : memref<10240xi32, #tpu.memory_space<vmem>>[vector<16xi32>], vector<16xi32>,
        %mul3A_1867 = arith.constant 16 : i32
        %mul3A_1868 = arith.muli %scan3A_1857, %mul3A_1867 : i32
        %get3A_1869 = arith.constant 1 : i32
        %get3A_1870 = arith.constant 0 : i32
        %get3A_1871 = arith.constant 0 : i32
        %get3A_1872 = arith.index_cast %get3A_1869 : i32 to index
        %get3A_1873 = arith.index_cast %get3A_1870 : i32 to index
        %get3A_1874 = arith.index_cast %while3A_1850 : i32 to index
        %get3A_1875 = arith.index_cast %get3A_1871 : i32 to index
        %get3A_1876 = arith.index_cast %mul3A_1868 : i32 to index
        %get3A_1877 = tpu.vector_load %arg12[%get3A_1872, %get3A_1873, %get3A_1874, %get3A_1875, %get3A_1876] {strides = array<i32>} : memref<2x2x16x8x128xf32, #tpu.memory_space<vmem>>, vector<16xf32>,
        %mul3A_1878 = arith.constant 16 : i32
        %mul3A_1879 = arith.muli %scan3A_1857, %mul3A_1878 : i32
        %get3A_1880 = arith.constant 1 : i32
        %get3A_1881 = arith.constant 0 : i32
        %get3A_1882 = arith.constant 1 : i32
        %get3A_1883 = arith.index_cast %get3A_1880 : i32 to index
        %get3A_1884 = arith.index_cast %get3A_1881 : i32 to index
        %get3A_1885 = arith.index_cast %while3A_1850 : i32 to index
        %get3A_1886 = arith.index_cast %get3A_1882 : i32 to index
        %get3A_1887 = arith.index_cast %mul3A_1879 : i32 to index
        %get3A_1888 = tpu.vector_load %arg12[%get3A_1883, %get3A_1884, %get3A_1885, %get3A_1886, %get3A_1887] {strides = array<i32>} : memref<2x2x16x8x128xf32, #tpu.memory_space<vmem>>, vector<16xf32>,
        %mul3A_1889 = arith.constant 16 : i32
        %mul3A_1890 = arith.muli %scan3A_1857, %mul3A_1889 : i32
        %get3A_1891 = arith.constant 1 : i32
        %get3A_1892 = arith.constant 0 : i32
        %get3A_1893 = arith.constant 2 : i32
        %get3A_1894 = arith.index_cast %get3A_1891 : i32 to index
        %get3A_1895 = arith.index_cast %get3A_1892 : i32 to index
        %get3A_1896 = arith.index_cast %while3A_1850 : i32 to index
        %get3A_1897 = arith.index_cast %get3A_1893 : i32 to index
        %get3A_1898 = arith.index_cast %mul3A_1890 : i32 to index
        %get3A_1899 = tpu.vector_load %arg12[%get3A_1894, %get3A_1895, %get3A_1896, %get3A_1897, %get3A_1898] {strides = array<i32>} : memref<2x2x16x8x128xf32, #tpu.memory_space<vmem>>, vector<16xf32>,
        %mul3A_1900 = arith.constant 16 : i32
        %mul3A_1901 = arith.muli %scan3A_1857, %mul3A_1900 : i32
        %get3A_1902 = arith.constant 1 : i32
        %get3A_1903 = arith.constant 0 : i32
        %get3A_1904 = arith.constant 3 : i32
        %get3A_1905 = arith.index_cast %get3A_1902 : i32 to index
        %get3A_1906 = arith.index_cast %get3A_1903 : i32 to index
        %get3A_1907 = arith.index_cast %while3A_1850 : i32 to index
        %get3A_1908 = arith.index_cast %get3A_1904 : i32 to index
        %get3A_1909 = arith.index_cast %mul3A_1901 : i32 to index
        %get3A_1910 = tpu.vector_load %arg12[%get3A_1905, %get3A_1906, %get3A_1907, %get3A_1908, %get3A_1909] {strides = array<i32>} : memref<2x2x16x8x128xf32, #tpu.memory_space<vmem>>, vector<16xf32>,
        %mul3A_1911 = arith.constant 16 : i32
        %mul3A_1912 = arith.muli %scan3A_1857, %mul3A_1911 : i32
        %get3A_1913 = arith.constant 1 : i32
        %get3A_1914 = arith.constant 0 : i32
        %get3A_1915 = arith.constant 4 : i32
        %get3A_1916 = arith.index_cast %get3A_1913 : i32 to index
        %get3A_1917 = arith.index_cast %get3A_1914 : i32 to index
        %get3A_1918 = arith.index_cast %while3A_1850 : i32 to index
        %get3A_1919 = arith.index_cast %get3A_1915 : i32 to index
        %get3A_1920 = arith.index_cast %mul3A_1912 : i32 to index
        %get3A_1921 = tpu.vector_load %arg12[%get3A_1916, %get3A_1917, %get3A_1918, %get3A_1919, %get3A_1920] {strides = array<i32>} : memref<2x2x16x8x128xf32, #tpu.memory_space<vmem>>, vector<16xf32>,
        %mul3A_1922 = arith.constant 16 : i32
        %mul3A_1923 = arith.muli %scan3A_1857, %mul3A_1922 : i32
        %get3A_1924 = arith.constant 1 : i32
        %get3A_1925 = arith.constant 0 : i32
        %get3A_1926 = arith.constant 5 : i32
        %get3A_1927 = arith.index_cast %get3A_1924 : i32 to index
        %get3A_1928 = arith.index_cast %get3A_1925 : i32 to index
        %get3A_1929 = arith.index_cast %while3A_1850 : i32 to index
        %get3A_1930 = arith.index_cast %get3A_1926 : i32 to index
        %get3A_1931 = arith.index_cast %mul3A_1923 : i32 to index
        %get3A_1932 = tpu.vector_load %arg12[%get3A_1927, %get3A_1928, %get3A_1929, %get3A_1930, %get3A_1931] {strides = array<i32>} : memref<2x2x16x8x128xf32, #tpu.memory_space<vmem>>, vector<16xf32>,
        %mul3A_1933 = arith.constant 16 : i32
        %mul3A_1934 = arith.muli %scan3A_1857, %mul3A_1933 : i32
        %get3A_1935 = arith.constant 1 : i32
        %get3A_1936 = arith.constant 0 : i32
        %get3A_1937 = arith.constant 6 : i32
        %get3A_1938 = arith.index_cast %get3A_1935 : i32 to index
        %get3A_1939 = arith.index_cast %get3A_1936 : i32 to index
        %get3A_1940 = arith.index_cast %while3A_1850 : i32 to index
        %get3A_1941 = arith.index_cast %get3A_1937 : i32 to index
        %get3A_1942 = arith.index_cast %mul3A_1934 : i32 to index
        %get3A_1943 = tpu.vector_load %arg12[%get3A_1938, %get3A_1939, %get3A_1940, %get3A_1941, %get3A_1942] {strides = array<i32>} : memref<2x2x16x8x128xf32, #tpu.memory_space<vmem>>, vector<16xf32>,
        %mul3A_1944 = arith.constant 16 : i32
        %mul3A_1945 = arith.muli %scan3A_1857, %mul3A_1944 : i32
        %get3A_1946 = arith.constant 1 : i32
        %get3A_1947 = arith.constant 0 : i32
        %get3A_1948 = arith.constant 7 : i32
        %get3A_1949 = arith.index_cast %get3A_1946 : i32 to index
        %get3A_1950 = arith.index_cast %get3A_1947 : i32 to index
        %get3A_1951 = arith.index_cast %while3A_1850 : i32 to index
        %get3A_1952 = arith.index_cast %get3A_1948 : i32 to index
        %get3A_1953 = arith.index_cast %mul3A_1945 : i32 to index
        %get3A_1954 = tpu.vector_load %arg12[%get3A_1949, %get3A_1950, %get3A_1951, %get3A_1952, %get3A_1953] {strides = array<i32>} : memref<2x2x16x8x128xf32, #tpu.memory_space<vmem>>, vector<16xf32>,
        %mul3A_1955 = arith.constant 16 : i32
        %mul3A_1956 = arith.muli %scan3A_1857, %mul3A_1955 : i32
        %get3A_1957 = arith.constant 1 : i32
        %get3A_1958 = arith.constant 1 : i32
        %get3A_1959 = arith.constant 0 : i32
        %get3A_1960 = arith.index_cast %get3A_1957 : i32 to index
        %get3A_1961 = arith.index_cast %get3A_1958 : i32 to index
        %get3A_1962 = arith.index_cast %while3A_1850 : i32 to index
        %get3A_1963 = arith.index_cast %get3A_1959 : i32 to index
        %get3A_1964 = arith.index_cast %mul3A_1956 : i32 to index
        %get3A_1965 = tpu.vector_load %arg12[%get3A_1960, %get3A_1961, %get3A_1962, %get3A_1963, %get3A_1964] {strides = array<i32>} : memref<2x2x16x8x128xf32, #tpu.memory_space<vmem>>, vector<16xf32>,
        %mul3A_1966 = arith.constant 16 : i32
        %mul3A_1967 = arith.muli %scan3A_1857, %mul3A_1966 : i32
        %get3A_1968 = arith.constant 1 : i32
        %get3A_1969 = arith.constant 1 : i32
        %get3A_1970 = arith.constant 1 : i32
        %get3A_1971 = arith.index_cast %get3A_1968 : i32 to index
        %get3A_1972 = arith.index_cast %get3A_1969 : i32 to index
        %get3A_1973 = arith.index_cast %while3A_1850 : i32 to index
        %get3A_1974 = arith.index_cast %get3A_1970 : i32 to index
        %get3A_1975 = arith.index_cast %mul3A_1967 : i32 to index
        %get3A_1976 = tpu.vector_load %arg12[%get3A_1971, %get3A_1972, %get3A_1973, %get3A_1974, %get3A_1975] {strides = array<i32>} : memref<2x2x16x8x128xf32, #tpu.memory_space<vmem>>, vector<16xf32>,
        %mul3A_1977 = arith.constant 16 : i32
        %mul3A_1978 = arith.muli %scan3A_1857, %mul3A_1977 : i32
        %get3A_1979 = arith.constant 1 : i32
        %get3A_1980 = arith.constant 1 : i32
        %get3A_1981 = arith.constant 2 : i32
        %get3A_1982 = arith.index_cast %get3A_1979 : i32 to index
        %get3A_1983 = arith.index_cast %get3A_1980 : i32 to index
        %get3A_1984 = arith.index_cast %while3A_1850 : i32 to index
        %get3A_1985 = arith.index_cast %get3A_1981 : i32 to index
        %get3A_1986 = arith.index_cast %mul3A_1978 : i32 to index
        %get3A_1987 = tpu.vector_load %arg12[%get3A_1982, %get3A_1983, %get3A_1984, %get3A_1985, %get3A_1986] {strides = array<i32>} : memref<2x2x16x8x128xf32, #tpu.memory_space<vmem>>, vector<16xf32>,
        %mul3A_1988 = arith.constant 16 : i32
        %mul3A_1989 = arith.muli %scan3A_1857, %mul3A_1988 : i32
        %get3A_1990 = arith.constant 1 : i32
        %get3A_1991 = arith.constant 1 : i32
        %get3A_1992 = arith.constant 3 : i32
        %get3A_1993 = arith.index_cast %get3A_1990 : i32 to index
        %get3A_1994 = arith.index_cast %get3A_1991 : i32 to index
        %get3A_1995 = arith.index_cast %while3A_1850 : i32 to index
        %get3A_1996 = arith.index_cast %get3A_1992 : i32 to index
        %get3A_1997 = arith.index_cast %mul3A_1989 : i32 to index
        %get3A_1998 = tpu.vector_load %arg12[%get3A_1993, %get3A_1994, %get3A_1995, %get3A_1996, %get3A_1997] {strides = array<i32>} : memref<2x2x16x8x128xf32, #tpu.memory_space<vmem>>, vector<16xf32>,
        %mul3A_1999 = arith.constant 16 : i32
        %mul3A_2000 = arith.muli %scan3A_1857, %mul3A_1999 : i32
        %get3A_2001 = arith.constant 1 : i32
        %get3A_2002 = arith.constant 1 : i32
        %get3A_2003 = arith.constant 4 : i32
        %get3A_2004 = arith.index_cast %get3A_2001 : i32 to index
        %get3A_2005 = arith.index_cast %get3A_2002 : i32 to index
        %get3A_2006 = arith.index_cast %while3A_1850 : i32 to index
        %get3A_2007 = arith.index_cast %get3A_2003 : i32 to index
        %get3A_2008 = arith.index_cast %mul3A_2000 : i32 to index
        %get3A_2009 = tpu.vector_load %arg12[%get3A_2004, %get3A_2005, %get3A_2006, %get3A_2007, %get3A_2008] {strides = array<i32>} : memref<2x2x16x8x128xf32, #tpu.memory_space<vmem>>, vector<16xf32>,
        %mul3A_2010 = arith.constant 16 : i32
        %mul3A_2011 = arith.muli %scan3A_1857, %mul3A_2010 : i32
        %get3A_2012 = arith.constant 1 : i32
        %get3A_2013 = arith.constant 1 : i32
        %get3A_2014 = arith.constant 5 : i32
        %get3A_2015 = arith.index_cast %get3A_2012 : i32 to index
        %get3A_2016 = arith.index_cast %get3A_2013 : i32 to index
        %get3A_2017 = arith.index_cast %while3A_1850 : i32 to index
        %get3A_2018 = arith.index_cast %get3A_2014 : i32 to index
        %get3A_2019 = arith.index_cast %mul3A_2011 : i32 to index
        %get3A_2020 = tpu.vector_load %arg12[%get3A_2015, %get3A_2016, %get3A_2017, %get3A_2018, %get3A_2019] {strides = array<i32>} : memref<2x2x16x8x128xf32, #tpu.memory_space<vmem>>, vector<16xf32>,
        %mul3A_2021 = arith.constant 16 : i32
        %mul3A_2022 = arith.muli %scan3A_1857, %mul3A_2021 : i32
        %get3A_2023 = arith.constant 1 : i32
        %get3A_2024 = arith.constant 1 : i32
        %get3A_2025 = arith.constant 6 : i32
        %get3A_2026 = arith.index_cast %get3A_2023 : i32 to index
        %get3A_2027 = arith.index_cast %get3A_2024 : i32 to index
        %get3A_2028 = arith.index_cast %while3A_1850 : i32 to index
        %get3A_2029 = arith.index_cast %get3A_2025 : i32 to index
        %get3A_2030 = arith.index_cast %mul3A_2022 : i32 to index
        %get3A_2031 = tpu.vector_load %arg12[%get3A_2026, %get3A_2027, %get3A_2028, %get3A_2029, %get3A_2030] {strides = array<i32>} : memref<2x2x16x8x128xf32, #tpu.memory_space<vmem>>, vector<16xf32>,
        %mul3A_2032 = arith.constant 16 : i32
        %mul3A_2033 = arith.muli %scan3A_1857, %mul3A_2032 : i32
        %get3A_2034 = arith.constant 1 : i32
        %get3A_2035 = arith.constant 1 : i32
        %get3A_2036 = arith.constant 7 : i32
        %get3A_2037 = arith.index_cast %get3A_2034 : i32 to index
        %get3A_2038 = arith.index_cast %get3A_2035 : i32 to index
        %get3A_2039 = arith.index_cast %while3A_1850 : i32 to index
        %get3A_2040 = arith.index_cast %get3A_2036 : i32 to index
        %get3A_2041 = arith.index_cast %mul3A_2033 : i32 to index
        %get3A_2042 = tpu.vector_load %arg12[%get3A_2037, %get3A_2038, %get3A_2039, %get3A_2040, %get3A_2041] {strides = array<i32>} : memref<2x2x16x8x128xf32, #tpu.memory_space<vmem>>, vector<16xf32>,
        tpu.vector_store_idx %arg31[%gather3A], %broadcast_in_dim3A_3 {add = true} : memref<128xf32, #tpu.memory_space<vmem>>[vector<16xi32>], vector<16xf32>,
        tpu.vector_store_idx %arg15[%gather3A], %get3A_1877 {add = true} : memref<64xf32, #tpu.memory_space<vmem>>[vector<16xi32>], vector<16xf32>,
        tpu.vector_store_idx %arg16[%gather3A], %get3A_1888 {add = true} : memref<64xf32, #tpu.memory_space<vmem>>[vector<16xi32>], vector<16xf32>,
        tpu.vector_store_idx %arg17[%gather3A], %get3A_1899 {add = true} : memref<64xf32, #tpu.memory_space<vmem>>[vector<16xi32>], vector<16xf32>,
        tpu.vector_store_idx %arg18[%gather3A], %get3A_1910 {add = true} : memref<64xf32, #tpu.memory_space<vmem>>[vector<16xi32>], vector<16xf32>,
        tpu.vector_store_idx %arg19[%gather3A], %get3A_1921 {add = true} : memref<64xf32, #tpu.memory_space<vmem>>[vector<16xi32>], vector<16xf32>,
        tpu.vector_store_idx %arg20[%gather3A], %get3A_1932 {add = true} : memref<64xf32, #tpu.memory_space<vmem>>[vector<16xi32>], vector<16xf32>,
        tpu.vector_store_idx %arg21[%gather3A], %get3A_1943 {add = true} : memref<64xf32, #tpu.memory_space<vmem>>[vector<16xi32>], vector<16xf32>,
        tpu.vector_store_idx %arg22[%gather3A], %get3A_1954 {add = true} : memref<64xf32, #tpu.memory_space<vmem>>[vector<16xi32>], vector<16xf32>,
        tpu.vector_store_idx %arg23[%gather3A], %get3A_1965 {add = true} : memref<64xf32, #tpu.memory_space<vmem>>[vector<16xi32>], vector<16xf32>,
        tpu.vector_store_idx %arg24[%gather3A], %get3A_1976 {add = true} : memref<64xf32, #tpu.memory_space<vmem>>[vector<16xi32>], vector<16xf32>,
        tpu.vector_store_idx %arg25[%gather3A], %get3A_1987 {add = true} : memref<64xf32, #tpu.memory_space<vmem>>[vector<16xi32>], vector<16xf32>,
        tpu.vector_store_idx %arg26[%gather3A], %get3A_1998 {add = true} : memref<64xf32, #tpu.memory_space<vmem>>[vector<16xi32>], vector<16xf32>,
        tpu.vector_store_idx %arg27[%gather3A], %get3A_2009 {add = true} : memref<64xf32, #tpu.memory_space<vmem>>[vector<16xi32>], vector<16xf32>,
        tpu.vector_store_idx %arg28[%gather3A], %get3A_2020 {add = true} : memref<64xf32, #tpu.memory_space<vmem>>[vector<16xi32>], vector<16xf32>,
        tpu.vector_store_idx %arg29[%gather3A], %get3A_2031 {add = true} : memref<64xf32, #tpu.memory_space<vmem>>[vector<16xi32>], vector<16xf32>,
        tpu.vector_store_idx %arg30[%gather3A], %get3A_2042 {add = true} : memref<64xf32, #tpu.memory_space<vmem>>[vector<16xi32>], vector<16xf32>,
      }
      %scan3A_1856 = arith.constant 8 : i32
    }
    %dma_wait3A_1099 = arith.constant 0 : i32
    %dma_wait3A_1100 = arith.constant 0 : i32
    %dma_wait3A_1101 = arith.constant 0 : i32
    %dma_wait3A_1102 = arith.constant 0 : i32
    %dma_wait3A_1103 = arith.constant 0 : i32
    %dma_wait3A_1104 = arith.constant 0 : i32
    %dma_wait3A_1105 = tpu.memref_slice %arg12[%dma_wait3A_1100, %dma_wait3A_1101, %dma_wait3A_1102, %dma_wait3A_1103, %dma_wait3A_1104] : memref<2x2x16x8x128xf32, #tpu.memory_space<vmem>> -> memref<1x1x16x8x128xf32, #tpu.memory_space<vmem>>
    %dma_wait3A_1106 = tpu.memref_squeeze %dma_wait3A_1105 : memref<1x1x16x8x128xf32, #tpu.memory_space<vmem>> -> memref<16x8x128xf32, #tpu.memory_space<vmem>>
    %dma_wait3A_1107 = arith.constant 0 : i32
    %dma_wait3A_1108 = arith.constant 0 : i32
    %dma_wait3A_1109 = tpu.memref_slice %arg2[%dma_wait3A_1099, %min3A_1016, %dma_wait3A_1107, %dma_wait3A_1108] : memref<2x2500x8x128xf32, #tpu.memory_space<hbm>> -> memref<1x16x8x128xf32, #tpu.memory_space<hbm>>
    %dma_wait3A_1110 = tpu.memref_squeeze %dma_wait3A_1109 : memref<1x16x8x128xf32, #tpu.memory_space<hbm>> -> memref<16x8x128xf32, #tpu.memory_space<hbm>>
    %dma_wait3A_1111 = arith.constant 0 : i32
    %dma_wait3A_1112 = arith.constant 0 : i32
    %dma_wait3A_1113 = arith.constant 0 : i32
    %dma_wait3A_1114 = tpu.memref_slice %arg12[%dma_wait3A_1100, %dma_wait3A_1101, %dma_wait3A_1111, %dma_wait3A_1112, %dma_wait3A_1113] : memref<2x2x16x8x128xf32, #tpu.memory_space<vmem>> -> memref<1x1x16x8x128xf32, #tpu.memory_space<vmem>>
    %dma_wait3A_1115 = tpu.memref_squeeze %dma_wait3A_1114 : memref<1x1x16x8x128xf32, #tpu.memory_space<vmem>> -> memref<16x8x128xf32, #tpu.memory_space<vmem>>
    %dma_wait3A_1116 = arith.constant 0 : i32
    %dma_wait3A_1117 = arith.constant 0 : i32
    %dma_wait3A_1118 = tpu.memref_slice %arg2[%dma_wait3A_1099, %min3A_1016, %dma_wait3A_1116, %dma_wait3A_1117] : memref<2x2500x8x128xf32, #tpu.memory_space<hbm>> -> memref<1x16x8x128xf32, #tpu.memory_space<hbm>>
    %dma_wait3A_1119 = tpu.memref_squeeze %dma_wait3A_1118 : memref<1x16x8x128xf32, #tpu.memory_space<hbm>> -> memref<16x8x128xf32, #tpu.memory_space<hbm>>
    tpu.wait_dma2 semaphore(%arg37 : memref<!tpu.dma_semaphore, #tpu.memory_space<semaphore_mem>>) src(%dma_wait3A_1119 : memref<16x8x128xf32, #tpu.memory_space<hbm>>) dst(%dma_wait3A_1115 : memref<16x8x128xf32, #tpu.memory_space<vmem>>)
    %dma_wait3A_1120 = arith.constant 1 : i32
    %dma_wait3A_1121 = arith.constant 0 : i32
    %dma_wait3A_1122 = arith.constant 1 : i32
    %dma_wait3A_1123 = arith.constant 0 : i32
    %dma_wait3A_1124 = arith.constant 0 : i32
    %dma_wait3A_1125 = arith.constant 0 : i32
    %dma_wait3A_1126 = tpu.memref_slice %arg12[%dma_wait3A_1121, %dma_wait3A_1122, %dma_wait3A_1123, %dma_wait3A_1124, %dma_wait3A_1125] : memref<2x2x16x8x128xf32, #tpu.memory_space<vmem>> -> memref<1x1x16x8x128xf32, #tpu.memory_space<vmem>>
    %dma_wait3A_1127 = tpu.memref_squeeze %dma_wait3A_1126 : memref<1x1x16x8x128xf32, #tpu.memory_space<vmem>> -> memref<16x8x128xf32, #tpu.memory_space<vmem>>
    %dma_wait3A_1128 = arith.constant 0 : i32
    %dma_wait3A_1129 = arith.constant 0 : i32
    %dma_wait3A_1130 = tpu.memref_slice %arg2[%dma_wait3A_1120, %min3A_1016, %dma_wait3A_1128, %dma_wait3A_1129] : memref<2x2500x8x128xf32, #tpu.memory_space<hbm>> -> memref<1x16x8x128xf32, #tpu.memory_space<hbm>>
    %dma_wait3A_1131 = tpu.memref_squeeze %dma_wait3A_1130 : memref<1x16x8x128xf32, #tpu.memory_space<hbm>> -> memref<16x8x128xf32, #tpu.memory_space<hbm>>
    %dma_wait3A_1132 = arith.constant 0 : i32
    %dma_wait3A_1133 = arith.constant 0 : i32
    %dma_wait3A_1134 = arith.constant 0 : i32
    %dma_wait3A_1135 = tpu.memref_slice %arg12[%dma_wait3A_1121, %dma_wait3A_1122, %dma_wait3A_1132, %dma_wait3A_1133, %dma_wait3A_1134] : memref<2x2x16x8x128xf32, #tpu.memory_space<vmem>> -> memref<1x1x16x8x128xf32, #tpu.memory_space<vmem>>
    %dma_wait3A_1136 = tpu.memref_squeeze %dma_wait3A_1135 : memref<1x1x16x8x128xf32, #tpu.memory_space<vmem>> -> memref<16x8x128xf32, #tpu.memory_space<vmem>>
    %dma_wait3A_1137 = arith.constant 0 : i32
    %dma_wait3A_1138 = arith.constant 0 : i32
    %dma_wait3A_1139 = tpu.memref_slice %arg2[%dma_wait3A_1120, %min3A_1016, %dma_wait3A_1137, %dma_wait3A_1138] : memref<2x2500x8x128xf32, #tpu.memory_space<hbm>> -> memref<1x16x8x128xf32, #tpu.memory_space<hbm>>
    %dma_wait3A_1140 = tpu.memref_squeeze %dma_wait3A_1139 : memref<1x16x8x128xf32, #tpu.memory_space<hbm>> -> memref<16x8x128xf32, #tpu.memory_space<hbm>>
    tpu.wait_dma2 semaphore(%arg37 : memref<!tpu.dma_semaphore, #tpu.memory_space<semaphore_mem>>) src(%dma_wait3A_1140 : memref<16x8x128xf32, #tpu.memory_space<hbm>>) dst(%dma_wait3A_1136 : memref<16x8x128xf32, #tpu.memory_space<vmem>>)
    %dma_wait3A_1141 = arith.constant 0 : i32
    %dma_wait3A_1142 = arith.constant 0 : i32
    %dma_wait3A_1143 = arith.constant 0 : i32
    %dma_wait3A_1144 = arith.constant 0 : i32
    %dma_wait3A_1145 = tpu.memref_slice %arg11[%dma_wait3A_1141, %dma_wait3A_1142, %dma_wait3A_1143, %dma_wait3A_1144] : memref<2x16x2x128xi32, #tpu.memory_space<vmem>> -> memref<1x16x2x128xi32, #tpu.memory_space<vmem>>
    %dma_wait3A_1146 = tpu.memref_squeeze %dma_wait3A_1145 : memref<1x16x2x128xi32, #tpu.memory_space<vmem>> -> memref<16x2x128xi32, #tpu.memory_space<vmem>>
    %dma_wait3A_1147 = arith.constant 0 : i32
    %dma_wait3A_1148 = arith.constant 0 : i32
    %dma_wait3A_1149 = tpu.memref_slice %arg3[%min3A_1016, %dma_wait3A_1147, %dma_wait3A_1148] : memref<2500x2x128xi32, #tpu.memory_space<hbm>> -> memref<16x2x128xi32, #tpu.memory_space<hbm>>
    %dma_wait3A_1150 = arith.constant 0 : i32
    %dma_wait3A_1151 = arith.constant 0 : i32
    %dma_wait3A_1152 = arith.constant 0 : i32
    %dma_wait3A_1153 = tpu.memref_slice %arg11[%dma_wait3A_1141, %dma_wait3A_1150, %dma_wait3A_1151, %dma_wait3A_1152] : memref<2x16x2x128xi32, #tpu.memory_space<vmem>> -> memref<1x16x2x128xi32, #tpu.memory_space<vmem>>
    %dma_wait3A_1154 = tpu.memref_squeeze %dma_wait3A_1153 : memref<1x16x2x128xi32, #tpu.memory_space<vmem>> -> memref<16x2x128xi32, #tpu.memory_space<vmem>>
    %dma_wait3A_1155 = arith.constant 0 : i32
    %dma_wait3A_1156 = arith.constant 0 : i32
    %dma_wait3A_1157 = tpu.memref_slice %arg3[%min3A_1016, %dma_wait3A_1155, %dma_wait3A_1156] : memref<2500x2x128xi32, #tpu.memory_space<hbm>> -> memref<16x2x128xi32, #tpu.memory_space<hbm>>
    tpu.wait_dma2 semaphore(%arg39 : memref<!tpu.dma_semaphore, #tpu.memory_space<semaphore_mem>>) src(%dma_wait3A_1157 : memref<16x2x128xi32, #tpu.memory_space<hbm>>) dst(%dma_wait3A_1154 : memref<16x2x128xi32, #tpu.memory_space<vmem>>)
    %add3A_1158 = arith.constant 64 : i32
    %add3A_1159 = arith.addi %add3A_20, %add3A_1158 : i32
    %add3A_1160 = arith.constant 64 : i32
    %add3A_1161 = arith.addi %add3A_20, %add3A_1160 : i32
    %min3A_1162 = arith.constant 2484 : i32
    %min3A_1163 = arith.minsi %add3A_1161, %min3A_1162 : i32
    %sub3A_1164 = arith.subi %add3A_1159, %min3A_1163 : i32
    %sub3A_1165 = arith.constant 64 : i32
    %sub3A_1166 = arith.subi %add3A_24, %sub3A_1165 : i32
    %jit3A_1167 = arith.constant 0 : i32
    %jit3A_1168 = arith.constant 16 : i32
    %max3A_1169 = arith.maxsi %jit3A_1167, %sub3A_1166 : i32
    %min3A_1170 = arith.minsi %jit3A_1168, %max3A_1169 : i32
    %add3A_1171 = arith.addi %sub3A_1164, %min3A_1170 : i32
    %while3A_1172 = arith.constant 0 : i32
    %while3A_1173 = arith.subi %add3A_1171, %sub3A_1164 : i32
    %while3A_1174 = arith.addi %sub3A_1164, %while3A_1173 : i32
    %while3A_1175 = arith.constant 1 : i32
    %while3A_1176 = arith.divsi %while3A_1173, %while3A_1175 : i32
    %while3A_1177 = arith.muli %while3A_1176, %while3A_1175 : i32
    %while3A_1178 = arith.addi %sub3A_1164, %while3A_1177 : i32
    %while3A_1179 = arith.constant 1 : i32
    scf.for %while3A_1850 = %sub3A_1164 to %while3A_1178 step %while3A_1179  : i32 {
      %scan3A_1851 = arith.constant 0 : i32
      %scan3A_1852 = arith.constant 0 : i32
      %scan3A_1853 = arith.constant 8 : i32
      %scan3A_1854 = arith.addi %scan3A_1852, %scan3A_1853 : i32
      %scan3A_1855 = arith.constant 1 : i32
      scf.for %scan3A_1857 = %scan3A_1852 to %scan3A_1854 step %scan3A_1855  : i32 {
        %mul3A_1858 = arith.constant 16 : i32
        %mul3A_1859 = arith.muli %scan3A_1857, %mul3A_1858 : i32
        %get3A_1860 = arith.constant 0 : i32
        %get3A_1861 = arith.constant 0 : i32
        %get3A_1862 = arith.index_cast %get3A_1860 : i32 to index
        %get3A_1863 = arith.index_cast %while3A_1850 : i32 to index
        %get3A_1864 = arith.index_cast %get3A_1861 : i32 to index
        %get3A_1865 = arith.index_cast %mul3A_1859 : i32 to index
        %get3A_1866 = tpu.vector_load %arg11[%get3A_1862, %get3A_1863, %get3A_1864, %get3A_1865] {strides = array<i32>} : memref<2x16x2x128xi32, #tpu.memory_space<vmem>>, vector<16xi32>,
        %gather3A = tpu.vector_load_idx %arg10[%get3A_1866] : memref<10240xi32, #tpu.memory_space<vmem>>[vector<16xi32>], vector<16xi32>,
        %mul3A_1867 = arith.constant 16 : i32
        %mul3A_1868 = arith.muli %scan3A_1857, %mul3A_1867 : i32
        %get3A_1869 = arith.constant 0 : i32
        %get3A_1870 = arith.constant 0 : i32
        %get3A_1871 = arith.constant 0 : i32
        %get3A_1872 = arith.index_cast %get3A_1869 : i32 to index
        %get3A_1873 = arith.index_cast %get3A_1870 : i32 to index
        %get3A_1874 = arith.index_cast %while3A_1850 : i32 to index
        %get3A_1875 = arith.index_cast %get3A_1871 : i32 to index
        %get3A_1876 = arith.index_cast %mul3A_1868 : i32 to index
        %get3A_1877 = tpu.vector_load %arg12[%get3A_1872, %get3A_1873, %get3A_1874, %get3A_1875, %get3A_1876] {strides = array<i32>} : memref<2x2x16x8x128xf32, #tpu.memory_space<vmem>>, vector<16xf32>,
        %mul3A_1878 = arith.constant 16 : i32
        %mul3A_1879 = arith.muli %scan3A_1857, %mul3A_1878 : i32
        %get3A_1880 = arith.constant 0 : i32
        %get3A_1881 = arith.constant 0 : i32
        %get3A_1882 = arith.constant 1 : i32
        %get3A_1883 = arith.index_cast %get3A_1880 : i32 to index
        %get3A_1884 = arith.index_cast %get3A_1881 : i32 to index
        %get3A_1885 = arith.index_cast %while3A_1850 : i32 to index
        %get3A_1886 = arith.index_cast %get3A_1882 : i32 to index
        %get3A_1887 = arith.index_cast %mul3A_1879 : i32 to index
        %get3A_1888 = tpu.vector_load %arg12[%get3A_1883, %get3A_1884, %get3A_1885, %get3A_1886, %get3A_1887] {strides = array<i32>} : memref<2x2x16x8x128xf32, #tpu.memory_space<vmem>>, vector<16xf32>,
        %mul3A_1889 = arith.constant 16 : i32
        %mul3A_1890 = arith.muli %scan3A_1857, %mul3A_1889 : i32
        %get3A_1891 = arith.constant 0 : i32
        %get3A_1892 = arith.constant 0 : i32
        %get3A_1893 = arith.constant 2 : i32
        %get3A_1894 = arith.index_cast %get3A_1891 : i32 to index
        %get3A_1895 = arith.index_cast %get3A_1892 : i32 to index
        %get3A_1896 = arith.index_cast %while3A_1850 : i32 to index
        %get3A_1897 = arith.index_cast %get3A_1893 : i32 to index
        %get3A_1898 = arith.index_cast %mul3A_1890 : i32 to index
        %get3A_1899 = tpu.vector_load %arg12[%get3A_1894, %get3A_1895, %get3A_1896, %get3A_1897, %get3A_1898] {strides = array<i32>} : memref<2x2x16x8x128xf32, #tpu.memory_space<vmem>>, vector<16xf32>,
        %mul3A_1900 = arith.constant 16 : i32
        %mul3A_1901 = arith.muli %scan3A_1857, %mul3A_1900 : i32
        %get3A_1902 = arith.constant 0 : i32
        %get3A_1903 = arith.constant 0 : i32
        %get3A_1904 = arith.constant 3 : i32
        %get3A_1905 = arith.index_cast %get3A_1902 : i32 to index
        %get3A_1906 = arith.index_cast %get3A_1903 : i32 to index
        %get3A_1907 = arith.index_cast %while3A_1850 : i32 to index
        %get3A_1908 = arith.index_cast %get3A_1904 : i32 to index
        %get3A_1909 = arith.index_cast %mul3A_1901 : i32 to index
        %get3A_1910 = tpu.vector_load %arg12[%get3A_1905, %get3A_1906, %get3A_1907, %get3A_1908, %get3A_1909] {strides = array<i32>} : memref<2x2x16x8x128xf32, #tpu.memory_space<vmem>>, vector<16xf32>,
        %mul3A_1911 = arith.constant 16 : i32
        %mul3A_1912 = arith.muli %scan3A_1857, %mul3A_1911 : i32
        %get3A_1913 = arith.constant 0 : i32
        %get3A_1914 = arith.constant 0 : i32
        %get3A_1915 = arith.constant 4 : i32
        %get3A_1916 = arith.index_cast %get3A_1913 : i32 to index
        %get3A_1917 = arith.index_cast %get3A_1914 : i32 to index
        %get3A_1918 = arith.index_cast %while3A_1850 : i32 to index
        %get3A_1919 = arith.index_cast %get3A_1915 : i32 to index
        %get3A_1920 = arith.index_cast %mul3A_1912 : i32 to index
        %get3A_1921 = tpu.vector_load %arg12[%get3A_1916, %get3A_1917, %get3A_1918, %get3A_1919, %get3A_1920] {strides = array<i32>} : memref<2x2x16x8x128xf32, #tpu.memory_space<vmem>>, vector<16xf32>,
        %mul3A_1922 = arith.constant 16 : i32
        %mul3A_1923 = arith.muli %scan3A_1857, %mul3A_1922 : i32
        %get3A_1924 = arith.constant 0 : i32
        %get3A_1925 = arith.constant 0 : i32
        %get3A_1926 = arith.constant 5 : i32
        %get3A_1927 = arith.index_cast %get3A_1924 : i32 to index
        %get3A_1928 = arith.index_cast %get3A_1925 : i32 to index
        %get3A_1929 = arith.index_cast %while3A_1850 : i32 to index
        %get3A_1930 = arith.index_cast %get3A_1926 : i32 to index
        %get3A_1931 = arith.index_cast %mul3A_1923 : i32 to index
        %get3A_1932 = tpu.vector_load %arg12[%get3A_1927, %get3A_1928, %get3A_1929, %get3A_1930, %get3A_1931] {strides = array<i32>} : memref<2x2x16x8x128xf32, #tpu.memory_space<vmem>>, vector<16xf32>,
        %mul3A_1933 = arith.constant 16 : i32
        %mul3A_1934 = arith.muli %scan3A_1857, %mul3A_1933 : i32
        %get3A_1935 = arith.constant 0 : i32
        %get3A_1936 = arith.constant 0 : i32
        %get3A_1937 = arith.constant 6 : i32
        %get3A_1938 = arith.index_cast %get3A_1935 : i32 to index
        %get3A_1939 = arith.index_cast %get3A_1936 : i32 to index
        %get3A_1940 = arith.index_cast %while3A_1850 : i32 to index
        %get3A_1941 = arith.index_cast %get3A_1937 : i32 to index
        %get3A_1942 = arith.index_cast %mul3A_1934 : i32 to index
        %get3A_1943 = tpu.vector_load %arg12[%get3A_1938, %get3A_1939, %get3A_1940, %get3A_1941, %get3A_1942] {strides = array<i32>} : memref<2x2x16x8x128xf32, #tpu.memory_space<vmem>>, vector<16xf32>,
        %mul3A_1944 = arith.constant 16 : i32
        %mul3A_1945 = arith.muli %scan3A_1857, %mul3A_1944 : i32
        %get3A_1946 = arith.constant 0 : i32
        %get3A_1947 = arith.constant 0 : i32
        %get3A_1948 = arith.constant 7 : i32
        %get3A_1949 = arith.index_cast %get3A_1946 : i32 to index
        %get3A_1950 = arith.index_cast %get3A_1947 : i32 to index
        %get3A_1951 = arith.index_cast %while3A_1850 : i32 to index
        %get3A_1952 = arith.index_cast %get3A_1948 : i32 to index
        %get3A_1953 = arith.index_cast %mul3A_1945 : i32 to index
        %get3A_1954 = tpu.vector_load %arg12[%get3A_1949, %get3A_1950, %get3A_1951, %get3A_1952, %get3A_1953] {strides = array<i32>} : memref<2x2x16x8x128xf32, #tpu.memory_space<vmem>>, vector<16xf32>,
        %mul3A_1955 = arith.constant 16 : i32
        %mul3A_1956 = arith.muli %scan3A_1857, %mul3A_1955 : i32
        %get3A_1957 = arith.constant 0 : i32
        %get3A_1958 = arith.constant 1 : i32
        %get3A_1959 = arith.constant 0 : i32
        %get3A_1960 = arith.index_cast %get3A_1957 : i32 to index
        %get3A_1961 = arith.index_cast %get3A_1958 : i32 to index
        %get3A_1962 = arith.index_cast %while3A_1850 : i32 to index
        %get3A_1963 = arith.index_cast %get3A_1959 : i32 to index
        %get3A_1964 = arith.index_cast %mul3A_1956 : i32 to index
        %get3A_1965 = tpu.vector_load %arg12[%get3A_1960, %get3A_1961, %get3A_1962, %get3A_1963, %get3A_1964] {strides = array<i32>} : memref<2x2x16x8x128xf32, #tpu.memory_space<vmem>>, vector<16xf32>,
        %mul3A_1966 = arith.constant 16 : i32
        %mul3A_1967 = arith.muli %scan3A_1857, %mul3A_1966 : i32
        %get3A_1968 = arith.constant 0 : i32
        %get3A_1969 = arith.constant 1 : i32
        %get3A_1970 = arith.constant 1 : i32
        %get3A_1971 = arith.index_cast %get3A_1968 : i32 to index
        %get3A_1972 = arith.index_cast %get3A_1969 : i32 to index
        %get3A_1973 = arith.index_cast %while3A_1850 : i32 to index
        %get3A_1974 = arith.index_cast %get3A_1970 : i32 to index
        %get3A_1975 = arith.index_cast %mul3A_1967 : i32 to index
        %get3A_1976 = tpu.vector_load %arg12[%get3A_1971, %get3A_1972, %get3A_1973, %get3A_1974, %get3A_1975] {strides = array<i32>} : memref<2x2x16x8x128xf32, #tpu.memory_space<vmem>>, vector<16xf32>,
        %mul3A_1977 = arith.constant 16 : i32
        %mul3A_1978 = arith.muli %scan3A_1857, %mul3A_1977 : i32
        %get3A_1979 = arith.constant 0 : i32
        %get3A_1980 = arith.constant 1 : i32
        %get3A_1981 = arith.constant 2 : i32
        %get3A_1982 = arith.index_cast %get3A_1979 : i32 to index
        %get3A_1983 = arith.index_cast %get3A_1980 : i32 to index
        %get3A_1984 = arith.index_cast %while3A_1850 : i32 to index
        %get3A_1985 = arith.index_cast %get3A_1981 : i32 to index
        %get3A_1986 = arith.index_cast %mul3A_1978 : i32 to index
        %get3A_1987 = tpu.vector_load %arg12[%get3A_1982, %get3A_1983, %get3A_1984, %get3A_1985, %get3A_1986] {strides = array<i32>} : memref<2x2x16x8x128xf32, #tpu.memory_space<vmem>>, vector<16xf32>,
        %mul3A_1988 = arith.constant 16 : i32
        %mul3A_1989 = arith.muli %scan3A_1857, %mul3A_1988 : i32
        %get3A_1990 = arith.constant 0 : i32
        %get3A_1991 = arith.constant 1 : i32
        %get3A_1992 = arith.constant 3 : i32
        %get3A_1993 = arith.index_cast %get3A_1990 : i32 to index
        %get3A_1994 = arith.index_cast %get3A_1991 : i32 to index
        %get3A_1995 = arith.index_cast %while3A_1850 : i32 to index
        %get3A_1996 = arith.index_cast %get3A_1992 : i32 to index
        %get3A_1997 = arith.index_cast %mul3A_1989 : i32 to index
        %get3A_1998 = tpu.vector_load %arg12[%get3A_1993, %get3A_1994, %get3A_1995, %get3A_1996, %get3A_1997] {strides = array<i32>} : memref<2x2x16x8x128xf32, #tpu.memory_space<vmem>>, vector<16xf32>,
        %mul3A_1999 = arith.constant 16 : i32
        %mul3A_2000 = arith.muli %scan3A_1857, %mul3A_1999 : i32
        %get3A_2001 = arith.constant 0 : i32
        %get3A_2002 = arith.constant 1 : i32
        %get3A_2003 = arith.constant 4 : i32
        %get3A_2004 = arith.index_cast %get3A_2001 : i32 to index
        %get3A_2005 = arith.index_cast %get3A_2002 : i32 to index
        %get3A_2006 = arith.index_cast %while3A_1850 : i32 to index
        %get3A_2007 = arith.index_cast %get3A_2003 : i32 to index
        %get3A_2008 = arith.index_cast %mul3A_2000 : i32 to index
        %get3A_2009 = tpu.vector_load %arg12[%get3A_2004, %get3A_2005, %get3A_2006, %get3A_2007, %get3A_2008] {strides = array<i32>} : memref<2x2x16x8x128xf32, #tpu.memory_space<vmem>>, vector<16xf32>,
        %mul3A_2010 = arith.constant 16 : i32
        %mul3A_2011 = arith.muli %scan3A_1857, %mul3A_2010 : i32
        %get3A_2012 = arith.constant 0 : i32
        %get3A_2013 = arith.constant 1 : i32
        %get3A_2014 = arith.constant 5 : i32
        %get3A_2015 = arith.index_cast %get3A_2012 : i32 to index
        %get3A_2016 = arith.index_cast %get3A_2013 : i32 to index
        %get3A_2017 = arith.index_cast %while3A_1850 : i32 to index
        %get3A_2018 = arith.index_cast %get3A_2014 : i32 to index
        %get3A_2019 = arith.index_cast %mul3A_2011 : i32 to index
        %get3A_2020 = tpu.vector_load %arg12[%get3A_2015, %get3A_2016, %get3A_2017, %get3A_2018, %get3A_2019] {strides = array<i32>} : memref<2x2x16x8x128xf32, #tpu.memory_space<vmem>>, vector<16xf32>,
        %mul3A_2021 = arith.constant 16 : i32
        %mul3A_2022 = arith.muli %scan3A_1857, %mul3A_2021 : i32
        %get3A_2023 = arith.constant 0 : i32
        %get3A_2024 = arith.constant 1 : i32
        %get3A_2025 = arith.constant 6 : i32
        %get3A_2026 = arith.index_cast %get3A_2023 : i32 to index
        %get3A_2027 = arith.index_cast %get3A_2024 : i32 to index
        %get3A_2028 = arith.index_cast %while3A_1850 : i32 to index
        %get3A_2029 = arith.index_cast %get3A_2025 : i32 to index
        %get3A_2030 = arith.index_cast %mul3A_2022 : i32 to index
        %get3A_2031 = tpu.vector_load %arg12[%get3A_2026, %get3A_2027, %get3A_2028, %get3A_2029, %get3A_2030] {strides = array<i32>} : memref<2x2x16x8x128xf32, #tpu.memory_space<vmem>>, vector<16xf32>,
        %mul3A_2032 = arith.constant 16 : i32
        %mul3A_2033 = arith.muli %scan3A_1857, %mul3A_2032 : i32
        %get3A_2034 = arith.constant 0 : i32
        %get3A_2035 = arith.constant 1 : i32
        %get3A_2036 = arith.constant 7 : i32
        %get3A_2037 = arith.index_cast %get3A_2034 : i32 to index
        %get3A_2038 = arith.index_cast %get3A_2035 : i32 to index
        %get3A_2039 = arith.index_cast %while3A_1850 : i32 to index
        %get3A_2040 = arith.index_cast %get3A_2036 : i32 to index
        %get3A_2041 = arith.index_cast %mul3A_2033 : i32 to index
        %get3A_2042 = tpu.vector_load %arg12[%get3A_2037, %get3A_2038, %get3A_2039, %get3A_2040, %get3A_2041] {strides = array<i32>} : memref<2x2x16x8x128xf32, #tpu.memory_space<vmem>>, vector<16xf32>,
        tpu.vector_store_idx %arg31[%gather3A], %broadcast_in_dim3A_3 {add = true} : memref<128xf32, #tpu.memory_space<vmem>>[vector<16xi32>], vector<16xf32>,
        tpu.vector_store_idx %arg15[%gather3A], %get3A_1877 {add = true} : memref<64xf32, #tpu.memory_space<vmem>>[vector<16xi32>], vector<16xf32>,
        tpu.vector_store_idx %arg16[%gather3A], %get3A_1888 {add = true} : memref<64xf32, #tpu.memory_space<vmem>>[vector<16xi32>], vector<16xf32>,
        tpu.vector_store_idx %arg17[%gather3A], %get3A_1899 {add = true} : memref<64xf32, #tpu.memory_space<vmem>>[vector<16xi32>], vector<16xf32>,
        tpu.vector_store_idx %arg18[%gather3A], %get3A_1910 {add = true} : memref<64xf32, #tpu.memory_space<vmem>>[vector<16xi32>], vector<16xf32>,
        tpu.vector_store_idx %arg19[%gather3A], %get3A_1921 {add = true} : memref<64xf32, #tpu.memory_space<vmem>>[vector<16xi32>], vector<16xf32>,
        tpu.vector_store_idx %arg20[%gather3A], %get3A_1932 {add = true} : memref<64xf32, #tpu.memory_space<vmem>>[vector<16xi32>], vector<16xf32>,
        tpu.vector_store_idx %arg21[%gather3A], %get3A_1943 {add = true} : memref<64xf32, #tpu.memory_space<vmem>>[vector<16xi32>], vector<16xf32>,
        tpu.vector_store_idx %arg22[%gather3A], %get3A_1954 {add = true} : memref<64xf32, #tpu.memory_space<vmem>>[vector<16xi32>], vector<16xf32>,
        tpu.vector_store_idx %arg23[%gather3A], %get3A_1965 {add = true} : memref<64xf32, #tpu.memory_space<vmem>>[vector<16xi32>], vector<16xf32>,
        tpu.vector_store_idx %arg24[%gather3A], %get3A_1976 {add = true} : memref<64xf32, #tpu.memory_space<vmem>>[vector<16xi32>], vector<16xf32>,
        tpu.vector_store_idx %arg25[%gather3A], %get3A_1987 {add = true} : memref<64xf32, #tpu.memory_space<vmem>>[vector<16xi32>], vector<16xf32>,
        tpu.vector_store_idx %arg26[%gather3A], %get3A_1998 {add = true} : memref<64xf32, #tpu.memory_space<vmem>>[vector<16xi32>], vector<16xf32>,
        tpu.vector_store_idx %arg27[%gather3A], %get3A_2009 {add = true} : memref<64xf32, #tpu.memory_space<vmem>>[vector<16xi32>], vector<16xf32>,
        tpu.vector_store_idx %arg28[%gather3A], %get3A_2020 {add = true} : memref<64xf32, #tpu.memory_space<vmem>>[vector<16xi32>], vector<16xf32>,
        tpu.vector_store_idx %arg29[%gather3A], %get3A_2031 {add = true} : memref<64xf32, #tpu.memory_space<vmem>>[vector<16xi32>], vector<16xf32>,
        tpu.vector_store_idx %arg30[%gather3A], %get3A_2042 {add = true} : memref<64xf32, #tpu.memory_space<vmem>>[vector<16xi32>], vector<16xf32>,
      }
      %scan3A_1856 = arith.constant 8 : i32
    }
    %while3A_1180 = arith.constant 1 : i32
    scf.for %while3A_1850 = %while3A_1178 to %while3A_1174 step %while3A_1180  : i32 {
      %scan3A_1851 = arith.constant 0 : i32
      %scan3A_1852 = arith.constant 0 : i32
      %scan3A_1853 = arith.constant 8 : i32
      %scan3A_1854 = arith.addi %scan3A_1852, %scan3A_1853 : i32
      %scan3A_1855 = arith.constant 1 : i32
      scf.for %scan3A_1857 = %scan3A_1852 to %scan3A_1854 step %scan3A_1855  : i32 {
        %mul3A_1858 = arith.constant 16 : i32
        %mul3A_1859 = arith.muli %scan3A_1857, %mul3A_1858 : i32
        %get3A_1860 = arith.constant 0 : i32
        %get3A_1861 = arith.constant 0 : i32
        %get3A_1862 = arith.index_cast %get3A_1860 : i32 to index
        %get3A_1863 = arith.index_cast %while3A_1850 : i32 to index
        %get3A_1864 = arith.index_cast %get3A_1861 : i32 to index
        %get3A_1865 = arith.index_cast %mul3A_1859 : i32 to index
        %get3A_1866 = tpu.vector_load %arg11[%get3A_1862, %get3A_1863, %get3A_1864, %get3A_1865] {strides = array<i32>} : memref<2x16x2x128xi32, #tpu.memory_space<vmem>>, vector<16xi32>,
        %gather3A = tpu.vector_load_idx %arg10[%get3A_1866] : memref<10240xi32, #tpu.memory_space<vmem>>[vector<16xi32>], vector<16xi32>,
        %mul3A_1867 = arith.constant 16 : i32
        %mul3A_1868 = arith.muli %scan3A_1857, %mul3A_1867 : i32
        %get3A_1869 = arith.constant 0 : i32
        %get3A_1870 = arith.constant 0 : i32
        %get3A_1871 = arith.constant 0 : i32
        %get3A_1872 = arith.index_cast %get3A_1869 : i32 to index
        %get3A_1873 = arith.index_cast %get3A_1870 : i32 to index
        %get3A_1874 = arith.index_cast %while3A_1850 : i32 to index
        %get3A_1875 = arith.index_cast %get3A_1871 : i32 to index
        %get3A_1876 = arith.index_cast %mul3A_1868 : i32 to index
        %get3A_1877 = tpu.vector_load %arg12[%get3A_1872, %get3A_1873, %get3A_1874, %get3A_1875, %get3A_1876] {strides = array<i32>} : memref<2x2x16x8x128xf32, #tpu.memory_space<vmem>>, vector<16xf32>,
        %mul3A_1878 = arith.constant 16 : i32
        %mul3A_1879 = arith.muli %scan3A_1857, %mul3A_1878 : i32
        %get3A_1880 = arith.constant 0 : i32
        %get3A_1881 = arith.constant 0 : i32
        %get3A_1882 = arith.constant 1 : i32
        %get3A_1883 = arith.index_cast %get3A_1880 : i32 to index
        %get3A_1884 = arith.index_cast %get3A_1881 : i32 to index
        %get3A_1885 = arith.index_cast %while3A_1850 : i32 to index
        %get3A_1886 = arith.index_cast %get3A_1882 : i32 to index
        %get3A_1887 = arith.index_cast %mul3A_1879 : i32 to index
        %get3A_1888 = tpu.vector_load %arg12[%get3A_1883, %get3A_1884, %get3A_1885, %get3A_1886, %get3A_1887] {strides = array<i32>} : memref<2x2x16x8x128xf32, #tpu.memory_space<vmem>>, vector<16xf32>,
        %mul3A_1889 = arith.constant 16 : i32
        %mul3A_1890 = arith.muli %scan3A_1857, %mul3A_1889 : i32
        %get3A_1891 = arith.constant 0 : i32
        %get3A_1892 = arith.constant 0 : i32
        %get3A_1893 = arith.constant 2 : i32
        %get3A_1894 = arith.index_cast %get3A_1891 : i32 to index
        %get3A_1895 = arith.index_cast %get3A_1892 : i32 to index
        %get3A_1896 = arith.index_cast %while3A_1850 : i32 to index
        %get3A_1897 = arith.index_cast %get3A_1893 : i32 to index
        %get3A_1898 = arith.index_cast %mul3A_1890 : i32 to index
        %get3A_1899 = tpu.vector_load %arg12[%get3A_1894, %get3A_1895, %get3A_1896, %get3A_1897, %get3A_1898] {strides = array<i32>} : memref<2x2x16x8x128xf32, #tpu.memory_space<vmem>>, vector<16xf32>,
        %mul3A_1900 = arith.constant 16 : i32
        %mul3A_1901 = arith.muli %scan3A_1857, %mul3A_1900 : i32
        %get3A_1902 = arith.constant 0 : i32
        %get3A_1903 = arith.constant 0 : i32
        %get3A_1904 = arith.constant 3 : i32
        %get3A_1905 = arith.index_cast %get3A_1902 : i32 to index
        %get3A_1906 = arith.index_cast %get3A_1903 : i32 to index
        %get3A_1907 = arith.index_cast %while3A_1850 : i32 to index
        %get3A_1908 = arith.index_cast %get3A_1904 : i32 to index
        %get3A_1909 = arith.index_cast %mul3A_1901 : i32 to index
        %get3A_1910 = tpu.vector_load %arg12[%get3A_1905, %get3A_1906, %get3A_1907, %get3A_1908, %get3A_1909] {strides = array<i32>} : memref<2x2x16x8x128xf32, #tpu.memory_space<vmem>>, vector<16xf32>,
        %mul3A_1911 = arith.constant 16 : i32
        %mul3A_1912 = arith.muli %scan3A_1857, %mul3A_1911 : i32
        %get3A_1913 = arith.constant 0 : i32
        %get3A_1914 = arith.constant 0 : i32
        %get3A_1915 = arith.constant 4 : i32
        %get3A_1916 = arith.index_cast %get3A_1913 : i32 to index
        %get3A_1917 = arith.index_cast %get3A_1914 : i32 to index
        %get3A_1918 = arith.index_cast %while3A_1850 : i32 to index
        %get3A_1919 = arith.index_cast %get3A_1915 : i32 to index
        %get3A_1920 = arith.index_cast %mul3A_1912 : i32 to index
        %get3A_1921 = tpu.vector_load %arg12[%get3A_1916, %get3A_1917, %get3A_1918, %get3A_1919, %get3A_1920] {strides = array<i32>} : memref<2x2x16x8x128xf32, #tpu.memory_space<vmem>>, vector<16xf32>,
        %mul3A_1922 = arith.constant 16 : i32
        %mul3A_1923 = arith.muli %scan3A_1857, %mul3A_1922 : i32
        %get3A_1924 = arith.constant 0 : i32
        %get3A_1925 = arith.constant 0 : i32
        %get3A_1926 = arith.constant 5 : i32
        %get3A_1927 = arith.index_cast %get3A_1924 : i32 to index
        %get3A_1928 = arith.index_cast %get3A_1925 : i32 to index
        %get3A_1929 = arith.index_cast %while3A_1850 : i32 to index
        %get3A_1930 = arith.index_cast %get3A_1926 : i32 to index
        %get3A_1931 = arith.index_cast %mul3A_1923 : i32 to index
        %get3A_1932 = tpu.vector_load %arg12[%get3A_1927, %get3A_1928, %get3A_1929, %get3A_1930, %get3A_1931] {strides = array<i32>} : memref<2x2x16x8x128xf32, #tpu.memory_space<vmem>>, vector<16xf32>,
        %mul3A_1933 = arith.constant 16 : i32
        %mul3A_1934 = arith.muli %scan3A_1857, %mul3A_1933 : i32
        %get3A_1935 = arith.constant 0 : i32
        %get3A_1936 = arith.constant 0 : i32
        %get3A_1937 = arith.constant 6 : i32
        %get3A_1938 = arith.index_cast %get3A_1935 : i32 to index
        %get3A_1939 = arith.index_cast %get3A_1936 : i32 to index
        %get3A_1940 = arith.index_cast %while3A_1850 : i32 to index
        %get3A_1941 = arith.index_cast %get3A_1937 : i32 to index
        %get3A_1942 = arith.index_cast %mul3A_1934 : i32 to index
        %get3A_1943 = tpu.vector_load %arg12[%get3A_1938, %get3A_1939, %get3A_1940, %get3A_1941, %get3A_1942] {strides = array<i32>} : memref<2x2x16x8x128xf32, #tpu.memory_space<vmem>>, vector<16xf32>,
        %mul3A_1944 = arith.constant 16 : i32
        %mul3A_1945 = arith.muli %scan3A_1857, %mul3A_1944 : i32
        %get3A_1946 = arith.constant 0 : i32
        %get3A_1947 = arith.constant 0 : i32
        %get3A_1948 = arith.constant 7 : i32
        %get3A_1949 = arith.index_cast %get3A_1946 : i32 to index
        %get3A_1950 = arith.index_cast %get3A_1947 : i32 to index
        %get3A_1951 = arith.index_cast %while3A_1850 : i32 to index
        %get3A_1952 = arith.index_cast %get3A_1948 : i32 to index
        %get3A_1953 = arith.index_cast %mul3A_1945 : i32 to index
        %get3A_1954 = tpu.vector_load %arg12[%get3A_1949, %get3A_1950, %get3A_1951, %get3A_1952, %get3A_1953] {strides = array<i32>} : memref<2x2x16x8x128xf32, #tpu.memory_space<vmem>>, vector<16xf32>,
        %mul3A_1955 = arith.constant 16 : i32
        %mul3A_1956 = arith.muli %scan3A_1857, %mul3A_1955 : i32
        %get3A_1957 = arith.constant 0 : i32
        %get3A_1958 = arith.constant 1 : i32
        %get3A_1959 = arith.constant 0 : i32
        %get3A_1960 = arith.index_cast %get3A_1957 : i32 to index
        %get3A_1961 = arith.index_cast %get3A_1958 : i32 to index
        %get3A_1962 = arith.index_cast %while3A_1850 : i32 to index
        %get3A_1963 = arith.index_cast %get3A_1959 : i32 to index
        %get3A_1964 = arith.index_cast %mul3A_1956 : i32 to index
        %get3A_1965 = tpu.vector_load %arg12[%get3A_1960, %get3A_1961, %get3A_1962, %get3A_1963, %get3A_1964] {strides = array<i32>} : memref<2x2x16x8x128xf32, #tpu.memory_space<vmem>>, vector<16xf32>,
        %mul3A_1966 = arith.constant 16 : i32
        %mul3A_1967 = arith.muli %scan3A_1857, %mul3A_1966 : i32
        %get3A_1968 = arith.constant 0 : i32
        %get3A_1969 = arith.constant 1 : i32
        %get3A_1970 = arith.constant 1 : i32
        %get3A_1971 = arith.index_cast %get3A_1968 : i32 to index
        %get3A_1972 = arith.index_cast %get3A_1969 : i32 to index
        %get3A_1973 = arith.index_cast %while3A_1850 : i32 to index
        %get3A_1974 = arith.index_cast %get3A_1970 : i32 to index
        %get3A_1975 = arith.index_cast %mul3A_1967 : i32 to index
        %get3A_1976 = tpu.vector_load %arg12[%get3A_1971, %get3A_1972, %get3A_1973, %get3A_1974, %get3A_1975] {strides = array<i32>} : memref<2x2x16x8x128xf32, #tpu.memory_space<vmem>>, vector<16xf32>,
        %mul3A_1977 = arith.constant 16 : i32
        %mul3A_1978 = arith.muli %scan3A_1857, %mul3A_1977 : i32
        %get3A_1979 = arith.constant 0 : i32
        %get3A_1980 = arith.constant 1 : i32
        %get3A_1981 = arith.constant 2 : i32
        %get3A_1982 = arith.index_cast %get3A_1979 : i32 to index
        %get3A_1983 = arith.index_cast %get3A_1980 : i32 to index
        %get3A_1984 = arith.index_cast %while3A_1850 : i32 to index
        %get3A_1985 = arith.index_cast %get3A_1981 : i32 to index
        %get3A_1986 = arith.index_cast %mul3A_1978 : i32 to index
        %get3A_1987 = tpu.vector_load %arg12[%get3A_1982, %get3A_1983, %get3A_1984, %get3A_1985, %get3A_1986] {strides = array<i32>} : memref<2x2x16x8x128xf32, #tpu.memory_space<vmem>>, vector<16xf32>,
        %mul3A_1988 = arith.constant 16 : i32
        %mul3A_1989 = arith.muli %scan3A_1857, %mul3A_1988 : i32
        %get3A_1990 = arith.constant 0 : i32
        %get3A_1991 = arith.constant 1 : i32
        %get3A_1992 = arith.constant 3 : i32
        %get3A_1993 = arith.index_cast %get3A_1990 : i32 to index
        %get3A_1994 = arith.index_cast %get3A_1991 : i32 to index
        %get3A_1995 = arith.index_cast %while3A_1850 : i32 to index
        %get3A_1996 = arith.index_cast %get3A_1992 : i32 to index
        %get3A_1997 = arith.index_cast %mul3A_1989 : i32 to index
        %get3A_1998 = tpu.vector_load %arg12[%get3A_1993, %get3A_1994, %get3A_1995, %get3A_1996, %get3A_1997] {strides = array<i32>} : memref<2x2x16x8x128xf32, #tpu.memory_space<vmem>>, vector<16xf32>,
        %mul3A_1999 = arith.constant 16 : i32
        %mul3A_2000 = arith.muli %scan3A_1857, %mul3A_1999 : i32
        %get3A_2001 = arith.constant 0 : i32
        %get3A_2002 = arith.constant 1 : i32
        %get3A_2003 = arith.constant 4 : i32
        %get3A_2004 = arith.index_cast %get3A_2001 : i32 to index
        %get3A_2005 = arith.index_cast %get3A_2002 : i32 to index
        %get3A_2006 = arith.index_cast %while3A_1850 : i32 to index
        %get3A_2007 = arith.index_cast %get3A_2003 : i32 to index
        %get3A_2008 = arith.index_cast %mul3A_2000 : i32 to index
        %get3A_2009 = tpu.vector_load %arg12[%get3A_2004, %get3A_2005, %get3A_2006, %get3A_2007, %get3A_2008] {strides = array<i32>} : memref<2x2x16x8x128xf32, #tpu.memory_space<vmem>>, vector<16xf32>,
        %mul3A_2010 = arith.constant 16 : i32
        %mul3A_2011 = arith.muli %scan3A_1857, %mul3A_2010 : i32
        %get3A_2012 = arith.constant 0 : i32
        %get3A_2013 = arith.constant 1 : i32
        %get3A_2014 = arith.constant 5 : i32
        %get3A_2015 = arith.index_cast %get3A_2012 : i32 to index
        %get3A_2016 = arith.index_cast %get3A_2013 : i32 to index
        %get3A_2017 = arith.index_cast %while3A_1850 : i32 to index
        %get3A_2018 = arith.index_cast %get3A_2014 : i32 to index
        %get3A_2019 = arith.index_cast %mul3A_2011 : i32 to index
        %get3A_2020 = tpu.vector_load %arg12[%get3A_2015, %get3A_2016, %get3A_2017, %get3A_2018, %get3A_2019] {strides = array<i32>} : memref<2x2x16x8x128xf32, #tpu.memory_space<vmem>>, vector<16xf32>,
        %mul3A_2021 = arith.constant 16 : i32
        %mul3A_2022 = arith.muli %scan3A_1857, %mul3A_2021 : i32
        %get3A_2023 = arith.constant 0 : i32
        %get3A_2024 = arith.constant 1 : i32
        %get3A_2025 = arith.constant 6 : i32
        %get3A_2026 = arith.index_cast %get3A_2023 : i32 to index
        %get3A_2027 = arith.index_cast %get3A_2024 : i32 to index
        %get3A_2028 = arith.index_cast %while3A_1850 : i32 to index
        %get3A_2029 = arith.index_cast %get3A_2025 : i32 to index
        %get3A_2030 = arith.index_cast %mul3A_2022 : i32 to index
        %get3A_2031 = tpu.vector_load %arg12[%get3A_2026, %get3A_2027, %get3A_2028, %get3A_2029, %get3A_2030] {strides = array<i32>} : memref<2x2x16x8x128xf32, #tpu.memory_space<vmem>>, vector<16xf32>,
        %mul3A_2032 = arith.constant 16 : i32
        %mul3A_2033 = arith.muli %scan3A_1857, %mul3A_2032 : i32
        %get3A_2034 = arith.constant 0 : i32
        %get3A_2035 = arith.constant 1 : i32
        %get3A_2036 = arith.constant 7 : i32
        %get3A_2037 = arith.index_cast %get3A_2034 : i32 to index
        %get3A_2038 = arith.index_cast %get3A_2035 : i32 to index
        %get3A_2039 = arith.index_cast %while3A_1850 : i32 to index
        %get3A_2040 = arith.index_cast %get3A_2036 : i32 to index
        %get3A_2041 = arith.index_cast %mul3A_2033 : i32 to index
        %get3A_2042 = tpu.vector_load %arg12[%get3A_2037, %get3A_2038, %get3A_2039, %get3A_2040, %get3A_2041] {strides = array<i32>} : memref<2x2x16x8x128xf32, #tpu.memory_space<vmem>>, vector<16xf32>,
        tpu.vector_store_idx %arg31[%gather3A], %broadcast_in_dim3A_3 {add = true} : memref<128xf32, #tpu.memory_space<vmem>>[vector<16xi32>], vector<16xf32>,
        tpu.vector_store_idx %arg15[%gather3A], %get3A_1877 {add = true} : memref<64xf32, #tpu.memory_space<vmem>>[vector<16xi32>], vector<16xf32>,
        tpu.vector_store_idx %arg16[%gather3A], %get3A_1888 {add = true} : memref<64xf32, #tpu.memory_space<vmem>>[vector<16xi32>], vector<16xf32>,
        tpu.vector_store_idx %arg17[%gather3A], %get3A_1899 {add = true} : memref<64xf32, #tpu.memory_space<vmem>>[vector<16xi32>], vector<16xf32>,
        tpu.vector_store_idx %arg18[%gather3A], %get3A_1910 {add = true} : memref<64xf32, #tpu.memory_space<vmem>>[vector<16xi32>], vector<16xf32>,
        tpu.vector_store_idx %arg19[%gather3A], %get3A_1921 {add = true} : memref<64xf32, #tpu.memory_space<vmem>>[vector<16xi32>], vector<16xf32>,
        tpu.vector_store_idx %arg20[%gather3A], %get3A_1932 {add = true} : memref<64xf32, #tpu.memory_space<vmem>>[vector<16xi32>], vector<16xf32>,
        tpu.vector_store_idx %arg21[%gather3A], %get3A_1943 {add = true} : memref<64xf32, #tpu.memory_space<vmem>>[vector<16xi32>], vector<16xf32>,
        tpu.vector_store_idx %arg22[%gather3A], %get3A_1954 {add = true} : memref<64xf32, #tpu.memory_space<vmem>>[vector<16xi32>], vector<16xf32>,
        tpu.vector_store_idx %arg23[%gather3A], %get3A_1965 {add = true} : memref<64xf32, #tpu.memory_space<vmem>>[vector<16xi32>], vector<16xf32>,
        tpu.vector_store_idx %arg24[%gather3A], %get3A_1976 {add = true} : memref<64xf32, #tpu.memory_space<vmem>>[vector<16xi32>], vector<16xf32>,
        tpu.vector_store_idx %arg25[%gather3A], %get3A_1987 {add = true} : memref<64xf32, #tpu.memory_space<vmem>>[vector<16xi32>], vector<16xf32>,
        tpu.vector_store_idx %arg26[%gather3A], %get3A_1998 {add = true} : memref<64xf32, #tpu.memory_space<vmem>>[vector<16xi32>], vector<16xf32>,
        tpu.vector_store_idx %arg27[%gather3A], %get3A_2009 {add = true} : memref<64xf32, #tpu.memory_space<vmem>>[vector<16xi32>], vector<16xf32>,
        tpu.vector_store_idx %arg28[%gather3A], %get3A_2020 {add = true} : memref<64xf32, #tpu.memory_space<vmem>>[vector<16xi32>], vector<16xf32>,
        tpu.vector_store_idx %arg29[%gather3A], %get3A_2031 {add = true} : memref<64xf32, #tpu.memory_space<vmem>>[vector<16xi32>], vector<16xf32>,
        tpu.vector_store_idx %arg30[%gather3A], %get3A_2042 {add = true} : memref<64xf32, #tpu.memory_space<vmem>>[vector<16xi32>], vector<16xf32>,
      }
      %scan3A_1856 = arith.constant 8 : i32
    }
    %dma_wait3A_1181 = arith.constant 0 : i32
    %dma_wait3A_1182 = arith.constant 2 : i32
    %dma_wait3A_1183 = arith.constant 0 : i32
    %dma_wait3A_1184 = arith.constant 0 : i32
    %dma_wait3A_1185 = tpu.memref_slice %arg13[%dma_wait3A_1181, %dma_wait3A_1183, %dma_wait3A_1184] : memref<2x80x128xf32, #tpu.memory_space<vmem>> -> memref<1x80x128xf32, #tpu.memory_space<vmem>>
    %dma_wait3A_1186 = tpu.memref_squeeze %dma_wait3A_1185 : memref<1x80x128xf32, #tpu.memory_space<vmem>> -> memref<80x128xf32, #tpu.memory_space<vmem>>
    %dma_wait3A_1187 = arith.constant 0 : i32
    %dma_wait3A_1188 = tpu.memref_slice %arg14[%dma_wait3A_1182, %dma_wait3A_1187] : memref<4x80xi32, #tpu.memory_space<vmem>> -> memref<1x80xi32, #tpu.memory_space<vmem>>
    %dma_wait3A_1189 = tpu.memref_squeeze %dma_wait3A_1188 : memref<1x80xi32, #tpu.memory_space<vmem>> -> memref<80xi32, #tpu.memory_space<vmem>>
    %dma_wait3A_1190 = arith.constant 0 : i32
    %dma_wait3A_1191 = arith.constant 0 : i32
    %dma_wait3A_1192 = tpu.memref_slice %arg35[%dma_wait3A_1190, %dma_wait3A_1191] : memref<260x128xf32, #tpu.memory_space<vmem_shared>> -> memref<260x128xf32, #tpu.memory_space<vmem_shared>>
    tpu.wait_indirect_dma semaphore(%arg43 : memref<!tpu.dma_semaphore, #tpu.memory_space<semaphore_mem>>) src(%dma_wait3A_1186 : memref<80x128xf32, #tpu.memory_space<vmem>>) dst(%dma_wait3A_1192 : memref<260x128xf32, #tpu.memory_space<vmem_shared>>)
    %dma_wait3A_1193 = arith.constant 1 : i32
    %dma_wait3A_1194 = arith.constant 3 : i32
    %dma_wait3A_1195 = arith.constant 0 : i32
    %dma_wait3A_1196 = arith.constant 0 : i32
    %dma_wait3A_1197 = tpu.memref_slice %arg13[%dma_wait3A_1193, %dma_wait3A_1195, %dma_wait3A_1196] : memref<2x80x128xf32, #tpu.memory_space<vmem>> -> memref<1x80x128xf32, #tpu.memory_space<vmem>>
    %dma_wait3A_1198 = tpu.memref_squeeze %dma_wait3A_1197 : memref<1x80x128xf32, #tpu.memory_space<vmem>> -> memref<80x128xf32, #tpu.memory_space<vmem>>
    %dma_wait3A_1199 = arith.constant 0 : i32
    %dma_wait3A_1200 = tpu.memref_slice %arg14[%dma_wait3A_1194, %dma_wait3A_1199] : memref<4x80xi32, #tpu.memory_space<vmem>> -> memref<1x80xi32, #tpu.memory_space<vmem>>
    %dma_wait3A_1201 = tpu.memref_squeeze %dma_wait3A_1200 : memref<1x80xi32, #tpu.memory_space<vmem>> -> memref<80xi32, #tpu.memory_space<vmem>>
    %dma_wait3A_1202 = arith.constant 0 : i32
    %dma_wait3A_1203 = arith.constant 0 : i32
    %dma_wait3A_1204 = tpu.memref_slice %arg35[%dma_wait3A_1202, %dma_wait3A_1203] : memref<260x128xf32, #tpu.memory_space<vmem_shared>> -> memref<260x128xf32, #tpu.memory_space<vmem_shared>>
    tpu.wait_indirect_dma semaphore(%arg44 : memref<!tpu.dma_semaphore, #tpu.memory_space<semaphore_mem>>) src(%dma_wait3A_1198 : memref<80x128xf32, #tpu.memory_space<vmem>>) dst(%dma_wait3A_1204 : memref<260x128xf32, #tpu.memory_space<vmem_shared>>)
    %get3A = arith.constant 0 : index
    %get3A_1205 = tpu.vector_load %arg15[%get3A] {strides = array<i32>} : memref<64xf32, #tpu.memory_space<vmem>>, vector<16xf32>,
    %swap3A_1206 = arith.constant 0 : i32
    %swap3A_1207 = arith.index_cast %swap3A_1206 : i32 to index
    %swap3A_1208 = arith.constant 0 : index
    %swap3A_1209 = tpu.vector_load %arg34[%swap3A_1207, %swap3A_1208] {strides = array<i32>} : memref<16x128xf32, #tpu.memory_space<vmem>>, vector<16xf32>,
    tpu.vector_store %arg34[%swap3A_1207, %swap3A_1208], %get3A_1205 {strides = array<i32>} : memref<16x128xf32, #tpu.memory_space<vmem>>, vector<16xf32>,
    %get3A_1210 = arith.constant 16 : index
    %get3A_1211 = tpu.vector_load %arg15[%get3A_1210] {strides = array<i32>} : memref<64xf32, #tpu.memory_space<vmem>>, vector<16xf32>,
    %swap3A_1212 = arith.constant 0 : i32
    %swap3A_1213 = arith.index_cast %swap3A_1212 : i32 to index
    %swap3A_1214 = arith.constant 16 : index
    %swap3A_1215 = tpu.vector_load %arg34[%swap3A_1213, %swap3A_1214] {strides = array<i32>} : memref<16x128xf32, #tpu.memory_space<vmem>>, vector<16xf32>,
    tpu.vector_store %arg34[%swap3A_1213, %swap3A_1214], %get3A_1211 {strides = array<i32>} : memref<16x128xf32, #tpu.memory_space<vmem>>, vector<16xf32>,
    %get3A_1216 = arith.constant 32 : index
    %get3A_1217 = tpu.vector_load %arg15[%get3A_1216] {strides = array<i32>} : memref<64xf32, #tpu.memory_space<vmem>>, vector<16xf32>,
    %swap3A_1218 = arith.constant 0 : i32
    %swap3A_1219 = arith.index_cast %swap3A_1218 : i32 to index
    %swap3A_1220 = arith.constant 32 : index
    %swap3A_1221 = tpu.vector_load %arg34[%swap3A_1219, %swap3A_1220] {strides = array<i32>} : memref<16x128xf32, #tpu.memory_space<vmem>>, vector<16xf32>,
    tpu.vector_store %arg34[%swap3A_1219, %swap3A_1220], %get3A_1217 {strides = array<i32>} : memref<16x128xf32, #tpu.memory_space<vmem>>, vector<16xf32>,
    %get3A_1222 = arith.constant 48 : index
    %get3A_1223 = tpu.vector_load %arg15[%get3A_1222] {strides = array<i32>} : memref<64xf32, #tpu.memory_space<vmem>>, vector<16xf32>,
    %swap3A_1224 = arith.constant 0 : i32
    %swap3A_1225 = arith.index_cast %swap3A_1224 : i32 to index
    %swap3A_1226 = arith.constant 48 : index
    %swap3A_1227 = tpu.vector_load %arg34[%swap3A_1225, %swap3A_1226] {strides = array<i32>} : memref<16x128xf32, #tpu.memory_space<vmem>>, vector<16xf32>,
    tpu.vector_store %arg34[%swap3A_1225, %swap3A_1226], %get3A_1223 {strides = array<i32>} : memref<16x128xf32, #tpu.memory_space<vmem>>, vector<16xf32>,
    %swap3A_1228 = arith.constant 0 : i32
    %swap3A_1229 = arith.index_cast %swap3A_1228 : i32 to index
    %swap3A_1230 = arith.constant 64 : index
    %swap3A_1231 = tpu.vector_load %arg34[%swap3A_1229, %swap3A_1230] {strides = array<i32>} : memref<16x128xf32, #tpu.memory_space<vmem>>, vector<16xf32>,
    tpu.vector_store %arg34[%swap3A_1229, %swap3A_1230], %broadcast_in_dim3A_1 {strides = array<i32>} : memref<16x128xf32, #tpu.memory_space<vmem>>, vector<16xf32>,
    %swap3A_1232 = arith.constant 0 : i32
    %swap3A_1233 = arith.index_cast %swap3A_1232 : i32 to index
    %swap3A_1234 = arith.constant 80 : index
    %swap3A_1235 = tpu.vector_load %arg34[%swap3A_1233, %swap3A_1234] {strides = array<i32>} : memref<16x128xf32, #tpu.memory_space<vmem>>, vector<16xf32>,
    tpu.vector_store %arg34[%swap3A_1233, %swap3A_1234], %broadcast_in_dim3A_1 {strides = array<i32>} : memref<16x128xf32, #tpu.memory_space<vmem>>, vector<16xf32>,
    %swap3A_1236 = arith.constant 0 : i32
    %swap3A_1237 = arith.index_cast %swap3A_1236 : i32 to index
    %swap3A_1238 = arith.constant 96 : index
    %swap3A_1239 = tpu.vector_load %arg34[%swap3A_1237, %swap3A_1238] {strides = array<i32>} : memref<16x128xf32, #tpu.memory_space<vmem>>, vector<16xf32>,
    tpu.vector_store %arg34[%swap3A_1237, %swap3A_1238], %broadcast_in_dim3A_1 {strides = array<i32>} : memref<16x128xf32, #tpu.memory_space<vmem>>, vector<16xf32>,
    %swap3A_1240 = arith.constant 0 : i32
    %swap3A_1241 = arith.index_cast %swap3A_1240 : i32 to index
    %swap3A_1242 = arith.constant 112 : index
    %swap3A_1243 = tpu.vector_load %arg34[%swap3A_1241, %swap3A_1242] {strides = array<i32>} : memref<16x128xf32, #tpu.memory_space<vmem>>, vector<16xf32>,
    tpu.vector_store %arg34[%swap3A_1241, %swap3A_1242], %broadcast_in_dim3A_1 {strides = array<i32>} : memref<16x128xf32, #tpu.memory_space<vmem>>, vector<16xf32>,
    %get3A_1244 = arith.constant 0 : index
    %get3A_1245 = tpu.vector_load %arg16[%get3A_1244] {strides = array<i32>} : memref<64xf32, #tpu.memory_space<vmem>>, vector<16xf32>,
    %swap3A_1246 = arith.constant 1 : i32
    %swap3A_1247 = arith.index_cast %swap3A_1246 : i32 to index
    %swap3A_1248 = arith.constant 0 : index
    %swap3A_1249 = tpu.vector_load %arg34[%swap3A_1247, %swap3A_1248] {strides = array<i32>} : memref<16x128xf32, #tpu.memory_space<vmem>>, vector<16xf32>,
    tpu.vector_store %arg34[%swap3A_1247, %swap3A_1248], %get3A_1245 {strides = array<i32>} : memref<16x128xf32, #tpu.memory_space<vmem>>, vector<16xf32>,
    %get3A_1250 = arith.constant 16 : index
    %get3A_1251 = tpu.vector_load %arg16[%get3A_1250] {strides = array<i32>} : memref<64xf32, #tpu.memory_space<vmem>>, vector<16xf32>,
    %swap3A_1252 = arith.constant 1 : i32
    %swap3A_1253 = arith.index_cast %swap3A_1252 : i32 to index
    %swap3A_1254 = arith.constant 16 : index
    %swap3A_1255 = tpu.vector_load %arg34[%swap3A_1253, %swap3A_1254] {strides = array<i32>} : memref<16x128xf32, #tpu.memory_space<vmem>>, vector<16xf32>,
    tpu.vector_store %arg34[%swap3A_1253, %swap3A_1254], %get3A_1251 {strides = array<i32>} : memref<16x128xf32, #tpu.memory_space<vmem>>, vector<16xf32>,
    %get3A_1256 = arith.constant 32 : index
    %get3A_1257 = tpu.vector_load %arg16[%get3A_1256] {strides = array<i32>} : memref<64xf32, #tpu.memory_space<vmem>>, vector<16xf32>,
    %swap3A_1258 = arith.constant 1 : i32
    %swap3A_1259 = arith.index_cast %swap3A_1258 : i32 to index
    %swap3A_1260 = arith.constant 32 : index
    %swap3A_1261 = tpu.vector_load %arg34[%swap3A_1259, %swap3A_1260] {strides = array<i32>} : memref<16x128xf32, #tpu.memory_space<vmem>>, vector<16xf32>,
    tpu.vector_store %arg34[%swap3A_1259, %swap3A_1260], %get3A_1257 {strides = array<i32>} : memref<16x128xf32, #tpu.memory_space<vmem>>, vector<16xf32>,
    %get3A_1262 = arith.constant 48 : index
    %get3A_1263 = tpu.vector_load %arg16[%get3A_1262] {strides = array<i32>} : memref<64xf32, #tpu.memory_space<vmem>>, vector<16xf32>,
    %swap3A_1264 = arith.constant 1 : i32
    %swap3A_1265 = arith.index_cast %swap3A_1264 : i32 to index
    %swap3A_1266 = arith.constant 48 : index
    %swap3A_1267 = tpu.vector_load %arg34[%swap3A_1265, %swap3A_1266] {strides = array<i32>} : memref<16x128xf32, #tpu.memory_space<vmem>>, vector<16xf32>,
    tpu.vector_store %arg34[%swap3A_1265, %swap3A_1266], %get3A_1263 {strides = array<i32>} : memref<16x128xf32, #tpu.memory_space<vmem>>, vector<16xf32>,
    %swap3A_1268 = arith.constant 1 : i32
    %swap3A_1269 = arith.index_cast %swap3A_1268 : i32 to index
    %swap3A_1270 = arith.constant 64 : index
    %swap3A_1271 = tpu.vector_load %arg34[%swap3A_1269, %swap3A_1270] {strides = array<i32>} : memref<16x128xf32, #tpu.memory_space<vmem>>, vector<16xf32>,
    tpu.vector_store %arg34[%swap3A_1269, %swap3A_1270], %broadcast_in_dim3A_1 {strides = array<i32>} : memref<16x128xf32, #tpu.memory_space<vmem>>, vector<16xf32>,
    %swap3A_1272 = arith.constant 1 : i32
    %swap3A_1273 = arith.index_cast %swap3A_1272 : i32 to index
    %swap3A_1274 = arith.constant 80 : index
    %swap3A_1275 = tpu.vector_load %arg34[%swap3A_1273, %swap3A_1274] {strides = array<i32>} : memref<16x128xf32, #tpu.memory_space<vmem>>, vector<16xf32>,
    tpu.vector_store %arg34[%swap3A_1273, %swap3A_1274], %broadcast_in_dim3A_1 {strides = array<i32>} : memref<16x128xf32, #tpu.memory_space<vmem>>, vector<16xf32>,
    %swap3A_1276 = arith.constant 1 : i32
    %swap3A_1277 = arith.index_cast %swap3A_1276 : i32 to index
    %swap3A_1278 = arith.constant 96 : index
    %swap3A_1279 = tpu.vector_load %arg34[%swap3A_1277, %swap3A_1278] {strides = array<i32>} : memref<16x128xf32, #tpu.memory_space<vmem>>, vector<16xf32>,
    tpu.vector_store %arg34[%swap3A_1277, %swap3A_1278], %broadcast_in_dim3A_1 {strides = array<i32>} : memref<16x128xf32, #tpu.memory_space<vmem>>, vector<16xf32>,
    %swap3A_1280 = arith.constant 1 : i32
    %swap3A_1281 = arith.index_cast %swap3A_1280 : i32 to index
    %swap3A_1282 = arith.constant 112 : index
    %swap3A_1283 = tpu.vector_load %arg34[%swap3A_1281, %swap3A_1282] {strides = array<i32>} : memref<16x128xf32, #tpu.memory_space<vmem>>, vector<16xf32>,
    tpu.vector_store %arg34[%swap3A_1281, %swap3A_1282], %broadcast_in_dim3A_1 {strides = array<i32>} : memref<16x128xf32, #tpu.memory_space<vmem>>, vector<16xf32>,
    %get3A_1284 = arith.constant 0 : index
    %get3A_1285 = tpu.vector_load %arg17[%get3A_1284] {strides = array<i32>} : memref<64xf32, #tpu.memory_space<vmem>>, vector<16xf32>,
    %swap3A_1286 = arith.constant 2 : i32
    %swap3A_1287 = arith.index_cast %swap3A_1286 : i32 to index
    %swap3A_1288 = arith.constant 0 : index
    %swap3A_1289 = tpu.vector_load %arg34[%swap3A_1287, %swap3A_1288] {strides = array<i32>} : memref<16x128xf32, #tpu.memory_space<vmem>>, vector<16xf32>,
    tpu.vector_store %arg34[%swap3A_1287, %swap3A_1288], %get3A_1285 {strides = array<i32>} : memref<16x128xf32, #tpu.memory_space<vmem>>, vector<16xf32>,
    %get3A_1290 = arith.constant 16 : index
    %get3A_1291 = tpu.vector_load %arg17[%get3A_1290] {strides = array<i32>} : memref<64xf32, #tpu.memory_space<vmem>>, vector<16xf32>,
    %swap3A_1292 = arith.constant 2 : i32
    %swap3A_1293 = arith.index_cast %swap3A_1292 : i32 to index
    %swap3A_1294 = arith.constant 16 : index
    %swap3A_1295 = tpu.vector_load %arg34[%swap3A_1293, %swap3A_1294] {strides = array<i32>} : memref<16x128xf32, #tpu.memory_space<vmem>>, vector<16xf32>,
    tpu.vector_store %arg34[%swap3A_1293, %swap3A_1294], %get3A_1291 {strides = array<i32>} : memref<16x128xf32, #tpu.memory_space<vmem>>, vector<16xf32>,
    %get3A_1296 = arith.constant 32 : index
    %get3A_1297 = tpu.vector_load %arg17[%get3A_1296] {strides = array<i32>} : memref<64xf32, #tpu.memory_space<vmem>>, vector<16xf32>,
    %swap3A_1298 = arith.constant 2 : i32
    %swap3A_1299 = arith.index_cast %swap3A_1298 : i32 to index
    %swap3A_1300 = arith.constant 32 : index
    %swap3A_1301 = tpu.vector_load %arg34[%swap3A_1299, %swap3A_1300] {strides = array<i32>} : memref<16x128xf32, #tpu.memory_space<vmem>>, vector<16xf32>,
    tpu.vector_store %arg34[%swap3A_1299, %swap3A_1300], %get3A_1297 {strides = array<i32>} : memref<16x128xf32, #tpu.memory_space<vmem>>, vector<16xf32>,
    %get3A_1302 = arith.constant 48 : index
    %get3A_1303 = tpu.vector_load %arg17[%get3A_1302] {strides = array<i32>} : memref<64xf32, #tpu.memory_space<vmem>>, vector<16xf32>,
    %swap3A_1304 = arith.constant 2 : i32
    %swap3A_1305 = arith.index_cast %swap3A_1304 : i32 to index
    %swap3A_1306 = arith.constant 48 : index
    %swap3A_1307 = tpu.vector_load %arg34[%swap3A_1305, %swap3A_1306] {strides = array<i32>} : memref<16x128xf32, #tpu.memory_space<vmem>>, vector<16xf32>,
    tpu.vector_store %arg34[%swap3A_1305, %swap3A_1306], %get3A_1303 {strides = array<i32>} : memref<16x128xf32, #tpu.memory_space<vmem>>, vector<16xf32>,
    %swap3A_1308 = arith.constant 2 : i32
    %swap3A_1309 = arith.index_cast %swap3A_1308 : i32 to index
    %swap3A_1310 = arith.constant 64 : index
    %swap3A_1311 = tpu.vector_load %arg34[%swap3A_1309, %swap3A_1310] {strides = array<i32>} : memref<16x128xf32, #tpu.memory_space<vmem>>, vector<16xf32>,
    tpu.vector_store %arg34[%swap3A_1309, %swap3A_1310], %broadcast_in_dim3A_1 {strides = array<i32>} : memref<16x128xf32, #tpu.memory_space<vmem>>, vector<16xf32>,
    %swap3A_1312 = arith.constant 2 : i32
    %swap3A_1313 = arith.index_cast %swap3A_1312 : i32 to index
    %swap3A_1314 = arith.constant 80 : index
    %swap3A_1315 = tpu.vector_load %arg34[%swap3A_1313, %swap3A_1314] {strides = array<i32>} : memref<16x128xf32, #tpu.memory_space<vmem>>, vector<16xf32>,
    tpu.vector_store %arg34[%swap3A_1313, %swap3A_1314], %broadcast_in_dim3A_1 {strides = array<i32>} : memref<16x128xf32, #tpu.memory_space<vmem>>, vector<16xf32>,
    %swap3A_1316 = arith.constant 2 : i32
    %swap3A_1317 = arith.index_cast %swap3A_1316 : i32 to index
    %swap3A_1318 = arith.constant 96 : index
    %swap3A_1319 = tpu.vector_load %arg34[%swap3A_1317, %swap3A_1318] {strides = array<i32>} : memref<16x128xf32, #tpu.memory_space<vmem>>, vector<16xf32>,
    tpu.vector_store %arg34[%swap3A_1317, %swap3A_1318], %broadcast_in_dim3A_1 {strides = array<i32>} : memref<16x128xf32, #tpu.memory_space<vmem>>, vector<16xf32>,
    %swap3A_1320 = arith.constant 2 : i32
    %swap3A_1321 = arith.index_cast %swap3A_1320 : i32 to index
    %swap3A_1322 = arith.constant 112 : index
    %swap3A_1323 = tpu.vector_load %arg34[%swap3A_1321, %swap3A_1322] {strides = array<i32>} : memref<16x128xf32, #tpu.memory_space<vmem>>, vector<16xf32>,
    tpu.vector_store %arg34[%swap3A_1321, %swap3A_1322], %broadcast_in_dim3A_1 {strides = array<i32>} : memref<16x128xf32, #tpu.memory_space<vmem>>, vector<16xf32>,
    %get3A_1324 = arith.constant 0 : index
    %get3A_1325 = tpu.vector_load %arg18[%get3A_1324] {strides = array<i32>} : memref<64xf32, #tpu.memory_space<vmem>>, vector<16xf32>,
    %swap3A_1326 = arith.constant 3 : i32
    %swap3A_1327 = arith.index_cast %swap3A_1326 : i32 to index
    %swap3A_1328 = arith.constant 0 : index
    %swap3A_1329 = tpu.vector_load %arg34[%swap3A_1327, %swap3A_1328] {strides = array<i32>} : memref<16x128xf32, #tpu.memory_space<vmem>>, vector<16xf32>,
    tpu.vector_store %arg34[%swap3A_1327, %swap3A_1328], %get3A_1325 {strides = array<i32>} : memref<16x128xf32, #tpu.memory_space<vmem>>, vector<16xf32>,
    %get3A_1330 = arith.constant 16 : index
    %get3A_1331 = tpu.vector_load %arg18[%get3A_1330] {strides = array<i32>} : memref<64xf32, #tpu.memory_space<vmem>>, vector<16xf32>,
    %swap3A_1332 = arith.constant 3 : i32
    %swap3A_1333 = arith.index_cast %swap3A_1332 : i32 to index
    %swap3A_1334 = arith.constant 16 : index
    %swap3A_1335 = tpu.vector_load %arg34[%swap3A_1333, %swap3A_1334] {strides = array<i32>} : memref<16x128xf32, #tpu.memory_space<vmem>>, vector<16xf32>,
    tpu.vector_store %arg34[%swap3A_1333, %swap3A_1334], %get3A_1331 {strides = array<i32>} : memref<16x128xf32, #tpu.memory_space<vmem>>, vector<16xf32>,
    %get3A_1336 = arith.constant 32 : index
    %get3A_1337 = tpu.vector_load %arg18[%get3A_1336] {strides = array<i32>} : memref<64xf32, #tpu.memory_space<vmem>>, vector<16xf32>,
    %swap3A_1338 = arith.constant 3 : i32
    %swap3A_1339 = arith.index_cast %swap3A_1338 : i32 to index
    %swap3A_1340 = arith.constant 32 : index
    %swap3A_1341 = tpu.vector_load %arg34[%swap3A_1339, %swap3A_1340] {strides = array<i32>} : memref<16x128xf32, #tpu.memory_space<vmem>>, vector<16xf32>,
    tpu.vector_store %arg34[%swap3A_1339, %swap3A_1340], %get3A_1337 {strides = array<i32>} : memref<16x128xf32, #tpu.memory_space<vmem>>, vector<16xf32>,
    %get3A_1342 = arith.constant 48 : index
    %get3A_1343 = tpu.vector_load %arg18[%get3A_1342] {strides = array<i32>} : memref<64xf32, #tpu.memory_space<vmem>>, vector<16xf32>,
    %swap3A_1344 = arith.constant 3 : i32
    %swap3A_1345 = arith.index_cast %swap3A_1344 : i32 to index
    %swap3A_1346 = arith.constant 48 : index
    %swap3A_1347 = tpu.vector_load %arg34[%swap3A_1345, %swap3A_1346] {strides = array<i32>} : memref<16x128xf32, #tpu.memory_space<vmem>>, vector<16xf32>,
    tpu.vector_store %arg34[%swap3A_1345, %swap3A_1346], %get3A_1343 {strides = array<i32>} : memref<16x128xf32, #tpu.memory_space<vmem>>, vector<16xf32>,
    %swap3A_1348 = arith.constant 3 : i32
    %swap3A_1349 = arith.index_cast %swap3A_1348 : i32 to index
    %swap3A_1350 = arith.constant 64 : index
    %swap3A_1351 = tpu.vector_load %arg34[%swap3A_1349, %swap3A_1350] {strides = array<i32>} : memref<16x128xf32, #tpu.memory_space<vmem>>, vector<16xf32>,
    tpu.vector_store %arg34[%swap3A_1349, %swap3A_1350], %broadcast_in_dim3A_1 {strides = array<i32>} : memref<16x128xf32, #tpu.memory_space<vmem>>, vector<16xf32>,
    %swap3A_1352 = arith.constant 3 : i32
    %swap3A_1353 = arith.index_cast %swap3A_1352 : i32 to index
    %swap3A_1354 = arith.constant 80 : index
    %swap3A_1355 = tpu.vector_load %arg34[%swap3A_1353, %swap3A_1354] {strides = array<i32>} : memref<16x128xf32, #tpu.memory_space<vmem>>, vector<16xf32>,
    tpu.vector_store %arg34[%swap3A_1353, %swap3A_1354], %broadcast_in_dim3A_1 {strides = array<i32>} : memref<16x128xf32, #tpu.memory_space<vmem>>, vector<16xf32>,
    %swap3A_1356 = arith.constant 3 : i32
    %swap3A_1357 = arith.index_cast %swap3A_1356 : i32 to index
    %swap3A_1358 = arith.constant 96 : index
    %swap3A_1359 = tpu.vector_load %arg34[%swap3A_1357, %swap3A_1358] {strides = array<i32>} : memref<16x128xf32, #tpu.memory_space<vmem>>, vector<16xf32>,
    tpu.vector_store %arg34[%swap3A_1357, %swap3A_1358], %broadcast_in_dim3A_1 {strides = array<i32>} : memref<16x128xf32, #tpu.memory_space<vmem>>, vector<16xf32>,
    %swap3A_1360 = arith.constant 3 : i32
    %swap3A_1361 = arith.index_cast %swap3A_1360 : i32 to index
    %swap3A_1362 = arith.constant 112 : index
    %swap3A_1363 = tpu.vector_load %arg34[%swap3A_1361, %swap3A_1362] {strides = array<i32>} : memref<16x128xf32, #tpu.memory_space<vmem>>, vector<16xf32>,
    tpu.vector_store %arg34[%swap3A_1361, %swap3A_1362], %broadcast_in_dim3A_1 {strides = array<i32>} : memref<16x128xf32, #tpu.memory_space<vmem>>, vector<16xf32>,
    %get3A_1364 = arith.constant 0 : index
    %get3A_1365 = tpu.vector_load %arg19[%get3A_1364] {strides = array<i32>} : memref<64xf32, #tpu.memory_space<vmem>>, vector<16xf32>,
    %swap3A_1366 = arith.constant 4 : i32
    %swap3A_1367 = arith.index_cast %swap3A_1366 : i32 to index
    %swap3A_1368 = arith.constant 0 : index
    %swap3A_1369 = tpu.vector_load %arg34[%swap3A_1367, %swap3A_1368] {strides = array<i32>} : memref<16x128xf32, #tpu.memory_space<vmem>>, vector<16xf32>,
    tpu.vector_store %arg34[%swap3A_1367, %swap3A_1368], %get3A_1365 {strides = array<i32>} : memref<16x128xf32, #tpu.memory_space<vmem>>, vector<16xf32>,
    %get3A_1370 = arith.constant 16 : index
    %get3A_1371 = tpu.vector_load %arg19[%get3A_1370] {strides = array<i32>} : memref<64xf32, #tpu.memory_space<vmem>>, vector<16xf32>,
    %swap3A_1372 = arith.constant 4 : i32
    %swap3A_1373 = arith.index_cast %swap3A_1372 : i32 to index
    %swap3A_1374 = arith.constant 16 : index
    %swap3A_1375 = tpu.vector_load %arg34[%swap3A_1373, %swap3A_1374] {strides = array<i32>} : memref<16x128xf32, #tpu.memory_space<vmem>>, vector<16xf32>,
    tpu.vector_store %arg34[%swap3A_1373, %swap3A_1374], %get3A_1371 {strides = array<i32>} : memref<16x128xf32, #tpu.memory_space<vmem>>, vector<16xf32>,
    %get3A_1376 = arith.constant 32 : index
    %get3A_1377 = tpu.vector_load %arg19[%get3A_1376] {strides = array<i32>} : memref<64xf32, #tpu.memory_space<vmem>>, vector<16xf32>,
    %swap3A_1378 = arith.constant 4 : i32
    %swap3A_1379 = arith.index_cast %swap3A_1378 : i32 to index
    %swap3A_1380 = arith.constant 32 : index
    %swap3A_1381 = tpu.vector_load %arg34[%swap3A_1379, %swap3A_1380] {strides = array<i32>} : memref<16x128xf32, #tpu.memory_space<vmem>>, vector<16xf32>,
    tpu.vector_store %arg34[%swap3A_1379, %swap3A_1380], %get3A_1377 {strides = array<i32>} : memref<16x128xf32, #tpu.memory_space<vmem>>, vector<16xf32>,
    %get3A_1382 = arith.constant 48 : index
    %get3A_1383 = tpu.vector_load %arg19[%get3A_1382] {strides = array<i32>} : memref<64xf32, #tpu.memory_space<vmem>>, vector<16xf32>,
    %swap3A_1384 = arith.constant 4 : i32
    %swap3A_1385 = arith.index_cast %swap3A_1384 : i32 to index
    %swap3A_1386 = arith.constant 48 : index
    %swap3A_1387 = tpu.vector_load %arg34[%swap3A_1385, %swap3A_1386] {strides = array<i32>} : memref<16x128xf32, #tpu.memory_space<vmem>>, vector<16xf32>,
    tpu.vector_store %arg34[%swap3A_1385, %swap3A_1386], %get3A_1383 {strides = array<i32>} : memref<16x128xf32, #tpu.memory_space<vmem>>, vector<16xf32>,
    %swap3A_1388 = arith.constant 4 : i32
    %swap3A_1389 = arith.index_cast %swap3A_1388 : i32 to index
    %swap3A_1390 = arith.constant 64 : index
    %swap3A_1391 = tpu.vector_load %arg34[%swap3A_1389, %swap3A_1390] {strides = array<i32>} : memref<16x128xf32, #tpu.memory_space<vmem>>, vector<16xf32>,
    tpu.vector_store %arg34[%swap3A_1389, %swap3A_1390], %broadcast_in_dim3A_1 {strides = array<i32>} : memref<16x128xf32, #tpu.memory_space<vmem>>, vector<16xf32>,
    %swap3A_1392 = arith.constant 4 : i32
    %swap3A_1393 = arith.index_cast %swap3A_1392 : i32 to index
    %swap3A_1394 = arith.constant 80 : index
    %swap3A_1395 = tpu.vector_load %arg34[%swap3A_1393, %swap3A_1394] {strides = array<i32>} : memref<16x128xf32, #tpu.memory_space<vmem>>, vector<16xf32>,
    tpu.vector_store %arg34[%swap3A_1393, %swap3A_1394], %broadcast_in_dim3A_1 {strides = array<i32>} : memref<16x128xf32, #tpu.memory_space<vmem>>, vector<16xf32>,
    %swap3A_1396 = arith.constant 4 : i32
    %swap3A_1397 = arith.index_cast %swap3A_1396 : i32 to index
    %swap3A_1398 = arith.constant 96 : index
    %swap3A_1399 = tpu.vector_load %arg34[%swap3A_1397, %swap3A_1398] {strides = array<i32>} : memref<16x128xf32, #tpu.memory_space<vmem>>, vector<16xf32>,
    tpu.vector_store %arg34[%swap3A_1397, %swap3A_1398], %broadcast_in_dim3A_1 {strides = array<i32>} : memref<16x128xf32, #tpu.memory_space<vmem>>, vector<16xf32>,
    %swap3A_1400 = arith.constant 4 : i32
    %swap3A_1401 = arith.index_cast %swap3A_1400 : i32 to index
    %swap3A_1402 = arith.constant 112 : index
    %swap3A_1403 = tpu.vector_load %arg34[%swap3A_1401, %swap3A_1402] {strides = array<i32>} : memref<16x128xf32, #tpu.memory_space<vmem>>, vector<16xf32>,
    tpu.vector_store %arg34[%swap3A_1401, %swap3A_1402], %broadcast_in_dim3A_1 {strides = array<i32>} : memref<16x128xf32, #tpu.memory_space<vmem>>, vector<16xf32>,
    %get3A_1404 = arith.constant 0 : index
    %get3A_1405 = tpu.vector_load %arg20[%get3A_1404] {strides = array<i32>} : memref<64xf32, #tpu.memory_space<vmem>>, vector<16xf32>,
    %swap3A_1406 = arith.constant 5 : i32
    %swap3A_1407 = arith.index_cast %swap3A_1406 : i32 to index
    %swap3A_1408 = arith.constant 0 : index
    %swap3A_1409 = tpu.vector_load %arg34[%swap3A_1407, %swap3A_1408] {strides = array<i32>} : memref<16x128xf32, #tpu.memory_space<vmem>>, vector<16xf32>,
    tpu.vector_store %arg34[%swap3A_1407, %swap3A_1408], %get3A_1405 {strides = array<i32>} : memref<16x128xf32, #tpu.memory_space<vmem>>, vector<16xf32>,
    %get3A_1410 = arith.constant 16 : index
    %get3A_1411 = tpu.vector_load %arg20[%get3A_1410] {strides = array<i32>} : memref<64xf32, #tpu.memory_space<vmem>>, vector<16xf32>,
    %swap3A_1412 = arith.constant 5 : i32
    %swap3A_1413 = arith.index_cast %swap3A_1412 : i32 to index
    %swap3A_1414 = arith.constant 16 : index
    %swap3A_1415 = tpu.vector_load %arg34[%swap3A_1413, %swap3A_1414] {strides = array<i32>} : memref<16x128xf32, #tpu.memory_space<vmem>>, vector<16xf32>,
    tpu.vector_store %arg34[%swap3A_1413, %swap3A_1414], %get3A_1411 {strides = array<i32>} : memref<16x128xf32, #tpu.memory_space<vmem>>, vector<16xf32>,
    %get3A_1416 = arith.constant 32 : index
    %get3A_1417 = tpu.vector_load %arg20[%get3A_1416] {strides = array<i32>} : memref<64xf32, #tpu.memory_space<vmem>>, vector<16xf32>,
    %swap3A_1418 = arith.constant 5 : i32
    %swap3A_1419 = arith.index_cast %swap3A_1418 : i32 to index
    %swap3A_1420 = arith.constant 32 : index
    %swap3A_1421 = tpu.vector_load %arg34[%swap3A_1419, %swap3A_1420] {strides = array<i32>} : memref<16x128xf32, #tpu.memory_space<vmem>>, vector<16xf32>,
    tpu.vector_store %arg34[%swap3A_1419, %swap3A_1420], %get3A_1417 {strides = array<i32>} : memref<16x128xf32, #tpu.memory_space<vmem>>, vector<16xf32>,
    %get3A_1422 = arith.constant 48 : index
    %get3A_1423 = tpu.vector_load %arg20[%get3A_1422] {strides = array<i32>} : memref<64xf32, #tpu.memory_space<vmem>>, vector<16xf32>,
    %swap3A_1424 = arith.constant 5 : i32
    %swap3A_1425 = arith.index_cast %swap3A_1424 : i32 to index
    %swap3A_1426 = arith.constant 48 : index
    %swap3A_1427 = tpu.vector_load %arg34[%swap3A_1425, %swap3A_1426] {strides = array<i32>} : memref<16x128xf32, #tpu.memory_space<vmem>>, vector<16xf32>,
    tpu.vector_store %arg34[%swap3A_1425, %swap3A_1426], %get3A_1423 {strides = array<i32>} : memref<16x128xf32, #tpu.memory_space<vmem>>, vector<16xf32>,
    %swap3A_1428 = arith.constant 5 : i32
    %swap3A_1429 = arith.index_cast %swap3A_1428 : i32 to index
    %swap3A_1430 = arith.constant 64 : index
    %swap3A_1431 = tpu.vector_load %arg34[%swap3A_1429, %swap3A_1430] {strides = array<i32>} : memref<16x128xf32, #tpu.memory_space<vmem>>, vector<16xf32>,
    tpu.vector_store %arg34[%swap3A_1429, %swap3A_1430], %broadcast_in_dim3A_1 {strides = array<i32>} : memref<16x128xf32, #tpu.memory_space<vmem>>, vector<16xf32>,
    %swap3A_1432 = arith.constant 5 : i32
    %swap3A_1433 = arith.index_cast %swap3A_1432 : i32 to index
    %swap3A_1434 = arith.constant 80 : index
    %swap3A_1435 = tpu.vector_load %arg34[%swap3A_1433, %swap3A_1434] {strides = array<i32>} : memref<16x128xf32, #tpu.memory_space<vmem>>, vector<16xf32>,
    tpu.vector_store %arg34[%swap3A_1433, %swap3A_1434], %broadcast_in_dim3A_1 {strides = array<i32>} : memref<16x128xf32, #tpu.memory_space<vmem>>, vector<16xf32>,
    %swap3A_1436 = arith.constant 5 : i32
    %swap3A_1437 = arith.index_cast %swap3A_1436 : i32 to index
    %swap3A_1438 = arith.constant 96 : index
    %swap3A_1439 = tpu.vector_load %arg34[%swap3A_1437, %swap3A_1438] {strides = array<i32>} : memref<16x128xf32, #tpu.memory_space<vmem>>, vector<16xf32>,
    tpu.vector_store %arg34[%swap3A_1437, %swap3A_1438], %broadcast_in_dim3A_1 {strides = array<i32>} : memref<16x128xf32, #tpu.memory_space<vmem>>, vector<16xf32>,
    %swap3A_1440 = arith.constant 5 : i32
    %swap3A_1441 = arith.index_cast %swap3A_1440 : i32 to index
    %swap3A_1442 = arith.constant 112 : index
    %swap3A_1443 = tpu.vector_load %arg34[%swap3A_1441, %swap3A_1442] {strides = array<i32>} : memref<16x128xf32, #tpu.memory_space<vmem>>, vector<16xf32>,
    tpu.vector_store %arg34[%swap3A_1441, %swap3A_1442], %broadcast_in_dim3A_1 {strides = array<i32>} : memref<16x128xf32, #tpu.memory_space<vmem>>, vector<16xf32>,
    %get3A_1444 = arith.constant 0 : index
    %get3A_1445 = tpu.vector_load %arg21[%get3A_1444] {strides = array<i32>} : memref<64xf32, #tpu.memory_space<vmem>>, vector<16xf32>,
    %swap3A_1446 = arith.constant 6 : i32
    %swap3A_1447 = arith.index_cast %swap3A_1446 : i32 to index
    %swap3A_1448 = arith.constant 0 : index
    %swap3A_1449 = tpu.vector_load %arg34[%swap3A_1447, %swap3A_1448] {strides = array<i32>} : memref<16x128xf32, #tpu.memory_space<vmem>>, vector<16xf32>,
    tpu.vector_store %arg34[%swap3A_1447, %swap3A_1448], %get3A_1445 {strides = array<i32>} : memref<16x128xf32, #tpu.memory_space<vmem>>, vector<16xf32>,
    %get3A_1450 = arith.constant 16 : index
    %get3A_1451 = tpu.vector_load %arg21[%get3A_1450] {strides = array<i32>} : memref<64xf32, #tpu.memory_space<vmem>>, vector<16xf32>,
    %swap3A_1452 = arith.constant 6 : i32
    %swap3A_1453 = arith.index_cast %swap3A_1452 : i32 to index
    %swap3A_1454 = arith.constant 16 : index
    %swap3A_1455 = tpu.vector_load %arg34[%swap3A_1453, %swap3A_1454] {strides = array<i32>} : memref<16x128xf32, #tpu.memory_space<vmem>>, vector<16xf32>,
    tpu.vector_store %arg34[%swap3A_1453, %swap3A_1454], %get3A_1451 {strides = array<i32>} : memref<16x128xf32, #tpu.memory_space<vmem>>, vector<16xf32>,
    %get3A_1456 = arith.constant 32 : index
    %get3A_1457 = tpu.vector_load %arg21[%get3A_1456] {strides = array<i32>} : memref<64xf32, #tpu.memory_space<vmem>>, vector<16xf32>,
    %swap3A_1458 = arith.constant 6 : i32
    %swap3A_1459 = arith.index_cast %swap3A_1458 : i32 to index
    %swap3A_1460 = arith.constant 32 : index
    %swap3A_1461 = tpu.vector_load %arg34[%swap3A_1459, %swap3A_1460] {strides = array<i32>} : memref<16x128xf32, #tpu.memory_space<vmem>>, vector<16xf32>,
    tpu.vector_store %arg34[%swap3A_1459, %swap3A_1460], %get3A_1457 {strides = array<i32>} : memref<16x128xf32, #tpu.memory_space<vmem>>, vector<16xf32>,
    %get3A_1462 = arith.constant 48 : index
    %get3A_1463 = tpu.vector_load %arg21[%get3A_1462] {strides = array<i32>} : memref<64xf32, #tpu.memory_space<vmem>>, vector<16xf32>,
    %swap3A_1464 = arith.constant 6 : i32
    %swap3A_1465 = arith.index_cast %swap3A_1464 : i32 to index
    %swap3A_1466 = arith.constant 48 : index
    %swap3A_1467 = tpu.vector_load %arg34[%swap3A_1465, %swap3A_1466] {strides = array<i32>} : memref<16x128xf32, #tpu.memory_space<vmem>>, vector<16xf32>,
    tpu.vector_store %arg34[%swap3A_1465, %swap3A_1466], %get3A_1463 {strides = array<i32>} : memref<16x128xf32, #tpu.memory_space<vmem>>, vector<16xf32>,
    %swap3A_1468 = arith.constant 6 : i32
    %swap3A_1469 = arith.index_cast %swap3A_1468 : i32 to index
    %swap3A_1470 = arith.constant 64 : index
    %swap3A_1471 = tpu.vector_load %arg34[%swap3A_1469, %swap3A_1470] {strides = array<i32>} : memref<16x128xf32, #tpu.memory_space<vmem>>, vector<16xf32>,
    tpu.vector_store %arg34[%swap3A_1469, %swap3A_1470], %broadcast_in_dim3A_1 {strides = array<i32>} : memref<16x128xf32, #tpu.memory_space<vmem>>, vector<16xf32>,
    %swap3A_1472 = arith.constant 6 : i32
    %swap3A_1473 = arith.index_cast %swap3A_1472 : i32 to index
    %swap3A_1474 = arith.constant 80 : index
    %swap3A_1475 = tpu.vector_load %arg34[%swap3A_1473, %swap3A_1474] {strides = array<i32>} : memref<16x128xf32, #tpu.memory_space<vmem>>, vector<16xf32>,
    tpu.vector_store %arg34[%swap3A_1473, %swap3A_1474], %broadcast_in_dim3A_1 {strides = array<i32>} : memref<16x128xf32, #tpu.memory_space<vmem>>, vector<16xf32>,
    %swap3A_1476 = arith.constant 6 : i32
    %swap3A_1477 = arith.index_cast %swap3A_1476 : i32 to index
    %swap3A_1478 = arith.constant 96 : index
    %swap3A_1479 = tpu.vector_load %arg34[%swap3A_1477, %swap3A_1478] {strides = array<i32>} : memref<16x128xf32, #tpu.memory_space<vmem>>, vector<16xf32>,
    tpu.vector_store %arg34[%swap3A_1477, %swap3A_1478], %broadcast_in_dim3A_1 {strides = array<i32>} : memref<16x128xf32, #tpu.memory_space<vmem>>, vector<16xf32>,
    %swap3A_1480 = arith.constant 6 : i32
    %swap3A_1481 = arith.index_cast %swap3A_1480 : i32 to index
    %swap3A_1482 = arith.constant 112 : index
    %swap3A_1483 = tpu.vector_load %arg34[%swap3A_1481, %swap3A_1482] {strides = array<i32>} : memref<16x128xf32, #tpu.memory_space<vmem>>, vector<16xf32>,
    tpu.vector_store %arg34[%swap3A_1481, %swap3A_1482], %broadcast_in_dim3A_1 {strides = array<i32>} : memref<16x128xf32, #tpu.memory_space<vmem>>, vector<16xf32>,
    %get3A_1484 = arith.constant 0 : index
    %get3A_1485 = tpu.vector_load %arg22[%get3A_1484] {strides = array<i32>} : memref<64xf32, #tpu.memory_space<vmem>>, vector<16xf32>,
    %swap3A_1486 = arith.constant 7 : i32
    %swap3A_1487 = arith.index_cast %swap3A_1486 : i32 to index
    %swap3A_1488 = arith.constant 0 : index
    %swap3A_1489 = tpu.vector_load %arg34[%swap3A_1487, %swap3A_1488] {strides = array<i32>} : memref<16x128xf32, #tpu.memory_space<vmem>>, vector<16xf32>,
    tpu.vector_store %arg34[%swap3A_1487, %swap3A_1488], %get3A_1485 {strides = array<i32>} : memref<16x128xf32, #tpu.memory_space<vmem>>, vector<16xf32>,
    %get3A_1490 = arith.constant 16 : index
    %get3A_1491 = tpu.vector_load %arg22[%get3A_1490] {strides = array<i32>} : memref<64xf32, #tpu.memory_space<vmem>>, vector<16xf32>,
    %swap3A_1492 = arith.constant 7 : i32
    %swap3A_1493 = arith.index_cast %swap3A_1492 : i32 to index
    %swap3A_1494 = arith.constant 16 : index
    %swap3A_1495 = tpu.vector_load %arg34[%swap3A_1493, %swap3A_1494] {strides = array<i32>} : memref<16x128xf32, #tpu.memory_space<vmem>>, vector<16xf32>,
    tpu.vector_store %arg34[%swap3A_1493, %swap3A_1494], %get3A_1491 {strides = array<i32>} : memref<16x128xf32, #tpu.memory_space<vmem>>, vector<16xf32>,
    %get3A_1496 = arith.constant 32 : index
    %get3A_1497 = tpu.vector_load %arg22[%get3A_1496] {strides = array<i32>} : memref<64xf32, #tpu.memory_space<vmem>>, vector<16xf32>,
    %swap3A_1498 = arith.constant 7 : i32
    %swap3A_1499 = arith.index_cast %swap3A_1498 : i32 to index
    %swap3A_1500 = arith.constant 32 : index
    %swap3A_1501 = tpu.vector_load %arg34[%swap3A_1499, %swap3A_1500] {strides = array<i32>} : memref<16x128xf32, #tpu.memory_space<vmem>>, vector<16xf32>,
    tpu.vector_store %arg34[%swap3A_1499, %swap3A_1500], %get3A_1497 {strides = array<i32>} : memref<16x128xf32, #tpu.memory_space<vmem>>, vector<16xf32>,
    %get3A_1502 = arith.constant 48 : index
    %get3A_1503 = tpu.vector_load %arg22[%get3A_1502] {strides = array<i32>} : memref<64xf32, #tpu.memory_space<vmem>>, vector<16xf32>,
    %swap3A_1504 = arith.constant 7 : i32
    %swap3A_1505 = arith.index_cast %swap3A_1504 : i32 to index
    %swap3A_1506 = arith.constant 48 : index
    %swap3A_1507 = tpu.vector_load %arg34[%swap3A_1505, %swap3A_1506] {strides = array<i32>} : memref<16x128xf32, #tpu.memory_space<vmem>>, vector<16xf32>,
    tpu.vector_store %arg34[%swap3A_1505, %swap3A_1506], %get3A_1503 {strides = array<i32>} : memref<16x128xf32, #tpu.memory_space<vmem>>, vector<16xf32>,
    %swap3A_1508 = arith.constant 7 : i32
    %swap3A_1509 = arith.index_cast %swap3A_1508 : i32 to index
    %swap3A_1510 = arith.constant 64 : index
    %swap3A_1511 = tpu.vector_load %arg34[%swap3A_1509, %swap3A_1510] {strides = array<i32>} : memref<16x128xf32, #tpu.memory_space<vmem>>, vector<16xf32>,
    tpu.vector_store %arg34[%swap3A_1509, %swap3A_1510], %broadcast_in_dim3A_1 {strides = array<i32>} : memref<16x128xf32, #tpu.memory_space<vmem>>, vector<16xf32>,
    %swap3A_1512 = arith.constant 7 : i32
    %swap3A_1513 = arith.index_cast %swap3A_1512 : i32 to index
    %swap3A_1514 = arith.constant 80 : index
    %swap3A_1515 = tpu.vector_load %arg34[%swap3A_1513, %swap3A_1514] {strides = array<i32>} : memref<16x128xf32, #tpu.memory_space<vmem>>, vector<16xf32>,
    tpu.vector_store %arg34[%swap3A_1513, %swap3A_1514], %broadcast_in_dim3A_1 {strides = array<i32>} : memref<16x128xf32, #tpu.memory_space<vmem>>, vector<16xf32>,
    %swap3A_1516 = arith.constant 7 : i32
    %swap3A_1517 = arith.index_cast %swap3A_1516 : i32 to index
    %swap3A_1518 = arith.constant 96 : index
    %swap3A_1519 = tpu.vector_load %arg34[%swap3A_1517, %swap3A_1518] {strides = array<i32>} : memref<16x128xf32, #tpu.memory_space<vmem>>, vector<16xf32>,
    tpu.vector_store %arg34[%swap3A_1517, %swap3A_1518], %broadcast_in_dim3A_1 {strides = array<i32>} : memref<16x128xf32, #tpu.memory_space<vmem>>, vector<16xf32>,
    %swap3A_1520 = arith.constant 7 : i32
    %swap3A_1521 = arith.index_cast %swap3A_1520 : i32 to index
    %swap3A_1522 = arith.constant 112 : index
    %swap3A_1523 = tpu.vector_load %arg34[%swap3A_1521, %swap3A_1522] {strides = array<i32>} : memref<16x128xf32, #tpu.memory_space<vmem>>, vector<16xf32>,
    tpu.vector_store %arg34[%swap3A_1521, %swap3A_1522], %broadcast_in_dim3A_1 {strides = array<i32>} : memref<16x128xf32, #tpu.memory_space<vmem>>, vector<16xf32>,
    %get3A_1524 = arith.constant 0 : index
    %get3A_1525 = tpu.vector_load %arg23[%get3A_1524] {strides = array<i32>} : memref<64xf32, #tpu.memory_space<vmem>>, vector<16xf32>,
    %swap3A_1526 = arith.constant 8 : i32
    %swap3A_1527 = arith.index_cast %swap3A_1526 : i32 to index
    %swap3A_1528 = arith.constant 0 : index
    %swap3A_1529 = tpu.vector_load %arg34[%swap3A_1527, %swap3A_1528] {strides = array<i32>} : memref<16x128xf32, #tpu.memory_space<vmem>>, vector<16xf32>,
    tpu.vector_store %arg34[%swap3A_1527, %swap3A_1528], %get3A_1525 {strides = array<i32>} : memref<16x128xf32, #tpu.memory_space<vmem>>, vector<16xf32>,
    %get3A_1530 = arith.constant 16 : index
    %get3A_1531 = tpu.vector_load %arg23[%get3A_1530] {strides = array<i32>} : memref<64xf32, #tpu.memory_space<vmem>>, vector<16xf32>,
    %swap3A_1532 = arith.constant 8 : i32
    %swap3A_1533 = arith.index_cast %swap3A_1532 : i32 to index
    %swap3A_1534 = arith.constant 16 : index
    %swap3A_1535 = tpu.vector_load %arg34[%swap3A_1533, %swap3A_1534] {strides = array<i32>} : memref<16x128xf32, #tpu.memory_space<vmem>>, vector<16xf32>,
    tpu.vector_store %arg34[%swap3A_1533, %swap3A_1534], %get3A_1531 {strides = array<i32>} : memref<16x128xf32, #tpu.memory_space<vmem>>, vector<16xf32>,
    %get3A_1536 = arith.constant 32 : index
    %get3A_1537 = tpu.vector_load %arg23[%get3A_1536] {strides = array<i32>} : memref<64xf32, #tpu.memory_space<vmem>>, vector<16xf32>,
    %swap3A_1538 = arith.constant 8 : i32
    %swap3A_1539 = arith.index_cast %swap3A_1538 : i32 to index
    %swap3A_1540 = arith.constant 32 : index
    %swap3A_1541 = tpu.vector_load %arg34[%swap3A_1539, %swap3A_1540] {strides = array<i32>} : memref<16x128xf32, #tpu.memory_space<vmem>>, vector<16xf32>,
    tpu.vector_store %arg34[%swap3A_1539, %swap3A_1540], %get3A_1537 {strides = array<i32>} : memref<16x128xf32, #tpu.memory_space<vmem>>, vector<16xf32>,
    %get3A_1542 = arith.constant 48 : index
    %get3A_1543 = tpu.vector_load %arg23[%get3A_1542] {strides = array<i32>} : memref<64xf32, #tpu.memory_space<vmem>>, vector<16xf32>,
    %swap3A_1544 = arith.constant 8 : i32
    %swap3A_1545 = arith.index_cast %swap3A_1544 : i32 to index
    %swap3A_1546 = arith.constant 48 : index
    %swap3A_1547 = tpu.vector_load %arg34[%swap3A_1545, %swap3A_1546] {strides = array<i32>} : memref<16x128xf32, #tpu.memory_space<vmem>>, vector<16xf32>,
    tpu.vector_store %arg34[%swap3A_1545, %swap3A_1546], %get3A_1543 {strides = array<i32>} : memref<16x128xf32, #tpu.memory_space<vmem>>, vector<16xf32>,
    %swap3A_1548 = arith.constant 8 : i32
    %swap3A_1549 = arith.index_cast %swap3A_1548 : i32 to index
    %swap3A_1550 = arith.constant 64 : index
    %swap3A_1551 = tpu.vector_load %arg34[%swap3A_1549, %swap3A_1550] {strides = array<i32>} : memref<16x128xf32, #tpu.memory_space<vmem>>, vector<16xf32>,
    tpu.vector_store %arg34[%swap3A_1549, %swap3A_1550], %broadcast_in_dim3A_1 {strides = array<i32>} : memref<16x128xf32, #tpu.memory_space<vmem>>, vector<16xf32>,
    %swap3A_1552 = arith.constant 8 : i32
    %swap3A_1553 = arith.index_cast %swap3A_1552 : i32 to index
    %swap3A_1554 = arith.constant 80 : index
    %swap3A_1555 = tpu.vector_load %arg34[%swap3A_1553, %swap3A_1554] {strides = array<i32>} : memref<16x128xf32, #tpu.memory_space<vmem>>, vector<16xf32>,
    tpu.vector_store %arg34[%swap3A_1553, %swap3A_1554], %broadcast_in_dim3A_1 {strides = array<i32>} : memref<16x128xf32, #tpu.memory_space<vmem>>, vector<16xf32>,
    %swap3A_1556 = arith.constant 8 : i32
    %swap3A_1557 = arith.index_cast %swap3A_1556 : i32 to index
    %swap3A_1558 = arith.constant 96 : index
    %swap3A_1559 = tpu.vector_load %arg34[%swap3A_1557, %swap3A_1558] {strides = array<i32>} : memref<16x128xf32, #tpu.memory_space<vmem>>, vector<16xf32>,
    tpu.vector_store %arg34[%swap3A_1557, %swap3A_1558], %broadcast_in_dim3A_1 {strides = array<i32>} : memref<16x128xf32, #tpu.memory_space<vmem>>, vector<16xf32>,
    %swap3A_1560 = arith.constant 8 : i32
    %swap3A_1561 = arith.index_cast %swap3A_1560 : i32 to index
    %swap3A_1562 = arith.constant 112 : index
    %swap3A_1563 = tpu.vector_load %arg34[%swap3A_1561, %swap3A_1562] {strides = array<i32>} : memref<16x128xf32, #tpu.memory_space<vmem>>, vector<16xf32>,
    tpu.vector_store %arg34[%swap3A_1561, %swap3A_1562], %broadcast_in_dim3A_1 {strides = array<i32>} : memref<16x128xf32, #tpu.memory_space<vmem>>, vector<16xf32>,
    %get3A_1564 = arith.constant 0 : index
    %get3A_1565 = tpu.vector_load %arg24[%get3A_1564] {strides = array<i32>} : memref<64xf32, #tpu.memory_space<vmem>>, vector<16xf32>,
    %swap3A_1566 = arith.constant 9 : i32
    %swap3A_1567 = arith.index_cast %swap3A_1566 : i32 to index
    %swap3A_1568 = arith.constant 0 : index
    %swap3A_1569 = tpu.vector_load %arg34[%swap3A_1567, %swap3A_1568] {strides = array<i32>} : memref<16x128xf32, #tpu.memory_space<vmem>>, vector<16xf32>,
    tpu.vector_store %arg34[%swap3A_1567, %swap3A_1568], %get3A_1565 {strides = array<i32>} : memref<16x128xf32, #tpu.memory_space<vmem>>, vector<16xf32>,
    %get3A_1570 = arith.constant 16 : index
    %get3A_1571 = tpu.vector_load %arg24[%get3A_1570] {strides = array<i32>} : memref<64xf32, #tpu.memory_space<vmem>>, vector<16xf32>,
    %swap3A_1572 = arith.constant 9 : i32
    %swap3A_1573 = arith.index_cast %swap3A_1572 : i32 to index
    %swap3A_1574 = arith.constant 16 : index
    %swap3A_1575 = tpu.vector_load %arg34[%swap3A_1573, %swap3A_1574] {strides = array<i32>} : memref<16x128xf32, #tpu.memory_space<vmem>>, vector<16xf32>,
    tpu.vector_store %arg34[%swap3A_1573, %swap3A_1574], %get3A_1571 {strides = array<i32>} : memref<16x128xf32, #tpu.memory_space<vmem>>, vector<16xf32>,
    %get3A_1576 = arith.constant 32 : index
    %get3A_1577 = tpu.vector_load %arg24[%get3A_1576] {strides = array<i32>} : memref<64xf32, #tpu.memory_space<vmem>>, vector<16xf32>,
    %swap3A_1578 = arith.constant 9 : i32
    %swap3A_1579 = arith.index_cast %swap3A_1578 : i32 to index
    %swap3A_1580 = arith.constant 32 : index
    %swap3A_1581 = tpu.vector_load %arg34[%swap3A_1579, %swap3A_1580] {strides = array<i32>} : memref<16x128xf32, #tpu.memory_space<vmem>>, vector<16xf32>,
    tpu.vector_store %arg34[%swap3A_1579, %swap3A_1580], %get3A_1577 {strides = array<i32>} : memref<16x128xf32, #tpu.memory_space<vmem>>, vector<16xf32>,
    %get3A_1582 = arith.constant 48 : index
    %get3A_1583 = tpu.vector_load %arg24[%get3A_1582] {strides = array<i32>} : memref<64xf32, #tpu.memory_space<vmem>>, vector<16xf32>,
    %swap3A_1584 = arith.constant 9 : i32
    %swap3A_1585 = arith.index_cast %swap3A_1584 : i32 to index
    %swap3A_1586 = arith.constant 48 : index
    %swap3A_1587 = tpu.vector_load %arg34[%swap3A_1585, %swap3A_1586] {strides = array<i32>} : memref<16x128xf32, #tpu.memory_space<vmem>>, vector<16xf32>,
    tpu.vector_store %arg34[%swap3A_1585, %swap3A_1586], %get3A_1583 {strides = array<i32>} : memref<16x128xf32, #tpu.memory_space<vmem>>, vector<16xf32>,
    %swap3A_1588 = arith.constant 9 : i32
    %swap3A_1589 = arith.index_cast %swap3A_1588 : i32 to index
    %swap3A_1590 = arith.constant 64 : index
    %swap3A_1591 = tpu.vector_load %arg34[%swap3A_1589, %swap3A_1590] {strides = array<i32>} : memref<16x128xf32, #tpu.memory_space<vmem>>, vector<16xf32>,
    tpu.vector_store %arg34[%swap3A_1589, %swap3A_1590], %broadcast_in_dim3A_1 {strides = array<i32>} : memref<16x128xf32, #tpu.memory_space<vmem>>, vector<16xf32>,
    %swap3A_1592 = arith.constant 9 : i32
    %swap3A_1593 = arith.index_cast %swap3A_1592 : i32 to index
    %swap3A_1594 = arith.constant 80 : index
    %swap3A_1595 = tpu.vector_load %arg34[%swap3A_1593, %swap3A_1594] {strides = array<i32>} : memref<16x128xf32, #tpu.memory_space<vmem>>, vector<16xf32>,
    tpu.vector_store %arg34[%swap3A_1593, %swap3A_1594], %broadcast_in_dim3A_1 {strides = array<i32>} : memref<16x128xf32, #tpu.memory_space<vmem>>, vector<16xf32>,
    %swap3A_1596 = arith.constant 9 : i32
    %swap3A_1597 = arith.index_cast %swap3A_1596 : i32 to index
    %swap3A_1598 = arith.constant 96 : index
    %swap3A_1599 = tpu.vector_load %arg34[%swap3A_1597, %swap3A_1598] {strides = array<i32>} : memref<16x128xf32, #tpu.memory_space<vmem>>, vector<16xf32>,
    tpu.vector_store %arg34[%swap3A_1597, %swap3A_1598], %broadcast_in_dim3A_1 {strides = array<i32>} : memref<16x128xf32, #tpu.memory_space<vmem>>, vector<16xf32>,
    %swap3A_1600 = arith.constant 9 : i32
    %swap3A_1601 = arith.index_cast %swap3A_1600 : i32 to index
    %swap3A_1602 = arith.constant 112 : index
    %swap3A_1603 = tpu.vector_load %arg34[%swap3A_1601, %swap3A_1602] {strides = array<i32>} : memref<16x128xf32, #tpu.memory_space<vmem>>, vector<16xf32>,
    tpu.vector_store %arg34[%swap3A_1601, %swap3A_1602], %broadcast_in_dim3A_1 {strides = array<i32>} : memref<16x128xf32, #tpu.memory_space<vmem>>, vector<16xf32>,
    %get3A_1604 = arith.constant 0 : index
    %get3A_1605 = tpu.vector_load %arg25[%get3A_1604] {strides = array<i32>} : memref<64xf32, #tpu.memory_space<vmem>>, vector<16xf32>,
    %swap3A_1606 = arith.constant 10 : i32
    %swap3A_1607 = arith.index_cast %swap3A_1606 : i32 to index
    %swap3A_1608 = arith.constant 0 : index
    %swap3A_1609 = tpu.vector_load %arg34[%swap3A_1607, %swap3A_1608] {strides = array<i32>} : memref<16x128xf32, #tpu.memory_space<vmem>>, vector<16xf32>,
    tpu.vector_store %arg34[%swap3A_1607, %swap3A_1608], %get3A_1605 {strides = array<i32>} : memref<16x128xf32, #tpu.memory_space<vmem>>, vector<16xf32>,
    %get3A_1610 = arith.constant 16 : index
    %get3A_1611 = tpu.vector_load %arg25[%get3A_1610] {strides = array<i32>} : memref<64xf32, #tpu.memory_space<vmem>>, vector<16xf32>,
    %swap3A_1612 = arith.constant 10 : i32
    %swap3A_1613 = arith.index_cast %swap3A_1612 : i32 to index
    %swap3A_1614 = arith.constant 16 : index
    %swap3A_1615 = tpu.vector_load %arg34[%swap3A_1613, %swap3A_1614] {strides = array<i32>} : memref<16x128xf32, #tpu.memory_space<vmem>>, vector<16xf32>,
    tpu.vector_store %arg34[%swap3A_1613, %swap3A_1614], %get3A_1611 {strides = array<i32>} : memref<16x128xf32, #tpu.memory_space<vmem>>, vector<16xf32>,
    %get3A_1616 = arith.constant 32 : index
    %get3A_1617 = tpu.vector_load %arg25[%get3A_1616] {strides = array<i32>} : memref<64xf32, #tpu.memory_space<vmem>>, vector<16xf32>,
    %swap3A_1618 = arith.constant 10 : i32
    %swap3A_1619 = arith.index_cast %swap3A_1618 : i32 to index
    %swap3A_1620 = arith.constant 32 : index
    %swap3A_1621 = tpu.vector_load %arg34[%swap3A_1619, %swap3A_1620] {strides = array<i32>} : memref<16x128xf32, #tpu.memory_space<vmem>>, vector<16xf32>,
    tpu.vector_store %arg34[%swap3A_1619, %swap3A_1620], %get3A_1617 {strides = array<i32>} : memref<16x128xf32, #tpu.memory_space<vmem>>, vector<16xf32>,
    %get3A_1622 = arith.constant 48 : index
    %get3A_1623 = tpu.vector_load %arg25[%get3A_1622] {strides = array<i32>} : memref<64xf32, #tpu.memory_space<vmem>>, vector<16xf32>,
    %swap3A_1624 = arith.constant 10 : i32
    %swap3A_1625 = arith.index_cast %swap3A_1624 : i32 to index
    %swap3A_1626 = arith.constant 48 : index
    %swap3A_1627 = tpu.vector_load %arg34[%swap3A_1625, %swap3A_1626] {strides = array<i32>} : memref<16x128xf32, #tpu.memory_space<vmem>>, vector<16xf32>,
    tpu.vector_store %arg34[%swap3A_1625, %swap3A_1626], %get3A_1623 {strides = array<i32>} : memref<16x128xf32, #tpu.memory_space<vmem>>, vector<16xf32>,
    %swap3A_1628 = arith.constant 10 : i32
    %swap3A_1629 = arith.index_cast %swap3A_1628 : i32 to index
    %swap3A_1630 = arith.constant 64 : index
    %swap3A_1631 = tpu.vector_load %arg34[%swap3A_1629, %swap3A_1630] {strides = array<i32>} : memref<16x128xf32, #tpu.memory_space<vmem>>, vector<16xf32>,
    tpu.vector_store %arg34[%swap3A_1629, %swap3A_1630], %broadcast_in_dim3A_1 {strides = array<i32>} : memref<16x128xf32, #tpu.memory_space<vmem>>, vector<16xf32>,
    %swap3A_1632 = arith.constant 10 : i32
    %swap3A_1633 = arith.index_cast %swap3A_1632 : i32 to index
    %swap3A_1634 = arith.constant 80 : index
    %swap3A_1635 = tpu.vector_load %arg34[%swap3A_1633, %swap3A_1634] {strides = array<i32>} : memref<16x128xf32, #tpu.memory_space<vmem>>, vector<16xf32>,
    tpu.vector_store %arg34[%swap3A_1633, %swap3A_1634], %broadcast_in_dim3A_1 {strides = array<i32>} : memref<16x128xf32, #tpu.memory_space<vmem>>, vector<16xf32>,
    %swap3A_1636 = arith.constant 10 : i32
    %swap3A_1637 = arith.index_cast %swap3A_1636 : i32 to index
    %swap3A_1638 = arith.constant 96 : index
    %swap3A_1639 = tpu.vector_load %arg34[%swap3A_1637, %swap3A_1638] {strides = array<i32>} : memref<16x128xf32, #tpu.memory_space<vmem>>, vector<16xf32>,
    tpu.vector_store %arg34[%swap3A_1637, %swap3A_1638], %broadcast_in_dim3A_1 {strides = array<i32>} : memref<16x128xf32, #tpu.memory_space<vmem>>, vector<16xf32>,
    %swap3A_1640 = arith.constant 10 : i32
    %swap3A_1641 = arith.index_cast %swap3A_1640 : i32 to index
    %swap3A_1642 = arith.constant 112 : index
    %swap3A_1643 = tpu.vector_load %arg34[%swap3A_1641, %swap3A_1642] {strides = array<i32>} : memref<16x128xf32, #tpu.memory_space<vmem>>, vector<16xf32>,
    tpu.vector_store %arg34[%swap3A_1641, %swap3A_1642], %broadcast_in_dim3A_1 {strides = array<i32>} : memref<16x128xf32, #tpu.memory_space<vmem>>, vector<16xf32>,
    %get3A_1644 = arith.constant 0 : index
    %get3A_1645 = tpu.vector_load %arg26[%get3A_1644] {strides = array<i32>} : memref<64xf32, #tpu.memory_space<vmem>>, vector<16xf32>,
    %swap3A_1646 = arith.constant 11 : i32
    %swap3A_1647 = arith.index_cast %swap3A_1646 : i32 to index
    %swap3A_1648 = arith.constant 0 : index
    %swap3A_1649 = tpu.vector_load %arg34[%swap3A_1647, %swap3A_1648] {strides = array<i32>} : memref<16x128xf32, #tpu.memory_space<vmem>>, vector<16xf32>,
    tpu.vector_store %arg34[%swap3A_1647, %swap3A_1648], %get3A_1645 {strides = array<i32>} : memref<16x128xf32, #tpu.memory_space<vmem>>, vector<16xf32>,
    %get3A_1650 = arith.constant 16 : index
    %get3A_1651 = tpu.vector_load %arg26[%get3A_1650] {strides = array<i32>} : memref<64xf32, #tpu.memory_space<vmem>>, vector<16xf32>,
    %swap3A_1652 = arith.constant 11 : i32
    %swap3A_1653 = arith.index_cast %swap3A_1652 : i32 to index
    %swap3A_1654 = arith.constant 16 : index
    %swap3A_1655 = tpu.vector_load %arg34[%swap3A_1653, %swap3A_1654] {strides = array<i32>} : memref<16x128xf32, #tpu.memory_space<vmem>>, vector<16xf32>,
    tpu.vector_store %arg34[%swap3A_1653, %swap3A_1654], %get3A_1651 {strides = array<i32>} : memref<16x128xf32, #tpu.memory_space<vmem>>, vector<16xf32>,
    %get3A_1656 = arith.constant 32 : index
    %get3A_1657 = tpu.vector_load %arg26[%get3A_1656] {strides = array<i32>} : memref<64xf32, #tpu.memory_space<vmem>>, vector<16xf32>,
    %swap3A_1658 = arith.constant 11 : i32
    %swap3A_1659 = arith.index_cast %swap3A_1658 : i32 to index
    %swap3A_1660 = arith.constant 32 : index
    %swap3A_1661 = tpu.vector_load %arg34[%swap3A_1659, %swap3A_1660] {strides = array<i32>} : memref<16x128xf32, #tpu.memory_space<vmem>>, vector<16xf32>,
    tpu.vector_store %arg34[%swap3A_1659, %swap3A_1660], %get3A_1657 {strides = array<i32>} : memref<16x128xf32, #tpu.memory_space<vmem>>, vector<16xf32>,
    %get3A_1662 = arith.constant 48 : index
    %get3A_1663 = tpu.vector_load %arg26[%get3A_1662] {strides = array<i32>} : memref<64xf32, #tpu.memory_space<vmem>>, vector<16xf32>,
    %swap3A_1664 = arith.constant 11 : i32
    %swap3A_1665 = arith.index_cast %swap3A_1664 : i32 to index
    %swap3A_1666 = arith.constant 48 : index
    %swap3A_1667 = tpu.vector_load %arg34[%swap3A_1665, %swap3A_1666] {strides = array<i32>} : memref<16x128xf32, #tpu.memory_space<vmem>>, vector<16xf32>,
    tpu.vector_store %arg34[%swap3A_1665, %swap3A_1666], %get3A_1663 {strides = array<i32>} : memref<16x128xf32, #tpu.memory_space<vmem>>, vector<16xf32>,
    %swap3A_1668 = arith.constant 11 : i32
    %swap3A_1669 = arith.index_cast %swap3A_1668 : i32 to index
    %swap3A_1670 = arith.constant 64 : index
    %swap3A_1671 = tpu.vector_load %arg34[%swap3A_1669, %swap3A_1670] {strides = array<i32>} : memref<16x128xf32, #tpu.memory_space<vmem>>, vector<16xf32>,
    tpu.vector_store %arg34[%swap3A_1669, %swap3A_1670], %broadcast_in_dim3A_1 {strides = array<i32>} : memref<16x128xf32, #tpu.memory_space<vmem>>, vector<16xf32>,
    %swap3A_1672 = arith.constant 11 : i32
    %swap3A_1673 = arith.index_cast %swap3A_1672 : i32 to index
    %swap3A_1674 = arith.constant 80 : index
    %swap3A_1675 = tpu.vector_load %arg34[%swap3A_1673, %swap3A_1674] {strides = array<i32>} : memref<16x128xf32, #tpu.memory_space<vmem>>, vector<16xf32>,
    tpu.vector_store %arg34[%swap3A_1673, %swap3A_1674], %broadcast_in_dim3A_1 {strides = array<i32>} : memref<16x128xf32, #tpu.memory_space<vmem>>, vector<16xf32>,
    %swap3A_1676 = arith.constant 11 : i32
    %swap3A_1677 = arith.index_cast %swap3A_1676 : i32 to index
    %swap3A_1678 = arith.constant 96 : index
    %swap3A_1679 = tpu.vector_load %arg34[%swap3A_1677, %swap3A_1678] {strides = array<i32>} : memref<16x128xf32, #tpu.memory_space<vmem>>, vector<16xf32>,
    tpu.vector_store %arg34[%swap3A_1677, %swap3A_1678], %broadcast_in_dim3A_1 {strides = array<i32>} : memref<16x128xf32, #tpu.memory_space<vmem>>, vector<16xf32>,
    %swap3A_1680 = arith.constant 11 : i32
    %swap3A_1681 = arith.index_cast %swap3A_1680 : i32 to index
    %swap3A_1682 = arith.constant 112 : index
    %swap3A_1683 = tpu.vector_load %arg34[%swap3A_1681, %swap3A_1682] {strides = array<i32>} : memref<16x128xf32, #tpu.memory_space<vmem>>, vector<16xf32>,
    tpu.vector_store %arg34[%swap3A_1681, %swap3A_1682], %broadcast_in_dim3A_1 {strides = array<i32>} : memref<16x128xf32, #tpu.memory_space<vmem>>, vector<16xf32>,
    %get3A_1684 = arith.constant 0 : index
    %get3A_1685 = tpu.vector_load %arg27[%get3A_1684] {strides = array<i32>} : memref<64xf32, #tpu.memory_space<vmem>>, vector<16xf32>,
    %swap3A_1686 = arith.constant 12 : i32
    %swap3A_1687 = arith.index_cast %swap3A_1686 : i32 to index
    %swap3A_1688 = arith.constant 0 : index
    %swap3A_1689 = tpu.vector_load %arg34[%swap3A_1687, %swap3A_1688] {strides = array<i32>} : memref<16x128xf32, #tpu.memory_space<vmem>>, vector<16xf32>,
    tpu.vector_store %arg34[%swap3A_1687, %swap3A_1688], %get3A_1685 {strides = array<i32>} : memref<16x128xf32, #tpu.memory_space<vmem>>, vector<16xf32>,
    %get3A_1690 = arith.constant 16 : index
    %get3A_1691 = tpu.vector_load %arg27[%get3A_1690] {strides = array<i32>} : memref<64xf32, #tpu.memory_space<vmem>>, vector<16xf32>,
    %swap3A_1692 = arith.constant 12 : i32
    %swap3A_1693 = arith.index_cast %swap3A_1692 : i32 to index
    %swap3A_1694 = arith.constant 16 : index
    %swap3A_1695 = tpu.vector_load %arg34[%swap3A_1693, %swap3A_1694] {strides = array<i32>} : memref<16x128xf32, #tpu.memory_space<vmem>>, vector<16xf32>,
    tpu.vector_store %arg34[%swap3A_1693, %swap3A_1694], %get3A_1691 {strides = array<i32>} : memref<16x128xf32, #tpu.memory_space<vmem>>, vector<16xf32>,
    %get3A_1696 = arith.constant 32 : index
    %get3A_1697 = tpu.vector_load %arg27[%get3A_1696] {strides = array<i32>} : memref<64xf32, #tpu.memory_space<vmem>>, vector<16xf32>,
    %swap3A_1698 = arith.constant 12 : i32
    %swap3A_1699 = arith.index_cast %swap3A_1698 : i32 to index
    %swap3A_1700 = arith.constant 32 : index
    %swap3A_1701 = tpu.vector_load %arg34[%swap3A_1699, %swap3A_1700] {strides = array<i32>} : memref<16x128xf32, #tpu.memory_space<vmem>>, vector<16xf32>,
    tpu.vector_store %arg34[%swap3A_1699, %swap3A_1700], %get3A_1697 {strides = array<i32>} : memref<16x128xf32, #tpu.memory_space<vmem>>, vector<16xf32>,
    %get3A_1702 = arith.constant 48 : index
    %get3A_1703 = tpu.vector_load %arg27[%get3A_1702] {strides = array<i32>} : memref<64xf32, #tpu.memory_space<vmem>>, vector<16xf32>,
    %swap3A_1704 = arith.constant 12 : i32
    %swap3A_1705 = arith.index_cast %swap3A_1704 : i32 to index
    %swap3A_1706 = arith.constant 48 : index
    %swap3A_1707 = tpu.vector_load %arg34[%swap3A_1705, %swap3A_1706] {strides = array<i32>} : memref<16x128xf32, #tpu.memory_space<vmem>>, vector<16xf32>,
    tpu.vector_store %arg34[%swap3A_1705, %swap3A_1706], %get3A_1703 {strides = array<i32>} : memref<16x128xf32, #tpu.memory_space<vmem>>, vector<16xf32>,
    %swap3A_1708 = arith.constant 12 : i32
    %swap3A_1709 = arith.index_cast %swap3A_1708 : i32 to index
    %swap3A_1710 = arith.constant 64 : index
    %swap3A_1711 = tpu.vector_load %arg34[%swap3A_1709, %swap3A_1710] {strides = array<i32>} : memref<16x128xf32, #tpu.memory_space<vmem>>, vector<16xf32>,
    tpu.vector_store %arg34[%swap3A_1709, %swap3A_1710], %broadcast_in_dim3A_1 {strides = array<i32>} : memref<16x128xf32, #tpu.memory_space<vmem>>, vector<16xf32>,
    %swap3A_1712 = arith.constant 12 : i32
    %swap3A_1713 = arith.index_cast %swap3A_1712 : i32 to index
    %swap3A_1714 = arith.constant 80 : index
    %swap3A_1715 = tpu.vector_load %arg34[%swap3A_1713, %swap3A_1714] {strides = array<i32>} : memref<16x128xf32, #tpu.memory_space<vmem>>, vector<16xf32>,
    tpu.vector_store %arg34[%swap3A_1713, %swap3A_1714], %broadcast_in_dim3A_1 {strides = array<i32>} : memref<16x128xf32, #tpu.memory_space<vmem>>, vector<16xf32>,
    %swap3A_1716 = arith.constant 12 : i32
    %swap3A_1717 = arith.index_cast %swap3A_1716 : i32 to index
    %swap3A_1718 = arith.constant 96 : index
    %swap3A_1719 = tpu.vector_load %arg34[%swap3A_1717, %swap3A_1718] {strides = array<i32>} : memref<16x128xf32, #tpu.memory_space<vmem>>, vector<16xf32>,
    tpu.vector_store %arg34[%swap3A_1717, %swap3A_1718], %broadcast_in_dim3A_1 {strides = array<i32>} : memref<16x128xf32, #tpu.memory_space<vmem>>, vector<16xf32>,
    %swap3A_1720 = arith.constant 12 : i32
    %swap3A_1721 = arith.index_cast %swap3A_1720 : i32 to index
    %swap3A_1722 = arith.constant 112 : index
    %swap3A_1723 = tpu.vector_load %arg34[%swap3A_1721, %swap3A_1722] {strides = array<i32>} : memref<16x128xf32, #tpu.memory_space<vmem>>, vector<16xf32>,
    tpu.vector_store %arg34[%swap3A_1721, %swap3A_1722], %broadcast_in_dim3A_1 {strides = array<i32>} : memref<16x128xf32, #tpu.memory_space<vmem>>, vector<16xf32>,
    %get3A_1724 = arith.constant 0 : index
    %get3A_1725 = tpu.vector_load %arg28[%get3A_1724] {strides = array<i32>} : memref<64xf32, #tpu.memory_space<vmem>>, vector<16xf32>,
    %swap3A_1726 = arith.constant 13 : i32
    %swap3A_1727 = arith.index_cast %swap3A_1726 : i32 to index
    %swap3A_1728 = arith.constant 0 : index
    %swap3A_1729 = tpu.vector_load %arg34[%swap3A_1727, %swap3A_1728] {strides = array<i32>} : memref<16x128xf32, #tpu.memory_space<vmem>>, vector<16xf32>,
    tpu.vector_store %arg34[%swap3A_1727, %swap3A_1728], %get3A_1725 {strides = array<i32>} : memref<16x128xf32, #tpu.memory_space<vmem>>, vector<16xf32>,
    %get3A_1730 = arith.constant 16 : index
    %get3A_1731 = tpu.vector_load %arg28[%get3A_1730] {strides = array<i32>} : memref<64xf32, #tpu.memory_space<vmem>>, vector<16xf32>,
    %swap3A_1732 = arith.constant 13 : i32
    %swap3A_1733 = arith.index_cast %swap3A_1732 : i32 to index
    %swap3A_1734 = arith.constant 16 : index
    %swap3A_1735 = tpu.vector_load %arg34[%swap3A_1733, %swap3A_1734] {strides = array<i32>} : memref<16x128xf32, #tpu.memory_space<vmem>>, vector<16xf32>,
    tpu.vector_store %arg34[%swap3A_1733, %swap3A_1734], %get3A_1731 {strides = array<i32>} : memref<16x128xf32, #tpu.memory_space<vmem>>, vector<16xf32>,
    %get3A_1736 = arith.constant 32 : index
    %get3A_1737 = tpu.vector_load %arg28[%get3A_1736] {strides = array<i32>} : memref<64xf32, #tpu.memory_space<vmem>>, vector<16xf32>,
    %swap3A_1738 = arith.constant 13 : i32
    %swap3A_1739 = arith.index_cast %swap3A_1738 : i32 to index
    %swap3A_1740 = arith.constant 32 : index
    %swap3A_1741 = tpu.vector_load %arg34[%swap3A_1739, %swap3A_1740] {strides = array<i32>} : memref<16x128xf32, #tpu.memory_space<vmem>>, vector<16xf32>,
    tpu.vector_store %arg34[%swap3A_1739, %swap3A_1740], %get3A_1737 {strides = array<i32>} : memref<16x128xf32, #tpu.memory_space<vmem>>, vector<16xf32>,
    %get3A_1742 = arith.constant 48 : index
    %get3A_1743 = tpu.vector_load %arg28[%get3A_1742] {strides = array<i32>} : memref<64xf32, #tpu.memory_space<vmem>>, vector<16xf32>,
    %swap3A_1744 = arith.constant 13 : i32
    %swap3A_1745 = arith.index_cast %swap3A_1744 : i32 to index
    %swap3A_1746 = arith.constant 48 : index
    %swap3A_1747 = tpu.vector_load %arg34[%swap3A_1745, %swap3A_1746] {strides = array<i32>} : memref<16x128xf32, #tpu.memory_space<vmem>>, vector<16xf32>,
    tpu.vector_store %arg34[%swap3A_1745, %swap3A_1746], %get3A_1743 {strides = array<i32>} : memref<16x128xf32, #tpu.memory_space<vmem>>, vector<16xf32>,
    %swap3A_1748 = arith.constant 13 : i32
    %swap3A_1749 = arith.index_cast %swap3A_1748 : i32 to index
    %swap3A_1750 = arith.constant 64 : index
    %swap3A_1751 = tpu.vector_load %arg34[%swap3A_1749, %swap3A_1750] {strides = array<i32>} : memref<16x128xf32, #tpu.memory_space<vmem>>, vector<16xf32>,
    tpu.vector_store %arg34[%swap3A_1749, %swap3A_1750], %broadcast_in_dim3A_1 {strides = array<i32>} : memref<16x128xf32, #tpu.memory_space<vmem>>, vector<16xf32>,
    %swap3A_1752 = arith.constant 13 : i32
    %swap3A_1753 = arith.index_cast %swap3A_1752 : i32 to index
    %swap3A_1754 = arith.constant 80 : index
    %swap3A_1755 = tpu.vector_load %arg34[%swap3A_1753, %swap3A_1754] {strides = array<i32>} : memref<16x128xf32, #tpu.memory_space<vmem>>, vector<16xf32>,
    tpu.vector_store %arg34[%swap3A_1753, %swap3A_1754], %broadcast_in_dim3A_1 {strides = array<i32>} : memref<16x128xf32, #tpu.memory_space<vmem>>, vector<16xf32>,
    %swap3A_1756 = arith.constant 13 : i32
    %swap3A_1757 = arith.index_cast %swap3A_1756 : i32 to index
    %swap3A_1758 = arith.constant 96 : index
    %swap3A_1759 = tpu.vector_load %arg34[%swap3A_1757, %swap3A_1758] {strides = array<i32>} : memref<16x128xf32, #tpu.memory_space<vmem>>, vector<16xf32>,
    tpu.vector_store %arg34[%swap3A_1757, %swap3A_1758], %broadcast_in_dim3A_1 {strides = array<i32>} : memref<16x128xf32, #tpu.memory_space<vmem>>, vector<16xf32>,
    %swap3A_1760 = arith.constant 13 : i32
    %swap3A_1761 = arith.index_cast %swap3A_1760 : i32 to index
    %swap3A_1762 = arith.constant 112 : index
    %swap3A_1763 = tpu.vector_load %arg34[%swap3A_1761, %swap3A_1762] {strides = array<i32>} : memref<16x128xf32, #tpu.memory_space<vmem>>, vector<16xf32>,
    tpu.vector_store %arg34[%swap3A_1761, %swap3A_1762], %broadcast_in_dim3A_1 {strides = array<i32>} : memref<16x128xf32, #tpu.memory_space<vmem>>, vector<16xf32>,
    %get3A_1764 = arith.constant 0 : index
    %get3A_1765 = tpu.vector_load %arg29[%get3A_1764] {strides = array<i32>} : memref<64xf32, #tpu.memory_space<vmem>>, vector<16xf32>,
    %swap3A_1766 = arith.constant 14 : i32
    %swap3A_1767 = arith.index_cast %swap3A_1766 : i32 to index
    %swap3A_1768 = arith.constant 0 : index
    %swap3A_1769 = tpu.vector_load %arg34[%swap3A_1767, %swap3A_1768] {strides = array<i32>} : memref<16x128xf32, #tpu.memory_space<vmem>>, vector<16xf32>,
    tpu.vector_store %arg34[%swap3A_1767, %swap3A_1768], %get3A_1765 {strides = array<i32>} : memref<16x128xf32, #tpu.memory_space<vmem>>, vector<16xf32>,
    %get3A_1770 = arith.constant 16 : index
    %get3A_1771 = tpu.vector_load %arg29[%get3A_1770] {strides = array<i32>} : memref<64xf32, #tpu.memory_space<vmem>>, vector<16xf32>,
    %swap3A_1772 = arith.constant 14 : i32
    %swap3A_1773 = arith.index_cast %swap3A_1772 : i32 to index
    %swap3A_1774 = arith.constant 16 : index
    %swap3A_1775 = tpu.vector_load %arg34[%swap3A_1773, %swap3A_1774] {strides = array<i32>} : memref<16x128xf32, #tpu.memory_space<vmem>>, vector<16xf32>,
    tpu.vector_store %arg34[%swap3A_1773, %swap3A_1774], %get3A_1771 {strides = array<i32>} : memref<16x128xf32, #tpu.memory_space<vmem>>, vector<16xf32>,
    %get3A_1776 = arith.constant 32 : index
    %get3A_1777 = tpu.vector_load %arg29[%get3A_1776] {strides = array<i32>} : memref<64xf32, #tpu.memory_space<vmem>>, vector<16xf32>,
    %swap3A_1778 = arith.constant 14 : i32
    %swap3A_1779 = arith.index_cast %swap3A_1778 : i32 to index
    %swap3A_1780 = arith.constant 32 : index
    %swap3A_1781 = tpu.vector_load %arg34[%swap3A_1779, %swap3A_1780] {strides = array<i32>} : memref<16x128xf32, #tpu.memory_space<vmem>>, vector<16xf32>,
    tpu.vector_store %arg34[%swap3A_1779, %swap3A_1780], %get3A_1777 {strides = array<i32>} : memref<16x128xf32, #tpu.memory_space<vmem>>, vector<16xf32>,
    %get3A_1782 = arith.constant 48 : index
    %get3A_1783 = tpu.vector_load %arg29[%get3A_1782] {strides = array<i32>} : memref<64xf32, #tpu.memory_space<vmem>>, vector<16xf32>,
    %swap3A_1784 = arith.constant 14 : i32
    %swap3A_1785 = arith.index_cast %swap3A_1784 : i32 to index
    %swap3A_1786 = arith.constant 48 : index
    %swap3A_1787 = tpu.vector_load %arg34[%swap3A_1785, %swap3A_1786] {strides = array<i32>} : memref<16x128xf32, #tpu.memory_space<vmem>>, vector<16xf32>,
    tpu.vector_store %arg34[%swap3A_1785, %swap3A_1786], %get3A_1783 {strides = array<i32>} : memref<16x128xf32, #tpu.memory_space<vmem>>, vector<16xf32>,
    %swap3A_1788 = arith.constant 14 : i32
    %swap3A_1789 = arith.index_cast %swap3A_1788 : i32 to index
    %swap3A_1790 = arith.constant 64 : index
    %swap3A_1791 = tpu.vector_load %arg34[%swap3A_1789, %swap3A_1790] {strides = array<i32>} : memref<16x128xf32, #tpu.memory_space<vmem>>, vector<16xf32>,
    tpu.vector_store %arg34[%swap3A_1789, %swap3A_1790], %broadcast_in_dim3A_1 {strides = array<i32>} : memref<16x128xf32, #tpu.memory_space<vmem>>, vector<16xf32>,
    %swap3A_1792 = arith.constant 14 : i32
    %swap3A_1793 = arith.index_cast %swap3A_1792 : i32 to index
    %swap3A_1794 = arith.constant 80 : index
    %swap3A_1795 = tpu.vector_load %arg34[%swap3A_1793, %swap3A_1794] {strides = array<i32>} : memref<16x128xf32, #tpu.memory_space<vmem>>, vector<16xf32>,
    tpu.vector_store %arg34[%swap3A_1793, %swap3A_1794], %broadcast_in_dim3A_1 {strides = array<i32>} : memref<16x128xf32, #tpu.memory_space<vmem>>, vector<16xf32>,
    %swap3A_1796 = arith.constant 14 : i32
    %swap3A_1797 = arith.index_cast %swap3A_1796 : i32 to index
    %swap3A_1798 = arith.constant 96 : index
    %swap3A_1799 = tpu.vector_load %arg34[%swap3A_1797, %swap3A_1798] {strides = array<i32>} : memref<16x128xf32, #tpu.memory_space<vmem>>, vector<16xf32>,
    tpu.vector_store %arg34[%swap3A_1797, %swap3A_1798], %broadcast_in_dim3A_1 {strides = array<i32>} : memref<16x128xf32, #tpu.memory_space<vmem>>, vector<16xf32>,
    %swap3A_1800 = arith.constant 14 : i32
    %swap3A_1801 = arith.index_cast %swap3A_1800 : i32 to index
    %swap3A_1802 = arith.constant 112 : index
    %swap3A_1803 = tpu.vector_load %arg34[%swap3A_1801, %swap3A_1802] {strides = array<i32>} : memref<16x128xf32, #tpu.memory_space<vmem>>, vector<16xf32>,
    tpu.vector_store %arg34[%swap3A_1801, %swap3A_1802], %broadcast_in_dim3A_1 {strides = array<i32>} : memref<16x128xf32, #tpu.memory_space<vmem>>, vector<16xf32>,
    %get3A_1804 = arith.constant 0 : index
    %get3A_1805 = tpu.vector_load %arg30[%get3A_1804] {strides = array<i32>} : memref<64xf32, #tpu.memory_space<vmem>>, vector<16xf32>,
    %swap3A_1806 = arith.constant 15 : i32
    %swap3A_1807 = arith.index_cast %swap3A_1806 : i32 to index
    %swap3A_1808 = arith.constant 0 : index
    %swap3A_1809 = tpu.vector_load %arg34[%swap3A_1807, %swap3A_1808] {strides = array<i32>} : memref<16x128xf32, #tpu.memory_space<vmem>>, vector<16xf32>,
    tpu.vector_store %arg34[%swap3A_1807, %swap3A_1808], %get3A_1805 {strides = array<i32>} : memref<16x128xf32, #tpu.memory_space<vmem>>, vector<16xf32>,
    %get3A_1810 = arith.constant 16 : index
    %get3A_1811 = tpu.vector_load %arg30[%get3A_1810] {strides = array<i32>} : memref<64xf32, #tpu.memory_space<vmem>>, vector<16xf32>,
    %swap3A_1812 = arith.constant 15 : i32
    %swap3A_1813 = arith.index_cast %swap3A_1812 : i32 to index
    %swap3A_1814 = arith.constant 16 : index
    %swap3A_1815 = tpu.vector_load %arg34[%swap3A_1813, %swap3A_1814] {strides = array<i32>} : memref<16x128xf32, #tpu.memory_space<vmem>>, vector<16xf32>,
    tpu.vector_store %arg34[%swap3A_1813, %swap3A_1814], %get3A_1811 {strides = array<i32>} : memref<16x128xf32, #tpu.memory_space<vmem>>, vector<16xf32>,
    %get3A_1816 = arith.constant 32 : index
    %get3A_1817 = tpu.vector_load %arg30[%get3A_1816] {strides = array<i32>} : memref<64xf32, #tpu.memory_space<vmem>>, vector<16xf32>,
    %swap3A_1818 = arith.constant 15 : i32
    %swap3A_1819 = arith.index_cast %swap3A_1818 : i32 to index
    %swap3A_1820 = arith.constant 32 : index
    %swap3A_1821 = tpu.vector_load %arg34[%swap3A_1819, %swap3A_1820] {strides = array<i32>} : memref<16x128xf32, #tpu.memory_space<vmem>>, vector<16xf32>,
    tpu.vector_store %arg34[%swap3A_1819, %swap3A_1820], %get3A_1817 {strides = array<i32>} : memref<16x128xf32, #tpu.memory_space<vmem>>, vector<16xf32>,
    %get3A_1822 = arith.constant 48 : index
    %get3A_1823 = tpu.vector_load %arg30[%get3A_1822] {strides = array<i32>} : memref<64xf32, #tpu.memory_space<vmem>>, vector<16xf32>,
    %swap3A_1824 = arith.constant 15 : i32
    %swap3A_1825 = arith.index_cast %swap3A_1824 : i32 to index
    %swap3A_1826 = arith.constant 48 : index
    %swap3A_1827 = tpu.vector_load %arg34[%swap3A_1825, %swap3A_1826] {strides = array<i32>} : memref<16x128xf32, #tpu.memory_space<vmem>>, vector<16xf32>,
    tpu.vector_store %arg34[%swap3A_1825, %swap3A_1826], %get3A_1823 {strides = array<i32>} : memref<16x128xf32, #tpu.memory_space<vmem>>, vector<16xf32>,
    %swap3A_1828 = arith.constant 15 : i32
    %swap3A_1829 = arith.index_cast %swap3A_1828 : i32 to index
    %swap3A_1830 = arith.constant 64 : index
    %swap3A_1831 = tpu.vector_load %arg34[%swap3A_1829, %swap3A_1830] {strides = array<i32>} : memref<16x128xf32, #tpu.memory_space<vmem>>, vector<16xf32>,
    tpu.vector_store %arg34[%swap3A_1829, %swap3A_1830], %broadcast_in_dim3A_1 {strides = array<i32>} : memref<16x128xf32, #tpu.memory_space<vmem>>, vector<16xf32>,
    %swap3A_1832 = arith.constant 15 : i32
    %swap3A_1833 = arith.index_cast %swap3A_1832 : i32 to index
    %swap3A_1834 = arith.constant 80 : index
    %swap3A_1835 = tpu.vector_load %arg34[%swap3A_1833, %swap3A_1834] {strides = array<i32>} : memref<16x128xf32, #tpu.memory_space<vmem>>, vector<16xf32>,
    tpu.vector_store %arg34[%swap3A_1833, %swap3A_1834], %broadcast_in_dim3A_1 {strides = array<i32>} : memref<16x128xf32, #tpu.memory_space<vmem>>, vector<16xf32>,
    %swap3A_1836 = arith.constant 15 : i32
    %swap3A_1837 = arith.index_cast %swap3A_1836 : i32 to index
    %swap3A_1838 = arith.constant 96 : index
    %swap3A_1839 = tpu.vector_load %arg34[%swap3A_1837, %swap3A_1838] {strides = array<i32>} : memref<16x128xf32, #tpu.memory_space<vmem>>, vector<16xf32>,
    tpu.vector_store %arg34[%swap3A_1837, %swap3A_1838], %broadcast_in_dim3A_1 {strides = array<i32>} : memref<16x128xf32, #tpu.memory_space<vmem>>, vector<16xf32>,
    %swap3A_1840 = arith.constant 15 : i32
    %swap3A_1841 = arith.index_cast %swap3A_1840 : i32 to index
    %swap3A_1842 = arith.constant 112 : index
    %swap3A_1843 = tpu.vector_load %arg34[%swap3A_1841, %swap3A_1842] {strides = array<i32>} : memref<16x128xf32, #tpu.memory_space<vmem>>, vector<16xf32>,
    tpu.vector_store %arg34[%swap3A_1841, %swap3A_1842], %broadcast_in_dim3A_1 {strides = array<i32>} : memref<16x128xf32, #tpu.memory_space<vmem>>, vector<16xf32>,
    "tpu.region"() ({
      %run_scoped3A = tpu.sem_alloc : memref<!tpu.dma_semaphore, #tpu.memory_space<semaphore_mem>>
      %dma_start3A_1850 = arith.constant 0 : i32
      %dma_start3A_1851 = arith.constant 0 : i32
      %dma_start3A_1852 = tpu.memref_slice %arg6[%add3A, %dma_start3A_1850, %dma_start3A_1851] : memref<32x16x128xf32, #tpu.memory_space<hbm>> -> memref<1x16x128xf32, #tpu.memory_space<hbm>>
      %dma_start3A_1853 = tpu.memref_squeeze %dma_start3A_1852 : memref<1x16x128xf32, #tpu.memory_space<hbm>> -> memref<16x128xf32, #tpu.memory_space<hbm>>
      %dma_start3A_1854 = arith.constant 0 : i32
      %dma_start3A_1855 = arith.constant 0 : i32
      %dma_start3A_1856 = tpu.memref_slice %arg6[%add3A, %dma_start3A_1854, %dma_start3A_1855] : memref<32x16x128xf32, #tpu.memory_space<hbm>> -> memref<1x16x128xf32, #tpu.memory_space<hbm>>
      %dma_start3A_1857 = tpu.memref_squeeze %dma_start3A_1856 : memref<1x16x128xf32, #tpu.memory_space<hbm>> -> memref<16x128xf32, #tpu.memory_space<hbm>>
      tpu.enqueue_dma source(%arg34 : memref<16x128xf32, #tpu.memory_space<vmem>>) target(%dma_start3A_1857 : memref<16x128xf32, #tpu.memory_space<hbm>>) target_semaphore(%run_scoped3A : memref<!tpu.dma_semaphore, #tpu.memory_space<semaphore_mem>>)
      %dma_wait3A_1858 = arith.constant 0 : i32
      %dma_wait3A_1859 = arith.constant 0 : i32
      %dma_wait3A_1860 = tpu.memref_slice %arg6[%add3A, %dma_wait3A_1858, %dma_wait3A_1859] : memref<32x16x128xf32, #tpu.memory_space<hbm>> -> memref<1x16x128xf32, #tpu.memory_space<hbm>>
      %dma_wait3A_1861 = tpu.memref_squeeze %dma_wait3A_1860 : memref<1x16x128xf32, #tpu.memory_space<hbm>> -> memref<16x128xf32, #tpu.memory_space<hbm>>
      %dma_wait3A_1862 = arith.constant 0 : i32
      %dma_wait3A_1863 = arith.constant 0 : i32
      %dma_wait3A_1864 = tpu.memref_slice %arg6[%add3A, %dma_wait3A_1862, %dma_wait3A_1863] : memref<32x16x128xf32, #tpu.memory_space<hbm>> -> memref<1x16x128xf32, #tpu.memory_space<hbm>>
      %dma_wait3A_1865 = tpu.memref_squeeze %dma_wait3A_1864 : memref<1x16x128xf32, #tpu.memory_space<hbm>> -> memref<16x128xf32, #tpu.memory_space<hbm>>
      tpu.wait_dma2 semaphore(%run_scoped3A : memref<!tpu.dma_semaphore, #tpu.memory_space<semaphore_mem>>) src(%arg34 : memref<16x128xf32, #tpu.memory_space<vmem>>) dst(%dma_wait3A_1865 : memref<16x128xf32, #tpu.memory_space<hbm>>)
      tpu.yield
    }) : () -> ()
    "tpu.region"() ({
      %run_scoped3A = tpu.sem_alloc : memref<!tpu.dma_semaphore, #tpu.memory_space<semaphore_mem>>
      %dma_start3A_1850 = arith.constant 0 : i32
      %dma_start3A_1851 = tpu.memref_slice %arg7[%add3A, %dma_start3A_1850] : memref<32x128xf32, #tpu.memory_space<hbm>> -> memref<1x128xf32, #tpu.memory_space<hbm>>
      %dma_start3A_1852 = tpu.memref_squeeze %dma_start3A_1851 : memref<1x128xf32, #tpu.memory_space<hbm>> -> memref<128xf32, #tpu.memory_space<hbm>>
      %dma_start3A_1853 = arith.constant 0 : i32
      %dma_start3A_1854 = tpu.memref_slice %arg7[%add3A, %dma_start3A_1853] : memref<32x128xf32, #tpu.memory_space<hbm>> -> memref<1x128xf32, #tpu.memory_space<hbm>>
      %dma_start3A_1855 = tpu.memref_squeeze %dma_start3A_1854 : memref<1x128xf32, #tpu.memory_space<hbm>> -> memref<128xf32, #tpu.memory_space<hbm>>
      tpu.enqueue_dma source(%arg31 : memref<128xf32, #tpu.memory_space<vmem>>) target(%dma_start3A_1855 : memref<128xf32, #tpu.memory_space<hbm>>) target_semaphore(%run_scoped3A : memref<!tpu.dma_semaphore, #tpu.memory_space<semaphore_mem>>)
      %dma_wait3A_1856 = arith.constant 0 : i32
      %dma_wait3A_1857 = tpu.memref_slice %arg7[%add3A, %dma_wait3A_1856] : memref<32x128xf32, #tpu.memory_space<hbm>> -> memref<1x128xf32, #tpu.memory_space<hbm>>
      %dma_wait3A_1858 = tpu.memref_squeeze %dma_wait3A_1857 : memref<1x128xf32, #tpu.memory_space<hbm>> -> memref<128xf32, #tpu.memory_space<hbm>>
      %dma_wait3A_1859 = arith.constant 0 : i32
      %dma_wait3A_1860 = tpu.memref_slice %arg7[%add3A, %dma_wait3A_1859] : memref<32x128xf32, #tpu.memory_space<hbm>> -> memref<1x128xf32, #tpu.memory_space<hbm>>
      %dma_wait3A_1861 = tpu.memref_squeeze %dma_wait3A_1860 : memref<1x128xf32, #tpu.memory_space<hbm>> -> memref<128xf32, #tpu.memory_space<hbm>>
      tpu.wait_dma2 semaphore(%run_scoped3A : memref<!tpu.dma_semaphore, #tpu.memory_space<semaphore_mem>>) src(%arg31 : memref<128xf32, #tpu.memory_space<vmem>>) dst(%dma_wait3A_1861 : memref<128xf32, #tpu.memory_space<hbm>>)
      tpu.yield
    }) : () -> ()
    "tpu.region"() ({
      %run_scoped3A = tpu.sem_alloc : memref<!tpu.dma_semaphore, #tpu.memory_space<semaphore_mem>>
      %dma_start3A_1850 = arith.constant 0 : i32
      %dma_start3A_1851 = tpu.memref_slice %arg9[%add3A, %dma_start3A_1850] : memref<32x128xf32, #tpu.memory_space<hbm>> -> memref<1x128xf32, #tpu.memory_space<hbm>>
      %dma_start3A_1852 = tpu.memref_squeeze %dma_start3A_1851 : memref<1x128xf32, #tpu.memory_space<hbm>> -> memref<128xf32, #tpu.memory_space<hbm>>
      %dma_start3A_1853 = arith.constant 0 : i32
      %dma_start3A_1854 = tpu.memref_slice %arg9[%add3A, %dma_start3A_1853] : memref<32x128xf32, #tpu.memory_space<hbm>> -> memref<1x128xf32, #tpu.memory_space<hbm>>
      %dma_start3A_1855 = tpu.memref_squeeze %dma_start3A_1854 : memref<1x128xf32, #tpu.memory_space<hbm>> -> memref<128xf32, #tpu.memory_space<hbm>>
      tpu.enqueue_dma source(%arg32 : memref<128xf32, #tpu.memory_space<vmem>>) target(%dma_start3A_1855 : memref<128xf32, #tpu.memory_space<hbm>>) target_semaphore(%run_scoped3A : memref<!tpu.dma_semaphore, #tpu.memory_space<semaphore_mem>>)
      %dma_wait3A_1856 = arith.constant 0 : i32
      %dma_wait3A_1857 = tpu.memref_slice %arg9[%add3A, %dma_wait3A_1856] : memref<32x128xf32, #tpu.memory_space<hbm>> -> memref<1x128xf32, #tpu.memory_space<hbm>>
      %dma_wait3A_1858 = tpu.memref_squeeze %dma_wait3A_1857 : memref<1x128xf32, #tpu.memory_space<hbm>> -> memref<128xf32, #tpu.memory_space<hbm>>
      %dma_wait3A_1859 = arith.constant 0 : i32
      %dma_wait3A_1860 = tpu.memref_slice %arg9[%add3A, %dma_wait3A_1859] : memref<32x128xf32, #tpu.memory_space<hbm>> -> memref<1x128xf32, #tpu.memory_space<hbm>>
      %dma_wait3A_1861 = tpu.memref_squeeze %dma_wait3A_1860 : memref<1x128xf32, #tpu.memory_space<hbm>> -> memref<128xf32, #tpu.memory_space<hbm>>
      tpu.wait_dma2 semaphore(%run_scoped3A : memref<!tpu.dma_semaphore, #tpu.memory_space<semaphore_mem>>) src(%arg32 : memref<128xf32, #tpu.memory_space<vmem>>) dst(%dma_wait3A_1861 : memref<128xf32, #tpu.memory_space<hbm>>)
      tpu.yield
    }) : () -> ()
    %barrier3A_1844 = arith.constant 0 : index
    tpu.barrier barrier_id(%barrier3A_1844)
    %lt3A_1845 = arith.constant 4 : i32
    %lt3A_1846 = arith.cmpi slt, %arg1, %lt3A_1845 : i32
    %convert_element_type3A_1847 = arith.extui %lt3A_1846 : i1 to i32
    %cond3A_1848 = arith.constant 0 : i32
    %cond3A_1849 = arith.cmpi ne, %convert_element_type3A_1847, %cond3A_1848 : i32
    scf.if %cond3A_1849 {
      %mul3A_1850 = arith.constant 2 : i32
      %mul3A_1851 = arith.muli %arg1, %mul3A_1850 : i32
      %add3A_1852 = arith.addi %mul3A_1851, %arg0 : i32
      %mul3A_1853 = arith.constant 65 : i32
      %mul3A_1854 = arith.muli %arg1, %mul3A_1853 : i32
      "tpu.region"() ({
        %run_scoped3A = tpu.sem_alloc : memref<!tpu.dma_semaphore, #tpu.memory_space<semaphore_mem>>
        %dma_start3A_1855 = arith.constant 0 : i32
        %dma_start3A_1856 = arith.constant 0 : i32
        %dma_start3A_1857 = tpu.memref_slice %arg8[%add3A_1852, %dma_start3A_1855, %dma_start3A_1856] : memref<8x72x128xf32, #tpu.memory_space<hbm>> -> memref<1x65x128xf32, #tpu.memory_space<hbm>>
        %dma_start3A_1858 = tpu.memref_squeeze %dma_start3A_1857 : memref<1x65x128xf32, #tpu.memory_space<hbm>> -> memref<65x128xf32, #tpu.memory_space<hbm>>
        %dma_start3A_1859 = arith.constant 0 : i32
        %dma_start3A_1860 = tpu.memref_slice %arg35[%mul3A_1854, %dma_start3A_1859] : memref<260x128xf32, #tpu.memory_space<vmem_shared>> -> memref<65x128xf32, #tpu.memory_space<vmem_shared>>
        tpu.enqueue_dma source(%dma_start3A_1860 : memref<65x128xf32, #tpu.memory_space<vmem_shared>>) target(%dma_start3A_1858 : memref<65x128xf32, #tpu.memory_space<hbm>>) target_semaphore(%run_scoped3A : memref<!tpu.dma_semaphore, #tpu.memory_space<semaphore_mem>>)
        %dma_wait3A_1861 = arith.constant 0 : i32
        %dma_wait3A_1862 = arith.constant 0 : i32
        %dma_wait3A_1863 = tpu.memref_slice %arg8[%add3A_1852, %dma_wait3A_1861, %dma_wait3A_1862] : memref<8x72x128xf32, #tpu.memory_space<hbm>> -> memref<1x65x128xf32, #tpu.memory_space<hbm>>
        %dma_wait3A_1864 = tpu.memref_squeeze %dma_wait3A_1863 : memref<1x65x128xf32, #tpu.memory_space<hbm>> -> memref<65x128xf32, #tpu.memory_space<hbm>>
        %dma_wait3A_1865 = arith.constant 0 : i32
        %dma_wait3A_1866 = tpu.memref_slice %arg35[%mul3A_1854, %dma_wait3A_1865] : memref<260x128xf32, #tpu.memory_space<vmem_shared>> -> memref<65x128xf32, #tpu.memory_space<vmem_shared>>
        tpu.wait_dma2 semaphore(%run_scoped3A : memref<!tpu.dma_semaphore, #tpu.memory_space<semaphore_mem>>) src(%dma_wait3A_1866 : memref<65x128xf32, #tpu.memory_space<vmem_shared>>) dst(%dma_wait3A_1864 : memref<65x128xf32, #tpu.memory_space<hbm>>)
        tpu.yield
      }) : () -> ()
    } else {
    }
    return
  }
}

module attributes {stable_mosaic.version = 14 : i64} {
  func.func @_tc_body(%arg0: memref<32x16x128xf32, #tpu.memory_space<vmem>>, %arg1: memref<32x128xf32, #tpu.memory_space<vmem>>, %arg2: memref<8x72x128xf32, #tpu.memory_space<vmem>>, %arg3: memref<32x128xf32, #tpu.memory_space<vmem>>, %arg4: memref<64x128xf32, #tpu.memory_space<vmem>>, %arg5: memref<128x128xf32, #tpu.memory_space<vmem>>, %arg6: memref<16x128xf32, #tpu.memory_space<vmem>>, %arg7: memref<128x128xf32, #tpu.memory_space<vmem>>, %arg8: memref<1x128xf32, #tpu.memory_space<vmem>>, %arg9: memref<64x128xf32, #tpu.memory_space<vmem>>) attributes {dimension_semantics = [], scalar_prefetch = 0 : i64, scratch_operands = 0 : i64, tpu.core_type = #tpu.core_type<tc>} {
    %get3A = arith.constant 0 : index
    %get3A_0 = arith.constant 0 : index
    %get3A_1 = arith.constant 0 : index
    %get3A_2 = vector.load %arg0[%get3A, %get3A_0, %get3A_1] : memref<32x16x128xf32, #tpu.memory_space<vmem>>, vector<32x16x128xf32>
    %reduce_sum3A = arith.constant dense<0.000000e+00> : vector<16x128xf32>
    %reduce_sum3A_3 = vector.multi_reduction <add>, %get3A_2, %reduce_sum3A [0] : vector<32x16x128xf32> to vector<16x128xf32>
    %slice3A = vector.extract_strided_slice %reduce_sum3A_3 {offsets = [0, 0], sizes = [16, 64], strides = [1, 1]} : vector<16x128xf32> to vector<16x64xf32>
    %get3A_4 = arith.constant 0 : index
    %get3A_5 = arith.constant 0 : index
    %get3A_6 = vector.load %arg1[%get3A_4, %get3A_5] : memref<32x128xf32, #tpu.memory_space<vmem>>, vector<32x128xf32>
    %reduce_sum3A_7 = arith.constant dense<0.000000e+00> : vector<128xf32>
    %reduce_sum3A_8 = vector.multi_reduction <add>, %get3A_6, %reduce_sum3A_7 [0] : vector<32x128xf32> to vector<128xf32>
    %slice3A_9 = vector.extract_strided_slice %reduce_sum3A_8 {offsets = [0], sizes = [64], strides = [1]} : vector<128xf32> to vector<64xf32>
    %get3A_10 = arith.constant 0 : index
    %get3A_11 = arith.constant 0 : index
    %get3A_12 = arith.constant 0 : index
    %get3A_13 = vector.load %arg2[%get3A_10, %get3A_11, %get3A_12] : memref<8x72x128xf32, #tpu.memory_space<vmem>>, vector<8x72x128xf32>
    %slice3A_14 = vector.extract_strided_slice %get3A_13 {offsets = [0, 0, 0], sizes = [8, 64, 128], strides = [1, 1, 1]} : vector<8x72x128xf32> to vector<8x64x128xf32>
    %reduce_sum3A_15 = arith.constant dense<0.000000e+00> : vector<64x128xf32>
    %reduce_sum3A_16 = vector.multi_reduction <add>, %slice3A_14, %reduce_sum3A_15 [0] : vector<8x64x128xf32> to vector<64x128xf32>
    %get3A_17 = arith.constant 0 : index
    %get3A_18 = arith.constant 0 : index
    %get3A_19 = vector.load %arg3[%get3A_17, %get3A_18] : memref<32x128xf32, #tpu.memory_space<vmem>>, vector<32x128xf32>
    %reduce_sum3A_20 = arith.constant dense<0.000000e+00> : vector<128xf32>
    %reduce_sum3A_21 = vector.multi_reduction <add>, %get3A_19, %reduce_sum3A_20 [0] : vector<32x128xf32> to vector<128xf32>
    %slice3A_22 = vector.extract_strided_slice %reduce_sum3A_21 {offsets = [0], sizes = [64], strides = [1]} : vector<128xf32> to vector<64xf32>
    %max3A = arith.constant 1.000000e+00 : f32
    %max3A_23 = vector.broadcast %max3A : f32 to vector<64xf32>
    %max3A_24 = arith.maximumf %slice3A_22, %max3A_23 : vector<64xf32>
    %broadcast_in_dim3A = vector.shape_cast %max3A_24 : vector<64xf32> to vector<64x1xf32>
    %div3A = vector.broadcast %broadcast_in_dim3A : vector<64x1xf32> to vector<64x128xf32>
    %div3A_25 = arith.divf %reduce_sum3A_16, %div3A : vector<64x128xf32>
    %max3A_26 = arith.constant 1.000000e+00 : f32
    %max3A_27 = vector.broadcast %max3A_26 : f32 to vector<64xf32>
    %max3A_28 = arith.maximumf %slice3A_9, %max3A_27 : vector<64xf32>
    %broadcast_in_dim3A_29 = vector.shape_cast %max3A_28 : vector<64xf32> to vector<1x64xf32>
    %div3A_30 = vector.broadcast %broadcast_in_dim3A_29 : vector<1x64xf32> to vector<16x64xf32>
    %div3A_31 = arith.divf %slice3A, %div3A_30 : vector<16x64xf32>
    %get3A_32 = arith.constant 0 : index
    %get3A_33 = arith.constant 0 : index
    %get3A_34 = vector.load %arg5[%get3A_32, %get3A_33] : memref<128x128xf32, #tpu.memory_space<vmem>>, vector<128x128xf32>
    %dot_general3A = arith.constant dense<0.000000e+00> : vector<64x128xf32>
    %dot_general3A_35 = tpu.matmul %div3A_25, %get3A_34, %dot_general3A {dimension_numbers = #tpu.dot_dimension_numbers<[1], [0], [0], [1], [0, 0, 1, 1], [], []>, transpose_lhs_hint = false} : vector<64x128xf32>, vector<128x128xf32>, vector<64x128xf32> -> vector<64x128xf32>
    %get3A_36 = arith.constant 0 : index
    %get3A_37 = arith.constant 0 : index
    %get3A_38 = vector.load %arg6[%get3A_36, %get3A_37] : memref<16x128xf32, #tpu.memory_space<vmem>>, vector<16x128xf32>
    %dot_general3A_39 = arith.constant dense<0.000000e+00> : vector<64x128xf32>
    %dot_general3A_40 = tpu.matmul %div3A_31, %get3A_38, %dot_general3A_39 {dimension_numbers = #tpu.dot_dimension_numbers<[0], [0], [1], [1], [0, 1, 1, 1], [], []>, transpose_lhs_hint = false} : vector<16x64xf32>, vector<16x128xf32>, vector<64x128xf32> -> vector<64x128xf32>
    %add3A = arith.addf %dot_general3A_35, %dot_general3A_40 : vector<64x128xf32>
    %get3A_41 = arith.constant 0 : index
    %get3A_42 = arith.constant 0 : index
    %get3A_43 = vector.load %arg4[%get3A_41, %get3A_42] : memref<64x128xf32, #tpu.memory_space<vmem>>, vector<64x128xf32>
    %get3A_44 = arith.constant 0 : index
    %get3A_45 = arith.constant 0 : index
    %get3A_46 = vector.load %arg7[%get3A_44, %get3A_45] : memref<128x128xf32, #tpu.memory_space<vmem>>, vector<128x128xf32>
    %dot_general3A_47 = arith.constant dense<0.000000e+00> : vector<64x128xf32>
    %dot_general3A_48 = tpu.matmul %get3A_43, %get3A_46, %dot_general3A_47 {dimension_numbers = #tpu.dot_dimension_numbers<[1], [0], [0], [1], [0, 0, 1, 1], [], []>, transpose_lhs_hint = false} : vector<64x128xf32>, vector<128x128xf32>, vector<64x128xf32> -> vector<64x128xf32>
    %add3A_49 = arith.addf %add3A, %dot_general3A_48 : vector<64x128xf32>
    %get3A_50 = arith.constant 0 : index
    %get3A_51 = arith.constant 0 : index
    %get3A_52 = vector.load %arg8[%get3A_50, %get3A_51] : memref<1x128xf32, #tpu.memory_space<vmem>>, vector<1x128xf32>
    %add3A_53 = vector.broadcast %get3A_52 : vector<1x128xf32> to vector<64x128xf32>
    %add3A_54 = arith.addf %add3A_49, %add3A_53 : vector<64x128xf32>
    %swap3A = arith.constant 0 : index
    %swap3A_55 = arith.constant 0 : index
    %swap3A_56 = vector.load %arg9[%swap3A, %swap3A_55] : memref<64x128xf32, #tpu.memory_space<vmem>>, vector<64x128xf32>
    tpu.vector_store %arg9[%swap3A, %swap3A_55], %add3A_54 {strides = array<i32>} : memref<64x128xf32, #tpu.memory_space<vmem>>, vector<64x128xf32>,
    return
  }
}

</mosaic_0001>

<sc_bundles>
// kernel: kernel.4.cloned.1.call-start
scs
__scs_entry_jumppad:
0x0: {  	(pc) =	sbr.rel $0x88, $3  }
0x1: {  	(tag) =	ssettag $0x0;
	lr =	simm.s32 $0x1  }
0x2: {  	[smem:$0x3F9A] =	sst lr;
	_ =	strace $0xD0000000  }
0x3: {  	_ = 	snop  }
0x4: {  	_ = 	snop  }
0x5: {  	_ = 	snop  }
0x6: {  	_ = 	snop  }
0x7: {  	_ = 	snop  }
__scs_overlays_trampoline_lowered:
0x8: {  	[smem:$0x3FA9] =	sst s0  }
0x9: {  	[smem:$0x3FAA] =	sst s1  }
0xa: {  	[smem:$0x3FAB] =	sst s2  }
0xb: {  	[smem:$0x3FAC] =	sst s3  }
0xc: {  	[smem:$0x3FAD] =	sst s4  }
0xd: {  	[smem:$0x3FAE] =	sst s5  }
0xe: {  	[smem:$0x3FAF] =	sst s6  }
0xf: {  	[smem:$0x3FB0] =	sst s7  }
0x10: {  	[smem:$0x3FB1] =	sst s8  }
0x11: {  	[smem:$0x3FB2] =	sst s9;
	s0 =	simm.s32 @!p0 $0x0  }
0x12: {  	s1 =	sld [smem:$0x3F98];
	s0 =	simm.s32 @p0 $0x1  }
0x13: {  	[smem:$0x3FB3] =	sst s0;
	s0 =	simm.s32 @!p1 $0x0  }
0x14: {  	s2 =	sld [smem:$0x3F97];
	s0 =	simm.s32 @p1 $0x1  }
0x15: {  	[smem:$0x3FB4] =	sst s0;
	s0 =	simm.s32 @!p2 $0x0  }
0x16: {  	s3 =	sld [smem:$0x3FDB];
	s0 =	simm.s32 @p2 $0x1  }
0x17: {  	s4 =	simm.s32 $0x1BF5;
	[smem:$0x3FB6] =	sst s0  }
0x18: {  	s0 =	sld [smem:$0x3F99];
	_ =	swait.ge [sflag:s4], $0x0  }
0x19: {  	s7 =	sld [smem:$0x3F9A]  }
0x1a: {  	s8 =	sadd.s32 $0xFFFFE003, lr  }
0x1b: {  	s9 =	sadd.s32 $0xFFFFFEF7, lr;
	s5 =	simm.s32 $0xFFFFFFFF;
	p2 =	slt.u32 s8, $0xFFFFF086  }
0x1c: {  	p1 =	slt.u32 s9, $0xF7A;
	s5 =	simm.s32 @!p2 $0x0  }
0x1d: {  	s5 =	simm.s32 @p1 $0x1;
	p0 =	seq.s32 s7, s2  }
0x1e: {  	s7 =	smul.u32 @!p0 $0xF7A, s2;
	p2 =	seq.s32 @!p0 s5, $0x0  }
0x1f: {  	s9 =	smul.u32 $0xF7A, s1;
	s8 =	simm.s32 @!p0 $0x1BF5;
	p2 =	por !p2, p0  }
0x20: {  	[sflag:s8] =	ssyncset.s32 @!p0 $0xFFFFF086;
	s6 =	sadd.s32 @!p0 s3, s7;
	s7 =	simm.s32 @!p0 $0x108  }
0x21: {  	s3 =	sadd.s32 s3, s9;
	s6 =	sadd.s32 @!p0 $0x88, s6;
	s7 =	simm.s32 @p2 $0x1082  }
0x22: {  	[simem:s7], [sflag:s8] =	dma.local @!p0 [hbm:s6], $0xF7A  }
0x23: {  	s9 =	sor.u32 $0xD0000000, s2;
	s6 =	simm.s32 $0x108;
	_ =	swait.ge @!p0 [sflag:s8], $0x0  }
0x24: {  	s3 =	sadd.s32 $0x88, s3;
	s6 =	simm.s32 @!p1 $0x1082;
	[sflag:s4] =	ssyncset.s32 $0xFFFFF086  }
0x25: {  	[simem:s6], [sflag:s4] =	dma.local [hbm:s3], $0xF7A  }
0x26: {  	[smem:$0x3F9A] =	sst s1;
	(tag) =	ssettag s2;
	_ =	strace s9  }
0x27: {  	s1 =	sld [smem:$0x3FAA]  }
0x28: {  	s2 =	sld [smem:$0x3FAB]  }
0x29: {  	s4 =	sld [smem:$0x3FAD]  }
0x2a: {  	p0 =	seq.s32 s5, $0x0;
	s5 =	sld [smem:$0x3FAE]  }
0x2b: {  	s6 =	sld [smem:$0x3FAF]  }
0x2c: {  	s7 =	sld [smem:$0x3FB0]  }
0x2d: {  	s3 =	simm.s32 $0x108;
	s8 =	sld [smem:$0x3FB1]  }
0x2e: {  	s3 =	simm.s32 @!p0 $0x1082;
	s9 =	sld [smem:$0x3FB2]  }
0x2f: {  	lr =	sadd.s32 s0, s3;
	s0 =	sld [smem:$0x3FA9]  }
0x30: {  	s3 =	sld [smem:$0x3FAC]  }
0x31: {  	[smem:$0x3FB5] =	sst s10  }
0x32: {  	s10 =	sld [smem:$0x3FB3];
	_ =	sdelay $0x3  }
0x33: {  	p0 =	seq.s32 s10, $0x1;
	s10 =	sld [smem:$0x3FB5];
	_ =	sdelay $0x3  }
0x34: {  	[smem:$0x3FB5] =	sst s10  }
0x35: {  	s10 =	sld [smem:$0x3FB4];
	_ =	sdelay $0x3  }
0x36: {  	p1 =	seq.s32 s10, $0x1;
	s10 =	sld [smem:$0x3FB5];
	_ =	sdelay $0x3  }
0x37: {  	[smem:$0x3FB5] =	sst s10  }
0x38: {  	s10 =	sld [smem:$0x3FB6]  }
0x39: {  	_ = 	snop;
	(pc) =	sbr.ind lr, $3  }
0x3a: {  	_ = 	snop  }
0x3b: {  	_ = 	snop  }
0x3c: {  	p2 =	seq.s32 s10, $0x1;
	s10 =	sld [smem:$0x3FB5]  }
0x3d: {  	_ =	shalt  }
0x3e: {  	_ =	shalt  }
0x3f: {  	_ =	shalt  }
0x40: {  	_ =	shalt  }
0x41: {  	_ =	shalt  }
0x42: {  	_ =	shalt  }
0x43: {  	_ =	shalt  }
0x44: {  	_ =	shalt  }
0x45: {  	_ =	shalt  }
0x46: {  	_ =	shalt  }
0x47: {  	_ =	shalt  }
0x48: {  	_ =	shalt  }
0x49: {  	_ =	shalt  }
0x4a: {  	_ =	shalt  }
0x4b: {  	_ =	shalt  }
0x4c: {  	_ =	shalt  }
0x4d: {  	_ =	shalt  }
0x4e: {  	_ =	shalt  }
0x4f: {  	_ =	shalt  }
0x50: {  	_ =	shalt  }
0x51: {  	_ =	shalt  }
0x52: {  	_ =	shalt  }
0x53: {  	_ =	shalt  }
0x54: {  	_ =	shalt  }
0x55: {  	_ =	shalt  }
0x56: {  	_ =	shalt  }
0x57: {  	_ =	shalt  }
0x58: {  	_ =	shalt  }
0x59: {  	_ =	shalt  }
0x5a: {  	_ =	shalt  }
0x5b: {  	_ =	shalt  }
0x5c: {  	_ =	shalt  }
0x5d: {  	_ =	shalt  }
0x5e: {  	_ =	shalt  }
0x5f: {  	_ =	shalt  }
0x60: {  	_ =	shalt  }
0x61: {  	_ =	shalt  }
0x62: {  	_ =	shalt  }
0x63: {  	_ =	shalt  }
0x64: {  	_ =	shalt  }
0x65: {  	_ =	shalt  }
0x66: {  	_ =	shalt  }
0x67: {  	_ =	shalt  }
0x68: {  	_ =	shalt  }
0x69: {  	_ =	shalt  }
0x6a: {  	_ =	shalt  }
0x6b: {  	_ =	shalt  }
0x6c: {  	_ =	shalt  }
0x6d: {  	_ =	shalt  }
0x6e: {  	_ =	shalt  }
0x6f: {  	_ =	shalt  }
0x70: {  	_ =	shalt  }
0x71: {  	_ =	shalt  }
0x72: {  	_ =	shalt  }
0x73: {  	_ =	shalt  }
0x74: {  	_ =	shalt  }
0x75: {  	_ =	shalt  }
0x76: {  	_ =	shalt  }
0x77: {  	_ =	shalt  }
0x78: {  	_ =	shalt  }
0x79: {  	_ =	shalt  }
0x7a: {  	_ =	shalt  }
0x7b: {  	_ =	shalt  }
0x7c: {  	_ =	shalt  }
0x7d: {  	_ =	shalt  }
0x7e: {  	_ =	shalt  }
0x7f: {  	_ =	shalt  }
0x80: {  	_ =	shalt  }
0x81: {  	_ =	shalt  }
0x82: {  	_ =	shalt  }
0x83: {  	_ =	shalt  }
0x84: {  	_ =	shalt  }
0x85: {  	_ =	shalt  }
0x86: {  	_ =	shalt  }
0x87: {  	_ =	shalt  }
.Lfunc_end0:
.L_simem_size_0:
called_computation_lowered:
.L_overlay_start_0:
0x88: {  	s2 =	sld [smem:$0x3FD9]  }
0x89: {  	s3 =	sld [smem:$0x3FFE];
	_ =	sdelay $0x1  }
0x8a: {  	s1 =	srdreg.scid  }
0x8b: {  	s0 =	sand.u32 $0x1, s1  }
0x8c: {  	s17 =	sshll.u32 s0, $0xA;
	s2 =	sadd.s32 s3, s2  }
0x8d: {  	s2 =	sadd.s32 s2, s17  }
0x8e: {  	[smem:$0x3FC1] =	sst s2  }
0x8f: {  	_ = 	snop  }
0x90: {  	s2 =	sld [smem:$0x3FC8]  }
0x91: {  	s18 =	sld [smem:$0x3FC7]  }
0x92: {  	s4 =	sld [smem:$0x3FD0];
	(tm) =	ssettm $0x1  }
0x93: {  	s5 =	sld [smem:$0x3FFB];
	_ =	sdelay $0x3  }
0x94: {  	_ =	strace s5  }
0x95: {  	s5 =	sld [smem:$0x3FFC];
	_ =	sdelay $0x3  }
0x96: {  	_ =	strace s5  }
0x97: {  	s5 =	sld [smem:$0x3FFD];
	_ =	sdelay $0x3  }
0x98: {  	_ =	strace s5  }
0x99: {  	_ =	strace $0x8FFFFFFF  }
0x9a: {  	s19 =	sld [smem:$0x3FDB];
	_ =	sdelay $0x1  }
0x9b: {  	s6 =	simm.s32 $_scs_section_size  }
0x9c: {  	s7 =	simm.s32 $_size__tile_overlayer_lowered;
	s8 =	simm.s32 $_tile_overlayer_lowered  }
0x9d: {  	s22 =	simm.s32 $0x1BFF;
	s21 =	sshll.u32 s8, $0x1;
	s5 =	sadd.s32 s6, s19  }
0x9e: {  	s9 =	simm.s32 $0x0;
	s20 =	sshll.u32 s7, $0x1;
	s7 =	sadd.s32 s21, s5  }
0x9f: {  	[timem:s9], [sflag:s22] =	dma.local [hbm:s7], s20  }
0xa0: {  	_ =	swait.ge [sflag:s22], s20  }
0xa1: {  	s6 =	ssub.s32 $0x0, s20;
	[sflag:s22] =	ssyncset.done $0x0  }
0xa2: {  	[sflag:s22] =	ssyncadd.s32 s6;
	_ =	sdelay $0x1  }
0xa3: {  	s23 =	simm.s32 $0x1B8B  }
0xa4: {  	_ =	swait.ge [sflag:s23], $0x1  }
0xa5: {  	[sflag:s23] =	ssyncset.done $0x0  }
0xa6: {  	s25 =	simm.s32 $0x1B8E;
	s24 =	sld [smem:$0x3FFE];
	[sflag:s23] =	ssyncadd.s32 $0xFFFFFFFF  }
0xa7: {  	s26 =	simm.s32 $execute0_lowered;
	[smem:$0x3FD2] =	sst s25  }
0xa8: {  	s7 =	sshll.u32 s26, $0x1;
	_ =	strace $0x80000046;
	[dreg:$0x1] =	wrdreg $0xFFFFFFFF  }
0xa9: {  	s28 =	simm.s32 $_size_execute0_lowered;
	s5 =	sadd.s32 s5, s7;
	[dreg:$0x0] =	wrdreg $0x0  }
0xaa: {  	s7 =	sshll.u32 s28, $0x1;
	[dreg:$0x2] =	wrdreg s5  }
0xab: {  	[dreg:$0x3] =	wrdreg s7  }
0xac: {  	[dreg:$0x4] =	wrdreg $0xC0  }
0xad: {  	_ =	task [dreg:s9], $0x5FFFF  }
0xae: {  	[dreg:$0x1] =	wrdreg $0xFFFFFFFF  }
0xaf: {  	[dreg:$0x0] =	wrdreg $0x60  }
0xb0: {  	[dreg:$0x2] =	wrdreg s18  }
0xb1: {  	[dreg:$0x3] =	wrdreg s2  }
0xb2: {  	[dreg:$0x4] =	wrdreg s24  }
0xb3: {  	[dreg:$0x5] =	wrdreg s4  }
0xb4: {  	[dreg:$0x6] =	wrdreg $0x1C6C00  }
0xb5: {  	[dreg:$0x7] =	wrdreg $0x9  }
0xb6: {  	_ =	task.clear_ibuf [dreg:s9], $0x8FFFF;
	_ =	strace $0x90000046  }
0xb7: {  	s29 =	simm.s32 $0x9;
	_ =	strace $0x80000048  }
0xb8: {  	_ =	swait.ge [sflag:s29], $0x1  }
0xb9: {  	[sflag:s29] =	ssyncadd.s32 $0xFFFFFFFF  }
0xba: {  	_ =	strace $0x90000048  }
0xbb: {  	_ =	sfence  }
0xbc: {  	s30 =	sld [smem:$0x0];
	_ =	sdelay $0x2  }
0xbd: {  	s31 =	sshll.u32 s1, $0xD;
	s1 =	sshrl.u32 s1, $0x2  }
0xbe: {  	s3 =	sand.u32 $0x4000, s31;
	s1 =	sadd.s32 s1, s30  }
0xbf: {  	s0 =	sor.u32 s3, s0;
	s1 =	sshll.u32 s1, $0x11  }
0xc0: {  	s0 =	sor.u32 s1, s0  }
0xc1: {  	s0 =	sadd.s32 $0x8F2B, s0  }
0xc2: {  	[sflag:s0] =	ssyncadd.remote.s32 $0x1  }
0xc3: {  	_ =	sfence.sel $0xFFFF  }
0xc4: {  	[dreg:$0x0] =	wrdreg $0xFFFFFFFF;
	(pc) =	sbr.abs _section_cstart, $3  }
0xc5: {  	[dreg:$0x1] =	wrdreg $0xFFFFFFFF  }
0xc6: {  	_ =	task.clear_ibuf [dreg:s9], $0x2FFFF;
	_ =	strace $0x9FFFFFFF  }
0xc7: {  	(tm) =	ssettm $0x7FFFFFFF  }
tec
execute0_lowered:
.L_overlay_start_1:
0x0: {  	(tag) =	ssettag $0x1  }
0x1: {  	s0 =	srdreg.scid;
	s19 =	stileid.u32  }
0x2: {  	s9 =	rddreg [dreg:$0x0];
	s8 =	sand.u32 $0x1, s0;
	s18 =	sshll.u32 s19, $0x1  }
0x3: {  	s1 =	rddreg [dreg:$0x2];
	s28 =	simm.s32 $0x2;
	s2 =	sor.u32 s8, s18  }
0x4: {  	s30 =	simm.s32 $0x19B40;
	s31 =	simm.s32 $0x3;
	s0 =	smul.u32 $0x4E, s2  }
0x5: {  	s10 =	sadd.s32 $0x1A00, s1;
	s12 =	sadd.s32 $0x4E200, s9;
	s3 =	smul.u32 $0x140, s2  }
0x6: {  	s4 =	ssub.s32 $0x2, s8;
	s7 =	smin.u32 s2, $0x4;
	s6 =	smul.u32 $0x1400, s2  }
0x7: {  	p0 =	slt.u32 s19, $0x2;
	s5 =	sshrl.u32 s4, $0x1;
	s11 =	sadd.s32 s7, s0  }
0x8: {  	s0 =	ssub.s32 s4, s5;
	s5 =	sadd.s32 $0x50, s3;
	s22 =	sadd.s32 s10, s6  }
0x9: {  	s6 =	sadd.s32 $0xA0, s3;
	s20 =	sshll.u32 s11, $0x7;
	[dreg:$0x8] =	wrdreg s22  }
0xa: {  	s13 =	sshll.u32 s5, $0x4;
	s23 =	sshll.u32 s6, $0x4;
	s15 =	sadd.s32 $0x10, s11  }
0xb: {  	s16 =	sadd.s32 $0x40, s11;
	s0 =	smax.u32 s0, $0x1;
	s21 =	sadd.s32 s9, s20  }
0xc: {  	s4 =	sadd.s32 s20, s12;
	s13 =	sadd.s32 s10, s13;
	[dreg:$0x6] =	wrdreg s21  }
0xd: {  	s24 =	sshll.u32 s15, $0x7;
	s18 =	smin.u32 s16, $0x9B4;
	[dreg:$0x7] =	wrdreg s4  }
0xe: {  	s4 =	sadd.s32 $0xF0, s3;
	[dreg:$0x9] =	wrdreg s13;
	s13 =	sadd.s32 s10, s23  }
0xf: {  	s25 =	sadd.s32 s9, s24;
	s21 =	sshll.u32 s18, $0x7;
	[dreg:$0xa] =	wrdreg s13  }
0x10: {  	s23 =	sshll.u32 s11, $0x5;
	s14 =	sshll.u32 s4, $0x4;
	[dreg:$0xc] =	wrdreg s25  }
0x11: {  	s22 =	sadd.s32 s21, s12;
	s25 =	rddreg [dreg:$0x1];
	s10 =	sadd.s32 s10, s14  }
0x12: {  	s14 =	sadd.s32 $0x30, s11;
	[dreg:$0x13] =	wrdreg s22;
	s22 =	smul.u32 $0x27000, s19  }
0x13: {  	[dreg:$0xb] =	wrdreg s10;
	s10 =	sadd.s32 s24, s12;
	s29 =	sshll.u32 s14, $0x7  }
0x14: {  	[dreg:$0xd] =	wrdreg s10;
	s10 =	sadd.s32 $0x20, s11;
	s20 =	sadd.s32 s9, s29  }
0x15: {  	s24 =	sshll.u32 s15, $0x5;
	s26 =	sshll.u32 s10, $0x7;
	[dreg:$0x10] =	wrdreg s20  }
0x16: {  	s15 =	sshll.u32 s10, $0x5;
	s20 =	sshll.u32 s14, $0x5;
	s17 =	sadd.s32 s9, s26  }
0x17: {  	s13 =	sadd.s32 s26, s12;
	s9 =	sadd.s32 s9, s21;
	s26 =	sand.u32 $0x1FFFFFE0, s24  }
0x18: {  	s21 =	sand.u32 $0x1FFFFFE0, s20;
	s24 =	smul.u32 $0x9C, s19;
	[dreg:$0xe] =	wrdreg s17  }
0x19: {  	s20 =	smul.u32 $0x480, s2;
	[dreg:$0xf] =	wrdreg s13;
	s17 =	sadd.s32 s29, s12  }
0x1a: {  	[dreg:$0x12] =	wrdreg s9;
	s9 =	sadd.s32 s25, s23;
	s29 =	smul.u32 $0x13800, s8  }
0x1b: {  	s23 =	sshll.u32 s18, $0x5;
	s12 =	simm.s32 $0x19940;
	[dreg:$0x11] =	wrdreg s17  }
0x1c: {  	[dreg:$0x14] =	wrdreg s9;
	s9 =	sadd.s32 s25, s26;
	s17 =	smul.u32 $0x4E, s8  }
0x1d: {  	s8 =	smul.u32 $0x4E000, s8;
	s26 =	sadd.s32 s24, s7;
	s24 =	sand.u32 $0x3, s19  }
0x1e: {  	[dreg:$0x15] =	wrdreg s9;
	s9 =	sand.u32 $0x1FFFFFE0, s15;
	s15 =	ssub.s32 s16, s18  }
0x1f: {  	s11 =	sadd.s32 s29, s22;
	s29 =	sshll.u32 s7, $0xA;
	s7 =	sshll.u32 s7, $0xC  }
0x20: {  	s16 =	rddreg [dreg:$0x3];
	s18 =	sshll.u32 s2, $0x8;
	s2 =	sshll.u32 s2, $0x4  }
0x21: {  	s22 =	sadd.s32 $0x29A00, s1;
	s9 =	sadd.s32 s25, s9;
	s11 =	sadd.s32 s29, s11  }
0x22: {  	s10 =	sadd.s32 s17, s26;
	s17 =	rddreg [dreg:$0x4];
	s26 =	sshrl.u32 s6, $0x3  }
0x23: {  	s29 =	smul.u32 $0x8200, s19;
	[dreg:$0x16] =	wrdreg s9;
	s9 =	sadd.s32 s25, s21  }
0x24: {  	s13 =	sadd.s32 $0x40, s10;
	s21 =	simm.s32 $0x0;
	s10 =	sadd.s32 s16, s2  }
0x25: {  	s2 =	sadd.s32 s2, s1;
	s16 =	smul.u32 $0x41, s24;
	[dreg:$0x17] =	wrdreg s9  }
0x26: {  	s6 =	sadd.s32 s22, s26;
	s9 =	sadd.s32 s25, s23;
	[smem:$0x7FF] =	sst s21  }
0x27: {  	s25 =	smul.u32 $0x9C000, s19;
	s14 =	smin.u32 s13, $0x9B4;
	[dreg:$0x18] =	wrdreg s9  }
0x28: {  	s23 =	sshrl.u32 s3, $0x3;
	_ =	strace $0x80000047;
	[dreg:$0x1a] =	wrdreg s10  }
0x29: {  	s13 =	sshrl.u32 s4, $0x3;
	s4 =	simm.s32 $0x19B80;
	[dreg:$0x1e] =	wrdreg s6  }
0x2a: {  	s9 =	sshll.u32 s14, $0xA;
	s3 =	sadd.s32 s22, s13;
	[dreg:$0x1b] =	wrdreg s22  }
0x2b: {  	s13 =	simm.s32 $0x19CC0;
	s8 =	sadd.s32 s8, s25;
	[dreg:$0x1f] =	wrdreg s3  }
0x2c: {  	s9 =	ssub.s32 s11, s9;
	s11 =	sadd.s32 s20, s1;
	[dreg:$0x19] =	wrdreg s15  }
0x2d: {  	s25 =	sshrl.u32 s5, $0x3;
	[smem:$0x7FA] =	sst s0;
	s0 =	simm.s32 $0x19980  }
0x2e: {  	s3 =	simm.s32 $0x19A80;
	s10 =	simm.s32 $0x19B00;
	s5 =	simm.s32 $0x19BC0  }
0x2f: {  	s6 =	simm.s32 $0x19C40;
	s7 =	sadd.s32 s7, s8;
	s8 =	sshll.u32 s14, $0xC  }
0x30: {  	s14 =	sshrl.u32 s29, $0x2;
	s20 =	sadd.s32 $0x10000, s9;
	s9 =	simm.s32 $0x19AC0  }
0x31: {  	s7 =	ssub.s32 s7, s8;
	s8 =	sadd.s32 s18, s1;
	s1 =	sadd.s32 s22, s23  }
0x32: {  	s24 =	sadd.s32 s14, s17;
	s18 =	sadd.s32 $0x2E400, s2;
	[dreg:$0x1c] =	wrdreg s1  }
0x33: {  	s23 =	sadd.s32 $0x2A000, s11;
	s11 =	simm.s32 $0x19D40;
	[smem:$0x7F8] =	sst s18  }
0x34: {  	s2 =	simm.s32 $0x19A40;
	s1 =	sadd.s32 s22, s25;
	[smem:$0x7F9] =	sst s23  }
0x35: {  	s17 =	sadd.s32 $0x2C400, s8;
	s25 =	sshra.s32 s7, $0x2;
	[smem:$0x7FD] =	sst s24  }
0x36: {  	s7 =	simm.s32 $0x19C80;
	s23 =	simm.s32 $0x19D00;
	[dreg:$0x1d] =	wrdreg s1  }
0x37: {  	s18 =	simm.s32 $0x0;
	s1 =	simm.s32 $0xF;
	[smem:$0x7F7] =	sst s17  }
0x38: {  	s29 =	sadd.s32 $0x4800, s25;
	s25 =	simm.s32 $0x19C00;
	s1 =	simm.s32 @!p0 $0xE  }
0x39: {  	[smem:$0x7FC] =	sst s29;
	s22 =	sadd.s32 s1, s15;
	s1 =	sshra.s32 s20, $0x2  }
0x3a: {  	p0 =	sgt.u32 s19, $0x3;
	s15 =	simm.s32 $0x19DC0;
	s26 =	sadd.s32 $0x2800, s1  }
0x3b: {  	v1 =	vimm.f32 $0.0e+00;
	v2 =	vimm.f32 $1.000000000e+00;
	v0 =	vmov s16;
	s20 =	simm.s32 $0x19A00;
	s1 =	simm.s32 $0x199C0;
	[smem:$0x7FB] =	sst s26  }
.LBB2_1:
0x3c: {  	s8 =	rddreg [dreg:$0x1b]  }
0x3d: {  	[tilespmem:s21], [sflag:$0x1] =	stream.linear.gather [hbm4b:s8+s21], $0x2800, $0x38;
	[tilespmem:$0x1CEE0] =	vst v63  }
0x3e: {  	s17 =	rddreg [dreg:$0x6];
	s16 =	simm.s32 $0x4800  }
0x3f: {  	[tilespmem:s16], [sflag:$0x2] =	stream.linear.gather [hbm4b:s17+s21], $0x4000, $0x38;
	[tilespmem:$0x1CEE0] =	vst v63  }
0x40: {  	s19 =	rddreg [dreg:$0x7];
	s26 =	simm.s32 $0x8800  }
0x41: {  	[tilespmem:s26], [sflag:$0x2] =	stream.linear.gather [hbm4b:s19+s21], $0x4000, $0x38;
	[tilespmem:$0x1CEE0] =	vst v63  }
0x42: {  	s29 =	rddreg [dreg:$0x14];
	s14 =	simm.s32 $0x2800  }
0x43: {  	[tilespmem:s14], [sflag:$0x4] =	stream.linear.gather [hbm4b:s29+s21], $0x1000, $0x38;
	[tilespmem:$0x1CEE0] =	vst v63  }
0x44: {  	s16 =	rddreg [dreg:$0x8];
	s17 =	simm.s32 $0x14800  }
0x45: {  	[tilespmem:s17], [sflag:$0x6] =	stream.linear.gather [hbm4b:s16+s21], $0x2800, $0x38;
	[tilespmem:$0x1CEE0] =	vst v63  }
0x46: {  	s19 =	rddreg [dreg:$0x1c];
	s26 =	simm.s32 $0x19800  }
0x47: {  	[tilespmem:s26], [sflag:$0xA] =	stream.linear.gather [hbm4b:s19+s21], $0x50, $0x38;
	[tilespmem:$0x1CEE0] =	vst v63  }
0x48: {  	s29 =	rddreg [dreg:$0x1d];
	s14 =	simm.s32 $0x19850  }
0x49: {  	[tilespmem:s14], [sflag:$0xA] =	stream.linear.gather [hbm4b:s29+s21], $0x50, $0x38;
	[tilespmem:$0x1CEE0] =	vst v63  }
0x4a: {  	s17 =	rddreg [dreg:$0x1e];
	s19 =	simm.s32 $0x198A0  }
0x4b: {  	[tilespmem:s19], [sflag:$0xA] =	stream.linear.gather [hbm4b:s17+s21], $0x50, $0x38;
	[tilespmem:$0x1CEE0] =	vst v63  }
0x4c: {  	s26 =	rddreg [dreg:$0x1f];
	s29 =	simm.s32 $0x198F0  }
0x4d: {  	[tilespmem:s29], [sflag:$0xA] =	stream.linear.gather [hbm4b:s26+s21], $0x50, $0x38;
	[tilespmem:$0x1CEE0] =	vst v63  }
0x4e: {  	[tilespmem:$0x19940] =	vst v1  }
0x4f: {  	[tilespmem:$0x19950] =	vst v1  }
0x50: {  	[tilespmem:$0x19960] =	vst v1  }
0x51: {  	[tilespmem:$0x19970] =	vst v1  }
0x52: {  	[tilespmem:$0x19980] =	vst v1  }
0x53: {  	[tilespmem:$0x19990] =	vst v1  }
0x54: {  	[tilespmem:$0x199A0] =	vst v1  }
0x55: {  	[tilespmem:$0x199B0] =	vst v1  }
0x56: {  	[tilespmem:$0x199C0] =	vst v1  }
0x57: {  	[tilespmem:$0x199D0] =	vst v1  }
0x58: {  	[tilespmem:$0x199E0] =	vst v1  }
0x59: {  	[tilespmem:$0x199F0] =	vst v1  }
0x5a: {  	[tilespmem:$0x19A00] =	vst v1  }
0x5b: {  	[tilespmem:$0x19A10] =	vst v1  }
0x5c: {  	[tilespmem:$0x19A20] =	vst v1  }
0x5d: {  	[tilespmem:$0x19A30] =	vst v1  }
0x5e: {  	[tilespmem:$0x19A40] =	vst v1  }
0x5f: {  	[tilespmem:$0x19A50] =	vst v1  }
0x60: {  	[tilespmem:$0x19A60] =	vst v1  }
0x61: {  	[tilespmem:$0x19A70] =	vst v1  }
0x62: {  	[tilespmem:$0x19A80] =	vst v1  }
0x63: {  	[tilespmem:$0x19A90] =	vst v1  }
0x64: {  	[tilespmem:$0x19AA0] =	vst v1  }
0x65: {  	[tilespmem:$0x19AB0] =	vst v1  }
0x66: {  	[tilespmem:$0x19AC0] =	vst v1  }
0x67: {  	[tilespmem:$0x19AD0] =	vst v1  }
0x68: {  	[tilespmem:$0x19AE0] =	vst v1  }
0x69: {  	[tilespmem:$0x19AF0] =	vst v1  }
0x6a: {  	[tilespmem:$0x19B00] =	vst v1  }
0x6b: {  	[tilespmem:$0x19B10] =	vst v1  }
0x6c: {  	[tilespmem:$0x19B20] =	vst v1  }
0x6d: {  	[tilespmem:$0x19B30] =	vst v1  }
0x6e: {  	[tilespmem:$0x19B40] =	vst v1  }
0x6f: {  	[tilespmem:$0x19B50] =	vst v1  }
0x70: {  	[tilespmem:$0x19B60] =	vst v1  }
0x71: {  	[tilespmem:$0x19B70] =	vst v1  }
0x72: {  	[tilespmem:$0x19B80] =	vst v1  }
0x73: {  	[tilespmem:$0x19B90] =	vst v1  }
0x74: {  	[tilespmem:$0x19BA0] =	vst v1  }
0x75: {  	[tilespmem:$0x19BB0] =	vst v1  }
0x76: {  	[tilespmem:$0x19BC0] =	vst v1  }
0x77: {  	[tilespmem:$0x19BD0] =	vst v1  }
0x78: {  	[tilespmem:$0x19BE0] =	vst v1  }
0x79: {  	[tilespmem:$0x19BF0] =	vst v1  }
0x7a: {  	[tilespmem:$0x19C00] =	vst v1  }
0x7b: {  	[tilespmem:$0x19C10] =	vst v1  }
0x7c: {  	[tilespmem:$0x19C20] =	vst v1  }
0x7d: {  	[tilespmem:$0x19C30] =	vst v1  }
0x7e: {  	[tilespmem:$0x19C40] =	vst v1  }
0x7f: {  	[tilespmem:$0x19C50] =	vst v1  }
0x80: {  	[tilespmem:$0x19C60] =	vst v1  }
0x81: {  	[tilespmem:$0x19C70] =	vst v1  }
0x82: {  	[tilespmem:$0x19C80] =	vst v1  }
0x83: {  	[tilespmem:$0x19C90] =	vst v1  }
0x84: {  	[tilespmem:$0x19CA0] =	vst v1  }
0x85: {  	[tilespmem:$0x19CB0] =	vst v1  }
0x86: {  	[tilespmem:$0x19CC0] =	vst v1  }
0x87: {  	[tilespmem:$0x19CD0] =	vst v1  }
0x88: {  	[tilespmem:$0x19CE0] =	vst v1  }
0x89: {  	[tilespmem:$0x19CF0] =	vst v1  }
0x8a: {  	[tilespmem:$0x19D00] =	vst v1  }
0x8b: {  	[tilespmem:$0x19D10] =	vst v1  }
0x8c: {  	[tilespmem:$0x19D20] =	vst v1  }
0x8d: {  	[tilespmem:$0x19D30] =	vst v1  }
0x8e: {  	[tilespmem:$0x19D40] =	vst v1  }
0x8f: {  	[tilespmem:$0x19DC0] =	vst v1  }
0x90: {  	[tilespmem:$0x19D50] =	vst v1  }
0x91: {  	[tilespmem:$0x19DD0] =	vst v1  }
0x92: {  	[tilespmem:$0x19D60] =	vst v1  }
0x93: {  	[tilespmem:$0x19DE0] =	vst v1  }
0x94: {  	[tilespmem:$0x19D70] =	vst v1  }
0x95: {  	[tilespmem:$0x19DF0] =	vst v1  }
0x96: {  	[tilespmem:$0x19D80] =	vst v1  }
0x97: {  	[tilespmem:$0x19E00] =	vst v1  }
0x98: {  	[tilespmem:$0x19D90] =	vst v1  }
0x99: {  	[tilespmem:$0x19E10] =	vst v1  }
0x9a: {  	[tilespmem:$0x19DA0] =	vst v1  }
0x9b: {  	[tilespmem:$0x19E20] =	vst v1  }
0x9c: {  	[tilespmem:$0x19DB0] =	vst v1  }
0x9d: {  	s16 =	simm.s32 $0x0;
	s19 =	simm.s32 $0x200;
	[tilespmem:$0x19E30] =	vst v1  }
.LBB2_2:
0x9e: {  	p1 =	sne.s32 s19, $0x8000;
	[tilespmem:s16+$0x19EB0] =	vst v1  }
0x9f: {  	[tilespmem:s16+$0x19E40] =	vst v1  }
0xa0: {  	[tilespmem:s16+$0x19E50] =	vst v1  }
.Ltmp0:
0xa1: {  	[tilespmem:s16+$0x19E60] =	vst v1;
	(pc) =	sbr.rel @p1 .LBB2_2-.Ltmp0, $4  }
0xa2: {  	[tilespmem:s16+$0x19E70] =	vst v1  }
0xa3: {  	[tilespmem:s16+$0x19E80] =	vst v1  }
0xa4: {  	[tilespmem:s16+$0x19E90] =	vst v1  }
0xa5: {  	[tilespmem:s16+$0x19EA0] =	vst v1;
	s16 =	sshra.s32 s19, $0x2;
	s19 =	sadd.s32 $0x200, s19  }
0xa6: {  	[tilespmem:s16+$0x19EB0] =	vst v1  }
0xa7: {  	[tilespmem:s16+$0x19E40] =	vst v1  }
0xa8: {  	[tilespmem:s16+$0x19E50] =	vst v1  }
0xa9: {  	[tilespmem:s16+$0x19E60] =	vst v1  }
0xaa: {  	[tilespmem:s16+$0x19E70] =	vst v1  }
0xab: {  	[tilespmem:s16+$0x19E80] =	vst v1  }
0xac: {  	[tilespmem:s16+$0x19E90] =	vst v1  }
0xad: {  	[tilespmem:s16+$0x19EA0] =	vst v1;
	s16 =	simm.s32 @!p0 $0x19E40  }
0xae: {  	[spmem:s24] =	stream.linear.scatter @!p0 [tilespmem:s16], [sflag:$0xB], $0x2080, $0x38;
	[tilespmem:$0x1CEE0] =	vst v63  }
0xaf: {  	s16 =	simm.s32 @!p0 $0xB  }
0xb0: {  	_ =	swait.ge @!p0 [sflag:s16], $0x2080  }
0xb1: {  	[sflag:s16] =	ssyncset.done @!p0 $0x0  }
0xb2: {  	[sflag:s16] =	ssyncadd.s32 @!p0 $0xFFFFDF80  }
0xb3: {  	s8 =	simm.s32 $0x1;
	[bflag:$0x0] =	sbarrier.arrive $0xFFFF  }
0xb4: {  	_ =	swait.ge [sflag:s8], $0x2800  }
0xb5: {  	[sflag:s8] =	ssyncset.done $0x0  }
0xb6: {  	s24 =	simm.s32 $0xA;
	[sflag:s8] =	ssyncadd.s32 $0xFFFFD800  }
0xb7: {  	_ =	swait.ge [sflag:s24], $0x50  }
0xb8: {  	s26 =	simm.s32 $0x0;
	[sflag:s24] =	ssyncset.done $0x0  }
0xb9: {  	s16 =	smul.u32 $0xCD, s26;
	[sflag:s24] =	ssyncadd.s32 $0xFFFFFFB0  }
0xba: {  	_ =	swait.ge [sflag:s24], $0x50  }
0xbb: {  	s16 =	sshrl.u32 s16, $0xA;
	[sflag:s24] =	ssyncset.done $0x0  }
0xbc: {  	s16 =	sand.u32 $0x3F, s16;
	[sflag:s24] =	ssyncadd.s32 $0xFFFFFFB0  }
0xbd: {  	s19 =	smul.u32 $0x5, s16;
	_ =	swait.ge [sflag:s24], $0x50  }
0xbe: {  	[sflag:s24] =	ssyncset.done $0x0  }
0xbf: {  	s16 =	smul.u32 $0x140, s16;
	s19 =	ssub.s32 $0x0, s19;
	[sflag:s24] =	ssyncadd.s32 $0xFFFFFFB0  }
0xc0: {  	s19 =	sand.u32 $0xFF, s19;
	_ =	swait.ge [sflag:s24], $0x50  }
0xc1: {  	s16 =	sshrl.u32 s16, $0x2;
	s29 =	sshll.u32 s19, $0x4;
	[sflag:s24] =	ssyncset.done $0x0  }
0xc2: {  	s19 =	simm.s32 $0x1;
	s16 =	sadd.s32 s29, s16;
	[sflag:s24] =	ssyncadd.s32 $0xFFFFFFB0  }
0xc3: {  	s26 =	smul.u32 $0xCD, s19;
	v3 =	vld [tilespmem:s16+$0x19800]  }
0xc4: {  	s24 =	simm.s32 $0x2  }
.LBB2_4:
0xc5: {  	p1 =	sne.s32 s24, $0x13;
	s26 =	sshrl.u32 s26, $0xA  }
0xc6: {  	s26 =	sand.u32 $0x3F, s26  }
0xc7: {  	s8 =	smul.u32 $0x5, s26;
	_ =	sdelay $0x1  }
0xc8: {  	s26 =	smul.u32 $0x140, s26;
	s8 =	ssub.s32 s19, s8;
	s19 =	smov.u32 s24  }
.Ltmp1:
0xc9: {  	s8 =	sand.u32 $0xFF, s8;
	(pc) =	sbr.rel @p1 .LBB2_4-.Ltmp1, $4  }
0xca: {  	s26 =	sshrl.u32 s26, $0x2;
	s8 =	sshll.u32 s8, $0x4;
	[tilespmem:v3+s15+$0x0] =	vst.idx.add.f32.msk $0xffff, v2;
	v3 =	vadd.s32 v0, v3  }
0xcb: {  	[tilespmem:s16+$0x19800] =	vst v3;
	s16 =	sadd.s32 s8, s26  }
0xcc: {  	s26 =	smul.u32 $0xCD, s24;
	v3 =	vld [tilespmem:s16+$0x19800]  }
0xcd: {  	s24 =	sadd.s32 $0x1, s24  }
0xce: {  	_ = 	snop  }
0xcf: {  	s8 =	sshrl.u32 s26, $0xA  }
0xd0: {  	s8 =	sand.u32 $0x3F, s8  }
0xd1: {  	s24 =	smul.u32 $0x5, s8;
	_ =	sdelay $0x1  }
0xd2: {  	s8 =	smul.u32 $0x140, s8;
	s19 =	ssub.s32 s19, s24  }
0xd3: {  	s19 =	sand.u32 $0xFF, s19  }
0xd4: {  	[tilespmem:v3+s15+$0x0] =	vst.idx.add.f32.msk $0xffff, v2;
	v3 =	vadd.s32 v0, v3;
	s8 =	sshrl.u32 s8, $0x2;
	s19 =	sshll.u32 s19, $0x4  }
0xd5: {  	[tilespmem:s16+$0x19800] =	vst v3;
	s8 =	sadd.s32 s19, s8  }
0xd6: {  	v3 =	vld [tilespmem:s8+$0x19800];
	_ =	sdelay $0x7  }
0xd7: {  	[tilespmem:v3+s15+$0x0] =	vst.idx.add.f32.msk $0xffff, v2;
	v3 =	vadd.s32 v0, v3  }
0xd8: {  	s26 =	simm.s32 $0x6;
	[tilespmem:s8+$0x19800] =	vst v3  }
0xd9: {  	_ =	swait.ge [sflag:s26], $0x2800  }
0xda: {  	s29 =	simm.s32 $0x17000;
	s14 =	simm.s32 $0x19800;
	[sflag:s26] =	ssyncset.done $0x0  }
0xdb: {  	s16 =	simm.s32 $0x0;
	s24 =	rddreg [dreg:$0x9];
	[sflag:s26] =	ssyncadd.s32 $0xFFFFD800  }
0xdc: {  	[tilespmem:s29], [sflag:$0x7] =	stream.linear.gather [hbm4b:s24+s16], $0x2800, $0x38;
	[tilespmem:$0x1CEE0] =	vst v63  }
0xdd: {  	s17 =	simm.s32 $0x50;
	s19 =	rddreg [dreg:$0x4];
	s24 =	simm.s32 $0x14800  }
0xde: {  	[spmem:s19] =	stream.indirect.scatter.add.f32 [tilespmem:s24], [sflag:$0x8], $0x80, s14, s17, $0xb8;
	[tilespmem:$0x1CEE0] =	vst v63  }
0xdf: {  	s14 =	simm.s32 $0x7  }
0xe0: {  	_ =	swait.ge [sflag:s14], $0x2800  }
0xe1: {  	[sflag:s14] =	ssyncset.done $0x0  }
0xe2: {  	s8 =	simm.s32 $0x8;
	[sflag:s14] =	ssyncadd.s32 $0xFFFFD800  }
0xe3: {  	_ =	swait.ge [sflag:s8], $0x2800  }
0xe4: {  	[sflag:s8] =	ssyncset.done $0x0  }
0xe5: {  	[sflag:s8] =	ssyncadd.s32 $0xFFFFD800;
	s8 =	rddreg [dreg:$0xa]  }
0xe6: {  	[tilespmem:s24], [sflag:$0x6] =	stream.linear.gather [hbm4b:s8+s16], $0x2800, $0x38;
	[tilespmem:$0x1CEE0] =	vst v63  }
0xe7: {  	s8 =	simm.s32 $0x19850  }
0xe8: {  	[spmem:s19] =	stream.indirect.scatter.add.f32 [tilespmem:s29], [sflag:$0x9], $0x80, s8, s17, $0xb8;
	[tilespmem:$0x1CEE0] =	vst v63  }
0xe9: {  	_ =	swait.ge [sflag:s26], $0x2800  }
0xea: {  	[sflag:s26] =	ssyncset.done $0x0  }
0xeb: {  	[sflag:s26] =	ssyncadd.s32 $0xFFFFD800;
	s26 =	simm.s32 $0x9  }
0xec: {  	_ =	swait.ge [sflag:s26], $0x2800  }
0xed: {  	[sflag:s26] =	ssyncset.done $0x0  }
0xee: {  	[sflag:s26] =	ssyncadd.s32 $0xFFFFD800;
	s26 =	rddreg [dreg:$0xb]  }
0xef: {  	[tilespmem:s29], [sflag:$0x7] =	stream.linear.gather [hbm4b:s26+s16], $0x2800, $0x38;
	[tilespmem:$0x1CEE0] =	vst v63  }
0xf0: {  	s26 =	simm.s32 $0x198A0  }
0xf1: {  	[spmem:s19] =	stream.indirect.scatter.add.f32 [tilespmem:s24], [sflag:$0x8], $0x80, s26, s17, $0xb8;
	[tilespmem:$0x1CEE0] =	vst v63  }
0xf2: {  	_ =	swait.ge [sflag:s14], $0x2800  }
0xf3: {  	[sflag:s14] =	ssyncset.done $0x0  }
0xf4: {  	s24 =	simm.s32 $0x198F0;
	[sflag:s14] =	ssyncadd.s32 $0xFFFFD800  }
0xf5: {  	[spmem:s19] =	stream.indirect.scatter.add.f32 [tilespmem:s29], [sflag:$0x9], $0x80, s24, s17, $0xb8;
	[tilespmem:$0x1CEE0] =	vst v63  }
0xf6: {  	_ =	swait.ge [sflag:s28], $0x4000  }
0xf7: {  	[sflag:s28] =	ssyncset.done $0x0  }
0xf8: {  	[sflag:s28] =	ssyncadd.s32 $0xFFFFC000  }
0xf9: {  	_ =	swait.ge [sflag:s28], $0x4000  }
0xfa: {  	[sflag:s28] =	ssyncset.done $0x0  }
0xfb: {  	s14 =	simm.s32 $0x4;
	[sflag:s28] =	ssyncadd.s32 $0xFFFFC000  }
0xfc: {  	_ =	swait.ge [sflag:s14], $0x1000  }
0xfd: {  	[sflag:s14] =	ssyncset.done $0x0  }
0xfe: {  	s17 =	simm.s32 $0xC800;
	s26 =	rddreg [dreg:$0xc];
	[sflag:s14] =	ssyncadd.s32 $0xFFFFF000  }
0xff: {  	[tilespmem:s17], [sflag:$0x3] =	stream.linear.gather [hbm4b:s26+s16], $0x4000, $0x38;
	[tilespmem:$0x1CEE0] =	vst v63  }
0x100: {  	s29 =	simm.s32 $0x10800;
	s19 =	rddreg [dreg:$0xd]  }
0x101: {  	[tilespmem:s29], [sflag:$0x3] =	stream.linear.gather [hbm4b:s19+s16], $0x4000, $0x38;
	[tilespmem:$0x1CEE0] =	vst v63  }
0x102: {  	s24 =	rddreg [dreg:$0x15];
	s26 =	simm.s32 $0x3800  }
0x103: {  	[tilespmem:s26], [sflag:$0x5] =	stream.linear.gather [hbm4b:s24+s16], $0x1000, $0x38;
	[tilespmem:$0x1CEE0] =	vst v63  }
0x104: {  	s19 =	simm.s32 $0x4800;
	s24 =	simm.s32 $0x2800  }
.LBB2_6:
0x105: {  	v3 =	vmov s19;
	_ =	sdelay $0x1  }
0x106: {  	v4 =	vmov s24;
	_ =	sdelay $0x1  }
0x107: {  	s8 =	simm.s32 $0x0  }
0x108: {  	v5 =	vld.idx.msk [tilespmem:v3+s8+$0x4380 ss:$0x1], $0xffff  }
0x109: {  	v7 =	vld.idx.msk [tilespmem:v3+s8+$0x4280 ss:$0x1], $0xffff  }
0x10a: {  	v6 =	vld.idx.msk [tilespmem:v4+s8+$0x0 ss:$0x1], $0xffff  }
0x10b: {  	v8 =	vld.idx.msk [tilespmem:v3+s8+$0x4180 ss:$0x1], $0xffff  }
0x10c: {  	v9 =	vld.idx.msk [tilespmem:v3+s8+$0x4100 ss:$0x1], $0xffff  }
0x10d: {  	v10 =	vld.idx.msk [tilespmem:v3+s8+$0x4080 ss:$0x1], $0xffff  }
0x10e: {  	v11 =	vld.idx.msk [tilespmem:v3+s8+$0x4000 ss:$0x1], $0xffff  }
0x10f: {  	v12 =	vld.idx.msk [tilespmem:v3+s8+$0x380 ss:$0x1], $0xffff  }
0x110: {  	v13 =	vld.idx.msk [tilespmem:v3+s8+$0x4300 ss:$0x1], $0xffff  }
0x111: {  	v14 =	vld.idx.msk [tilespmem:v3+s8+$0x4200 ss:$0x1], $0xffff  }
0x112: {  	v6 =	vld.idx.msk [tilespmem:v6+s21+$0x0], $0xffff  }
0x113: {  	v15 =	vld.idx.msk [tilespmem:v3+s8+$0x0 ss:$0x1], $0xffff  }
0x114: {  	v16 =	vld.idx.msk [tilespmem:v3+s8+$0x80 ss:$0x1], $0xffff  }
0x115: {  	v17 =	vld.idx.msk [tilespmem:v3+s8+$0x100 ss:$0x1], $0xffff  }
0x116: {  	v18 =	vld.idx.msk [tilespmem:v3+s8+$0x180 ss:$0x1], $0xffff  }
0x117: {  	v19 =	vld.idx.msk [tilespmem:v3+s8+$0x200 ss:$0x1], $0xffff  }
0x118: {  	v20 =	vld.idx.msk [tilespmem:v3+s8+$0x300 ss:$0x1], $0xffff  }
0x119: {  	v21 =	vld.idx.msk [tilespmem:v3+s8+$0x280 ss:$0x1], $0xffff  }
0x11a: {  	[tilespmem:v6+s11+$0x0] =	vst.idx.add.f32.msk $0xffff, v2  }
0x11b: {  	[tilespmem:v6+s12+$0x0] =	vst.idx.add.f32.msk $0xffff, v15  }
0x11c: {  	[tilespmem:v6+s0+$0x0] =	vst.idx.add.f32.msk $0xffff, v16  }
0x11d: {  	[tilespmem:v6+s1+$0x0] =	vst.idx.add.f32.msk $0xffff, v17  }
0x11e: {  	[tilespmem:v6+s20+$0x0] =	vst.idx.add.f32.msk $0xffff, v18  }
0x11f: {  	[tilespmem:v6+s2+$0x0] =	vst.idx.add.f32.msk $0xffff, v19  }
0x120: {  	[tilespmem:v6+s3+$0x0] =	vst.idx.add.f32.msk $0xffff, v21  }
0x121: {  	[tilespmem:v6+s9+$0x0] =	vst.idx.add.f32.msk $0xffff, v20  }
0x122: {  	[tilespmem:v6+s10+$0x0] =	vst.idx.add.f32.msk $0xffff, v12  }
0x123: {  	[tilespmem:v6+s30+$0x0] =	vst.idx.add.f32.msk $0xffff, v11  }
0x124: {  	[tilespmem:v6+s4+$0x0] =	vst.idx.add.f32.msk $0xffff, v10  }
0x125: {  	[tilespmem:v6+s5+$0x0] =	vst.idx.add.f32.msk $0xffff, v9  }
0x126: {  	[tilespmem:v6+s25+$0x0] =	vst.idx.add.f32.msk $0xffff, v8  }
0x127: {  	[tilespmem:v6+s6+$0x0] =	vst.idx.add.f32.msk $0xffff, v14  }
0x128: {  	[tilespmem:v6+s7+$0x0] =	vst.idx.add.f32.msk $0xffff, v7  }
0x129: {  	s26 =	simm.s32 $0x40;
	[tilespmem:v6+s13+$0x0] =	vst.idx.add.f32.msk $0xffff, v13  }
.LBB2_7:
0x12a: {  	s8 =	sshra.s32 s26, $0x2;
	p1 =	sne.s32 s26, $0x1C0;
	s26 =	sadd.s32 $0x40, s26;
	[tilespmem:v6+s23+$0x0] =	vst.idx.add.f32.msk $0xffff, v5  }
0x12b: {  	v5 =	vld.idx.msk [tilespmem:v3+s8+$0x4380 ss:$0x1], $0xffff  }
0x12c: {  	v7 =	vld.idx.msk [tilespmem:v3+s8+$0x4280 ss:$0x1], $0xffff  }
0x12d: {  	v6 =	vld.idx.msk [tilespmem:v4+s8+$0x0 ss:$0x1], $0xffff  }
0x12e: {  	v8 =	vld.idx.msk [tilespmem:v3+s8+$0x4180 ss:$0x1], $0xffff  }
0x12f: {  	v9 =	vld.idx.msk [tilespmem:v3+s8+$0x4100 ss:$0x1], $0xffff  }
0x130: {  	v10 =	vld.idx.msk [tilespmem:v3+s8+$0x4080 ss:$0x1], $0xffff  }
0x131: {  	v11 =	vld.idx.msk [tilespmem:v3+s8+$0x4000 ss:$0x1], $0xffff  }
0x132: {  	v12 =	vld.idx.msk [tilespmem:v3+s8+$0x380 ss:$0x1], $0xffff  }
0x133: {  	v13 =	vld.idx.msk [tilespmem:v3+s8+$0x4300 ss:$0x1], $0xffff  }
0x134: {  	v14 =	vld.idx.msk [tilespmem:v3+s8+$0x4200 ss:$0x1], $0xffff  }
0x135: {  	v6 =	vld.idx.msk [tilespmem:v6+s21+$0x0], $0xffff  }
0x136: {  	v15 =	vld.idx.msk [tilespmem:v3+s8+$0x0 ss:$0x1], $0xffff  }
0x137: {  	v16 =	vld.idx.msk [tilespmem:v3+s8+$0x80 ss:$0x1], $0xffff  }
0x138: {  	v17 =	vld.idx.msk [tilespmem:v3+s8+$0x100 ss:$0x1], $0xffff  }
0x139: {  	v18 =	vld.idx.msk [tilespmem:v3+s8+$0x180 ss:$0x1], $0xffff  }
0x13a: {  	v19 =	vld.idx.msk [tilespmem:v3+s8+$0x200 ss:$0x1], $0xffff  }
0x13b: {  	v20 =	vld.idx.msk [tilespmem:v3+s8+$0x300 ss:$0x1], $0xffff  }
0x13c: {  	v21 =	vld.idx.msk [tilespmem:v3+s8+$0x280 ss:$0x1], $0xffff  }
0x13d: {  	[tilespmem:v6+s11+$0x0] =	vst.idx.add.f32.msk $0xffff, v2  }
0x13e: {  	[tilespmem:v6+s12+$0x0] =	vst.idx.add.f32.msk $0xffff, v15  }
0x13f: {  	[tilespmem:v6+s0+$0x0] =	vst.idx.add.f32.msk $0xffff, v16  }
0x140: {  	[tilespmem:v6+s1+$0x0] =	vst.idx.add.f32.msk $0xffff, v17  }
0x141: {  	[tilespmem:v6+s20+$0x0] =	vst.idx.add.f32.msk $0xffff, v18  }
0x142: {  	[tilespmem:v6+s2+$0x0] =	vst.idx.add.f32.msk $0xffff, v19  }
0x143: {  	[tilespmem:v6+s3+$0x0] =	vst.idx.add.f32.msk $0xffff, v21  }
0x144: {  	[tilespmem:v6+s9+$0x0] =	vst.idx.add.f32.msk $0xffff, v20  }
0x145: {  	[tilespmem:v6+s10+$0x0] =	vst.idx.add.f32.msk $0xffff, v12  }
0x146: {  	[tilespmem:v6+s30+$0x0] =	vst.idx.add.f32.msk $0xffff, v11  }
0x147: {  	[tilespmem:v6+s4+$0x0] =	vst.idx.add.f32.msk $0xffff, v10  }
.Ltmp2:
0x148: {  	[tilespmem:v6+s5+$0x0] =	vst.idx.add.f32.msk $0xffff, v9;
	(pc) =	sbr.rel @p1 .LBB2_7-.Ltmp2, $4  }
0x149: {  	[tilespmem:v6+s25+$0x0] =	vst.idx.add.f32.msk $0xffff, v8  }
0x14a: {  	[tilespmem:v6+s6+$0x0] =	vst.idx.add.f32.msk $0xffff, v14  }
0x14b: {  	[tilespmem:v6+s7+$0x0] =	vst.idx.add.f32.msk $0xffff, v7  }
0x14c: {  	[tilespmem:v6+s13+$0x0] =	vst.idx.add.f32.msk $0xffff, v13  }
0x14d: {  	s16 =	sadd.s32 $0x1, s16  }
0x14e: {  	p1 =	sne.s32 s16, $0x10  }
.Ltmp3:
0x14f: {  	_ = 	snop;
	(pc) =	sbr.rel @p1 .LBB2_6-.Ltmp3, $2  }
0x150: {  	_ =	sdelay $0x2  }
0x151: {  	[tilespmem:v6+s23+$0x0] =	vst.idx.add.f32.msk $0xffff, v5;
	s19 =	sadd.s32 $0x400, s19;
	s24 =	sadd.s32 $0x100, s24  }
0x152: {  	_ =	swait.ge [sflag:s31], $0x4000  }
0x153: {  	[sflag:s31] =	ssyncset.done $0x0  }
0x154: {  	[sflag:s31] =	ssyncadd.s32 $0xFFFFC000  }
0x155: {  	_ =	swait.ge [sflag:s31], $0x4000  }
0x156: {  	[sflag:s31] =	ssyncset.done $0x0  }
0x157: {  	s8 =	simm.s32 $0x5;
	[sflag:s31] =	ssyncadd.s32 $0xFFFFC000  }
0x158: {  	_ =	swait.ge [sflag:s8], $0x1000  }
0x159: {  	s16 =	simm.s32 $0x0;
	[sflag:s8] =	ssyncset.done $0x0  }
0x15a: {  	s19 =	simm.s32 $0x4800;
	s24 =	rddreg [dreg:$0xe];
	[sflag:s8] =	ssyncadd.s32 $0xFFFFF000  }
0x15b: {  	[tilespmem:s19], [sflag:$0x2] =	stream.linear.gather [hbm4b:s24+s16], $0x4000, $0x38;
	[tilespmem:$0x1CEE0] =	vst v63  }
0x15c: {  	s26 =	rddreg [dreg:$0xf];
	s24 =	simm.s32 $0x8800  }
0x15d: {  	[tilespmem:s24], [sflag:$0x2] =	stream.linear.gather [hbm4b:s26+s16], $0x4000, $0x38;
	[tilespmem:$0x1CEE0] =	vst v63  }
0x15e: {  	s24 =	rddreg [dreg:$0x16];
	s26 =	simm.s32 $0x2800  }
0x15f: {  	[tilespmem:s26], [sflag:$0x4] =	stream.linear.gather [hbm4b:s24+s16], $0x1000, $0x38;
	[tilespmem:$0x1CEE0] =	vst v63  }
0x160: {  	s24 =	simm.s32 $0x3800  }
.LBB2_10:
0x161: {  	v3 =	vmov s19;
	_ =	sdelay $0x1  }
0x162: {  	v4 =	vmov s24;
	_ =	sdelay $0x1  }
0x163: {  	s8 =	simm.s32 $0x0  }
0x164: {  	v5 =	vld.idx.msk [tilespmem:v3+s8+$0xC380 ss:$0x1], $0xffff  }
0x165: {  	v7 =	vld.idx.msk [tilespmem:v3+s8+$0xC280 ss:$0x1], $0xffff  }
0x166: {  	v6 =	vld.idx.msk [tilespmem:v4+s8+$0x0 ss:$0x1], $0xffff  }
0x167: {  	v8 =	vld.idx.msk [tilespmem:v3+s8+$0xC180 ss:$0x1], $0xffff  }
0x168: {  	v9 =	vld.idx.msk [tilespmem:v3+s8+$0xC100 ss:$0x1], $0xffff  }
0x169: {  	v10 =	vld.idx.msk [tilespmem:v3+s8+$0xC080 ss:$0x1], $0xffff  }
0x16a: {  	v11 =	vld.idx.msk [tilespmem:v3+s8+$0xC000 ss:$0x1], $0xffff  }
0x16b: {  	v12 =	vld.idx.msk [tilespmem:v3+s8+$0x8380 ss:$0x1], $0xffff  }
0x16c: {  	v13 =	vld.idx.msk [tilespmem:v3+s8+$0xC300 ss:$0x1], $0xffff  }
0x16d: {  	v14 =	vld.idx.msk [tilespmem:v3+s8+$0xC200 ss:$0x1], $0xffff  }
0x16e: {  	v6 =	vld.idx.msk [tilespmem:v6+s21+$0x0], $0xffff  }
0x16f: {  	v15 =	vld.idx.msk [tilespmem:v3+s8+$0x8000 ss:$0x1], $0xffff  }
0x170: {  	v16 =	vld.idx.msk [tilespmem:v3+s8+$0x8080 ss:$0x1], $0xffff  }
0x171: {  	v17 =	vld.idx.msk [tilespmem:v3+s8+$0x8100 ss:$0x1], $0xffff  }
0x172: {  	v18 =	vld.idx.msk [tilespmem:v3+s8+$0x8180 ss:$0x1], $0xffff  }
0x173: {  	v19 =	vld.idx.msk [tilespmem:v3+s8+$0x8200 ss:$0x1], $0xffff  }
0x174: {  	v20 =	vld.idx.msk [tilespmem:v3+s8+$0x8300 ss:$0x1], $0xffff  }
0x175: {  	v21 =	vld.idx.msk [tilespmem:v3+s8+$0x8280 ss:$0x1], $0xffff  }
0x176: {  	[tilespmem:v6+s11+$0x0] =	vst.idx.add.f32.msk $0xffff, v2  }
0x177: {  	[tilespmem:v6+s12+$0x0] =	vst.idx.add.f32.msk $0xffff, v15  }
0x178: {  	[tilespmem:v6+s0+$0x0] =	vst.idx.add.f32.msk $0xffff, v16  }
0x179: {  	[tilespmem:v6+s1+$0x0] =	vst.idx.add.f32.msk $0xffff, v17  }
0x17a: {  	[tilespmem:v6+s20+$0x0] =	vst.idx.add.f32.msk $0xffff, v18  }
0x17b: {  	[tilespmem:v6+s2+$0x0] =	vst.idx.add.f32.msk $0xffff, v19  }
0x17c: {  	[tilespmem:v6+s3+$0x0] =	vst.idx.add.f32.msk $0xffff, v21  }
0x17d: {  	[tilespmem:v6+s9+$0x0] =	vst.idx.add.f32.msk $0xffff, v20  }
0x17e: {  	[tilespmem:v6+s10+$0x0] =	vst.idx.add.f32.msk $0xffff, v12  }
0x17f: {  	[tilespmem:v6+s30+$0x0] =	vst.idx.add.f32.msk $0xffff, v11  }
0x180: {  	[tilespmem:v6+s4+$0x0] =	vst.idx.add.f32.msk $0xffff, v10  }
0x181: {  	[tilespmem:v6+s5+$0x0] =	vst.idx.add.f32.msk $0xffff, v9  }
0x182: {  	[tilespmem:v6+s25+$0x0] =	vst.idx.add.f32.msk $0xffff, v8  }
0x183: {  	[tilespmem:v6+s6+$0x0] =	vst.idx.add.f32.msk $0xffff, v14  }
0x184: {  	[tilespmem:v6+s7+$0x0] =	vst.idx.add.f32.msk $0xffff, v7  }
0x185: {  	s26 =	simm.s32 $0x40;
	[tilespmem:v6+s13+$0x0] =	vst.idx.add.f32.msk $0xffff, v13  }
.LBB2_11:
0x186: {  	s8 =	sshra.s32 s26, $0x2;
	p1 =	sne.s32 s26, $0x1C0;
	s26 =	sadd.s32 $0x40, s26;
	[tilespmem:v6+s23+$0x0] =	vst.idx.add.f32.msk $0xffff, v5  }
0x187: {  	v5 =	vld.idx.msk [tilespmem:v3+s8+$0xC380 ss:$0x1], $0xffff  }
0x188: {  	v7 =	vld.idx.msk [tilespmem:v3+s8+$0xC280 ss:$0x1], $0xffff  }
0x189: {  	v6 =	vld.idx.msk [tilespmem:v4+s8+$0x0 ss:$0x1], $0xffff  }
0x18a: {  	v8 =	vld.idx.msk [tilespmem:v3+s8+$0xC180 ss:$0x1], $0xffff  }
0x18b: {  	v9 =	vld.idx.msk [tilespmem:v3+s8+$0xC100 ss:$0x1], $0xffff  }
0x18c: {  	v10 =	vld.idx.msk [tilespmem:v3+s8+$0xC080 ss:$0x1], $0xffff  }
0x18d: {  	v11 =	vld.idx.msk [tilespmem:v3+s8+$0xC000 ss:$0x1], $0xffff  }
0x18e: {  	v12 =	vld.idx.msk [tilespmem:v3+s8+$0x8380 ss:$0x1], $0xffff  }
0x18f: {  	v13 =	vld.idx.msk [tilespmem:v3+s8+$0xC300 ss:$0x1], $0xffff  }
0x190: {  	v14 =	vld.idx.msk [tilespmem:v3+s8+$0xC200 ss:$0x1], $0xffff  }
0x191: {  	v6 =	vld.idx.msk [tilespmem:v6+s21+$0x0], $0xffff  }
0x192: {  	v15 =	vld.idx.msk [tilespmem:v3+s8+$0x8000 ss:$0x1], $0xffff  }
0x193: {  	v16 =	vld.idx.msk [tilespmem:v3+s8+$0x8080 ss:$0x1], $0xffff  }
0x194: {  	v17 =	vld.idx.msk [tilespmem:v3+s8+$0x8100 ss:$0x1], $0xffff  }
0x195: {  	v18 =	vld.idx.msk [tilespmem:v3+s8+$0x8180 ss:$0x1], $0xffff  }
0x196: {  	v19 =	vld.idx.msk [tilespmem:v3+s8+$0x8200 ss:$0x1], $0xffff  }
0x197: {  	v20 =	vld.idx.msk [tilespmem:v3+s8+$0x8300 ss:$0x1], $0xffff  }
0x198: {  	v21 =	vld.idx.msk [tilespmem:v3+s8+$0x8280 ss:$0x1], $0xffff  }
0x199: {  	[tilespmem:v6+s11+$0x0] =	vst.idx.add.f32.msk $0xffff, v2  }
0x19a: {  	[tilespmem:v6+s12+$0x0] =	vst.idx.add.f32.msk $0xffff, v15  }
0x19b: {  	[tilespmem:v6+s0+$0x0] =	vst.idx.add.f32.msk $0xffff, v16  }
0x19c: {  	[tilespmem:v6+s1+$0x0] =	vst.idx.add.f32.msk $0xffff, v17  }
0x19d: {  	[tilespmem:v6+s20+$0x0] =	vst.idx.add.f32.msk $0xffff, v18  }
0x19e: {  	[tilespmem:v6+s2+$0x0] =	vst.idx.add.f32.msk $0xffff, v19  }
0x19f: {  	[tilespmem:v6+s3+$0x0] =	vst.idx.add.f32.msk $0xffff, v21  }
0x1a0: {  	[tilespmem:v6+s9+$0x0] =	vst.idx.add.f32.msk $0xffff, v20  }
0x1a1: {  	[tilespmem:v6+s10+$0x0] =	vst.idx.add.f32.msk $0xffff, v12  }
0x1a2: {  	[tilespmem:v6+s30+$0x0] =	vst.idx.add.f32.msk $0xffff, v11  }
0x1a3: {  	[tilespmem:v6+s4+$0x0] =	vst.idx.add.f32.msk $0xffff, v10  }
.Ltmp4:
0x1a4: {  	[tilespmem:v6+s5+$0x0] =	vst.idx.add.f32.msk $0xffff, v9;
	(pc) =	sbr.rel @p1 .LBB2_11-.Ltmp4, $4  }
0x1a5: {  	[tilespmem:v6+s25+$0x0] =	vst.idx.add.f32.msk $0xffff, v8  }
0x1a6: {  	[tilespmem:v6+s6+$0x0] =	vst.idx.add.f32.msk $0xffff, v14  }
0x1a7: {  	[tilespmem:v6+s7+$0x0] =	vst.idx.add.f32.msk $0xffff, v7  }
0x1a8: {  	[tilespmem:v6+s13+$0x0] =	vst.idx.add.f32.msk $0xffff, v13  }
0x1a9: {  	s16 =	sadd.s32 $0x1, s16  }
0x1aa: {  	p1 =	sne.s32 s16, $0x10  }
.Ltmp5:
0x1ab: {  	_ = 	snop;
	(pc) =	sbr.rel @p1 .LBB2_10-.Ltmp5, $2  }
0x1ac: {  	_ =	sdelay $0x2  }
0x1ad: {  	[tilespmem:v6+s23+$0x0] =	vst.idx.add.f32.msk $0xffff, v5;
	s19 =	sadd.s32 $0x400, s19;
	s24 =	sadd.s32 $0x100, s24  }
0x1ae: {  	_ =	swait.ge [sflag:s28], $0x4000  }
0x1af: {  	[sflag:s28] =	ssyncset.done $0x0  }
0x1b0: {  	[sflag:s28] =	ssyncadd.s32 $0xFFFFC000  }
0x1b1: {  	_ =	swait.ge [sflag:s28], $0x4000  }
0x1b2: {  	[sflag:s28] =	ssyncset.done $0x0  }
0x1b3: {  	[sflag:s28] =	ssyncadd.s32 $0xFFFFC000  }
0x1b4: {  	_ =	swait.ge [sflag:s14], $0x1000  }
0x1b5: {  	[sflag:s14] =	ssyncset.done $0x0  }
0x1b6: {  	s16 =	simm.s32 $0x0;
	s8 =	rddreg [dreg:$0x10];
	[sflag:s14] =	ssyncadd.s32 $0xFFFFF000  }
0x1b7: {  	[tilespmem:s17], [sflag:$0x3] =	stream.linear.gather [hbm4b:s8+s16], $0x4000, $0x38;
	[tilespmem:$0x1CEE0] =	vst v63  }
0x1b8: {  	s19 =	simm.s32 $0x4800;
	s24 =	rddreg [dreg:$0x11]  }
0x1b9: {  	[tilespmem:s29], [sflag:$0x3] =	stream.linear.gather [hbm4b:s24+s16], $0x4000, $0x38;
	[tilespmem:$0x1CEE0] =	vst v63  }
0x1ba: {  	s26 =	rddreg [dreg:$0x17];
	s29 =	simm.s32 $0x3800;
	s24 =	simm.s32 $0x2800  }
0x1bb: {  	[tilespmem:s29], [sflag:$0x5] =	stream.linear.gather [hbm4b:s26+s16], $0x1000, $0x38;
	[tilespmem:$0x1CEE0] =	vst v63  }
.LBB2_14:
0x1bc: {  	v3 =	vmov s19;
	_ =	sdelay $0x1  }
0x1bd: {  	v4 =	vmov s24;
	_ =	sdelay $0x1  }
0x1be: {  	s8 =	simm.s32 $0x0  }
0x1bf: {  	v5 =	vld.idx.msk [tilespmem:v3+s8+$0x4380 ss:$0x1], $0xffff  }
0x1c0: {  	v7 =	vld.idx.msk [tilespmem:v3+s8+$0x4280 ss:$0x1], $0xffff  }
0x1c1: {  	v6 =	vld.idx.msk [tilespmem:v4+s8+$0x0 ss:$0x1], $0xffff  }
0x1c2: {  	v8 =	vld.idx.msk [tilespmem:v3+s8+$0x4180 ss:$0x1], $0xffff  }
0x1c3: {  	v9 =	vld.idx.msk [tilespmem:v3+s8+$0x4100 ss:$0x1], $0xffff  }
0x1c4: {  	v10 =	vld.idx.msk [tilespmem:v3+s8+$0x4080 ss:$0x1], $0xffff  }
0x1c5: {  	v11 =	vld.idx.msk [tilespmem:v3+s8+$0x4000 ss:$0x1], $0xffff  }
0x1c6: {  	v12 =	vld.idx.msk [tilespmem:v3+s8+$0x380 ss:$0x1], $0xffff  }
0x1c7: {  	v13 =	vld.idx.msk [tilespmem:v3+s8+$0x4300 ss:$0x1], $0xffff  }
0x1c8: {  	v14 =	vld.idx.msk [tilespmem:v3+s8+$0x4200 ss:$0x1], $0xffff  }
0x1c9: {  	v6 =	vld.idx.msk [tilespmem:v6+s21+$0x0], $0xffff  }
0x1ca: {  	v15 =	vld.idx.msk [tilespmem:v3+s8+$0x0 ss:$0x1], $0xffff  }
0x1cb: {  	v16 =	vld.idx.msk [tilespmem:v3+s8+$0x80 ss:$0x1], $0xffff  }
0x1cc: {  	v17 =	vld.idx.msk [tilespmem:v3+s8+$0x100 ss:$0x1], $0xffff  }
0x1cd: {  	v18 =	vld.idx.msk [tilespmem:v3+s8+$0x180 ss:$0x1], $0xffff  }
0x1ce: {  	v19 =	vld.idx.msk [tilespmem:v3+s8+$0x200 ss:$0x1], $0xffff  }
0x1cf: {  	v20 =	vld.idx.msk [tilespmem:v3+s8+$0x300 ss:$0x1], $0xffff  }
0x1d0: {  	v21 =	vld.idx.msk [tilespmem:v3+s8+$0x280 ss:$0x1], $0xffff  }
0x1d1: {  	[tilespmem:v6+s11+$0x0] =	vst.idx.add.f32.msk $0xffff, v2  }
0x1d2: {  	[tilespmem:v6+s12+$0x0] =	vst.idx.add.f32.msk $0xffff, v15  }
0x1d3: {  	[tilespmem:v6+s0+$0x0] =	vst.idx.add.f32.msk $0xffff, v16  }
0x1d4: {  	[tilespmem:v6+s1+$0x0] =	vst.idx.add.f32.msk $0xffff, v17  }
0x1d5: {  	[tilespmem:v6+s20+$0x0] =	vst.idx.add.f32.msk $0xffff, v18  }
0x1d6: {  	[tilespmem:v6+s2+$0x0] =	vst.idx.add.f32.msk $0xffff, v19  }
0x1d7: {  	[tilespmem:v6+s3+$0x0] =	vst.idx.add.f32.msk $0xffff, v21  }
0x1d8: {  	[tilespmem:v6+s9+$0x0] =	vst.idx.add.f32.msk $0xffff, v20  }
0x1d9: {  	[tilespmem:v6+s10+$0x0] =	vst.idx.add.f32.msk $0xffff, v12  }
0x1da: {  	[tilespmem:v6+s30+$0x0] =	vst.idx.add.f32.msk $0xffff, v11  }
0x1db: {  	[tilespmem:v6+s4+$0x0] =	vst.idx.add.f32.msk $0xffff, v10  }
0x1dc: {  	[tilespmem:v6+s5+$0x0] =	vst.idx.add.f32.msk $0xffff, v9  }
0x1dd: {  	[tilespmem:v6+s25+$0x0] =	vst.idx.add.f32.msk $0xffff, v8  }
0x1de: {  	[tilespmem:v6+s6+$0x0] =	vst.idx.add.f32.msk $0xffff, v14  }
0x1df: {  	[tilespmem:v6+s7+$0x0] =	vst.idx.add.f32.msk $0xffff, v7  }
0x1e0: {  	s26 =	simm.s32 $0x40;
	[tilespmem:v6+s13+$0x0] =	vst.idx.add.f32.msk $0xffff, v13  }
.LBB2_15:
0x1e1: {  	s8 =	sshra.s32 s26, $0x2;
	p1 =	sne.s32 s26, $0x1C0;
	s26 =	sadd.s32 $0x40, s26;
	[tilespmem:v6+s23+$0x0] =	vst.idx.add.f32.msk $0xffff, v5  }
0x1e2: {  	v5 =	vld.idx.msk [tilespmem:v3+s8+$0x4380 ss:$0x1], $0xffff  }
0x1e3: {  	v7 =	vld.idx.msk [tilespmem:v3+s8+$0x4280 ss:$0x1], $0xffff  }
0x1e4: {  	v6 =	vld.idx.msk [tilespmem:v4+s8+$0x0 ss:$0x1], $0xffff  }
0x1e5: {  	v8 =	vld.idx.msk [tilespmem:v3+s8+$0x4180 ss:$0x1], $0xffff  }
0x1e6: {  	v9 =	vld.idx.msk [tilespmem:v3+s8+$0x4100 ss:$0x1], $0xffff  }
0x1e7: {  	v10 =	vld.idx.msk [tilespmem:v3+s8+$0x4080 ss:$0x1], $0xffff  }
0x1e8: {  	v11 =	vld.idx.msk [tilespmem:v3+s8+$0x4000 ss:$0x1], $0xffff  }
0x1e9: {  	v12 =	vld.idx.msk [tilespmem:v3+s8+$0x380 ss:$0x1], $0xffff  }
0x1ea: {  	v13 =	vld.idx.msk [tilespmem:v3+s8+$0x4300 ss:$0x1], $0xffff  }
0x1eb: {  	v14 =	vld.idx.msk [tilespmem:v3+s8+$0x4200 ss:$0x1], $0xffff  }
0x1ec: {  	v6 =	vld.idx.msk [tilespmem:v6+s21+$0x0], $0xffff  }
0x1ed: {  	v15 =	vld.idx.msk [tilespmem:v3+s8+$0x0 ss:$0x1], $0xffff  }
0x1ee: {  	v16 =	vld.idx.msk [tilespmem:v3+s8+$0x80 ss:$0x1], $0xffff  }
0x1ef: {  	v17 =	vld.idx.msk [tilespmem:v3+s8+$0x100 ss:$0x1], $0xffff  }
0x1f0: {  	v18 =	vld.idx.msk [tilespmem:v3+s8+$0x180 ss:$0x1], $0xffff  }
0x1f1: {  	v19 =	vld.idx.msk [tilespmem:v3+s8+$0x200 ss:$0x1], $0xffff  }
0x1f2: {  	v20 =	vld.idx.msk [tilespmem:v3+s8+$0x300 ss:$0x1], $0xffff  }
0x1f3: {  	v21 =	vld.idx.msk [tilespmem:v3+s8+$0x280 ss:$0x1], $0xffff  }
0x1f4: {  	[tilespmem:v6+s11+$0x0] =	vst.idx.add.f32.msk $0xffff, v2  }
0x1f5: {  	[tilespmem:v6+s12+$0x0] =	vst.idx.add.f32.msk $0xffff, v15  }
0x1f6: {  	[tilespmem:v6+s0+$0x0] =	vst.idx.add.f32.msk $0xffff, v16  }
0x1f7: {  	[tilespmem:v6+s1+$0x0] =	vst.idx.add.f32.msk $0xffff, v17  }
0x1f8: {  	[tilespmem:v6+s20+$0x0] =	vst.idx.add.f32.msk $0xffff, v18  }
0x1f9: {  	[tilespmem:v6+s2+$0x0] =	vst.idx.add.f32.msk $0xffff, v19  }
0x1fa: {  	[tilespmem:v6+s3+$0x0] =	vst.idx.add.f32.msk $0xffff, v21  }
0x1fb: {  	[tilespmem:v6+s9+$0x0] =	vst.idx.add.f32.msk $0xffff, v20  }
0x1fc: {  	[tilespmem:v6+s10+$0x0] =	vst.idx.add.f32.msk $0xffff, v12  }
0x1fd: {  	[tilespmem:v6+s30+$0x0] =	vst.idx.add.f32.msk $0xffff, v11  }
0x1fe: {  	[tilespmem:v6+s4+$0x0] =	vst.idx.add.f32.msk $0xffff, v10  }
.Ltmp6:
0x1ff: {  	[tilespmem:v6+s5+$0x0] =	vst.idx.add.f32.msk $0xffff, v9;
	(pc) =	sbr.rel @p1 .LBB2_15-.Ltmp6, $4  }
0x200: {  	[tilespmem:v6+s25+$0x0] =	vst.idx.add.f32.msk $0xffff, v8  }
0x201: {  	[tilespmem:v6+s6+$0x0] =	vst.idx.add.f32.msk $0xffff, v14  }
0x202: {  	[tilespmem:v6+s7+$0x0] =	vst.idx.add.f32.msk $0xffff, v7  }
0x203: {  	[tilespmem:v6+s13+$0x0] =	vst.idx.add.f32.msk $0xffff, v13  }
0x204: {  	s16 =	sadd.s32 $0x1, s16  }
0x205: {  	p1 =	sne.s32 s16, $0x10  }
.Ltmp7:
0x206: {  	_ = 	snop;
	(pc) =	sbr.rel @p1 .LBB2_14-.Ltmp7, $2  }
0x207: {  	_ =	sdelay $0x2  }
0x208: {  	[tilespmem:v6+s23+$0x0] =	vst.idx.add.f32.msk $0xffff, v5;
	s19 =	sadd.s32 $0x400, s19;
	s24 =	sadd.s32 $0x100, s24  }
0x209: {  	_ =	swait.ge [sflag:s31], $0x4000  }
0x20a: {  	[sflag:s31] =	ssyncset.done $0x0  }
0x20b: {  	[sflag:s31] =	ssyncadd.s32 $0xFFFFC000  }
0x20c: {  	_ =	swait.ge [sflag:s31], $0x4000  }
0x20d: {  	[sflag:s31] =	ssyncset.done $0x0  }
0x20e: {  	s8 =	simm.s32 $0x5;
	[sflag:s31] =	ssyncadd.s32 $0xFFFFC000  }
0x20f: {  	_ =	swait.ge [sflag:s8], $0x1000  }
0x210: {  	s16 =	simm.s32 $0x0;
	[sflag:s8] =	ssyncset.done $0x0  }
0x211: {  	s19 =	simm.s32 $0x4800;
	s29 =	rddreg [dreg:$0x12];
	[sflag:s8] =	ssyncadd.s32 $0xFFFFF000  }
0x212: {  	[tilespmem:s19], [sflag:$0x2] =	stream.linear.gather [hbm4b:s29+s16], $0x4000, $0x38;
	[tilespmem:$0x1CEE0] =	vst v63  }
0x213: {  	s24 =	simm.s32 $0x8800;
	s17 =	rddreg [dreg:$0x13]  }
0x214: {  	[tilespmem:s24], [sflag:$0x2] =	stream.linear.gather [hbm4b:s17+s16], $0x4000, $0x38;
	[tilespmem:$0x1CEE0] =	vst v63  }
0x215: {  	s26 =	rddreg [dreg:$0x18];
	s29 =	simm.s32 $0x2800;
	s24 =	simm.s32 $0x3800  }
0x216: {  	[tilespmem:s29], [sflag:$0x4] =	stream.linear.gather [hbm4b:s26+s16], $0x1000, $0x38;
	[tilespmem:$0x1CEE0] =	vst v63  }
.LBB2_18:
0x217: {  	v3 =	vmov s19;
	_ =	sdelay $0x1  }
0x218: {  	v4 =	vmov s24;
	_ =	sdelay $0x1  }
0x219: {  	s8 =	simm.s32 $0x0  }
0x21a: {  	v5 =	vld.idx.msk [tilespmem:v3+s8+$0xC380 ss:$0x1], $0xffff  }
0x21b: {  	v7 =	vld.idx.msk [tilespmem:v3+s8+$0xC280 ss:$0x1], $0xffff  }
0x21c: {  	v6 =	vld.idx.msk [tilespmem:v4+s8+$0x0 ss:$0x1], $0xffff  }
0x21d: {  	v8 =	vld.idx.msk [tilespmem:v3+s8+$0xC180 ss:$0x1], $0xffff  }
0x21e: {  	v9 =	vld.idx.msk [tilespmem:v3+s8+$0xC100 ss:$0x1], $0xffff  }
0x21f: {  	v10 =	vld.idx.msk [tilespmem:v3+s8+$0xC080 ss:$0x1], $0xffff  }
0x220: {  	v11 =	vld.idx.msk [tilespmem:v3+s8+$0xC000 ss:$0x1], $0xffff  }
0x221: {  	v12 =	vld.idx.msk [tilespmem:v3+s8+$0x8380 ss:$0x1], $0xffff  }
0x222: {  	v13 =	vld.idx.msk [tilespmem:v3+s8+$0xC300 ss:$0x1], $0xffff  }
0x223: {  	v14 =	vld.idx.msk [tilespmem:v3+s8+$0xC200 ss:$0x1], $0xffff  }
0x224: {  	v6 =	vld.idx.msk [tilespmem:v6+s21+$0x0], $0xffff  }
0x225: {  	v15 =	vld.idx.msk [tilespmem:v3+s8+$0x8000 ss:$0x1], $0xffff  }
0x226: {  	v16 =	vld.idx.msk [tilespmem:v3+s8+$0x8080 ss:$0x1], $0xffff  }
0x227: {  	v17 =	vld.idx.msk [tilespmem:v3+s8+$0x8100 ss:$0x1], $0xffff  }
0x228: {  	v18 =	vld.idx.msk [tilespmem:v3+s8+$0x8180 ss:$0x1], $0xffff  }
0x229: {  	v19 =	vld.idx.msk [tilespmem:v3+s8+$0x8200 ss:$0x1], $0xffff  }
0x22a: {  	v20 =	vld.idx.msk [tilespmem:v3+s8+$0x8300 ss:$0x1], $0xffff  }
0x22b: {  	v21 =	vld.idx.msk [tilespmem:v3+s8+$0x8280 ss:$0x1], $0xffff  }
0x22c: {  	[tilespmem:v6+s11+$0x0] =	vst.idx.add.f32.msk $0xffff, v2  }
0x22d: {  	[tilespmem:v6+s12+$0x0] =	vst.idx.add.f32.msk $0xffff, v15  }
0x22e: {  	[tilespmem:v6+s0+$0x0] =	vst.idx.add.f32.msk $0xffff, v16  }
0x22f: {  	[tilespmem:v6+s1+$0x0] =	vst.idx.add.f32.msk $0xffff, v17  }
0x230: {  	[tilespmem:v6+s20+$0x0] =	vst.idx.add.f32.msk $0xffff, v18  }
0x231: {  	[tilespmem:v6+s2+$0x0] =	vst.idx.add.f32.msk $0xffff, v19  }
0x232: {  	[tilespmem:v6+s3+$0x0] =	vst.idx.add.f32.msk $0xffff, v21  }
0x233: {  	[tilespmem:v6+s9+$0x0] =	vst.idx.add.f32.msk $0xffff, v20  }
0x234: {  	[tilespmem:v6+s10+$0x0] =	vst.idx.add.f32.msk $0xffff, v12  }
0x235: {  	[tilespmem:v6+s30+$0x0] =	vst.idx.add.f32.msk $0xffff, v11  }
0x236: {  	[tilespmem:v6+s4+$0x0] =	vst.idx.add.f32.msk $0xffff, v10  }
0x237: {  	[tilespmem:v6+s5+$0x0] =	vst.idx.add.f32.msk $0xffff, v9  }
0x238: {  	[tilespmem:v6+s25+$0x0] =	vst.idx.add.f32.msk $0xffff, v8  }
0x239: {  	[tilespmem:v6+s6+$0x0] =	vst.idx.add.f32.msk $0xffff, v14  }
0x23a: {  	[tilespmem:v6+s7+$0x0] =	vst.idx.add.f32.msk $0xffff, v7  }
0x23b: {  	s26 =	simm.s32 $0x40;
	[tilespmem:v6+s13+$0x0] =	vst.idx.add.f32.msk $0xffff, v13  }
.LBB2_19:
0x23c: {  	s8 =	sshra.s32 s26, $0x2;
	p1 =	sne.s32 s26, $0x1C0;
	s26 =	sadd.s32 $0x40, s26;
	[tilespmem:v6+s23+$0x0] =	vst.idx.add.f32.msk $0xffff, v5  }
0x23d: {  	v5 =	vld.idx.msk [tilespmem:v3+s8+$0xC380 ss:$0x1], $0xffff  }
0x23e: {  	v7 =	vld.idx.msk [tilespmem:v3+s8+$0xC280 ss:$0x1], $0xffff  }
0x23f: {  	v6 =	vld.idx.msk [tilespmem:v4+s8+$0x0 ss:$0x1], $0xffff  }
0x240: {  	v8 =	vld.idx.msk [tilespmem:v3+s8+$0xC180 ss:$0x1], $0xffff  }
0x241: {  	v9 =	vld.idx.msk [tilespmem:v3+s8+$0xC100 ss:$0x1], $0xffff  }
0x242: {  	v10 =	vld.idx.msk [tilespmem:v3+s8+$0xC080 ss:$0x1], $0xffff  }
0x243: {  	v11 =	vld.idx.msk [tilespmem:v3+s8+$0xC000 ss:$0x1], $0xffff  }
0x244: {  	v12 =	vld.idx.msk [tilespmem:v3+s8+$0x8380 ss:$0x1], $0xffff  }
0x245: {  	v13 =	vld.idx.msk [tilespmem:v3+s8+$0xC300 ss:$0x1], $0xffff  }
0x246: {  	v14 =	vld.idx.msk [tilespmem:v3+s8+$0xC200 ss:$0x1], $0xffff  }
0x247: {  	v6 =	vld.idx.msk [tilespmem:v6+s21+$0x0], $0xffff  }
0x248: {  	v15 =	vld.idx.msk [tilespmem:v3+s8+$0x8000 ss:$0x1], $0xffff  }
0x249: {  	v16 =	vld.idx.msk [tilespmem:v3+s8+$0x8080 ss:$0x1], $0xffff  }
0x24a: {  	v17 =	vld.idx.msk [tilespmem:v3+s8+$0x8100 ss:$0x1], $0xffff  }
0x24b: {  	v18 =	vld.idx.msk [tilespmem:v3+s8+$0x8180 ss:$0x1], $0xffff  }
0x24c: {  	v19 =	vld.idx.msk [tilespmem:v3+s8+$0x8200 ss:$0x1], $0xffff  }
0x24d: {  	v20 =	vld.idx.msk [tilespmem:v3+s8+$0x8300 ss:$0x1], $0xffff  }
0x24e: {  	v21 =	vld.idx.msk [tilespmem:v3+s8+$0x8280 ss:$0x1], $0xffff  }
0x24f: {  	[tilespmem:v6+s11+$0x0] =	vst.idx.add.f32.msk $0xffff, v2  }
0x250: {  	[tilespmem:v6+s12+$0x0] =	vst.idx.add.f32.msk $0xffff, v15  }
0x251: {  	[tilespmem:v6+s0+$0x0] =	vst.idx.add.f32.msk $0xffff, v16  }
0x252: {  	[tilespmem:v6+s1+$0x0] =	vst.idx.add.f32.msk $0xffff, v17  }
0x253: {  	[tilespmem:v6+s20+$0x0] =	vst.idx.add.f32.msk $0xffff, v18  }
0x254: {  	[tilespmem:v6+s2+$0x0] =	vst.idx.add.f32.msk $0xffff, v19  }
0x255: {  	[tilespmem:v6+s3+$0x0] =	vst.idx.add.f32.msk $0xffff, v21  }
0x256: {  	[tilespmem:v6+s9+$0x0] =	vst.idx.add.f32.msk $0xffff, v20  }
0x257: {  	[tilespmem:v6+s10+$0x0] =	vst.idx.add.f32.msk $0xffff, v12  }
0x258: {  	[tilespmem:v6+s30+$0x0] =	vst.idx.add.f32.msk $0xffff, v11  }
0x259: {  	[tilespmem:v6+s4+$0x0] =	vst.idx.add.f32.msk $0xffff, v10  }
.Ltmp8:
0x25a: {  	[tilespmem:v6+s5+$0x0] =	vst.idx.add.f32.msk $0xffff, v9;
	(pc) =	sbr.rel @p1 .LBB2_19-.Ltmp8, $4  }
0x25b: {  	[tilespmem:v6+s25+$0x0] =	vst.idx.add.f32.msk $0xffff, v8  }
0x25c: {  	[tilespmem:v6+s6+$0x0] =	vst.idx.add.f32.msk $0xffff, v14  }
0x25d: {  	[tilespmem:v6+s7+$0x0] =	vst.idx.add.f32.msk $0xffff, v7  }
0x25e: {  	[tilespmem:v6+s13+$0x0] =	vst.idx.add.f32.msk $0xffff, v13  }
0x25f: {  	s16 =	sadd.s32 $0x1, s16  }
0x260: {  	p1 =	sne.s32 s16, $0x10  }
.Ltmp9:
0x261: {  	_ = 	snop;
	(pc) =	sbr.rel @p1 .LBB2_18-.Ltmp9, $2  }
0x262: {  	_ =	sdelay $0x2  }
0x263: {  	[tilespmem:v6+s23+$0x0] =	vst.idx.add.f32.msk $0xffff, v5;
	s19 =	sadd.s32 $0x400, s19;
	s24 =	sadd.s32 $0x100, s24  }
0x264: {  	_ =	swait.ge [sflag:s28], $0x4000  }
0x265: {  	[sflag:s28] =	ssyncset.done $0x0  }
0x266: {  	[sflag:s28] =	ssyncadd.s32 $0xFFFFC000  }
0x267: {  	_ =	swait.ge [sflag:s28], $0x4000  }
0x268: {  	[sflag:s28] =	ssyncset.done $0x0  }
0x269: {  	[sflag:s28] =	ssyncadd.s32 $0xFFFFC000  }
0x26a: {  	_ =	swait.ge [sflag:s14], $0x1000  }
0x26b: {  	s16 =	sld [smem:$0x7FC]  }
0x26c: {  	[sflag:s14] =	ssyncset.done $0x0;
	s19 =	sld [smem:$0x7FB]  }
0x26d: {  	s24 =	rddreg [dreg:$0x19];
	[sflag:s14] =	ssyncadd.s32 $0xFFFFF000  }
.LBB2_22:
0x26e: {  	v3 =	vmov s16;
	_ =	sdelay $0x1  }
0x26f: {  	v4 =	vmov s19;
	_ =	sdelay $0x1  }
0x270: {  	s8 =	simm.s32 $0x0  }
0x271: {  	v5 =	vld.idx.msk [tilespmem:v3+s8+$0x14380 ss:$0x1], $0xffff  }
0x272: {  	v7 =	vld.idx.msk [tilespmem:v3+s8+$0x14280 ss:$0x1], $0xffff  }
0x273: {  	v6 =	vld.idx.msk [tilespmem:v4+s8+$0x0 ss:$0x1], $0xffff  }
0x274: {  	v8 =	vld.idx.msk [tilespmem:v3+s8+$0x14180 ss:$0x1], $0xffff  }
0x275: {  	v9 =	vld.idx.msk [tilespmem:v3+s8+$0x14100 ss:$0x1], $0xffff  }
0x276: {  	v10 =	vld.idx.msk [tilespmem:v3+s8+$0x14080 ss:$0x1], $0xffff  }
0x277: {  	v11 =	vld.idx.msk [tilespmem:v3+s8+$0x14000 ss:$0x1], $0xffff  }
0x278: {  	v12 =	vld.idx.msk [tilespmem:v3+s8+$0x10380 ss:$0x1], $0xffff  }
0x279: {  	v13 =	vld.idx.msk [tilespmem:v3+s8+$0x14300 ss:$0x1], $0xffff  }
0x27a: {  	v14 =	vld.idx.msk [tilespmem:v3+s8+$0x14200 ss:$0x1], $0xffff  }
0x27b: {  	v6 =	vld.idx.msk [tilespmem:v6+s21+$0x0], $0xffff  }
0x27c: {  	v15 =	vld.idx.msk [tilespmem:v3+s8+$0x10000 ss:$0x1], $0xffff  }
0x27d: {  	v16 =	vld.idx.msk [tilespmem:v3+s8+$0x10080 ss:$0x1], $0xffff  }
0x27e: {  	v17 =	vld.idx.msk [tilespmem:v3+s8+$0x10100 ss:$0x1], $0xffff  }
0x27f: {  	v18 =	vld.idx.msk [tilespmem:v3+s8+$0x10180 ss:$0x1], $0xffff  }
0x280: {  	v19 =	vld.idx.msk [tilespmem:v3+s8+$0x10200 ss:$0x1], $0xffff  }
0x281: {  	v20 =	vld.idx.msk [tilespmem:v3+s8+$0x10300 ss:$0x1], $0xffff  }
0x282: {  	v21 =	vld.idx.msk [tilespmem:v3+s8+$0x10280 ss:$0x1], $0xffff  }
0x283: {  	[tilespmem:v6+s11+$0x0] =	vst.idx.add.f32.msk $0xffff, v2  }
0x284: {  	[tilespmem:v6+s12+$0x0] =	vst.idx.add.f32.msk $0xffff, v15  }
0x285: {  	[tilespmem:v6+s0+$0x0] =	vst.idx.add.f32.msk $0xffff, v16  }
0x286: {  	[tilespmem:v6+s1+$0x0] =	vst.idx.add.f32.msk $0xffff, v17  }
0x287: {  	[tilespmem:v6+s20+$0x0] =	vst.idx.add.f32.msk $0xffff, v18  }
0x288: {  	[tilespmem:v6+s2+$0x0] =	vst.idx.add.f32.msk $0xffff, v19  }
0x289: {  	[tilespmem:v6+s3+$0x0] =	vst.idx.add.f32.msk $0xffff, v21  }
0x28a: {  	[tilespmem:v6+s9+$0x0] =	vst.idx.add.f32.msk $0xffff, v20  }
0x28b: {  	[tilespmem:v6+s10+$0x0] =	vst.idx.add.f32.msk $0xffff, v12  }
0x28c: {  	[tilespmem:v6+s30+$0x0] =	vst.idx.add.f32.msk $0xffff, v11  }
0x28d: {  	[tilespmem:v6+s4+$0x0] =	vst.idx.add.f32.msk $0xffff, v10  }
0x28e: {  	[tilespmem:v6+s5+$0x0] =	vst.idx.add.f32.msk $0xffff, v9  }
0x28f: {  	[tilespmem:v6+s25+$0x0] =	vst.idx.add.f32.msk $0xffff, v8  }
0x290: {  	[tilespmem:v6+s6+$0x0] =	vst.idx.add.f32.msk $0xffff, v14  }
0x291: {  	[tilespmem:v6+s7+$0x0] =	vst.idx.add.f32.msk $0xffff, v7  }
0x292: {  	s26 =	simm.s32 $0x40;
	[tilespmem:v6+s13+$0x0] =	vst.idx.add.f32.msk $0xffff, v13  }
.LBB2_23:
0x293: {  	s8 =	sshra.s32 s26, $0x2;
	p1 =	sne.s32 s26, $0x1C0;
	s26 =	sadd.s32 $0x40, s26;
	[tilespmem:v6+s23+$0x0] =	vst.idx.add.f32.msk $0xffff, v5  }
0x294: {  	v5 =	vld.idx.msk [tilespmem:v3+s8+$0x14380 ss:$0x1], $0xffff  }
0x295: {  	v7 =	vld.idx.msk [tilespmem:v3+s8+$0x14280 ss:$0x1], $0xffff  }
0x296: {  	v6 =	vld.idx.msk [tilespmem:v4+s8+$0x0 ss:$0x1], $0xffff  }
0x297: {  	v8 =	vld.idx.msk [tilespmem:v3+s8+$0x14180 ss:$0x1], $0xffff  }
0x298: {  	v9 =	vld.idx.msk [tilespmem:v3+s8+$0x14100 ss:$0x1], $0xffff  }
0x299: {  	v10 =	vld.idx.msk [tilespmem:v3+s8+$0x14080 ss:$0x1], $0xffff  }
0x29a: {  	v11 =	vld.idx.msk [tilespmem:v3+s8+$0x14000 ss:$0x1], $0xffff  }
0x29b: {  	v12 =	vld.idx.msk [tilespmem:v3+s8+$0x10380 ss:$0x1], $0xffff  }
0x29c: {  	v13 =	vld.idx.msk [tilespmem:v3+s8+$0x14300 ss:$0x1], $0xffff  }
0x29d: {  	v14 =	vld.idx.msk [tilespmem:v3+s8+$0x14200 ss:$0x1], $0xffff  }
0x29e: {  	v6 =	vld.idx.msk [tilespmem:v6+s21+$0x0], $0xffff  }
0x29f: {  	v15 =	vld.idx.msk [tilespmem:v3+s8+$0x10000 ss:$0x1], $0xffff  }
0x2a0: {  	v16 =	vld.idx.msk [tilespmem:v3+s8+$0x10080 ss:$0x1], $0xffff  }
0x2a1: {  	v17 =	vld.idx.msk [tilespmem:v3+s8+$0x10100 ss:$0x1], $0xffff  }
0x2a2: {  	v18 =	vld.idx.msk [tilespmem:v3+s8+$0x10180 ss:$0x1], $0xffff  }
0x2a3: {  	v19 =	vld.idx.msk [tilespmem:v3+s8+$0x10200 ss:$0x1], $0xffff  }
0x2a4: {  	v20 =	vld.idx.msk [tilespmem:v3+s8+$0x10300 ss:$0x1], $0xffff  }
0x2a5: {  	v21 =	vld.idx.msk [tilespmem:v3+s8+$0x10280 ss:$0x1], $0xffff  }
0x2a6: {  	[tilespmem:v6+s11+$0x0] =	vst.idx.add.f32.msk $0xffff, v2  }
0x2a7: {  	[tilespmem:v6+s12+$0x0] =	vst.idx.add.f32.msk $0xffff, v15  }
0x2a8: {  	[tilespmem:v6+s0+$0x0] =	vst.idx.add.f32.msk $0xffff, v16  }
0x2a9: {  	[tilespmem:v6+s1+$0x0] =	vst.idx.add.f32.msk $0xffff, v17  }
0x2aa: {  	[tilespmem:v6+s20+$0x0] =	vst.idx.add.f32.msk $0xffff, v18  }
0x2ab: {  	[tilespmem:v6+s2+$0x0] =	vst.idx.add.f32.msk $0xffff, v19  }
0x2ac: {  	[tilespmem:v6+s3+$0x0] =	vst.idx.add.f32.msk $0xffff, v21  }
0x2ad: {  	[tilespmem:v6+s9+$0x0] =	vst.idx.add.f32.msk $0xffff, v20  }
0x2ae: {  	[tilespmem:v6+s10+$0x0] =	vst.idx.add.f32.msk $0xffff, v12  }
0x2af: {  	[tilespmem:v6+s30+$0x0] =	vst.idx.add.f32.msk $0xffff, v11  }
0x2b0: {  	[tilespmem:v6+s4+$0x0] =	vst.idx.add.f32.msk $0xffff, v10  }
.Ltmp10:
0x2b1: {  	[tilespmem:v6+s5+$0x0] =	vst.idx.add.f32.msk $0xffff, v9;
	(pc) =	sbr.rel @p1 .LBB2_23-.Ltmp10, $4  }
0x2b2: {  	[tilespmem:v6+s25+$0x0] =	vst.idx.add.f32.msk $0xffff, v8  }
0x2b3: {  	[tilespmem:v6+s6+$0x0] =	vst.idx.add.f32.msk $0xffff, v14  }
0x2b4: {  	[tilespmem:v6+s7+$0x0] =	vst.idx.add.f32.msk $0xffff, v7  }
0x2b5: {  	[tilespmem:v6+s13+$0x0] =	vst.idx.add.f32.msk $0xffff, v13  }
0x2b6: {  	s24 =	sadd.s32 $0x1, s24  }
0x2b7: {  	p1 =	slt.s32 s24, s22  }
.Ltmp11:
0x2b8: {  	_ = 	snop;
	(pc) =	sbr.rel @p1 .LBB2_22-.Ltmp11, $2  }
0x2b9: {  	_ =	sdelay $0x2  }
0x2ba: {  	[tilespmem:v6+s23+$0x0] =	vst.idx.add.f32.msk $0xffff, v5;
	s19 =	sadd.s32 $0x100, s19;
	s16 =	sadd.s32 $0x400, s16  }
0x2bb: {  	s8 =	simm.s32 $0x8  }
0x2bc: {  	_ =	swait.ge [sflag:s8], $0x2800  }
0x2bd: {  	[sflag:s8] =	ssyncset.done $0x0  }
0x2be: {  	s16 =	simm.s32 $0x9;
	[sflag:s8] =	ssyncadd.s32 $0xFFFFD800  }
0x2bf: {  	_ =	swait.ge [sflag:s16], $0x2800  }
0x2c0: {  	[sflag:s16] =	ssyncset.done $0x0  }
0x2c1: {  	[sflag:s16] =	ssyncadd.s32 $0xFFFFD800  }
0x2c2: {  	[tilespmem:$0x1BF00] =	vst v1  }
0x2c3: {  	[tilespmem:$0x1BF10] =	vst v1  }
0x2c4: {  	v3 =	vld [tilespmem:$0x19940];
	[tilespmem:$0x1BF20] =	vst v1  }
0x2c5: {  	[tilespmem:$0x1BF30] =	vst v1  }
0x2c6: {  	[tilespmem:$0x1BF80] =	vst v1  }
0x2c7: {  	[tilespmem:$0x1BF90] =	vst v1  }
0x2c8: {  	[tilespmem:$0x1BFA0] =	vst v1  }
0x2c9: {  	[tilespmem:$0x1BEC0] =	vst v3;
	v3 =	vld [tilespmem:$0x19990]  }
0x2ca: {  	[tilespmem:$0x1BFB0] =	vst v1  }
0x2cb: {  	[tilespmem:$0x1C000] =	vst v1  }
0x2cc: {  	[tilespmem:$0x1C010] =	vst v1  }
0x2cd: {  	[tilespmem:$0x1C020] =	vst v1  }
0x2ce: {  	[tilespmem:$0x1BF50] =	vst v3;
	v3 =	vld [tilespmem:$0x199E0]  }
0x2cf: {  	[tilespmem:$0x1C030] =	vst v1  }
0x2d0: {  	[tilespmem:$0x1C080] =	vst v1  }
0x2d1: {  	[tilespmem:$0x1C090] =	vst v1  }
0x2d2: {  	[tilespmem:$0x1C0A0] =	vst v1  }
0x2d3: {  	[tilespmem:$0x1BFE0] =	vst v3;
	v3 =	vld [tilespmem:$0x19A30]  }
0x2d4: {  	[tilespmem:$0x1C0B0] =	vst v1  }
0x2d5: {  	[tilespmem:$0x1C100] =	vst v1  }
0x2d6: {  	[tilespmem:$0x1C110] =	vst v1  }
0x2d7: {  	[tilespmem:$0x1C120] =	vst v1  }
0x2d8: {  	[tilespmem:$0x1C070] =	vst v3;
	v3 =	vld [tilespmem:$0x19A80]  }
0x2d9: {  	[tilespmem:$0x1C130] =	vst v1  }
0x2da: {  	[tilespmem:$0x1C180] =	vst v1  }
0x2db: {  	[tilespmem:$0x1C190] =	vst v1  }
0x2dc: {  	[tilespmem:$0x1C1A0] =	vst v1  }
0x2dd: {  	[tilespmem:$0x1C140] =	vst v3;
	v3 =	vld [tilespmem:$0x19AD0]  }
0x2de: {  	[tilespmem:$0x1C1B0] =	vst v1  }
0x2df: {  	[tilespmem:$0x1C200] =	vst v1  }
0x2e0: {  	[tilespmem:$0x1C210] =	vst v1  }
0x2e1: {  	[tilespmem:$0x1C220] =	vst v1  }
0x2e2: {  	[tilespmem:$0x1C1D0] =	vst v3;
	v3 =	vld [tilespmem:$0x19B20]  }
0x2e3: {  	[tilespmem:$0x1C230] =	vst v1  }
0x2e4: {  	[tilespmem:$0x1C280] =	vst v1  }
0x2e5: {  	[tilespmem:$0x1C290] =	vst v1  }
0x2e6: {  	[tilespmem:$0x1C2A0] =	vst v1  }
0x2e7: {  	[tilespmem:$0x1C260] =	vst v3;
	v3 =	vld [tilespmem:$0x19B70]  }
0x2e8: {  	[tilespmem:$0x1C2B0] =	vst v1  }
0x2e9: {  	[tilespmem:$0x1C300] =	vst v1  }
0x2ea: {  	[tilespmem:$0x1C310] =	vst v1  }
0x2eb: {  	[tilespmem:$0x1C320] =	vst v1  }
0x2ec: {  	[tilespmem:$0x1C2F0] =	vst v3;
	v3 =	vld [tilespmem:$0x19BC0]  }
0x2ed: {  	[tilespmem:$0x1C330] =	vst v1  }
0x2ee: {  	[tilespmem:$0x1C380] =	vst v1  }
0x2ef: {  	[tilespmem:$0x1C390] =	vst v1  }
0x2f0: {  	[tilespmem:$0x1C3A0] =	vst v1  }
0x2f1: {  	[tilespmem:$0x1C3C0] =	vst v3;
	v3 =	vld [tilespmem:$0x19C10]  }
0x2f2: {  	[tilespmem:$0x1C3B0] =	vst v1  }
0x2f3: {  	[tilespmem:$0x1C400] =	vst v1  }
0x2f4: {  	[tilespmem:$0x1C410] =	vst v1  }
0x2f5: {  	[tilespmem:$0x1C420] =	vst v1  }
0x2f6: {  	[tilespmem:$0x1C450] =	vst v3;
	v3 =	vld [tilespmem:$0x19C50]  }
0x2f7: {  	[tilespmem:$0x1C430] =	vst v1  }
0x2f8: {  	[tilespmem:$0x1C480] =	vst v1  }
0x2f9: {  	[tilespmem:$0x1C490] =	vst v1  }
0x2fa: {  	[tilespmem:$0x1C4A0] =	vst v1  }
0x2fb: {  	[tilespmem:$0x1C4D0] =	vst v3;
	v3 =	vld [tilespmem:$0x19C60]  }
0x2fc: {  	[tilespmem:$0x1C4B0] =	vst v1  }
0x2fd: {  	[tilespmem:$0x1C500] =	vst v1  }
0x2fe: {  	[tilespmem:$0x1C510] =	vst v1  }
0x2ff: {  	[tilespmem:$0x1C520] =	vst v1  }
0x300: {  	[tilespmem:$0x1C4E0] =	vst v3;
	v3 =	vld [tilespmem:$0x19C70]  }
0x301: {  	[tilespmem:$0x1C530] =	vst v1  }
0x302: {  	[tilespmem:$0x1C580] =	vst v1  }
0x303: {  	[tilespmem:$0x1C590] =	vst v1  }
0x304: {  	[tilespmem:$0x1C5A0] =	vst v1  }
0x305: {  	[tilespmem:$0x1C4F0] =	vst v3;
	v3 =	vld [tilespmem:$0x19C80]  }
0x306: {  	[tilespmem:$0x1C5B0] =	vst v1  }
0x307: {  	[tilespmem:$0x1C600] =	vst v1  }
0x308: {  	[tilespmem:$0x1C610] =	vst v1  }
0x309: {  	[tilespmem:$0x1C620] =	vst v1  }
0x30a: {  	[tilespmem:$0x1C540] =	vst v3;
	v3 =	vld [tilespmem:$0x19C90]  }
0x30b: {  	[tilespmem:$0x1C630] =	vst v1  }
0x30c: {  	v4 =	vld [tilespmem:$0x19950];
	[tilespmem:$0x1C680] =	vst v1  }
0x30d: {  	v5 =	vld [tilespmem:$0x19960];
	[tilespmem:$0x1C690] =	vst v1  }
0x30e: {  	v6 =	vld [tilespmem:$0x19970];
	[tilespmem:$0x1C6A0] =	vst v1  }
0x30f: {  	[tilespmem:$0x1C550] =	vst v3;
	v3 =	vld [tilespmem:$0x19CA0]  }
0x310: {  	v7 =	vld [tilespmem:$0x19980];
	[tilespmem:$0x1C6B0] =	vst v1  }
0x311: {  	v29 =	vld [tilespmem:$0x199A0];
	[tilespmem:$0x1BED0] =	vst v4  }
0x312: {  	v30 =	vld [tilespmem:$0x199B0];
	[tilespmem:$0x1BEE0] =	vst v5  }
0x313: {  	v31 =	vld [tilespmem:$0x199C0];
	[tilespmem:$0x1BEF0] =	vst v6  }
0x314: {  	[tilespmem:$0x1C560] =	vst v3;
	v3 =	vld [tilespmem:$0x19CB0]  }
0x315: {  	v32 =	vld [tilespmem:$0x199D0];
	[tilespmem:$0x1BF40] =	vst v7  }
0x316: {  	v33 =	vld [tilespmem:$0x199F0];
	[tilespmem:$0x1BF60] =	vst v29  }
0x317: {  	v34 =	vld [tilespmem:$0x19A00];
	[tilespmem:$0x1BF70] =	vst v30  }
0x318: {  	v35 =	vld [tilespmem:$0x19A10];
	[tilespmem:$0x1BFC0] =	vst v31  }
0x319: {  	[tilespmem:$0x1C570] =	vst v3;
	v3 =	vld [tilespmem:$0x19CC0]  }
0x31a: {  	v36 =	vld [tilespmem:$0x19A20];
	[tilespmem:$0x1BFD0] =	vst v32  }
0x31b: {  	v37 =	vld [tilespmem:$0x19A40];
	[tilespmem:$0x1BFF0] =	vst v33  }
0x31c: {  	v38 =	vld [tilespmem:$0x19A50];
	[tilespmem:$0x1C040] =	vst v34  }
0x31d: {  	v39 =	vld [tilespmem:$0x19A60];
	[tilespmem:$0x1C050] =	vst v35  }
0x31e: {  	[tilespmem:$0x1C5C0] =	vst v3;
	v3 =	vld [tilespmem:$0x19CD0]  }
0x31f: {  	v40 =	vld [tilespmem:$0x19A70];
	[tilespmem:$0x1C060] =	vst v36  }
0x320: {  	v41 =	vld [tilespmem:$0x19A90];
	[tilespmem:$0x1C0C0] =	vst v37  }
0x321: {  	v42 =	vld [tilespmem:$0x19AA0];
	[tilespmem:$0x1C0D0] =	vst v38  }
0x322: {  	v43 =	vld [tilespmem:$0x19AB0];
	[tilespmem:$0x1C0E0] =	vst v39  }
0x323: {  	[tilespmem:$0x1C5D0] =	vst v3;
	v3 =	vld [tilespmem:$0x19CE0]  }
0x324: {  	v44 =	vld [tilespmem:$0x19AC0];
	[tilespmem:$0x1C0F0] =	vst v40  }
0x325: {  	v45 =	vld [tilespmem:$0x19AE0];
	[tilespmem:$0x1C150] =	vst v41  }
0x326: {  	v46 =	vld [tilespmem:$0x19AF0];
	[tilespmem:$0x1C160] =	vst v42  }
0x327: {  	v47 =	vld [tilespmem:$0x19B00];
	[tilespmem:$0x1C170] =	vst v43  }
0x328: {  	[tilespmem:$0x1C5E0] =	vst v3;
	v3 =	vld [tilespmem:$0x19CF0]  }
0x329: {  	v48 =	vld [tilespmem:$0x19B10];
	[tilespmem:$0x1C1C0] =	vst v44  }
0x32a: {  	v49 =	vld [tilespmem:$0x19B30];
	[tilespmem:$0x1C1E0] =	vst v45  }
0x32b: {  	v50 =	vld [tilespmem:$0x19B40];
	[tilespmem:$0x1C1F0] =	vst v46  }
0x32c: {  	v51 =	vld [tilespmem:$0x19B50];
	[tilespmem:$0x1C240] =	vst v47  }
0x32d: {  	[tilespmem:$0x1C5F0] =	vst v3;
	v3 =	vld [tilespmem:$0x19D00]  }
0x32e: {  	v52 =	vld [tilespmem:$0x19B60];
	[tilespmem:$0x1C250] =	vst v48  }
0x32f: {  	v53 =	vld [tilespmem:$0x19B80];
	[tilespmem:$0x1C270] =	vst v49  }
0x330: {  	v54 =	vld [tilespmem:$0x19B90];
	[tilespmem:$0x1C2C0] =	vst v50  }
0x331: {  	v55 =	vld [tilespmem:$0x19BA0];
	[tilespmem:$0x1C2D0] =	vst v51  }
0x332: {  	[tilespmem:$0x1C640] =	vst v3;
	v3 =	vld [tilespmem:$0x19D10]  }
0x333: {  	v56 =	vld [tilespmem:$0x19BB0];
	[tilespmem:$0x1C2E0] =	vst v52  }
0x334: {  	v57 =	vld [tilespmem:$0x19BD0];
	[tilespmem:$0x1C340] =	vst v53  }
0x335: {  	v58 =	vld [tilespmem:$0x19BE0];
	[tilespmem:$0x1C350] =	vst v54  }
0x336: {  	v59 =	vld [tilespmem:$0x19BF0];
	[tilespmem:$0x1C360] =	vst v55  }
0x337: {  	[tilespmem:$0x1C650] =	vst v3;
	v3 =	vld [tilespmem:$0x19D20]  }
0x338: {  	v60 =	vld [tilespmem:$0x19C00];
	[tilespmem:$0x1C370] =	vst v56  }
0x339: {  	v61 =	vld [tilespmem:$0x19C20];
	[tilespmem:$0x1C3D0] =	vst v57  }
0x33a: {  	v62 =	vld [tilespmem:$0x19C30];
	[tilespmem:$0x1C3E0] =	vst v58  }
0x33b: {  	v63 =	vld [tilespmem:$0x19C40];
	[tilespmem:$0x1C3F0] =	vst v59  }
0x33c: {  	[tilespmem:$0x1C660] =	vst v3;
	v3 =	vld [tilespmem:$0x19D30]  }
0x33d: {  	[tilespmem:$0x1C440] =	vst v60  }
0x33e: {  	[tilespmem:$0x1C460] =	vst v61  }
0x33f: {  	s17 =	sld [smem:$0x7F7];
	[tilespmem:$0x1C470] =	vst v62  }
0x340: {  	[tilespmem:$0x1C4C0] =	vst v63  }
0x341: {  	s14 =	simm.s32 $0x1BEC0;
	s19 =	simm.s32 $0xB;
	[tilespmem:$0x1C670] =	vst v3  }
0x342: {  	[hbm4b:s17+s21] =	stream.linear.scatter [tilespmem:s14], [sflag:$0xB], $0x800, $0x38;
	[tilespmem:$0x1CEE0] =	vst v63  }
0x343: {  	_ =	swait.ge [sflag:s19], $0x800  }
0x344: {  	[sflag:s19] =	ssyncset.done $0x0  }
0x345: {  	s24 =	rddreg [dreg:$0x1a];
	[sflag:s19] =	ssyncadd.s32 $0xFFFFF800  }
0x346: {  	[hbm4b:s24+s21] =	stream.linear.scatter [tilespmem:s11], [sflag:$0xB], $0x80, $0x38;
	[tilespmem:$0x1CEE0] =	vst v63  }
0x347: {  	_ =	swait.ge [sflag:s19], $0x80  }
0x348: {  	s26 =	sld [smem:$0x7F8]  }
0x349: {  	[sflag:s19] =	ssyncset.done $0x0  }
0x34a: {  	[sflag:s19] =	ssyncadd.s32 $0xFFFFFF80  }
0x34b: {  	[hbm4b:s26+s21] =	stream.linear.scatter [tilespmem:s15], [sflag:$0xB], $0x80, $0x38;
	[tilespmem:$0x1CEE0] =	vst v63  }
0x34c: {  	_ =	swait.ge [sflag:s19], $0x80  }
0x34d: {  	[sflag:s19] =	ssyncset.done $0x0  }
0x34e: {  	[sflag:s19] =	ssyncadd.s32 $0xFFFFFF80  }
0x34f: {  	[bflag:$0x0] =	sbarrier.arrive $0xFFFF  }
0x350: {  	s24 =	sld [smem:$0x7FD]  }
0x351: {  	s8 =	stileid.u32;
	s19 =	sld [smem:$0x7F9]  }
0x352: {  	s8 =	sshll.u32 @!p0 s8, $0x6  }
0x353: {  	s8 =	sor.u32 @!p0 $0x1C0B, s8;
	s16 =	sshrl.u32 @!p0 s24, $0x3  }
0x354: {  	[hbm:s19], [sflag:s8] =	dma.local @!p0 [spmem:s16], $0x410  }
0x355: {  	s8 =	simm.s32 @!p0 $0xB  }
0x356: {  	_ =	swait.ge @!p0 [sflag:s8], $0x410  }
0x357: {  	s29 =	sld [smem:$0x7FA];
	_ =	sdelay $0x1  }
0x358: {  	s18 =	sadd.s32 $0x1, s18  }
0x359: {  	p1 =	sne.s32 s18, s29  }
.Ltmp12:
0x35a: {  	_ = 	snop;
	(pc) =	sbr.rel @p1 .LBB2_1-.Ltmp12, $3  }
0x35b: {  	_ =	sdelay $0x1  }
0x35c: {  	[sflag:s8] =	ssyncset.done @!p0 $0x0  }
0x35d: {  	[sflag:s8] =	ssyncadd.s32 @!p0 $0xFFFFFBF0  }
0x35e: {  	_ =	sfence.sel $0x180000  }
0x35f: {  	[bflag:$0x0] =	sbarrier.arrive $0xFFFF  }
0x360: {  	_ =	strace $0x90000047  }
0x361: {  	s0 =	stileid.u32;
	[bflag:$0x2] =	sbarrier.arrive $0xFFFF  }
0x362: {  	p0 =	sne.s32 s0, $0x0;
	s0 =	rddreg [dreg:$0x5]  }
0x363: {  	s0 =	sadd.s32 @!p0 $0x100000, s0  }
0x364: {  	[sflag:s0] =	ssyncadd.tile.s32 @!p0 $0x1;
	_ =	shalt  }
.Lfunc_end2:
_tile_overlayer_lowered:
.L_overlay_start_2:
0x365: {  	(tag) =	ssettag $0x2  }
0x366: {  	s0 =	rddreg [dreg:$0x0];
	s2 =	stileid.u32  }
0x367: {  	s1 =	rddreg [dreg:$0x1];
	p0 =	sne.s32 s2, $0x0  }
0x368: {  	s3 =	rddreg [dreg:$0x2];
	[bflag:$0x3] =	sbarrier.arrive $0xFFFF;
	s2 =	simm.s32 @!p0 $0x1C0B  }
0x369: {  	[timem:s3], [sflag:s2] =	dma.local @!p0 [hbm:s0], s1  }
0x36a: {  	s0 =	simm.s32 @!p0 $0xB  }
0x36b: {  	_ =	swait.ge @!p0 [sflag:s0], s1  }
0x36c: {  	s1 =	ssub.s32 @!p0 $0x0, s1;
	[sflag:s0] =	ssyncset.done @!p0 $0x0  }
0x36d: {  	[sflag:s0] =	ssyncadd.s32 @!p0 s1  }
0x36e: {  	[bflag:$0x3] =	sbarrier.arrive $0xFFFF  }
0x36f: {  	_ =	shalt  }

</sc_bundles>
